<compile_context>
chip_gen: v7x
topology: tpu7x:2x2x1
jax: 0.10.2.dev20260603
libtpu: 0.0.44.dev20260713+nightly
codegen_flags: <defaults>
</compile_context>

<pallas_src>
import functools

import jax
import jax.numpy as jnp
from jax import lax
from jax.experimental import pallas as pl
from jax.experimental.pallas import tpu as pltpu
from jax.experimental.pallas import tpu_sc as plsc

N = 10000
E = 320000
D_IN = 128
D_H = 256
D_OUT = 128
B = 32

NC = 2
NS = 16
NPAD = 10240
SLC = NPAD // NS
K = 80
EPT = E // NS
NCH = EPT // K

_mesh = plsc.VectorSubcoreMesh(core_axis_name="c", subcore_axis_name="s")


@functools.partial(
    pl.kernel,
    out_type=jax.ShapeDtypeStruct((NC, NPAD), jnp.float32),
    mesh=_mesh,
    scratch_types=[
        pltpu.VMEM((2, K), jnp.int32),
        pltpu.VMEM((2, K), jnp.float32),
        pltpu.VMEM_SHARED((NPAD,), jnp.float32),
        pltpu.SemaphoreType.DMA((2,)),
        pltpu.SemaphoreType.DMA((2,)),
    ],
)
def _deg_kernel(col_hbm, w_hbm, z1_hbm, out_hbm, cidx, wbuf, sdeg, lsem, ssem):
    c = lax.axis_index("c")
    s = lax.axis_index("s")
    pltpu.sync_copy(z1_hbm, sdeg.at[pl.ds(s * SLC, SLC)])
    plsc.subcore_barrier()
    ept = E // (NC * NS)
    nch = ept // K
    base = (s * NC + c) * ept

    def start_loads(i, p):
        b = base + i * K
        pltpu.async_copy(col_hbm.at[pl.ds(b, K)], cidx.at[p], lsem.at[p])
        pltpu.async_copy(w_hbm.at[pl.ds(b, K)], wbuf.at[p], lsem.at[p])

    def wait_loads(i, p):
        b = base + i * K
        pltpu.make_async_copy(col_hbm.at[pl.ds(b, K)], cidx.at[p],
                              lsem.at[p]).wait()
        pltpu.make_async_copy(w_hbm.at[pl.ds(b, K)], wbuf.at[p],
                              lsem.at[p]).wait()

    def start_scatter(p):
        pltpu.async_copy(wbuf.at[p], sdeg.at[cidx.at[p]], ssem.at[p], add=True)

    def wait_scatter(p):
        pltpu.make_async_copy(wbuf.at[p], sdeg.at[cidx.at[p]],
                              ssem.at[p]).wait()

    start_loads(0, 0)

    @pl.loop(0, nch)
    def _chunk(i):
        p = lax.rem(i, 2)
        wait_loads(i, p)
        start_scatter(p)

        @pl.when(i + 1 < nch)
        def _():
            @pl.when(i >= 1)
            def _():
                wait_scatter(1 - p)

            start_loads(i + 1, 1 - p)

    wait_scatter((nch - 2) % 2)
    wait_scatter((nch - 1) % 2)
    plsc.subcore_barrier()
    pltpu.sync_copy(sdeg.at[pl.ds(s * SLC, SLC)], out_hbm.at[c, pl.ds(s * SLC, SLC)])


@functools.partial(
    pl.kernel,
    out_type=jax.ShapeDtypeStruct((NC, NPAD, 128), jnp.float32),
    mesh=_mesh,
    scratch_types=[
        pltpu.VMEM((3, K), jnp.int32),
        pltpu.VMEM((4, K), jnp.int32),
        pltpu.VMEM((3, K), jnp.float32),
        pltpu.VMEM((3, K, 128), jnp.float32),
        pltpu.VMEM_SHARED((NPAD, 128), jnp.float32),
        pltpu.SemaphoreType.DMA((4,)),
        pltpu.SemaphoreType.DMA((3,)),
        pltpu.SemaphoreType.DMA((3,)),
    ],
)
def _agg_kernel(hp_hbm, row_hbm, col_hbm, w_hbm, z2_hbm, out_hbm,
                rbuf, cbuf, wbuf, gbuf, sagg, lsem, gsem, ssem):
    c = lax.axis_index("c")
    s = lax.axis_index("s")
    pltpu.sync_copy(z2_hbm, sagg.at[pl.ds(s * SLC, SLC)])
    plsc.subcore_barrier()
    base = s * EPT
    off = c * N

    def start_loads(i, m3, m4):
        b = base + i * K
        pltpu.async_copy(row_hbm.at[pl.ds(b, K)], rbuf.at[m3], lsem.at[m4])
        pltpu.async_copy(col_hbm.at[pl.ds(b, K)], cbuf.at[m4], lsem.at[m4])
        pltpu.async_copy(w_hbm.at[pl.ds(b, K)], wbuf.at[m3], lsem.at[m4])

    def wait_loads(i, m3, m4):
        b = base + i * K
        pltpu.make_async_copy(row_hbm.at[pl.ds(b, K)], rbuf.at[m3],
                              lsem.at[m4]).wait()
        pltpu.make_async_copy(col_hbm.at[pl.ds(b, K)], cbuf.at[m4],
                              lsem.at[m4]).wait()
        pltpu.make_async_copy(w_hbm.at[pl.ds(b, K)], wbuf.at[m3],
                              lsem.at[m4]).wait()

    def adjust(m3):
        @pl.loop(0, K // 16)
        def _adj(j):
            rbuf[m3, pl.ds(j * 16, 16)] = rbuf[m3, pl.ds(j * 16, 16)] + off

    def start_gather(m3, q3):
        pltpu.async_copy(hp_hbm.at[rbuf.at[m3]], gbuf.at[q3], gsem.at[q3])

    def wait_gather(m3, q3):
        pltpu.make_async_copy(hp_hbm.at[rbuf.at[m3]], gbuf.at[q3],
                              gsem.at[q3]).wait()

    def scale(m3, q3):
        @pl.loop(0, K // 16)
        def _scale(g):
            wv16 = wbuf[m3, pl.ds(g * 16, 16)]
            for t in range(16):
                wv = jnp.full((16,), wv16[t], jnp.float32)
                e = g * 16 + t
                for j in range(8):
                    gbuf[q3, e, pl.ds(j * 16, 16)] = (
                        gbuf[q3, e, pl.ds(j * 16, 16)] * wv)

    def start_scatter(m4, q3):
        pltpu.async_copy(gbuf.at[q3], sagg.at[cbuf.at[m4]], ssem.at[q3],
                         add=True)

    def wait_scatter(m4, q3):
        pltpu.make_async_copy(gbuf.at[q3], sagg.at[cbuf.at[m4]],
                              ssem.at[q3]).wait()

    start_loads(0, 0, 0)
    wait_loads(0, 0, 0)
    adjust(0)
    start_gather(0, 0)
    start_loads(1, 1, 1)

    @pl.loop(0, NCH)
    def _steady(i):
        m3 = lax.rem(i, 3)
        m4 = lax.rem(i, 4)
        q3 = m3

        @pl.when(i + 1 < NCH)
        def _():
            m3n = lax.rem(i + 1, 3)
            m4n = lax.rem(i + 1, 4)
            wait_loads(i + 1, m3n, m4n)
            adjust(m3n)

            @pl.when(i >= 2)
            def _():
                wait_scatter(lax.rem(i - 2, 4), lax.rem(i - 2, 3))

            start_gather(m3n, m3n)

            @pl.when(i + 2 < NCH)
            def _():
                start_loads(i + 2, lax.rem(i + 2, 3), lax.rem(i + 2, 4))

        wait_gather(m3, q3)
        scale(m3, q3)
        start_scatter(m4, q3)

    wait_scatter((NCH - 3) % 4, (NCH - 3) % 3)
    wait_scatter((NCH - 2) % 4, (NCH - 2) % 3)
    wait_scatter((NCH - 1) % 4, (NCH - 1) % 3)

    plsc.subcore_barrier()
    pltpu.sync_copy(sagg.at[pl.ds(s * SLC, SLC)],
                    out_hbm.at[c, pl.ds(s * SLC, SLC)])


@functools.partial(
    pl.kernel,
    out_type=jax.ShapeDtypeStruct((NC, NPAD, 128), jnp.float32),
    mesh=_mesh,
    scratch_types=[
        pltpu.VMEM((3, K), jnp.int32),
        pltpu.VMEM((4, K), jnp.int32),
        pltpu.VMEM((3, K), jnp.float32),
        pltpu.VMEM((3, K, 128), jnp.float32),
        pltpu.VMEM_SHARED((NPAD, 128), jnp.float32),
        pltpu.SemaphoreType.DMA((4,)),
        pltpu.SemaphoreType.DMA((3,)),
        pltpu.SemaphoreType.DMA((3,)),
    ],
)
def _agg_probe1(hp_hbm, row_hbm, col_hbm, w_hbm, z2_hbm, out_hbm,
                rbuf, cbuf, wbuf, gbuf, sagg, lsem, gsem, ssem):
    c = lax.axis_index("c")
    s = lax.axis_index("s")
    pltpu.sync_copy(z2_hbm, sagg.at[pl.ds(s * SLC, SLC)])
    plsc.subcore_barrier()
    base = s * EPT
    off = c * N

    def start_loads(i, m3, m4):
        b = base + i * K
        pltpu.async_copy(row_hbm.at[pl.ds(b, K)], rbuf.at[m3], lsem.at[m4])
        pltpu.async_copy(col_hbm.at[pl.ds(b, K)], cbuf.at[m4], lsem.at[m4])
        pltpu.async_copy(w_hbm.at[pl.ds(b, K)], wbuf.at[m3], lsem.at[m4])

    def wait_loads(i, m3, m4):
        b = base + i * K
        pltpu.make_async_copy(row_hbm.at[pl.ds(b, K)], rbuf.at[m3],
                              lsem.at[m4]).wait()
        pltpu.make_async_copy(col_hbm.at[pl.ds(b, K)], cbuf.at[m4],
                              lsem.at[m4]).wait()
        pltpu.make_async_copy(w_hbm.at[pl.ds(b, K)], wbuf.at[m3],
                              lsem.at[m4]).wait()

    def adjust(m3):
        @pl.loop(0, K // 16)
        def _adj(j):
            rbuf[m3, pl.ds(j * 16, 16)] = rbuf[m3, pl.ds(j * 16, 16)] + off

    def start_gather(m3, q3):
        pltpu.async_copy(hp_hbm.at[rbuf.at[m3]], gbuf.at[q3], gsem.at[q3])

    def wait_gather(m3, q3):
        pltpu.make_async_copy(hp_hbm.at[rbuf.at[m3]], gbuf.at[q3],
                              gsem.at[q3]).wait()

    def scale(m3, q3):
        @pl.loop(0, K // 16)
        def _scale(g):
            wv16 = wbuf[m3, pl.ds(g * 16, 16)]
            for t in range(16):
                wv = jnp.full((16,), wv16[t], jnp.float32)
                e = g * 16 + t
                for j in range(8):
                    gbuf[q3, e, pl.ds(j * 16, 16)] = (
                        gbuf[q3, e, pl.ds(j * 16, 16)] * wv)

    def start_scatter(m4, q3):
        pass

    def wait_scatter(m4, q3):
        pass

    start_loads(0, 0, 0)
    wait_loads(0, 0, 0)
    adjust(0)
    start_gather(0, 0)
    start_loads(1, 1, 1)

    @pl.loop(0, NCH)
    def _steady(i):
        m3 = lax.rem(i, 3)
        m4 = lax.rem(i, 4)
        q3 = m3

        @pl.when(i + 1 < NCH)
        def _():
            m3n = lax.rem(i + 1, 3)
            m4n = lax.rem(i + 1, 4)
            wait_loads(i + 1, m3n, m4n)
            adjust(m3n)

            @pl.when(i >= 2)
            def _():
                wait_scatter(lax.rem(i - 2, 4), lax.rem(i - 2, 3))

            start_gather(m3n, m3n)

            @pl.when(i + 2 < NCH)
            def _():
                start_loads(i + 2, lax.rem(i + 2, 3), lax.rem(i + 2, 4))

        wait_gather(m3, q3)
        scale(m3, q3)
        start_scatter(m4, q3)

    wait_scatter((NCH - 3) % 4, (NCH - 3) % 3)
    wait_scatter((NCH - 2) % 4, (NCH - 2) % 3)
    wait_scatter((NCH - 1) % 4, (NCH - 1) % 3)

    plsc.subcore_barrier()
    pltpu.sync_copy(sagg.at[pl.ds(s * SLC, SLC)],
                    out_hbm.at[c, pl.ds(s * SLC, SLC)])




@functools.partial(
    pl.kernel,
    out_type=jax.ShapeDtypeStruct((NC, NPAD, 128), jnp.float32),
    mesh=_mesh,
    scratch_types=[
        pltpu.VMEM((3, K), jnp.int32),
        pltpu.VMEM((4, K), jnp.int32),
        pltpu.VMEM((3, K), jnp.float32),
        pltpu.VMEM((3, K, 128), jnp.float32),
        pltpu.VMEM_SHARED((NPAD, 128), jnp.float32),
        pltpu.SemaphoreType.DMA((4,)),
        pltpu.SemaphoreType.DMA((3,)),
        pltpu.SemaphoreType.DMA((3,)),
    ],
)
def _agg_probe2(hp_hbm, row_hbm, col_hbm, w_hbm, z2_hbm, out_hbm,
                rbuf, cbuf, wbuf, gbuf, sagg, lsem, gsem, ssem):
    c = lax.axis_index("c")
    s = lax.axis_index("s")
    pltpu.sync_copy(z2_hbm, sagg.at[pl.ds(s * SLC, SLC)])
    plsc.subcore_barrier()
    base = s * EPT
    off = c * N

    def start_loads(i, m3, m4):
        b = base + i * K
        pltpu.async_copy(row_hbm.at[pl.ds(b, K)], rbuf.at[m3], lsem.at[m4])
        pltpu.async_copy(col_hbm.at[pl.ds(b, K)], cbuf.at[m4], lsem.at[m4])
        pltpu.async_copy(w_hbm.at[pl.ds(b, K)], wbuf.at[m3], lsem.at[m4])

    def wait_loads(i, m3, m4):
        b = base + i * K
        pltpu.make_async_copy(row_hbm.at[pl.ds(b, K)], rbuf.at[m3],
                              lsem.at[m4]).wait()
        pltpu.make_async_copy(col_hbm.at[pl.ds(b, K)], cbuf.at[m4],
                              lsem.at[m4]).wait()
        pltpu.make_async_copy(w_hbm.at[pl.ds(b, K)], wbuf.at[m3],
                              lsem.at[m4]).wait()

    def adjust(m3):
        @pl.loop(0, K // 16)
        def _adj(j):
            rbuf[m3, pl.ds(j * 16, 16)] = rbuf[m3, pl.ds(j * 16, 16)] + off

    def start_gather(m3, q3):
        pltpu.async_copy(hp_hbm.at[rbuf.at[m3]], gbuf.at[q3], gsem.at[q3])

    def wait_gather(m3, q3):
        pltpu.make_async_copy(hp_hbm.at[rbuf.at[m3]], gbuf.at[q3],
                              gsem.at[q3]).wait()

    def scale(m3, q3):
        pass

    def start_scatter(m4, q3):
        pass

    def wait_scatter(m4, q3):
        pass

    start_loads(0, 0, 0)
    wait_loads(0, 0, 0)
    adjust(0)
    start_gather(0, 0)
    start_loads(1, 1, 1)

    @pl.loop(0, NCH)
    def _steady(i):
        m3 = lax.rem(i, 3)
        m4 = lax.rem(i, 4)
        q3 = m3

        @pl.when(i + 1 < NCH)
        def _():
            m3n = lax.rem(i + 1, 3)
            m4n = lax.rem(i + 1, 4)
            wait_loads(i + 1, m3n, m4n)
            adjust(m3n)

            @pl.when(i >= 2)
            def _():
                wait_scatter(lax.rem(i - 2, 4), lax.rem(i - 2, 3))

            start_gather(m3n, m3n)

            @pl.when(i + 2 < NCH)
            def _():
                start_loads(i + 2, lax.rem(i + 2, 3), lax.rem(i + 2, 4))

        wait_gather(m3, q3)
        scale(m3, q3)
        start_scatter(m4, q3)

    wait_scatter((NCH - 3) % 4, (NCH - 3) % 3)
    wait_scatter((NCH - 2) % 4, (NCH - 2) % 3)
    wait_scatter((NCH - 1) % 4, (NCH - 1) % 3)

    plsc.subcore_barrier()
    pltpu.sync_copy(sagg.at[pl.ds(s * SLC, SLC)],
                    out_hbm.at[c, pl.ds(s * SLC, SLC)])




_R = 1000


def _tc1_body(x_ref, w1_ref, deg_ref, hp_ref, s1_ref):
    dinv = lax.rsqrt(deg_ref[:, 0] + deg_ref[:, 1] + 1.0)
    hw = jnp.dot(x_ref[...], w1_ref[...], preferred_element_type=jnp.float32)
    hp_ref[0] = dinv[:, None] * hw
    s1_ref[...] = (dinv * dinv)[:, None] * hw


def _tc2_body(agg_ref, s1_ref, deg_ref, b1_ref, w2_ref, hp2_ref, s2_ref):
    dinv = lax.rsqrt(deg_ref[:, 0] + deg_ref[:, 1] + 1.0)
    aggc = jnp.concatenate([agg_ref[0], agg_ref[1]], axis=1)
    h1 = jnp.maximum(dinv[:, None] * aggc + s1_ref[...] + b1_ref[...], 0.0)
    hw2 = jnp.dot(h1, w2_ref[...], preferred_element_type=jnp.float32)
    hp2_ref[0] = dinv[:, None] * hw2[:, :128]
    hp2_ref[1] = dinv[:, None] * hw2[:, 128:]
    s2_ref[...] = (dinv * dinv)[:, None] * hw2


def _tc3_body(agg_ref, s2_ref, deg_ref, b2_ref, batch_ref, wr_ref, br_ref,
              out_ref, acc):
    r = pl.program_id(0)

    @pl.when(r == 0)
    def _():
        acc[...] = jnp.full((B, D_H), -jnp.inf, jnp.float32)

    dinv = lax.rsqrt(deg_ref[:, 0] + deg_ref[:, 1] + 1.0)
    aggc = jnp.concatenate([agg_ref[0], agg_ref[1]], axis=1)
    h2 = dinv[:, None] * aggc + s2_ref[...] + b2_ref[...]
    bv = batch_ref[...]
    rows = [jnp.max(jnp.where(bv == g, h2, -jnp.inf), axis=0) for g in range(B)]
    acc[...] = jnp.maximum(acc[...], jnp.stack(rows))

    @pl.when(r == (N // _R) - 1)
    def _():
        pooled = acc[...]
        out_ref[...] = jnp.maximum(
            jnp.dot(pooled, wr_ref[...], preferred_element_type=jnp.float32)
            + br_ref[...], 0.0)


def kernel(x, edge_index, edge_attr, batch, W1, b1, W2, b2, Wr, br):
    f32 = jnp.float32
    row = edge_index[0]
    col = edge_index[1]
    w = edge_attr[:, 0]
    z1 = jnp.zeros((SLC,), f32)
    z2 = jnp.zeros((SLC, 128), f32)
    b1r = b1.reshape(1, D_H)
    b2r = b2.reshape(1, D_H)
    brr = br.reshape(1, D_OUT)
    batch2 = batch.astype(jnp.int32).reshape(N, 1)

    deg_pad = _deg_kernel(col, w, z1)
    deg2 = deg_pad[:, :N].T

    hp1, s1 = pl.pallas_call(
        _tc1_body,
        grid=(2, N // _R),
        in_specs=[
            pl.BlockSpec((_R, D_IN), lambda c, r: (r, 0)),
            pl.BlockSpec((D_IN, 128), lambda c, r: (0, c)),
            pl.BlockSpec((_R, 2), lambda c, r: (r, 0)),
        ],
        out_specs=[
            pl.BlockSpec((1, _R, 128), lambda c, r: (c, r, 0)),
            pl.BlockSpec((_R, 128), lambda c, r: (r, c)),
        ],
        out_shape=[
            jax.ShapeDtypeStruct((2, N, 128), f32),
            jax.ShapeDtypeStruct((N, D_H), f32),
        ],
    )(x, W1, deg2)

    agg1 = _agg_probe1(hp1.reshape(2 * N, 128), row, col, w, z2)[:, :N]

    hp2, s2 = pl.pallas_call(
        _tc2_body,
        grid=(N // _R,),
        in_specs=[
            pl.BlockSpec((2, _R, 128), lambda r: (0, r, 0)),
            pl.BlockSpec((_R, D_H), lambda r: (r, 0)),
            pl.BlockSpec((_R, 2), lambda r: (r, 0)),
            pl.BlockSpec((1, D_H), lambda r: (0, 0)),
            pl.BlockSpec((D_H, D_H), lambda r: (0, 0)),
        ],
        out_specs=[
            pl.BlockSpec((2, _R, 128), lambda r: (0, r, 0)),
            pl.BlockSpec((_R, D_H), lambda r: (r, 0)),
        ],
        out_shape=[
            jax.ShapeDtypeStruct((2, N, 128), f32),
            jax.ShapeDtypeStruct((N, D_H), f32),
        ],
    )(agg1, s1, deg2, b1r, W2)

    agg2 = _agg_probe2(hp2.reshape(2 * N, 128), row, col, w, z2)[:, :N]

    out = pl.pallas_call(
        _tc3_body,
        grid=(N // _R,),
        in_specs=[
            pl.BlockSpec((2, _R, 128), lambda r: (0, r, 0)),
            pl.BlockSpec((_R, D_H), lambda r: (r, 0)),
            pl.BlockSpec((_R, 2), lambda r: (r, 0)),
            pl.BlockSpec((1, D_H), lambda r: (0, 0)),
            pl.BlockSpec((_R, 1), lambda r: (r, 0)),
            pl.BlockSpec((D_H, D_OUT), lambda r: (0, 0)),
            pl.BlockSpec((1, D_OUT), lambda r: (0, 0)),
        ],
        out_specs=pl.BlockSpec((B, D_OUT), lambda r: (0, 0)),
        out_shape=jax.ShapeDtypeStruct((B, D_OUT), f32),
        scratch_shapes=[pltpu.VMEM((B, D_H), f32)],
    )(agg2, s2, deg2, b2r, batch2, Wr, brr)
    return out

# --- scband reference (transcript-rebuilt; emitter-appended) ---
"""Pipeline reference for scband-graph-features-extractor-2396591751463 (READ-ONLY COPY).

The authoritative reference and input builder live on the scoring server;
editing this copy changes nothing except your own understanding.
"""

import jax, jax.numpy as jnp
import numpy as np

N = 10000
E = 320000
D_IN = 128
D_H = 256
D_OUT = 128
B = 32


def _glorot(k, shape):
    lim = float(np.sqrt(6.0 / (shape[0] + shape[1])))
    return jax.random.uniform(k, shape, jnp.float32, -lim, lim)


def setup_inputs(seed: int = 0) -> dict:
    key = jax.random.key(seed)
    ks = jax.random.split(key, 8)
    x = jax.random.normal(ks[0], (N, D_IN), dtype=jnp.float32)
    edge_index = jax.random.randint(ks[1], (2, E), 0, N)
    edge_attr = jax.random.uniform(ks[2], (E, 4), dtype=jnp.float32)
    batch = jnp.sort(jax.random.randint(ks[3], (N,), 0, B))
    W1 = _glorot(ks[4], (D_IN, D_H)); b1 = jnp.zeros((D_H,), jnp.float32)
    W2 = _glorot(ks[5], (D_H, D_H)); b2 = jnp.zeros((D_H,), jnp.float32)
    Wr = _glorot(ks[6], (D_H, D_OUT)); br = jnp.zeros((D_OUT,), jnp.float32)
    return {"x": x, "edge_index": edge_index, "edge_attr": edge_attr, "batch": batch,
            "W1": W1, "b1": b1, "W2": W2, "b2": b2, "Wr": Wr, "br": br}


def _gcn_conv(x, W, b, row, col, w, num_nodes):
    # GCNConv with edge_weight: add self-loops (weight 1), symmetric normalization
    loop = jnp.arange(num_nodes, dtype=row.dtype)
    row2 = jnp.concatenate([row, loop])
    col2 = jnp.concatenate([col, loop])
    w2 = jnp.concatenate([w, jnp.ones((num_nodes,), w.dtype)])
    deg = jax.ops.segment_sum(w2, col2, num_segments=num_nodes)
    dinv = jnp.where(deg > 0, 1.0 / jnp.sqrt(deg), 0.0)
    norm = dinv[row2] * w2 * dinv[col2]
    h = x @ W
    out = jax.ops.segment_sum(h[row2] * norm[:, None], col2, num_segments=num_nodes)
    return out + b


def reference(x, edge_index, edge_attr, batch, W1, b1, W2, b2, Wr, br):
    row, col = edge_index[0], edge_index[1]
    # forward: edge_attr is 2-D so edge_weight = edge_attr[:, 0]
    edge_weight = edge_attr[:, 0]
    # 2-layer GCN (torch_geometric BasicGNN: act between layers, dropout=0.2 inactive in eval)
    h = _gcn_conv(x, W1, b1, row, col, edge_weight, x.shape[0])
    h = jax.nn.relu(h)
    h = _gcn_conv(h, W2, b2, row, col, edge_weight, x.shape[0])
    # _DefaultReductionLayer: global_max_pool + linear + relu
    pooled = jax.ops.segment_max(h, batch, num_segments=B)
    out = jax.nn.relu(pooled @ Wr + br)
    return out

if __name__ == "__main__":
    import jax
    _d = setup_inputs()
    print(jax.jit(kernel)(*tuple(_d.values())))

</pallas_src>

<mosaic_0001>
#map = affine_map<(d0, d1) -> (0, 0)>
#map1 = affine_map<(d0, d1) -> (0)>
#map2 = affine_map<(d0, d1) -> (0, 0, 0)>
module attributes {stable_mosaic.version = 14 : i64} {
  func.func @_agg_probe1(%arg0: i32, %arg1: i32, %arg2: memref<20000x128xf32, #tpu.memory_space<hbm>>, %arg3: memref<320000xi32, #tpu.memory_space<hbm>>, %arg4: memref<320000xi32, #tpu.memory_space<hbm>>, %arg5: memref<320000xf32, #tpu.memory_space<hbm>>, %arg6: memref<640x128xf32, #tpu.memory_space<hbm>>, %arg7: memref<2x10240x128xf32, #tpu.memory_space<hbm>>, %arg8: memref<3x80xi32, #tpu.memory_space<vmem>>, %arg9: memref<4x80xi32, #tpu.memory_space<vmem>>, %arg10: memref<3x80xf32, #tpu.memory_space<vmem>>, %arg11: memref<3x80x128xf32, #tpu.memory_space<vmem>>, %arg12: memref<10240x128xf32, #tpu.memory_space<vmem_shared>>, %arg13: memref<4x!tpu.dma_semaphore, #tpu.memory_space<semaphore_mem>>, %arg14: memref<3x!tpu.dma_semaphore, #tpu.memory_space<semaphore_mem>>, %arg15: memref<3x!tpu.dma_semaphore, #tpu.memory_space<semaphore_mem>>) attributes {dimension_semantics = [#tpu.dimension_semantics<core_parallel>, #tpu.dimension_semantics<subcore_parallel>], iteration_bounds = array<i64: 2, 16>, scalar_prefetch = 0 : i64, scratch_operands = 8 : i64, tpu.core_type = #tpu.core_type<sc_vector_subcore>, window_params = [{transform_indices = #map}, {transform_indices = #map1}, {transform_indices = #map1}, {transform_indices = #map1}, {transform_indices = #map}, {transform_indices = #map2}]} {
    %mul3A = arith.constant 640 : i32
    %mul3A_0 = arith.muli %arg1, %mul3A : i32
    "tpu.region"() ({
      %run_scoped3A = tpu.sem_alloc : memref<!tpu.dma_semaphore, #tpu.memory_space<semaphore_mem>>
      %dma_start3A_145 = arith.constant 0 : i32
      %dma_start3A_146 = tpu.memref_slice %arg12[%mul3A_0, %dma_start3A_145] : memref<10240x128xf32, #tpu.memory_space<vmem_shared>> -> memref<640x128xf32, #tpu.memory_space<vmem_shared>>
      tpu.enqueue_dma source(%arg6 : memref<640x128xf32, #tpu.memory_space<hbm>>) target(%dma_start3A_146 : memref<640x128xf32, #tpu.memory_space<vmem_shared>>) target_semaphore(%run_scoped3A : memref<!tpu.dma_semaphore, #tpu.memory_space<semaphore_mem>>)
      %dma_wait3A_147 = arith.constant 0 : i32
      %dma_wait3A_148 = tpu.memref_slice %arg12[%mul3A_0, %dma_wait3A_147] : memref<10240x128xf32, #tpu.memory_space<vmem_shared>> -> memref<640x128xf32, #tpu.memory_space<vmem_shared>>
      tpu.wait_dma2 semaphore(%run_scoped3A : memref<!tpu.dma_semaphore, #tpu.memory_space<semaphore_mem>>) src(%arg6 : memref<640x128xf32, #tpu.memory_space<hbm>>) dst(%dma_wait3A_148 : memref<640x128xf32, #tpu.memory_space<vmem_shared>>)
      tpu.yield
    }) : () -> ()
    %barrier3A = arith.constant 0 : index
    tpu.barrier barrier_id(%barrier3A)
    %mul3A_1 = arith.constant 20000 : i32
    %mul3A_2 = arith.muli %arg1, %mul3A_1 : i32
    %mul3A_3 = arith.constant 10000 : i32
    %mul3A_4 = arith.muli %arg0, %mul3A_3 : i32
    %add3A = arith.constant 0 : i32
    %add3A_5 = arith.addi %mul3A_2, %add3A : i32
    %dma_start3A = arith.constant 0 : i32
    %dma_start3A_6 = arith.constant 0 : i32
    %dma_start3A_7 = arith.constant 0 : i32
    %dma_start3A_8 = tpu.memref_slice %arg8[%dma_start3A, %dma_start3A_7] : memref<3x80xi32, #tpu.memory_space<vmem>> -> memref<1x80xi32, #tpu.memory_space<vmem>>
    %dma_start3A_9 = tpu.memref_squeeze %dma_start3A_8 : memref<1x80xi32, #tpu.memory_space<vmem>> -> memref<80xi32, #tpu.memory_space<vmem>>
    %dma_start3A_10 = tpu.memref_slice %arg3[%add3A_5] : memref<320000xi32, #tpu.memory_space<hbm>> -> memref<80xi32, #tpu.memory_space<hbm>>
    %dma_start3A_11 = tpu.memref_slice %arg13[%dma_start3A_6] : memref<4x!tpu.dma_semaphore, #tpu.memory_space<semaphore_mem>> -> memref<1x!tpu.dma_semaphore, #tpu.memory_space<semaphore_mem>>
    %dma_start3A_12 = tpu.memref_squeeze %dma_start3A_11 : memref<1x!tpu.dma_semaphore, #tpu.memory_space<semaphore_mem>> -> memref<!tpu.dma_semaphore, #tpu.memory_space<semaphore_mem>>
    %dma_start3A_13 = arith.constant 0 : i32
    %dma_start3A_14 = tpu.memref_slice %arg8[%dma_start3A, %dma_start3A_13] : memref<3x80xi32, #tpu.memory_space<vmem>> -> memref<1x80xi32, #tpu.memory_space<vmem>>
    %dma_start3A_15 = tpu.memref_squeeze %dma_start3A_14 : memref<1x80xi32, #tpu.memory_space<vmem>> -> memref<80xi32, #tpu.memory_space<vmem>>
    %dma_start3A_16 = tpu.memref_slice %arg3[%add3A_5] : memref<320000xi32, #tpu.memory_space<hbm>> -> memref<80xi32, #tpu.memory_space<hbm>>
    tpu.enqueue_dma source(%dma_start3A_16 : memref<80xi32, #tpu.memory_space<hbm>>) target(%dma_start3A_15 : memref<80xi32, #tpu.memory_space<vmem>>) target_semaphore(%dma_start3A_12 : memref<!tpu.dma_semaphore, #tpu.memory_space<semaphore_mem>>)
    %dma_start3A_17 = arith.constant 0 : i32
    %dma_start3A_18 = arith.constant 0 : i32
    %dma_start3A_19 = arith.constant 0 : i32
    %dma_start3A_20 = tpu.memref_slice %arg9[%dma_start3A_17, %dma_start3A_19] : memref<4x80xi32, #tpu.memory_space<vmem>> -> memref<1x80xi32, #tpu.memory_space<vmem>>
    %dma_start3A_21 = tpu.memref_squeeze %dma_start3A_20 : memref<1x80xi32, #tpu.memory_space<vmem>> -> memref<80xi32, #tpu.memory_space<vmem>>
    %dma_start3A_22 = tpu.memref_slice %arg4[%add3A_5] : memref<320000xi32, #tpu.memory_space<hbm>> -> memref<80xi32, #tpu.memory_space<hbm>>
    %dma_start3A_23 = tpu.memref_slice %arg13[%dma_start3A_18] : memref<4x!tpu.dma_semaphore, #tpu.memory_space<semaphore_mem>> -> memref<1x!tpu.dma_semaphore, #tpu.memory_space<semaphore_mem>>
    %dma_start3A_24 = tpu.memref_squeeze %dma_start3A_23 : memref<1x!tpu.dma_semaphore, #tpu.memory_space<semaphore_mem>> -> memref<!tpu.dma_semaphore, #tpu.memory_space<semaphore_mem>>
    %dma_start3A_25 = arith.constant 0 : i32
    %dma_start3A_26 = tpu.memref_slice %arg9[%dma_start3A_17, %dma_start3A_25] : memref<4x80xi32, #tpu.memory_space<vmem>> -> memref<1x80xi32, #tpu.memory_space<vmem>>
    %dma_start3A_27 = tpu.memref_squeeze %dma_start3A_26 : memref<1x80xi32, #tpu.memory_space<vmem>> -> memref<80xi32, #tpu.memory_space<vmem>>
    %dma_start3A_28 = tpu.memref_slice %arg4[%add3A_5] : memref<320000xi32, #tpu.memory_space<hbm>> -> memref<80xi32, #tpu.memory_space<hbm>>
    tpu.enqueue_dma source(%dma_start3A_28 : memref<80xi32, #tpu.memory_space<hbm>>) target(%dma_start3A_27 : memref<80xi32, #tpu.memory_space<vmem>>) target_semaphore(%dma_start3A_24 : memref<!tpu.dma_semaphore, #tpu.memory_space<semaphore_mem>>)
    %dma_start3A_29 = arith.constant 0 : i32
    %dma_start3A_30 = arith.constant 0 : i32
    %dma_start3A_31 = arith.constant 0 : i32
    %dma_start3A_32 = tpu.memref_slice %arg10[%dma_start3A_29, %dma_start3A_31] : memref<3x80xf32, #tpu.memory_space<vmem>> -> memref<1x80xf32, #tpu.memory_space<vmem>>
    %dma_start3A_33 = tpu.memref_squeeze %dma_start3A_32 : memref<1x80xf32, #tpu.memory_space<vmem>> -> memref<80xf32, #tpu.memory_space<vmem>>
    %dma_start3A_34 = tpu.memref_slice %arg5[%add3A_5] : memref<320000xf32, #tpu.memory_space<hbm>> -> memref<80xf32, #tpu.memory_space<hbm>>
    %dma_start3A_35 = tpu.memref_slice %arg13[%dma_start3A_30] : memref<4x!tpu.dma_semaphore, #tpu.memory_space<semaphore_mem>> -> memref<1x!tpu.dma_semaphore, #tpu.memory_space<semaphore_mem>>
    %dma_start3A_36 = tpu.memref_squeeze %dma_start3A_35 : memref<1x!tpu.dma_semaphore, #tpu.memory_space<semaphore_mem>> -> memref<!tpu.dma_semaphore, #tpu.memory_space<semaphore_mem>>
    %dma_start3A_37 = arith.constant 0 : i32
    %dma_start3A_38 = tpu.memref_slice %arg10[%dma_start3A_29, %dma_start3A_37] : memref<3x80xf32, #tpu.memory_space<vmem>> -> memref<1x80xf32, #tpu.memory_space<vmem>>
    %dma_start3A_39 = tpu.memref_squeeze %dma_start3A_38 : memref<1x80xf32, #tpu.memory_space<vmem>> -> memref<80xf32, #tpu.memory_space<vmem>>
    %dma_start3A_40 = tpu.memref_slice %arg5[%add3A_5] : memref<320000xf32, #tpu.memory_space<hbm>> -> memref<80xf32, #tpu.memory_space<hbm>>
    tpu.enqueue_dma source(%dma_start3A_40 : memref<80xf32, #tpu.memory_space<hbm>>) target(%dma_start3A_39 : memref<80xf32, #tpu.memory_space<vmem>>) target_semaphore(%dma_start3A_36 : memref<!tpu.dma_semaphore, #tpu.memory_space<semaphore_mem>>)
    %add3A_41 = arith.constant 0 : i32
    %add3A_42 = arith.addi %mul3A_2, %add3A_41 : i32
    %dma_wait3A = arith.constant 0 : i32
    %dma_wait3A_43 = arith.constant 0 : i32
    %dma_wait3A_44 = arith.constant 0 : i32
    %dma_wait3A_45 = tpu.memref_slice %arg8[%dma_wait3A, %dma_wait3A_44] : memref<3x80xi32, #tpu.memory_space<vmem>> -> memref<1x80xi32, #tpu.memory_space<vmem>>
    %dma_wait3A_46 = tpu.memref_squeeze %dma_wait3A_45 : memref<1x80xi32, #tpu.memory_space<vmem>> -> memref<80xi32, #tpu.memory_space<vmem>>
    %dma_wait3A_47 = tpu.memref_slice %arg3[%add3A_42] : memref<320000xi32, #tpu.memory_space<hbm>> -> memref<80xi32, #tpu.memory_space<hbm>>
    %dma_wait3A_48 = tpu.memref_slice %arg13[%dma_wait3A_43] : memref<4x!tpu.dma_semaphore, #tpu.memory_space<semaphore_mem>> -> memref<1x!tpu.dma_semaphore, #tpu.memory_space<semaphore_mem>>
    %dma_wait3A_49 = tpu.memref_squeeze %dma_wait3A_48 : memref<1x!tpu.dma_semaphore, #tpu.memory_space<semaphore_mem>> -> memref<!tpu.dma_semaphore, #tpu.memory_space<semaphore_mem>>
    %dma_wait3A_50 = arith.constant 0 : i32
    %dma_wait3A_51 = tpu.memref_slice %arg8[%dma_wait3A, %dma_wait3A_50] : memref<3x80xi32, #tpu.memory_space<vmem>> -> memref<1x80xi32, #tpu.memory_space<vmem>>
    %dma_wait3A_52 = tpu.memref_squeeze %dma_wait3A_51 : memref<1x80xi32, #tpu.memory_space<vmem>> -> memref<80xi32, #tpu.memory_space<vmem>>
    %dma_wait3A_53 = tpu.memref_slice %arg3[%add3A_42] : memref<320000xi32, #tpu.memory_space<hbm>> -> memref<80xi32, #tpu.memory_space<hbm>>
    tpu.wait_dma2 semaphore(%dma_wait3A_49 : memref<!tpu.dma_semaphore, #tpu.memory_space<semaphore_mem>>) src(%dma_wait3A_53 : memref<80xi32, #tpu.memory_space<hbm>>) dst(%dma_wait3A_52 : memref<80xi32, #tpu.memory_space<vmem>>)
    %dma_wait3A_54 = arith.constant 0 : i32
    %dma_wait3A_55 = arith.constant 0 : i32
    %dma_wait3A_56 = arith.constant 0 : i32
    %dma_wait3A_57 = tpu.memref_slice %arg9[%dma_wait3A_54, %dma_wait3A_56] : memref<4x80xi32, #tpu.memory_space<vmem>> -> memref<1x80xi32, #tpu.memory_space<vmem>>
    %dma_wait3A_58 = tpu.memref_squeeze %dma_wait3A_57 : memref<1x80xi32, #tpu.memory_space<vmem>> -> memref<80xi32, #tpu.memory_space<vmem>>
    %dma_wait3A_59 = tpu.memref_slice %arg4[%add3A_42] : memref<320000xi32, #tpu.memory_space<hbm>> -> memref<80xi32, #tpu.memory_space<hbm>>
    %dma_wait3A_60 = tpu.memref_slice %arg13[%dma_wait3A_55] : memref<4x!tpu.dma_semaphore, #tpu.memory_space<semaphore_mem>> -> memref<1x!tpu.dma_semaphore, #tpu.memory_space<semaphore_mem>>
    %dma_wait3A_61 = tpu.memref_squeeze %dma_wait3A_60 : memref<1x!tpu.dma_semaphore, #tpu.memory_space<semaphore_mem>> -> memref<!tpu.dma_semaphore, #tpu.memory_space<semaphore_mem>>
    %dma_wait3A_62 = arith.constant 0 : i32
    %dma_wait3A_63 = tpu.memref_slice %arg9[%dma_wait3A_54, %dma_wait3A_62] : memref<4x80xi32, #tpu.memory_space<vmem>> -> memref<1x80xi32, #tpu.memory_space<vmem>>
    %dma_wait3A_64 = tpu.memref_squeeze %dma_wait3A_63 : memref<1x80xi32, #tpu.memory_space<vmem>> -> memref<80xi32, #tpu.memory_space<vmem>>
    %dma_wait3A_65 = tpu.memref_slice %arg4[%add3A_42] : memref<320000xi32, #tpu.memory_space<hbm>> -> memref<80xi32, #tpu.memory_space<hbm>>
    tpu.wait_dma2 semaphore(%dma_wait3A_61 : memref<!tpu.dma_semaphore, #tpu.memory_space<semaphore_mem>>) src(%dma_wait3A_65 : memref<80xi32, #tpu.memory_space<hbm>>) dst(%dma_wait3A_64 : memref<80xi32, #tpu.memory_space<vmem>>)
    %dma_wait3A_66 = arith.constant 0 : i32
    %dma_wait3A_67 = arith.constant 0 : i32
    %dma_wait3A_68 = arith.constant 0 : i32
    %dma_wait3A_69 = tpu.memref_slice %arg10[%dma_wait3A_66, %dma_wait3A_68] : memref<3x80xf32, #tpu.memory_space<vmem>> -> memref<1x80xf32, #tpu.memory_space<vmem>>
    %dma_wait3A_70 = tpu.memref_squeeze %dma_wait3A_69 : memref<1x80xf32, #tpu.memory_space<vmem>> -> memref<80xf32, #tpu.memory_space<vmem>>
    %dma_wait3A_71 = tpu.memref_slice %arg5[%add3A_42] : memref<320000xf32, #tpu.memory_space<hbm>> -> memref<80xf32, #tpu.memory_space<hbm>>
    %dma_wait3A_72 = tpu.memref_slice %arg13[%dma_wait3A_67] : memref<4x!tpu.dma_semaphore, #tpu.memory_space<semaphore_mem>> -> memref<1x!tpu.dma_semaphore, #tpu.memory_space<semaphore_mem>>
    %dma_wait3A_73 = tpu.memref_squeeze %dma_wait3A_72 : memref<1x!tpu.dma_semaphore, #tpu.memory_space<semaphore_mem>> -> memref<!tpu.dma_semaphore, #tpu.memory_space<semaphore_mem>>
    %dma_wait3A_74 = arith.constant 0 : i32
    %dma_wait3A_75 = tpu.memref_slice %arg10[%dma_wait3A_66, %dma_wait3A_74] : memref<3x80xf32, #tpu.memory_space<vmem>> -> memref<1x80xf32, #tpu.memory_space<vmem>>
    %dma_wait3A_76 = tpu.memref_squeeze %dma_wait3A_75 : memref<1x80xf32, #tpu.memory_space<vmem>> -> memref<80xf32, #tpu.memory_space<vmem>>
    %dma_wait3A_77 = tpu.memref_slice %arg5[%add3A_42] : memref<320000xf32, #tpu.memory_space<hbm>> -> memref<80xf32, #tpu.memory_space<hbm>>
    tpu.wait_dma2 semaphore(%dma_wait3A_73 : memref<!tpu.dma_semaphore, #tpu.memory_space<semaphore_mem>>) src(%dma_wait3A_77 : memref<80xf32, #tpu.memory_space<hbm>>) dst(%dma_wait3A_76 : memref<80xf32, #tpu.memory_space<vmem>>)
    %scan3A = arith.constant 0 : i32
    %scan3A_78 = arith.constant 5 : i32
    %scan3A_79 = arith.addi %scan3A, %scan3A_78 : i32
    %scan3A_80 = arith.constant 1 : i32
    scf.for %scan3A_145 = %scan3A to %scan3A_79 step %scan3A_80  : i32 {
      %mul3A_146 = arith.constant 1 : i32
      %mul3A_147 = arith.muli %scan3A_145, %mul3A_146 : i32
      %add3A_148 = arith.constant 0 : i32
      %add3A_149 = arith.addi %add3A_148, %mul3A_147 : i32
      %mul3A_150 = arith.constant 16 : i32
      %mul3A_151 = arith.muli %add3A_149, %mul3A_150 : i32
      %get3A = arith.constant 0 : i32
      %get3A_152 = arith.index_cast %get3A : i32 to index
      %get3A_153 = arith.index_cast %mul3A_151 : i32 to index
      %get3A_154 = tpu.vector_load %arg8[%get3A_152, %get3A_153] {strides = array<i32>} : memref<3x80xi32, #tpu.memory_space<vmem>>, vector<1x16xi32>,
      %get3A_155 = vector.shape_cast %get3A_154 : vector<1x16xi32> to vector<16xi32>
      %add3A_156 = vector.broadcast %mul3A_4 : i32 to vector<16xi32>
      %add3A_157 = arith.addi %get3A_155, %add3A_156 : vector<16xi32>
      %mul3A_158 = arith.constant 16 : i32
      %mul3A_159 = arith.muli %add3A_149, %mul3A_158 : i32
      %swap3A = arith.constant 0 : i32
      %swap3A_160 = arith.index_cast %swap3A : i32 to index
      %swap3A_161 = arith.index_cast %mul3A_159 : i32 to index
      %swap3A_162 = tpu.vector_load %arg8[%swap3A_160, %swap3A_161] {strides = array<i32>} : memref<3x80xi32, #tpu.memory_space<vmem>>, vector<1x16xi32>,
      %swap3A_163 = vector.shape_cast %swap3A_162 : vector<1x16xi32> to vector<16xi32>
      %swap3A_164 = vector.shape_cast %add3A_157 : vector<16xi32> to vector<1x16xi32>
      tpu.vector_store %arg8[%swap3A_160, %swap3A_161], %swap3A_164 {strides = array<i32>} : memref<3x80xi32, #tpu.memory_space<vmem>>, vector<1x16xi32>,
    }
    %scan3A_81 = arith.constant 5 : i32
    %dma_start3A_82 = arith.constant 0 : i32
    %dma_start3A_83 = arith.constant 0 : i32
    %dma_start3A_84 = arith.constant 0 : i32
    %dma_start3A_85 = arith.constant 0 : i32
    %dma_start3A_86 = arith.constant 0 : i32
    %dma_start3A_87 = tpu.memref_slice %arg11[%dma_start3A_83, %dma_start3A_85, %dma_start3A_86] : memref<3x80x128xf32, #tpu.memory_space<vmem>> -> memref<1x80x128xf32, #tpu.memory_space<vmem>>
    %dma_start3A_88 = tpu.memref_squeeze %dma_start3A_87 : memref<1x80x128xf32, #tpu.memory_space<vmem>> -> memref<80x128xf32, #tpu.memory_space<vmem>>
    %dma_start3A_89 = arith.constant 0 : i32
    %dma_start3A_90 = tpu.memref_slice %arg8[%dma_start3A_82, %dma_start3A_89] : memref<3x80xi32, #tpu.memory_space<vmem>> -> memref<1x80xi32, #tpu.memory_space<vmem>>
    %dma_start3A_91 = tpu.memref_squeeze %dma_start3A_90 : memref<1x80xi32, #tpu.memory_space<vmem>> -> memref<80xi32, #tpu.memory_space<vmem>>
    %dma_start3A_92 = arith.constant 0 : i32
    %dma_start3A_93 = arith.constant 0 : i32
    %dma_start3A_94 = tpu.memref_slice %arg2[%dma_start3A_92, %dma_start3A_93] : memref<20000x128xf32, #tpu.memory_space<hbm>> -> memref<20000x128xf32, #tpu.memory_space<hbm>>
    %dma_start3A_95 = tpu.memref_slice %arg14[%dma_start3A_84] : memref<3x!tpu.dma_semaphore, #tpu.memory_space<semaphore_mem>> -> memref<1x!tpu.dma_semaphore, #tpu.memory_space<semaphore_mem>>
    %dma_start3A_96 = tpu.memref_squeeze %dma_start3A_95 : memref<1x!tpu.dma_semaphore, #tpu.memory_space<semaphore_mem>> -> memref<!tpu.dma_semaphore, #tpu.memory_space<semaphore_mem>>
    tpu.enqueue_indirect_dma source(%dma_start3A_94 : memref<20000x128xf32, #tpu.memory_space<hbm>>) target(%dma_start3A_88 : memref<80x128xf32, #tpu.memory_space<vmem>>) offsets(%dma_start3A_91 : memref<80xi32, #tpu.memory_space<vmem>>) semaphore(%dma_start3A_96 : memref<!tpu.dma_semaphore, #tpu.memory_space<semaphore_mem>>)
    %add3A_97 = arith.constant 80 : i32
    %add3A_98 = arith.addi %mul3A_2, %add3A_97 : i32
    %dma_start3A_99 = arith.constant 1 : i32
    %dma_start3A_100 = arith.constant 1 : i32
    %dma_start3A_101 = arith.constant 0 : i32
    %dma_start3A_102 = tpu.memref_slice %arg8[%dma_start3A_99, %dma_start3A_101] : memref<3x80xi32, #tpu.memory_space<vmem>> -> memref<1x80xi32, #tpu.memory_space<vmem>>
    %dma_start3A_103 = tpu.memref_squeeze %dma_start3A_102 : memref<1x80xi32, #tpu.memory_space<vmem>> -> memref<80xi32, #tpu.memory_space<vmem>>
    %dma_start3A_104 = tpu.memref_slice %arg3[%add3A_98] : memref<320000xi32, #tpu.memory_space<hbm>> -> memref<80xi32, #tpu.memory_space<hbm>>
    %dma_start3A_105 = tpu.memref_slice %arg13[%dma_start3A_100] : memref<4x!tpu.dma_semaphore, #tpu.memory_space<semaphore_mem>> -> memref<1x!tpu.dma_semaphore, #tpu.memory_space<semaphore_mem>>
    %dma_start3A_106 = tpu.memref_squeeze %dma_start3A_105 : memref<1x!tpu.dma_semaphore, #tpu.memory_space<semaphore_mem>> -> memref<!tpu.dma_semaphore, #tpu.memory_space<semaphore_mem>>
    %dma_start3A_107 = arith.constant 0 : i32
    %dma_start3A_108 = tpu.memref_slice %arg8[%dma_start3A_99, %dma_start3A_107] : memref<3x80xi32, #tpu.memory_space<vmem>> -> memref<1x80xi32, #tpu.memory_space<vmem>>
    %dma_start3A_109 = tpu.memref_squeeze %dma_start3A_108 : memref<1x80xi32, #tpu.memory_space<vmem>> -> memref<80xi32, #tpu.memory_space<vmem>>
    %dma_start3A_110 = tpu.memref_slice %arg3[%add3A_98] : memref<320000xi32, #tpu.memory_space<hbm>> -> memref<80xi32, #tpu.memory_space<hbm>>
    tpu.enqueue_dma source(%dma_start3A_110 : memref<80xi32, #tpu.memory_space<hbm>>) target(%dma_start3A_109 : memref<80xi32, #tpu.memory_space<vmem>>) target_semaphore(%dma_start3A_106 : memref<!tpu.dma_semaphore, #tpu.memory_space<semaphore_mem>>)
    %dma_start3A_111 = arith.constant 1 : i32
    %dma_start3A_112 = arith.constant 1 : i32
    %dma_start3A_113 = arith.constant 0 : i32
    %dma_start3A_114 = tpu.memref_slice %arg9[%dma_start3A_111, %dma_start3A_113] : memref<4x80xi32, #tpu.memory_space<vmem>> -> memref<1x80xi32, #tpu.memory_space<vmem>>
    %dma_start3A_115 = tpu.memref_squeeze %dma_start3A_114 : memref<1x80xi32, #tpu.memory_space<vmem>> -> memref<80xi32, #tpu.memory_space<vmem>>
    %dma_start3A_116 = tpu.memref_slice %arg4[%add3A_98] : memref<320000xi32, #tpu.memory_space<hbm>> -> memref<80xi32, #tpu.memory_space<hbm>>
    %dma_start3A_117 = tpu.memref_slice %arg13[%dma_start3A_112] : memref<4x!tpu.dma_semaphore, #tpu.memory_space<semaphore_mem>> -> memref<1x!tpu.dma_semaphore, #tpu.memory_space<semaphore_mem>>
    %dma_start3A_118 = tpu.memref_squeeze %dma_start3A_117 : memref<1x!tpu.dma_semaphore, #tpu.memory_space<semaphore_mem>> -> memref<!tpu.dma_semaphore, #tpu.memory_space<semaphore_mem>>
    %dma_start3A_119 = arith.constant 0 : i32
    %dma_start3A_120 = tpu.memref_slice %arg9[%dma_start3A_111, %dma_start3A_119] : memref<4x80xi32, #tpu.memory_space<vmem>> -> memref<1x80xi32, #tpu.memory_space<vmem>>
    %dma_start3A_121 = tpu.memref_squeeze %dma_start3A_120 : memref<1x80xi32, #tpu.memory_space<vmem>> -> memref<80xi32, #tpu.memory_space<vmem>>
    %dma_start3A_122 = tpu.memref_slice %arg4[%add3A_98] : memref<320000xi32, #tpu.memory_space<hbm>> -> memref<80xi32, #tpu.memory_space<hbm>>
    tpu.enqueue_dma source(%dma_start3A_122 : memref<80xi32, #tpu.memory_space<hbm>>) target(%dma_start3A_121 : memref<80xi32, #tpu.memory_space<vmem>>) target_semaphore(%dma_start3A_118 : memref<!tpu.dma_semaphore, #tpu.memory_space<semaphore_mem>>)
    %dma_start3A_123 = arith.constant 1 : i32
    %dma_start3A_124 = arith.constant 1 : i32
    %dma_start3A_125 = arith.constant 0 : i32
    %dma_start3A_126 = tpu.memref_slice %arg10[%dma_start3A_123, %dma_start3A_125] : memref<3x80xf32, #tpu.memory_space<vmem>> -> memref<1x80xf32, #tpu.memory_space<vmem>>
    %dma_start3A_127 = tpu.memref_squeeze %dma_start3A_126 : memref<1x80xf32, #tpu.memory_space<vmem>> -> memref<80xf32, #tpu.memory_space<vmem>>
    %dma_start3A_128 = tpu.memref_slice %arg5[%add3A_98] : memref<320000xf32, #tpu.memory_space<hbm>> -> memref<80xf32, #tpu.memory_space<hbm>>
    %dma_start3A_129 = tpu.memref_slice %arg13[%dma_start3A_124] : memref<4x!tpu.dma_semaphore, #tpu.memory_space<semaphore_mem>> -> memref<1x!tpu.dma_semaphore, #tpu.memory_space<semaphore_mem>>
    %dma_start3A_130 = tpu.memref_squeeze %dma_start3A_129 : memref<1x!tpu.dma_semaphore, #tpu.memory_space<semaphore_mem>> -> memref<!tpu.dma_semaphore, #tpu.memory_space<semaphore_mem>>
    %dma_start3A_131 = arith.constant 0 : i32
    %dma_start3A_132 = tpu.memref_slice %arg10[%dma_start3A_123, %dma_start3A_131] : memref<3x80xf32, #tpu.memory_space<vmem>> -> memref<1x80xf32, #tpu.memory_space<vmem>>
    %dma_start3A_133 = tpu.memref_squeeze %dma_start3A_132 : memref<1x80xf32, #tpu.memory_space<vmem>> -> memref<80xf32, #tpu.memory_space<vmem>>
    %dma_start3A_134 = tpu.memref_slice %arg5[%add3A_98] : memref<320000xf32, #tpu.memory_space<hbm>> -> memref<80xf32, #tpu.memory_space<hbm>>
    tpu.enqueue_dma source(%dma_start3A_134 : memref<80xf32, #tpu.memory_space<hbm>>) target(%dma_start3A_133 : memref<80xf32, #tpu.memory_space<vmem>>) target_semaphore(%dma_start3A_130 : memref<!tpu.dma_semaphore, #tpu.memory_space<semaphore_mem>>)
    %scan3A_135 = arith.constant 0 : i32
    %scan3A_136 = arith.constant 250 : i32
    %scan3A_137 = arith.addi %scan3A_135, %scan3A_136 : i32
    %scan3A_138 = arith.constant 1 : i32
    scf.for %scan3A_145 = %scan3A_135 to %scan3A_137 step %scan3A_138  : i32 {
      %mul3A_146 = arith.constant 1 : i32
      %mul3A_147 = arith.muli %scan3A_145, %mul3A_146 : i32
      %add3A_148 = arith.constant 0 : i32
      %add3A_149 = arith.addi %add3A_148, %mul3A_147 : i32
      %rem3A = arith.constant 3 : i32
      %rem3A_150 = arith.remsi %add3A_149, %rem3A : i32
      %rem3A_151 = arith.constant 4 : i32
      %rem3A_152 = arith.remsi %add3A_149, %rem3A_151 : i32
      %add3A_153 = arith.constant 1 : i32
      %add3A_154 = arith.addi %add3A_149, %add3A_153 : i32
      %lt3A = arith.constant 250 : i32
      %lt3A_155 = arith.cmpi slt, %add3A_154, %lt3A : i32
      %convert_element_type3A = arith.extui %lt3A_155 : i1 to i32
      %cond3A = arith.constant 0 : i32
      %cond3A_156 = arith.cmpi ne, %convert_element_type3A, %cond3A : i32
      scf.if %cond3A_156 {
        %add3A_174 = arith.constant 1 : i32
        %add3A_175 = arith.addi %add3A_149, %add3A_174 : i32
        %rem3A_176 = arith.constant 3 : i32
        %rem3A_177 = arith.remsi %add3A_175, %rem3A_176 : i32
        %add3A_178 = arith.constant 1 : i32
        %add3A_179 = arith.addi %add3A_149, %add3A_178 : i32
        %rem3A_180 = arith.constant 4 : i32
        %rem3A_181 = arith.remsi %add3A_179, %rem3A_180 : i32
        %add3A_182 = arith.constant 1 : i32
        %add3A_183 = arith.addi %add3A_149, %add3A_182 : i32
        %mul3A_184 = arith.constant 80 : i32
        %mul3A_185 = arith.muli %add3A_183, %mul3A_184 : i32
        %add3A_186 = arith.addi %mul3A_2, %mul3A_185 : i32
        %dma_wait3A_187 = arith.constant 0 : i32
        %dma_wait3A_188 = tpu.memref_slice %arg8[%rem3A_177, %dma_wait3A_187] : memref<3x80xi32, #tpu.memory_space<vmem>> -> memref<1x80xi32, #tpu.memory_space<vmem>>
        %dma_wait3A_189 = tpu.memref_squeeze %dma_wait3A_188 : memref<1x80xi32, #tpu.memory_space<vmem>> -> memref<80xi32, #tpu.memory_space<vmem>>
        %dma_wait3A_190 = tpu.memref_slice %arg3[%add3A_186] : memref<320000xi32, #tpu.memory_space<hbm>> -> memref<80xi32, #tpu.memory_space<hbm>>
        %dma_wait3A_191 = tpu.memref_slice %arg13[%rem3A_181] : memref<4x!tpu.dma_semaphore, #tpu.memory_space<semaphore_mem>> -> memref<1x!tpu.dma_semaphore, #tpu.memory_space<semaphore_mem>>
        %dma_wait3A_192 = tpu.memref_squeeze %dma_wait3A_191 : memref<1x!tpu.dma_semaphore, #tpu.memory_space<semaphore_mem>> -> memref<!tpu.dma_semaphore, #tpu.memory_space<semaphore_mem>>
        %dma_wait3A_193 = arith.constant 0 : i32
        %dma_wait3A_194 = tpu.memref_slice %arg8[%rem3A_177, %dma_wait3A_193] : memref<3x80xi32, #tpu.memory_space<vmem>> -> memref<1x80xi32, #tpu.memory_space<vmem>>
        %dma_wait3A_195 = tpu.memref_squeeze %dma_wait3A_194 : memref<1x80xi32, #tpu.memory_space<vmem>> -> memref<80xi32, #tpu.memory_space<vmem>>
        %dma_wait3A_196 = tpu.memref_slice %arg3[%add3A_186] : memref<320000xi32, #tpu.memory_space<hbm>> -> memref<80xi32, #tpu.memory_space<hbm>>
        tpu.wait_dma2 semaphore(%dma_wait3A_192 : memref<!tpu.dma_semaphore, #tpu.memory_space<semaphore_mem>>) src(%dma_wait3A_196 : memref<80xi32, #tpu.memory_space<hbm>>) dst(%dma_wait3A_195 : memref<80xi32, #tpu.memory_space<vmem>>)
        %dma_wait3A_197 = arith.constant 0 : i32
        %dma_wait3A_198 = tpu.memref_slice %arg9[%rem3A_181, %dma_wait3A_197] : memref<4x80xi32, #tpu.memory_space<vmem>> -> memref<1x80xi32, #tpu.memory_space<vmem>>
        %dma_wait3A_199 = tpu.memref_squeeze %dma_wait3A_198 : memref<1x80xi32, #tpu.memory_space<vmem>> -> memref<80xi32, #tpu.memory_space<vmem>>
        %dma_wait3A_200 = tpu.memref_slice %arg4[%add3A_186] : memref<320000xi32, #tpu.memory_space<hbm>> -> memref<80xi32, #tpu.memory_space<hbm>>
        %dma_wait3A_201 = tpu.memref_slice %arg13[%rem3A_181] : memref<4x!tpu.dma_semaphore, #tpu.memory_space<semaphore_mem>> -> memref<1x!tpu.dma_semaphore, #tpu.memory_space<semaphore_mem>>
        %dma_wait3A_202 = tpu.memref_squeeze %dma_wait3A_201 : memref<1x!tpu.dma_semaphore, #tpu.memory_space<semaphore_mem>> -> memref<!tpu.dma_semaphore, #tpu.memory_space<semaphore_mem>>
        %dma_wait3A_203 = arith.constant 0 : i32
        %dma_wait3A_204 = tpu.memref_slice %arg9[%rem3A_181, %dma_wait3A_203] : memref<4x80xi32, #tpu.memory_space<vmem>> -> memref<1x80xi32, #tpu.memory_space<vmem>>
        %dma_wait3A_205 = tpu.memref_squeeze %dma_wait3A_204 : memref<1x80xi32, #tpu.memory_space<vmem>> -> memref<80xi32, #tpu.memory_space<vmem>>
        %dma_wait3A_206 = tpu.memref_slice %arg4[%add3A_186] : memref<320000xi32, #tpu.memory_space<hbm>> -> memref<80xi32, #tpu.memory_space<hbm>>
        tpu.wait_dma2 semaphore(%dma_wait3A_202 : memref<!tpu.dma_semaphore, #tpu.memory_space<semaphore_mem>>) src(%dma_wait3A_206 : memref<80xi32, #tpu.memory_space<hbm>>) dst(%dma_wait3A_205 : memref<80xi32, #tpu.memory_space<vmem>>)
        %dma_wait3A_207 = arith.constant 0 : i32
        %dma_wait3A_208 = tpu.memref_slice %arg10[%rem3A_177, %dma_wait3A_207] : memref<3x80xf32, #tpu.memory_space<vmem>> -> memref<1x80xf32, #tpu.memory_space<vmem>>
        %dma_wait3A_209 = tpu.memref_squeeze %dma_wait3A_208 : memref<1x80xf32, #tpu.memory_space<vmem>> -> memref<80xf32, #tpu.memory_space<vmem>>
        %dma_wait3A_210 = tpu.memref_slice %arg5[%add3A_186] : memref<320000xf32, #tpu.memory_space<hbm>> -> memref<80xf32, #tpu.memory_space<hbm>>
        %dma_wait3A_211 = tpu.memref_slice %arg13[%rem3A_181] : memref<4x!tpu.dma_semaphore, #tpu.memory_space<semaphore_mem>> -> memref<1x!tpu.dma_semaphore, #tpu.memory_space<semaphore_mem>>
        %dma_wait3A_212 = tpu.memref_squeeze %dma_wait3A_211 : memref<1x!tpu.dma_semaphore, #tpu.memory_space<semaphore_mem>> -> memref<!tpu.dma_semaphore, #tpu.memory_space<semaphore_mem>>
        %dma_wait3A_213 = arith.constant 0 : i32
        %dma_wait3A_214 = tpu.memref_slice %arg10[%rem3A_177, %dma_wait3A_213] : memref<3x80xf32, #tpu.memory_space<vmem>> -> memref<1x80xf32, #tpu.memory_space<vmem>>
        %dma_wait3A_215 = tpu.memref_squeeze %dma_wait3A_214 : memref<1x80xf32, #tpu.memory_space<vmem>> -> memref<80xf32, #tpu.memory_space<vmem>>
        %dma_wait3A_216 = tpu.memref_slice %arg5[%add3A_186] : memref<320000xf32, #tpu.memory_space<hbm>> -> memref<80xf32, #tpu.memory_space<hbm>>
        tpu.wait_dma2 semaphore(%dma_wait3A_212 : memref<!tpu.dma_semaphore, #tpu.memory_space<semaphore_mem>>) src(%dma_wait3A_216 : memref<80xf32, #tpu.memory_space<hbm>>) dst(%dma_wait3A_215 : memref<80xf32, #tpu.memory_space<vmem>>)
        %scan3A_217 = arith.constant 0 : i32
        %scan3A_218 = arith.constant 5 : i32
        %scan3A_219 = arith.addi %scan3A_217, %scan3A_218 : i32
        %scan3A_220 = arith.constant 1 : i32
        scf.for %scan3A_245 = %scan3A_217 to %scan3A_219 step %scan3A_220  : i32 {
          %mul3A_246 = arith.constant 1 : i32
          %mul3A_247 = arith.muli %scan3A_245, %mul3A_246 : i32
          %add3A_248 = arith.constant 0 : i32
          %add3A_249 = arith.addi %add3A_248, %mul3A_247 : i32
          %mul3A_250 = arith.constant 16 : i32
          %mul3A_251 = arith.muli %add3A_249, %mul3A_250 : i32
          %get3A = arith.index_cast %rem3A_177 : i32 to index
          %get3A_252 = arith.index_cast %mul3A_251 : i32 to index
          %get3A_253 = tpu.vector_load %arg8[%get3A, %get3A_252] {strides = array<i32>} : memref<3x80xi32, #tpu.memory_space<vmem>>, vector<1x16xi32>,
          %get3A_254 = vector.shape_cast %get3A_253 : vector<1x16xi32> to vector<16xi32>
          %add3A_255 = vector.broadcast %mul3A_4 : i32 to vector<16xi32>
          %add3A_256 = arith.addi %get3A_254, %add3A_255 : vector<16xi32>
          %mul3A_257 = arith.constant 16 : i32
          %mul3A_258 = arith.muli %add3A_249, %mul3A_257 : i32
          %swap3A = arith.index_cast %rem3A_177 : i32 to index
          %swap3A_259 = arith.index_cast %mul3A_258 : i32 to index
          %swap3A_260 = tpu.vector_load %arg8[%swap3A, %swap3A_259] {strides = array<i32>} : memref<3x80xi32, #tpu.memory_space<vmem>>, vector<1x16xi32>,
          %swap3A_261 = vector.shape_cast %swap3A_260 : vector<1x16xi32> to vector<16xi32>
          %swap3A_262 = vector.shape_cast %add3A_256 : vector<16xi32> to vector<1x16xi32>
          tpu.vector_store %arg8[%swap3A, %swap3A_259], %swap3A_262 {strides = array<i32>} : memref<3x80xi32, #tpu.memory_space<vmem>>, vector<1x16xi32>,
        }
        %scan3A_221 = arith.constant 5 : i32
        %ge3A = arith.constant 2 : i32
        %ge3A_222 = arith.cmpi sge, %add3A_149, %ge3A : i32
        %convert_element_type3A_223 = arith.extui %ge3A_222 : i1 to i32
        %cond3A_224 = arith.constant 0 : i32
        %cond3A_225 = arith.cmpi ne, %convert_element_type3A_223, %cond3A_224 : i32
        scf.if %cond3A_225 {
          %sub3A = arith.constant 2 : i32
          %sub3A_245 = arith.subi %add3A_149, %sub3A : i32
          %rem3A_246 = arith.constant 4 : i32
          %rem3A_247 = arith.remsi %sub3A_245, %rem3A_246 : i32
          %sub3A_248 = arith.constant 2 : i32
          %sub3A_249 = arith.subi %add3A_149, %sub3A_248 : i32
          %rem3A_250 = arith.constant 3 : i32
          %rem3A_251 = arith.remsi %sub3A_249, %rem3A_250 : i32
        } else {
        }
        %dma_start3A_226 = arith.constant 0 : i32
        %dma_start3A_227 = arith.constant 0 : i32
        %dma_start3A_228 = tpu.memref_slice %arg11[%rem3A_177, %dma_start3A_226, %dma_start3A_227] : memref<3x80x128xf32, #tpu.memory_space<vmem>> -> memref<1x80x128xf32, #tpu.memory_space<vmem>>
        %dma_start3A_229 = tpu.memref_squeeze %dma_start3A_228 : memref<1x80x128xf32, #tpu.memory_space<vmem>> -> memref<80x128xf32, #tpu.memory_space<vmem>>
        %dma_start3A_230 = arith.constant 0 : i32
        %dma_start3A_231 = tpu.memref_slice %arg8[%rem3A_177, %dma_start3A_230] : memref<3x80xi32, #tpu.memory_space<vmem>> -> memref<1x80xi32, #tpu.memory_space<vmem>>
        %dma_start3A_232 = tpu.memref_squeeze %dma_start3A_231 : memref<1x80xi32, #tpu.memory_space<vmem>> -> memref<80xi32, #tpu.memory_space<vmem>>
        %dma_start3A_233 = arith.constant 0 : i32
        %dma_start3A_234 = arith.constant 0 : i32
        %dma_start3A_235 = tpu.memref_slice %arg2[%dma_start3A_233, %dma_start3A_234] : memref<20000x128xf32, #tpu.memory_space<hbm>> -> memref<20000x128xf32, #tpu.memory_space<hbm>>
        %dma_start3A_236 = tpu.memref_slice %arg14[%rem3A_177] : memref<3x!tpu.dma_semaphore, #tpu.memory_space<semaphore_mem>> -> memref<1x!tpu.dma_semaphore, #tpu.memory_space<semaphore_mem>>
        %dma_start3A_237 = tpu.memref_squeeze %dma_start3A_236 : memref<1x!tpu.dma_semaphore, #tpu.memory_space<semaphore_mem>> -> memref<!tpu.dma_semaphore, #tpu.memory_space<semaphore_mem>>
        tpu.enqueue_indirect_dma source(%dma_start3A_235 : memref<20000x128xf32, #tpu.memory_space<hbm>>) target(%dma_start3A_229 : memref<80x128xf32, #tpu.memory_space<vmem>>) offsets(%dma_start3A_232 : memref<80xi32, #tpu.memory_space<vmem>>) semaphore(%dma_start3A_237 : memref<!tpu.dma_semaphore, #tpu.memory_space<semaphore_mem>>)
        %add3A_238 = arith.constant 2 : i32
        %add3A_239 = arith.addi %add3A_149, %add3A_238 : i32
        %lt3A_240 = arith.constant 250 : i32
        %lt3A_241 = arith.cmpi slt, %add3A_239, %lt3A_240 : i32
        %convert_element_type3A_242 = arith.extui %lt3A_241 : i1 to i32
        %cond3A_243 = arith.constant 0 : i32
        %cond3A_244 = arith.cmpi ne, %convert_element_type3A_242, %cond3A_243 : i32
        scf.if %cond3A_244 {
          %add3A_245 = arith.constant 2 : i32
          %add3A_246 = arith.addi %add3A_149, %add3A_245 : i32
          %add3A_247 = arith.constant 2 : i32
          %add3A_248 = arith.addi %add3A_149, %add3A_247 : i32
          %rem3A_249 = arith.constant 3 : i32
          %rem3A_250 = arith.remsi %add3A_248, %rem3A_249 : i32
          %add3A_251 = arith.constant 2 : i32
          %add3A_252 = arith.addi %add3A_149, %add3A_251 : i32
          %rem3A_253 = arith.constant 4 : i32
          %rem3A_254 = arith.remsi %add3A_252, %rem3A_253 : i32
          %mul3A_255 = arith.constant 80 : i32
          %mul3A_256 = arith.muli %add3A_246, %mul3A_255 : i32
          %add3A_257 = arith.addi %mul3A_2, %mul3A_256 : i32
          %dma_start3A_258 = arith.constant 0 : i32
          %dma_start3A_259 = tpu.memref_slice %arg8[%rem3A_250, %dma_start3A_258] : memref<3x80xi32, #tpu.memory_space<vmem>> -> memref<1x80xi32, #tpu.memory_space<vmem>>
          %dma_start3A_260 = tpu.memref_squeeze %dma_start3A_259 : memref<1x80xi32, #tpu.memory_space<vmem>> -> memref<80xi32, #tpu.memory_space<vmem>>
          %dma_start3A_261 = tpu.memref_slice %arg3[%add3A_257] : memref<320000xi32, #tpu.memory_space<hbm>> -> memref<80xi32, #tpu.memory_space<hbm>>
          %dma_start3A_262 = tpu.memref_slice %arg13[%rem3A_254] : memref<4x!tpu.dma_semaphore, #tpu.memory_space<semaphore_mem>> -> memref<1x!tpu.dma_semaphore, #tpu.memory_space<semaphore_mem>>
          %dma_start3A_263 = tpu.memref_squeeze %dma_start3A_262 : memref<1x!tpu.dma_semaphore, #tpu.memory_space<semaphore_mem>> -> memref<!tpu.dma_semaphore, #tpu.memory_space<semaphore_mem>>
          %dma_start3A_264 = arith.constant 0 : i32
          %dma_start3A_265 = tpu.memref_slice %arg8[%rem3A_250, %dma_start3A_264] : memref<3x80xi32, #tpu.memory_space<vmem>> -> memref<1x80xi32, #tpu.memory_space<vmem>>
          %dma_start3A_266 = tpu.memref_squeeze %dma_start3A_265 : memref<1x80xi32, #tpu.memory_space<vmem>> -> memref<80xi32, #tpu.memory_space<vmem>>
          %dma_start3A_267 = tpu.memref_slice %arg3[%add3A_257] : memref<320000xi32, #tpu.memory_space<hbm>> -> memref<80xi32, #tpu.memory_space<hbm>>
          tpu.enqueue_dma source(%dma_start3A_267 : memref<80xi32, #tpu.memory_space<hbm>>) target(%dma_start3A_266 : memref<80xi32, #tpu.memory_space<vmem>>) target_semaphore(%dma_start3A_263 : memref<!tpu.dma_semaphore, #tpu.memory_space<semaphore_mem>>)
          %dma_start3A_268 = arith.constant 0 : i32
          %dma_start3A_269 = tpu.memref_slice %arg9[%rem3A_254, %dma_start3A_268] : memref<4x80xi32, #tpu.memory_space<vmem>> -> memref<1x80xi32, #tpu.memory_space<vmem>>
          %dma_start3A_270 = tpu.memref_squeeze %dma_start3A_269 : memref<1x80xi32, #tpu.memory_space<vmem>> -> memref<80xi32, #tpu.memory_space<vmem>>
          %dma_start3A_271 = tpu.memref_slice %arg4[%add3A_257] : memref<320000xi32, #tpu.memory_space<hbm>> -> memref<80xi32, #tpu.memory_space<hbm>>
          %dma_start3A_272 = tpu.memref_slice %arg13[%rem3A_254] : memref<4x!tpu.dma_semaphore, #tpu.memory_space<semaphore_mem>> -> memref<1x!tpu.dma_semaphore, #tpu.memory_space<semaphore_mem>>
          %dma_start3A_273 = tpu.memref_squeeze %dma_start3A_272 : memref<1x!tpu.dma_semaphore, #tpu.memory_space<semaphore_mem>> -> memref<!tpu.dma_semaphore, #tpu.memory_space<semaphore_mem>>
          %dma_start3A_274 = arith.constant 0 : i32
          %dma_start3A_275 = tpu.memref_slice %arg9[%rem3A_254, %dma_start3A_274] : memref<4x80xi32, #tpu.memory_space<vmem>> -> memref<1x80xi32, #tpu.memory_space<vmem>>
          %dma_start3A_276 = tpu.memref_squeeze %dma_start3A_275 : memref<1x80xi32, #tpu.memory_space<vmem>> -> memref<80xi32, #tpu.memory_space<vmem>>
          %dma_start3A_277 = tpu.memref_slice %arg4[%add3A_257] : memref<320000xi32, #tpu.memory_space<hbm>> -> memref<80xi32, #tpu.memory_space<hbm>>
          tpu.enqueue_dma source(%dma_start3A_277 : memref<80xi32, #tpu.memory_space<hbm>>) target(%dma_start3A_276 : memref<80xi32, #tpu.memory_space<vmem>>) target_semaphore(%dma_start3A_273 : memref<!tpu.dma_semaphore, #tpu.memory_space<semaphore_mem>>)
          %dma_start3A_278 = arith.constant 0 : i32
          %dma_start3A_279 = tpu.memref_slice %arg10[%rem3A_250, %dma_start3A_278] : memref<3x80xf32, #tpu.memory_space<vmem>> -> memref<1x80xf32, #tpu.memory_space<vmem>>
          %dma_start3A_280 = tpu.memref_squeeze %dma_start3A_279 : memref<1x80xf32, #tpu.memory_space<vmem>> -> memref<80xf32, #tpu.memory_space<vmem>>
          %dma_start3A_281 = tpu.memref_slice %arg5[%add3A_257] : memref<320000xf32, #tpu.memory_space<hbm>> -> memref<80xf32, #tpu.memory_space<hbm>>
          %dma_start3A_282 = tpu.memref_slice %arg13[%rem3A_254] : memref<4x!tpu.dma_semaphore, #tpu.memory_space<semaphore_mem>> -> memref<1x!tpu.dma_semaphore, #tpu.memory_space<semaphore_mem>>
          %dma_start3A_283 = tpu.memref_squeeze %dma_start3A_282 : memref<1x!tpu.dma_semaphore, #tpu.memory_space<semaphore_mem>> -> memref<!tpu.dma_semaphore, #tpu.memory_space<semaphore_mem>>
          %dma_start3A_284 = arith.constant 0 : i32
          %dma_start3A_285 = tpu.memref_slice %arg10[%rem3A_250, %dma_start3A_284] : memref<3x80xf32, #tpu.memory_space<vmem>> -> memref<1x80xf32, #tpu.memory_space<vmem>>
          %dma_start3A_286 = tpu.memref_squeeze %dma_start3A_285 : memref<1x80xf32, #tpu.memory_space<vmem>> -> memref<80xf32, #tpu.memory_space<vmem>>
          %dma_start3A_287 = tpu.memref_slice %arg5[%add3A_257] : memref<320000xf32, #tpu.memory_space<hbm>> -> memref<80xf32, #tpu.memory_space<hbm>>
          tpu.enqueue_dma source(%dma_start3A_287 : memref<80xf32, #tpu.memory_space<hbm>>) target(%dma_start3A_286 : memref<80xf32, #tpu.memory_space<vmem>>) target_semaphore(%dma_start3A_283 : memref<!tpu.dma_semaphore, #tpu.memory_space<semaphore_mem>>)
        } else {
        }
      } else {
      }
      %dma_wait3A_157 = arith.constant 0 : i32
      %dma_wait3A_158 = arith.constant 0 : i32
      %dma_wait3A_159 = tpu.memref_slice %arg11[%rem3A_150, %dma_wait3A_157, %dma_wait3A_158] : memref<3x80x128xf32, #tpu.memory_space<vmem>> -> memref<1x80x128xf32, #tpu.memory_space<vmem>>
      %dma_wait3A_160 = tpu.memref_squeeze %dma_wait3A_159 : memref<1x80x128xf32, #tpu.memory_space<vmem>> -> memref<80x128xf32, #tpu.memory_space<vmem>>
      %dma_wait3A_161 = arith.constant 0 : i32
      %dma_wait3A_162 = tpu.memref_slice %arg8[%rem3A_150, %dma_wait3A_161] : memref<3x80xi32, #tpu.memory_space<vmem>> -> memref<1x80xi32, #tpu.memory_space<vmem>>
      %dma_wait3A_163 = tpu.memref_squeeze %dma_wait3A_162 : memref<1x80xi32, #tpu.memory_space<vmem>> -> memref<80xi32, #tpu.memory_space<vmem>>
      %dma_wait3A_164 = arith.constant 0 : i32
      %dma_wait3A_165 = arith.constant 0 : i32
      %dma_wait3A_166 = tpu.memref_slice %arg2[%dma_wait3A_164, %dma_wait3A_165] : memref<20000x128xf32, #tpu.memory_space<hbm>> -> memref<20000x128xf32, #tpu.memory_space<hbm>>
      %dma_wait3A_167 = tpu.memref_slice %arg14[%rem3A_150] : memref<3x!tpu.dma_semaphore, #tpu.memory_space<semaphore_mem>> -> memref<1x!tpu.dma_semaphore, #tpu.memory_space<semaphore_mem>>
      %dma_wait3A_168 = tpu.memref_squeeze %dma_wait3A_167 : memref<1x!tpu.dma_semaphore, #tpu.memory_space<semaphore_mem>> -> memref<!tpu.dma_semaphore, #tpu.memory_space<semaphore_mem>>
      tpu.wait_indirect_dma semaphore(%dma_wait3A_168 : memref<!tpu.dma_semaphore, #tpu.memory_space<semaphore_mem>>) src(%dma_wait3A_166 : memref<20000x128xf32, #tpu.memory_space<hbm>>) dst(%dma_wait3A_160 : memref<80x128xf32, #tpu.memory_space<vmem>>)
      %scan3A_169 = arith.constant 0 : i32
      %scan3A_170 = arith.constant 5 : i32
      %scan3A_171 = arith.addi %scan3A_169, %scan3A_170 : i32
      %scan3A_172 = arith.constant 1 : i32
      scf.for %scan3A_174 = %scan3A_169 to %scan3A_171 step %scan3A_172  : i32 {
        %mul3A_175 = arith.constant 1 : i32
        %mul3A_176 = arith.muli %scan3A_174, %mul3A_175 : i32
        %add3A_177 = arith.constant 0 : i32
        %add3A_178 = arith.addi %add3A_177, %mul3A_176 : i32
        %mul3A_179 = arith.constant 16 : i32
        %mul3A_180 = arith.muli %add3A_178, %mul3A_179 : i32
        %get3A = arith.index_cast %rem3A_150 : i32 to index
        %get3A_181 = arith.index_cast %mul3A_180 : i32 to index
        %get3A_182 = tpu.vector_load %arg10[%get3A, %get3A_181] {strides = array<i32>} : memref<3x80xf32, #tpu.memory_space<vmem>>, vector<1x16xf32>,
        %get3A_183 = vector.shape_cast %get3A_182 : vector<1x16xf32> to vector<16xf32>
        %slice3A = vector.extract_strided_slice %get3A_183 {offsets = [0], sizes = [1], strides = [1]} : vector<16xf32> to vector<1xf32>
        %squeeze3A = vector.extract %slice3A[0] : f32 from vector<1xf32>
        %broadcast_in_dim3A = vector.broadcast %squeeze3A : f32 to vector<16xf32>
        %mul3A_184 = arith.constant 16 : i32
        %mul3A_185 = arith.muli %add3A_178, %mul3A_184 : i32
        %add3A_186 = arith.constant 0 : i32
        %add3A_187 = arith.addi %mul3A_185, %add3A_186 : i32
        %get3A_188 = arith.index_cast %rem3A_150 : i32 to index
        %get3A_189 = arith.index_cast %add3A_187 : i32 to index
        %get3A_190 = arith.constant 0 : index
        %get3A_191 = tpu.vector_load %arg11[%get3A_188, %get3A_189, %get3A_190] {strides = array<i32>} : memref<3x80x128xf32, #tpu.memory_space<vmem>>, vector<1x1x16xf32>,
        %get3A_192 = vector.shape_cast %get3A_191 : vector<1x1x16xf32> to vector<16xf32>
        %mul3A_193 = arith.mulf %get3A_192, %broadcast_in_dim3A : vector<16xf32>
        %swap3A = arith.index_cast %rem3A_150 : i32 to index
        %swap3A_194 = arith.index_cast %add3A_187 : i32 to index
        %swap3A_195 = arith.constant 0 : index
        %swap3A_196 = tpu.vector_load %arg11[%swap3A, %swap3A_194, %swap3A_195] {strides = array<i32>} : memref<3x80x128xf32, #tpu.memory_space<vmem>>, vector<1x1x16xf32>,
        %swap3A_197 = vector.shape_cast %swap3A_196 : vector<1x1x16xf32> to vector<16xf32>
        %swap3A_198 = vector.shape_cast %mul3A_193 : vector<16xf32> to vector<1x1x16xf32>
        tpu.vector_store %arg11[%swap3A, %swap3A_194, %swap3A_195], %swap3A_198 {strides = array<i32>} : memref<3x80x128xf32, #tpu.memory_space<vmem>>, vector<1x1x16xf32>,
        %get3A_199 = arith.index_cast %rem3A_150 : i32 to index
        %get3A_200 = arith.index_cast %add3A_187 : i32 to index
        %get3A_201 = arith.constant 16 : index
        %get3A_202 = tpu.vector_load %arg11[%get3A_199, %get3A_200, %get3A_201] {strides = array<i32>} : memref<3x80x128xf32, #tpu.memory_space<vmem>>, vector<1x1x16xf32>,
        %get3A_203 = vector.shape_cast %get3A_202 : vector<1x1x16xf32> to vector<16xf32>
        %mul3A_204 = arith.mulf %get3A_203, %broadcast_in_dim3A : vector<16xf32>
        %swap3A_205 = arith.index_cast %rem3A_150 : i32 to index
        %swap3A_206 = arith.index_cast %add3A_187 : i32 to index
        %swap3A_207 = arith.constant 16 : index
        %swap3A_208 = tpu.vector_load %arg11[%swap3A_205, %swap3A_206, %swap3A_207] {strides = array<i32>} : memref<3x80x128xf32, #tpu.memory_space<vmem>>, vector<1x1x16xf32>,
        %swap3A_209 = vector.shape_cast %swap3A_208 : vector<1x1x16xf32> to vector<16xf32>
        %swap3A_210 = vector.shape_cast %mul3A_204 : vector<16xf32> to vector<1x1x16xf32>
        tpu.vector_store %arg11[%swap3A_205, %swap3A_206, %swap3A_207], %swap3A_210 {strides = array<i32>} : memref<3x80x128xf32, #tpu.memory_space<vmem>>, vector<1x1x16xf32>,
        %get3A_211 = arith.index_cast %rem3A_150 : i32 to index
        %get3A_212 = arith.index_cast %add3A_187 : i32 to index
        %get3A_213 = arith.constant 32 : index
        %get3A_214 = tpu.vector_load %arg11[%get3A_211, %get3A_212, %get3A_213] {strides = array<i32>} : memref<3x80x128xf32, #tpu.memory_space<vmem>>, vector<1x1x16xf32>,
        %get3A_215 = vector.shape_cast %get3A_214 : vector<1x1x16xf32> to vector<16xf32>
        %mul3A_216 = arith.mulf %get3A_215, %broadcast_in_dim3A : vector<16xf32>
        %swap3A_217 = arith.index_cast %rem3A_150 : i32 to index
        %swap3A_218 = arith.index_cast %add3A_187 : i32 to index
        %swap3A_219 = arith.constant 32 : index
        %swap3A_220 = tpu.vector_load %arg11[%swap3A_217, %swap3A_218, %swap3A_219] {strides = array<i32>} : memref<3x80x128xf32, #tpu.memory_space<vmem>>, vector<1x1x16xf32>,
        %swap3A_221 = vector.shape_cast %swap3A_220 : vector<1x1x16xf32> to vector<16xf32>
        %swap3A_222 = vector.shape_cast %mul3A_216 : vector<16xf32> to vector<1x1x16xf32>
        tpu.vector_store %arg11[%swap3A_217, %swap3A_218, %swap3A_219], %swap3A_222 {strides = array<i32>} : memref<3x80x128xf32, #tpu.memory_space<vmem>>, vector<1x1x16xf32>,
        %get3A_223 = arith.index_cast %rem3A_150 : i32 to index
        %get3A_224 = arith.index_cast %add3A_187 : i32 to index
        %get3A_225 = arith.constant 48 : index
        %get3A_226 = tpu.vector_load %arg11[%get3A_223, %get3A_224, %get3A_225] {strides = array<i32>} : memref<3x80x128xf32, #tpu.memory_space<vmem>>, vector<1x1x16xf32>,
        %get3A_227 = vector.shape_cast %get3A_226 : vector<1x1x16xf32> to vector<16xf32>
        %mul3A_228 = arith.mulf %get3A_227, %broadcast_in_dim3A : vector<16xf32>
        %swap3A_229 = arith.index_cast %rem3A_150 : i32 to index
        %swap3A_230 = arith.index_cast %add3A_187 : i32 to index
        %swap3A_231 = arith.constant 48 : index
        %swap3A_232 = tpu.vector_load %arg11[%swap3A_229, %swap3A_230, %swap3A_231] {strides = array<i32>} : memref<3x80x128xf32, #tpu.memory_space<vmem>>, vector<1x1x16xf32>,
        %swap3A_233 = vector.shape_cast %swap3A_232 : vector<1x1x16xf32> to vector<16xf32>
        %swap3A_234 = vector.shape_cast %mul3A_228 : vector<16xf32> to vector<1x1x16xf32>
        tpu.vector_store %arg11[%swap3A_229, %swap3A_230, %swap3A_231], %swap3A_234 {strides = array<i32>} : memref<3x80x128xf32, #tpu.memory_space<vmem>>, vector<1x1x16xf32>,
        %get3A_235 = arith.index_cast %rem3A_150 : i32 to index
        %get3A_236 = arith.index_cast %add3A_187 : i32 to index
        %get3A_237 = arith.constant 64 : index
        %get3A_238 = tpu.vector_load %arg11[%get3A_235, %get3A_236, %get3A_237] {strides = array<i32>} : memref<3x80x128xf32, #tpu.memory_space<vmem>>, vector<1x1x16xf32>,
        %get3A_239 = vector.shape_cast %get3A_238 : vector<1x1x16xf32> to vector<16xf32>
        %mul3A_240 = arith.mulf %get3A_239, %broadcast_in_dim3A : vector<16xf32>
        %swap3A_241 = arith.index_cast %rem3A_150 : i32 to index
        %swap3A_242 = arith.index_cast %add3A_187 : i32 to index
        %swap3A_243 = arith.constant 64 : index
        %swap3A_244 = tpu.vector_load %arg11[%swap3A_241, %swap3A_242, %swap3A_243] {strides = array<i32>} : memref<3x80x128xf32, #tpu.memory_space<vmem>>, vector<1x1x16xf32>,
        %swap3A_245 = vector.shape_cast %swap3A_244 : vector<1x1x16xf32> to vector<16xf32>
        %swap3A_246 = vector.shape_cast %mul3A_240 : vector<16xf32> to vector<1x1x16xf32>
        tpu.vector_store %arg11[%swap3A_241, %swap3A_242, %swap3A_243], %swap3A_246 {strides = array<i32>} : memref<3x80x128xf32, #tpu.memory_space<vmem>>, vector<1x1x16xf32>,
        %get3A_247 = arith.index_cast %rem3A_150 : i32 to index
        %get3A_248 = arith.index_cast %add3A_187 : i32 to index
        %get3A_249 = arith.constant 80 : index
        %get3A_250 = tpu.vector_load %arg11[%get3A_247, %get3A_248, %get3A_249] {strides = array<i32>} : memref<3x80x128xf32, #tpu.memory_space<vmem>>, vector<1x1x16xf32>,
        %get3A_251 = vector.shape_cast %get3A_250 : vector<1x1x16xf32> to vector<16xf32>
        %mul3A_252 = arith.mulf %get3A_251, %broadcast_in_dim3A : vector<16xf32>
        %swap3A_253 = arith.index_cast %rem3A_150 : i32 to index
        %swap3A_254 = arith.index_cast %add3A_187 : i32 to index
        %swap3A_255 = arith.constant 80 : index
        %swap3A_256 = tpu.vector_load %arg11[%swap3A_253, %swap3A_254, %swap3A_255] {strides = array<i32>} : memref<3x80x128xf32, #tpu.memory_space<vmem>>, vector<1x1x16xf32>,
        %swap3A_257 = vector.shape_cast %swap3A_256 : vector<1x1x16xf32> to vector<16xf32>
        %swap3A_258 = vector.shape_cast %mul3A_252 : vector<16xf32> to vector<1x1x16xf32>
        tpu.vector_store %arg11[%swap3A_253, %swap3A_254, %swap3A_255], %swap3A_258 {strides = array<i32>} : memref<3x80x128xf32, #tpu.memory_space<vmem>>, vector<1x1x16xf32>,
        %get3A_259 = arith.index_cast %rem3A_150 : i32 to index
        %get3A_260 = arith.index_cast %add3A_187 : i32 to index
        %get3A_261 = arith.constant 96 : index
        %get3A_262 = tpu.vector_load %arg11[%get3A_259, %get3A_260, %get3A_261] {strides = array<i32>} : memref<3x80x128xf32, #tpu.memory_space<vmem>>, vector<1x1x16xf32>,
        %get3A_263 = vector.shape_cast %get3A_262 : vector<1x1x16xf32> to vector<16xf32>
        %mul3A_264 = arith.mulf %get3A_263, %broadcast_in_dim3A : vector<16xf32>
        %swap3A_265 = arith.index_cast %rem3A_150 : i32 to index
        %swap3A_266 = arith.index_cast %add3A_187 : i32 to index
        %swap3A_267 = arith.constant 96 : index
        %swap3A_268 = tpu.vector_load %arg11[%swap3A_265, %swap3A_266, %swap3A_267] {strides = array<i32>} : memref<3x80x128xf32, #tpu.memory_space<vmem>>, vector<1x1x16xf32>,
        %swap3A_269 = vector.shape_cast %swap3A_268 : vector<1x1x16xf32> to vector<16xf32>
        %swap3A_270 = vector.shape_cast %mul3A_264 : vector<16xf32> to vector<1x1x16xf32>
        tpu.vector_store %arg11[%swap3A_265, %swap3A_266, %swap3A_267], %swap3A_270 {strides = array<i32>} : memref<3x80x128xf32, #tpu.memory_space<vmem>>, vector<1x1x16xf32>,
        %get3A_271 = arith.index_cast %rem3A_150 : i32 to index
        %get3A_272 = arith.index_cast %add3A_187 : i32 to index
        %get3A_273 = arith.constant 112 : index
        %get3A_274 = tpu.vector_load %arg11[%get3A_271, %get3A_272, %get3A_273] {strides = array<i32>} : memref<3x80x128xf32, #tpu.memory_space<vmem>>, vector<1x1x16xf32>,
        %get3A_275 = vector.shape_cast %get3A_274 : vector<1x1x16xf32> to vector<16xf32>
        %mul3A_276 = arith.mulf %get3A_275, %broadcast_in_dim3A : vector<16xf32>
        %swap3A_277 = arith.index_cast %rem3A_150 : i32 to index
        %swap3A_278 = arith.index_cast %add3A_187 : i32 to index
        %swap3A_279 = arith.constant 112 : index
        %swap3A_280 = tpu.vector_load %arg11[%swap3A_277, %swap3A_278, %swap3A_279] {strides = array<i32>} : memref<3x80x128xf32, #tpu.memory_space<vmem>>, vector<1x1x16xf32>,
        %swap3A_281 = vector.shape_cast %swap3A_280 : vector<1x1x16xf32> to vector<16xf32>
        %swap3A_282 = vector.shape_cast %mul3A_276 : vector<16xf32> to vector<1x1x16xf32>
        tpu.vector_store %arg11[%swap3A_277, %swap3A_278, %swap3A_279], %swap3A_282 {strides = array<i32>} : memref<3x80x128xf32, #tpu.memory_space<vmem>>, vector<1x1x16xf32>,
        %slice3A_283 = vector.extract_strided_slice %get3A_183 {offsets = [1], sizes = [1], strides = [1]} : vector<16xf32> to vector<1xf32>
        %squeeze3A_284 = vector.extract %slice3A_283[0] : f32 from vector<1xf32>
        %broadcast_in_dim3A_285 = vector.broadcast %squeeze3A_284 : f32 to vector<16xf32>
        %mul3A_286 = arith.constant 16 : i32
        %mul3A_287 = arith.muli %add3A_178, %mul3A_286 : i32
        %add3A_288 = arith.constant 1 : i32
        %add3A_289 = arith.addi %mul3A_287, %add3A_288 : i32
        %get3A_290 = arith.index_cast %rem3A_150 : i32 to index
        %get3A_291 = arith.index_cast %add3A_289 : i32 to index
        %get3A_292 = arith.constant 0 : index
        %get3A_293 = tpu.vector_load %arg11[%get3A_290, %get3A_291, %get3A_292] {strides = array<i32>} : memref<3x80x128xf32, #tpu.memory_space<vmem>>, vector<1x1x16xf32>,
        %get3A_294 = vector.shape_cast %get3A_293 : vector<1x1x16xf32> to vector<16xf32>
        %mul3A_295 = arith.mulf %get3A_294, %broadcast_in_dim3A_285 : vector<16xf32>
        %swap3A_296 = arith.index_cast %rem3A_150 : i32 to index
        %swap3A_297 = arith.index_cast %add3A_289 : i32 to index
        %swap3A_298 = arith.constant 0 : index
        %swap3A_299 = tpu.vector_load %arg11[%swap3A_296, %swap3A_297, %swap3A_298] {strides = array<i32>} : memref<3x80x128xf32, #tpu.memory_space<vmem>>, vector<1x1x16xf32>,
        %swap3A_300 = vector.shape_cast %swap3A_299 : vector<1x1x16xf32> to vector<16xf32>
        %swap3A_301 = vector.shape_cast %mul3A_295 : vector<16xf32> to vector<1x1x16xf32>
        tpu.vector_store %arg11[%swap3A_296, %swap3A_297, %swap3A_298], %swap3A_301 {strides = array<i32>} : memref<3x80x128xf32, #tpu.memory_space<vmem>>, vector<1x1x16xf32>,
        %get3A_302 = arith.index_cast %rem3A_150 : i32 to index
        %get3A_303 = arith.index_cast %add3A_289 : i32 to index
        %get3A_304 = arith.constant 16 : index
        %get3A_305 = tpu.vector_load %arg11[%get3A_302, %get3A_303, %get3A_304] {strides = array<i32>} : memref<3x80x128xf32, #tpu.memory_space<vmem>>, vector<1x1x16xf32>,
        %get3A_306 = vector.shape_cast %get3A_305 : vector<1x1x16xf32> to vector<16xf32>
        %mul3A_307 = arith.mulf %get3A_306, %broadcast_in_dim3A_285 : vector<16xf32>
        %swap3A_308 = arith.index_cast %rem3A_150 : i32 to index
        %swap3A_309 = arith.index_cast %add3A_289 : i32 to index
        %swap3A_310 = arith.constant 16 : index
        %swap3A_311 = tpu.vector_load %arg11[%swap3A_308, %swap3A_309, %swap3A_310] {strides = array<i32>} : memref<3x80x128xf32, #tpu.memory_space<vmem>>, vector<1x1x16xf32>,
        %swap3A_312 = vector.shape_cast %swap3A_311 : vector<1x1x16xf32> to vector<16xf32>
        %swap3A_313 = vector.shape_cast %mul3A_307 : vector<16xf32> to vector<1x1x16xf32>
        tpu.vector_store %arg11[%swap3A_308, %swap3A_309, %swap3A_310], %swap3A_313 {strides = array<i32>} : memref<3x80x128xf32, #tpu.memory_space<vmem>>, vector<1x1x16xf32>,
        %get3A_314 = arith.index_cast %rem3A_150 : i32 to index
        %get3A_315 = arith.index_cast %add3A_289 : i32 to index
        %get3A_316 = arith.constant 32 : index
        %get3A_317 = tpu.vector_load %arg11[%get3A_314, %get3A_315, %get3A_316] {strides = array<i32>} : memref<3x80x128xf32, #tpu.memory_space<vmem>>, vector<1x1x16xf32>,
        %get3A_318 = vector.shape_cast %get3A_317 : vector<1x1x16xf32> to vector<16xf32>
        %mul3A_319 = arith.mulf %get3A_318, %broadcast_in_dim3A_285 : vector<16xf32>
        %swap3A_320 = arith.index_cast %rem3A_150 : i32 to index
        %swap3A_321 = arith.index_cast %add3A_289 : i32 to index
        %swap3A_322 = arith.constant 32 : index
        %swap3A_323 = tpu.vector_load %arg11[%swap3A_320, %swap3A_321, %swap3A_322] {strides = array<i32>} : memref<3x80x128xf32, #tpu.memory_space<vmem>>, vector<1x1x16xf32>,
        %swap3A_324 = vector.shape_cast %swap3A_323 : vector<1x1x16xf32> to vector<16xf32>
        %swap3A_325 = vector.shape_cast %mul3A_319 : vector<16xf32> to vector<1x1x16xf32>
        tpu.vector_store %arg11[%swap3A_320, %swap3A_321, %swap3A_322], %swap3A_325 {strides = array<i32>} : memref<3x80x128xf32, #tpu.memory_space<vmem>>, vector<1x1x16xf32>,
        %get3A_326 = arith.index_cast %rem3A_150 : i32 to index
        %get3A_327 = arith.index_cast %add3A_289 : i32 to index
        %get3A_328 = arith.constant 48 : index
        %get3A_329 = tpu.vector_load %arg11[%get3A_326, %get3A_327, %get3A_328] {strides = array<i32>} : memref<3x80x128xf32, #tpu.memory_space<vmem>>, vector<1x1x16xf32>,
        %get3A_330 = vector.shape_cast %get3A_329 : vector<1x1x16xf32> to vector<16xf32>
        %mul3A_331 = arith.mulf %get3A_330, %broadcast_in_dim3A_285 : vector<16xf32>
        %swap3A_332 = arith.index_cast %rem3A_150 : i32 to index
        %swap3A_333 = arith.index_cast %add3A_289 : i32 to index
        %swap3A_334 = arith.constant 48 : index
        %swap3A_335 = tpu.vector_load %arg11[%swap3A_332, %swap3A_333, %swap3A_334] {strides = array<i32>} : memref<3x80x128xf32, #tpu.memory_space<vmem>>, vector<1x1x16xf32>,
        %swap3A_336 = vector.shape_cast %swap3A_335 : vector<1x1x16xf32> to vector<16xf32>
        %swap3A_337 = vector.shape_cast %mul3A_331 : vector<16xf32> to vector<1x1x16xf32>
        tpu.vector_store %arg11[%swap3A_332, %swap3A_333, %swap3A_334], %swap3A_337 {strides = array<i32>} : memref<3x80x128xf32, #tpu.memory_space<vmem>>, vector<1x1x16xf32>,
        %get3A_338 = arith.index_cast %rem3A_150 : i32 to index
        %get3A_339 = arith.index_cast %add3A_289 : i32 to index
        %get3A_340 = arith.constant 64 : index
        %get3A_341 = tpu.vector_load %arg11[%get3A_338, %get3A_339, %get3A_340] {strides = array<i32>} : memref<3x80x128xf32, #tpu.memory_space<vmem>>, vector<1x1x16xf32>,
        %get3A_342 = vector.shape_cast %get3A_341 : vector<1x1x16xf32> to vector<16xf32>
        %mul3A_343 = arith.mulf %get3A_342, %broadcast_in_dim3A_285 : vector<16xf32>
        %swap3A_344 = arith.index_cast %rem3A_150 : i32 to index
        %swap3A_345 = arith.index_cast %add3A_289 : i32 to index
        %swap3A_346 = arith.constant 64 : index
        %swap3A_347 = tpu.vector_load %arg11[%swap3A_344, %swap3A_345, %swap3A_346] {strides = array<i32>} : memref<3x80x128xf32, #tpu.memory_space<vmem>>, vector<1x1x16xf32>,
        %swap3A_348 = vector.shape_cast %swap3A_347 : vector<1x1x16xf32> to vector<16xf32>
        %swap3A_349 = vector.shape_cast %mul3A_343 : vector<16xf32> to vector<1x1x16xf32>
        tpu.vector_store %arg11[%swap3A_344, %swap3A_345, %swap3A_346], %swap3A_349 {strides = array<i32>} : memref<3x80x128xf32, #tpu.memory_space<vmem>>, vector<1x1x16xf32>,
        %get3A_350 = arith.index_cast %rem3A_150 : i32 to index
        %get3A_351 = arith.index_cast %add3A_289 : i32 to index
        %get3A_352 = arith.constant 80 : index
        %get3A_353 = tpu.vector_load %arg11[%get3A_350, %get3A_351, %get3A_352] {strides = array<i32>} : memref<3x80x128xf32, #tpu.memory_space<vmem>>, vector<1x1x16xf32>,
        %get3A_354 = vector.shape_cast %get3A_353 : vector<1x1x16xf32> to vector<16xf32>
        %mul3A_355 = arith.mulf %get3A_354, %broadcast_in_dim3A_285 : vector<16xf32>
        %swap3A_356 = arith.index_cast %rem3A_150 : i32 to index
        %swap3A_357 = arith.index_cast %add3A_289 : i32 to index
        %swap3A_358 = arith.constant 80 : index
        %swap3A_359 = tpu.vector_load %arg11[%swap3A_356, %swap3A_357, %swap3A_358] {strides = array<i32>} : memref<3x80x128xf32, #tpu.memory_space<vmem>>, vector<1x1x16xf32>,
        %swap3A_360 = vector.shape_cast %swap3A_359 : vector<1x1x16xf32> to vector<16xf32>
        %swap3A_361 = vector.shape_cast %mul3A_355 : vector<16xf32> to vector<1x1x16xf32>
        tpu.vector_store %arg11[%swap3A_356, %swap3A_357, %swap3A_358], %swap3A_361 {strides = array<i32>} : memref<3x80x128xf32, #tpu.memory_space<vmem>>, vector<1x1x16xf32>,
        %get3A_362 = arith.index_cast %rem3A_150 : i32 to index
        %get3A_363 = arith.index_cast %add3A_289 : i32 to index
        %get3A_364 = arith.constant 96 : index
        %get3A_365 = tpu.vector_load %arg11[%get3A_362, %get3A_363, %get3A_364] {strides = array<i32>} : memref<3x80x128xf32, #tpu.memory_space<vmem>>, vector<1x1x16xf32>,
        %get3A_366 = vector.shape_cast %get3A_365 : vector<1x1x16xf32> to vector<16xf32>
        %mul3A_367 = arith.mulf %get3A_366, %broadcast_in_dim3A_285 : vector<16xf32>
        %swap3A_368 = arith.index_cast %rem3A_150 : i32 to index
        %swap3A_369 = arith.index_cast %add3A_289 : i32 to index
        %swap3A_370 = arith.constant 96 : index
        %swap3A_371 = tpu.vector_load %arg11[%swap3A_368, %swap3A_369, %swap3A_370] {strides = array<i32>} : memref<3x80x128xf32, #tpu.memory_space<vmem>>, vector<1x1x16xf32>,
        %swap3A_372 = vector.shape_cast %swap3A_371 : vector<1x1x16xf32> to vector<16xf32>
        %swap3A_373 = vector.shape_cast %mul3A_367 : vector<16xf32> to vector<1x1x16xf32>
        tpu.vector_store %arg11[%swap3A_368, %swap3A_369, %swap3A_370], %swap3A_373 {strides = array<i32>} : memref<3x80x128xf32, #tpu.memory_space<vmem>>, vector<1x1x16xf32>,
        %get3A_374 = arith.index_cast %rem3A_150 : i32 to index
        %get3A_375 = arith.index_cast %add3A_289 : i32 to index
        %get3A_376 = arith.constant 112 : index
        %get3A_377 = tpu.vector_load %arg11[%get3A_374, %get3A_375, %get3A_376] {strides = array<i32>} : memref<3x80x128xf32, #tpu.memory_space<vmem>>, vector<1x1x16xf32>,
        %get3A_378 = vector.shape_cast %get3A_377 : vector<1x1x16xf32> to vector<16xf32>
        %mul3A_379 = arith.mulf %get3A_378, %broadcast_in_dim3A_285 : vector<16xf32>
        %swap3A_380 = arith.index_cast %rem3A_150 : i32 to index
        %swap3A_381 = arith.index_cast %add3A_289 : i32 to index
        %swap3A_382 = arith.constant 112 : index
        %swap3A_383 = tpu.vector_load %arg11[%swap3A_380, %swap3A_381, %swap3A_382] {strides = array<i32>} : memref<3x80x128xf32, #tpu.memory_space<vmem>>, vector<1x1x16xf32>,
        %swap3A_384 = vector.shape_cast %swap3A_383 : vector<1x1x16xf32> to vector<16xf32>
        %swap3A_385 = vector.shape_cast %mul3A_379 : vector<16xf32> to vector<1x1x16xf32>
        tpu.vector_store %arg11[%swap3A_380, %swap3A_381, %swap3A_382], %swap3A_385 {strides = array<i32>} : memref<3x80x128xf32, #tpu.memory_space<vmem>>, vector<1x1x16xf32>,
        %slice3A_386 = vector.extract_strided_slice %get3A_183 {offsets = [2], sizes = [1], strides = [1]} : vector<16xf32> to vector<1xf32>
        %squeeze3A_387 = vector.extract %slice3A_386[0] : f32 from vector<1xf32>
        %broadcast_in_dim3A_388 = vector.broadcast %squeeze3A_387 : f32 to vector<16xf32>
        %mul3A_389 = arith.constant 16 : i32
        %mul3A_390 = arith.muli %add3A_178, %mul3A_389 : i32
        %add3A_391 = arith.constant 2 : i32
        %add3A_392 = arith.addi %mul3A_390, %add3A_391 : i32
        %get3A_393 = arith.index_cast %rem3A_150 : i32 to index
        %get3A_394 = arith.index_cast %add3A_392 : i32 to index
        %get3A_395 = arith.constant 0 : index
        %get3A_396 = tpu.vector_load %arg11[%get3A_393, %get3A_394, %get3A_395] {strides = array<i32>} : memref<3x80x128xf32, #tpu.memory_space<vmem>>, vector<1x1x16xf32>,
        %get3A_397 = vector.shape_cast %get3A_396 : vector<1x1x16xf32> to vector<16xf32>
        %mul3A_398 = arith.mulf %get3A_397, %broadcast_in_dim3A_388 : vector<16xf32>
        %swap3A_399 = arith.index_cast %rem3A_150 : i32 to index
        %swap3A_400 = arith.index_cast %add3A_392 : i32 to index
        %swap3A_401 = arith.constant 0 : index
        %swap3A_402 = tpu.vector_load %arg11[%swap3A_399, %swap3A_400, %swap3A_401] {strides = array<i32>} : memref<3x80x128xf32, #tpu.memory_space<vmem>>, vector<1x1x16xf32>,
        %swap3A_403 = vector.shape_cast %swap3A_402 : vector<1x1x16xf32> to vector<16xf32>
        %swap3A_404 = vector.shape_cast %mul3A_398 : vector<16xf32> to vector<1x1x16xf32>
        tpu.vector_store %arg11[%swap3A_399, %swap3A_400, %swap3A_401], %swap3A_404 {strides = array<i32>} : memref<3x80x128xf32, #tpu.memory_space<vmem>>, vector<1x1x16xf32>,
        %get3A_405 = arith.index_cast %rem3A_150 : i32 to index
        %get3A_406 = arith.index_cast %add3A_392 : i32 to index
        %get3A_407 = arith.constant 16 : index
        %get3A_408 = tpu.vector_load %arg11[%get3A_405, %get3A_406, %get3A_407] {strides = array<i32>} : memref<3x80x128xf32, #tpu.memory_space<vmem>>, vector<1x1x16xf32>,
        %get3A_409 = vector.shape_cast %get3A_408 : vector<1x1x16xf32> to vector<16xf32>
        %mul3A_410 = arith.mulf %get3A_409, %broadcast_in_dim3A_388 : vector<16xf32>
        %swap3A_411 = arith.index_cast %rem3A_150 : i32 to index
        %swap3A_412 = arith.index_cast %add3A_392 : i32 to index
        %swap3A_413 = arith.constant 16 : index
        %swap3A_414 = tpu.vector_load %arg11[%swap3A_411, %swap3A_412, %swap3A_413] {strides = array<i32>} : memref<3x80x128xf32, #tpu.memory_space<vmem>>, vector<1x1x16xf32>,
        %swap3A_415 = vector.shape_cast %swap3A_414 : vector<1x1x16xf32> to vector<16xf32>
        %swap3A_416 = vector.shape_cast %mul3A_410 : vector<16xf32> to vector<1x1x16xf32>
        tpu.vector_store %arg11[%swap3A_411, %swap3A_412, %swap3A_413], %swap3A_416 {strides = array<i32>} : memref<3x80x128xf32, #tpu.memory_space<vmem>>, vector<1x1x16xf32>,
        %get3A_417 = arith.index_cast %rem3A_150 : i32 to index
        %get3A_418 = arith.index_cast %add3A_392 : i32 to index
        %get3A_419 = arith.constant 32 : index
        %get3A_420 = tpu.vector_load %arg11[%get3A_417, %get3A_418, %get3A_419] {strides = array<i32>} : memref<3x80x128xf32, #tpu.memory_space<vmem>>, vector<1x1x16xf32>,
        %get3A_421 = vector.shape_cast %get3A_420 : vector<1x1x16xf32> to vector<16xf32>
        %mul3A_422 = arith.mulf %get3A_421, %broadcast_in_dim3A_388 : vector<16xf32>
        %swap3A_423 = arith.index_cast %rem3A_150 : i32 to index
        %swap3A_424 = arith.index_cast %add3A_392 : i32 to index
        %swap3A_425 = arith.constant 32 : index
        %swap3A_426 = tpu.vector_load %arg11[%swap3A_423, %swap3A_424, %swap3A_425] {strides = array<i32>} : memref<3x80x128xf32, #tpu.memory_space<vmem>>, vector<1x1x16xf32>,
        %swap3A_427 = vector.shape_cast %swap3A_426 : vector<1x1x16xf32> to vector<16xf32>
        %swap3A_428 = vector.shape_cast %mul3A_422 : vector<16xf32> to vector<1x1x16xf32>
        tpu.vector_store %arg11[%swap3A_423, %swap3A_424, %swap3A_425], %swap3A_428 {strides = array<i32>} : memref<3x80x128xf32, #tpu.memory_space<vmem>>, vector<1x1x16xf32>,
        %get3A_429 = arith.index_cast %rem3A_150 : i32 to index
        %get3A_430 = arith.index_cast %add3A_392 : i32 to index
        %get3A_431 = arith.constant 48 : index
        %get3A_432 = tpu.vector_load %arg11[%get3A_429, %get3A_430, %get3A_431] {strides = array<i32>} : memref<3x80x128xf32, #tpu.memory_space<vmem>>, vector<1x1x16xf32>,
        %get3A_433 = vector.shape_cast %get3A_432 : vector<1x1x16xf32> to vector<16xf32>
        %mul3A_434 = arith.mulf %get3A_433, %broadcast_in_dim3A_388 : vector<16xf32>
        %swap3A_435 = arith.index_cast %rem3A_150 : i32 to index
        %swap3A_436 = arith.index_cast %add3A_392 : i32 to index
        %swap3A_437 = arith.constant 48 : index
        %swap3A_438 = tpu.vector_load %arg11[%swap3A_435, %swap3A_436, %swap3A_437] {strides = array<i32>} : memref<3x80x128xf32, #tpu.memory_space<vmem>>, vector<1x1x16xf32>,
        %swap3A_439 = vector.shape_cast %swap3A_438 : vector<1x1x16xf32> to vector<16xf32>
        %swap3A_440 = vector.shape_cast %mul3A_434 : vector<16xf32> to vector<1x1x16xf32>
        tpu.vector_store %arg11[%swap3A_435, %swap3A_436, %swap3A_437], %swap3A_440 {strides = array<i32>} : memref<3x80x128xf32, #tpu.memory_space<vmem>>, vector<1x1x16xf32>,
        %get3A_441 = arith.index_cast %rem3A_150 : i32 to index
        %get3A_442 = arith.index_cast %add3A_392 : i32 to index
        %get3A_443 = arith.constant 64 : index
        %get3A_444 = tpu.vector_load %arg11[%get3A_441, %get3A_442, %get3A_443] {strides = array<i32>} : memref<3x80x128xf32, #tpu.memory_space<vmem>>, vector<1x1x16xf32>,
        %get3A_445 = vector.shape_cast %get3A_444 : vector<1x1x16xf32> to vector<16xf32>
        %mul3A_446 = arith.mulf %get3A_445, %broadcast_in_dim3A_388 : vector<16xf32>
        %swap3A_447 = arith.index_cast %rem3A_150 : i32 to index
        %swap3A_448 = arith.index_cast %add3A_392 : i32 to index
        %swap3A_449 = arith.constant 64 : index
        %swap3A_450 = tpu.vector_load %arg11[%swap3A_447, %swap3A_448, %swap3A_449] {strides = array<i32>} : memref<3x80x128xf32, #tpu.memory_space<vmem>>, vector<1x1x16xf32>,
        %swap3A_451 = vector.shape_cast %swap3A_450 : vector<1x1x16xf32> to vector<16xf32>
        %swap3A_452 = vector.shape_cast %mul3A_446 : vector<16xf32> to vector<1x1x16xf32>
        tpu.vector_store %arg11[%swap3A_447, %swap3A_448, %swap3A_449], %swap3A_452 {strides = array<i32>} : memref<3x80x128xf32, #tpu.memory_space<vmem>>, vector<1x1x16xf32>,
        %get3A_453 = arith.index_cast %rem3A_150 : i32 to index
        %get3A_454 = arith.index_cast %add3A_392 : i32 to index
        %get3A_455 = arith.constant 80 : index
        %get3A_456 = tpu.vector_load %arg11[%get3A_453, %get3A_454, %get3A_455] {strides = array<i32>} : memref<3x80x128xf32, #tpu.memory_space<vmem>>, vector<1x1x16xf32>,
        %get3A_457 = vector.shape_cast %get3A_456 : vector<1x1x16xf32> to vector<16xf32>
        %mul3A_458 = arith.mulf %get3A_457, %broadcast_in_dim3A_388 : vector<16xf32>
        %swap3A_459 = arith.index_cast %rem3A_150 : i32 to index
        %swap3A_460 = arith.index_cast %add3A_392 : i32 to index
        %swap3A_461 = arith.constant 80 : index
        %swap3A_462 = tpu.vector_load %arg11[%swap3A_459, %swap3A_460, %swap3A_461] {strides = array<i32>} : memref<3x80x128xf32, #tpu.memory_space<vmem>>, vector<1x1x16xf32>,
        %swap3A_463 = vector.shape_cast %swap3A_462 : vector<1x1x16xf32> to vector<16xf32>
        %swap3A_464 = vector.shape_cast %mul3A_458 : vector<16xf32> to vector<1x1x16xf32>
        tpu.vector_store %arg11[%swap3A_459, %swap3A_460, %swap3A_461], %swap3A_464 {strides = array<i32>} : memref<3x80x128xf32, #tpu.memory_space<vmem>>, vector<1x1x16xf32>,
        %get3A_465 = arith.index_cast %rem3A_150 : i32 to index
        %get3A_466 = arith.index_cast %add3A_392 : i32 to index
        %get3A_467 = arith.constant 96 : index
        %get3A_468 = tpu.vector_load %arg11[%get3A_465, %get3A_466, %get3A_467] {strides = array<i32>} : memref<3x80x128xf32, #tpu.memory_space<vmem>>, vector<1x1x16xf32>,
        %get3A_469 = vector.shape_cast %get3A_468 : vector<1x1x16xf32> to vector<16xf32>
        %mul3A_470 = arith.mulf %get3A_469, %broadcast_in_dim3A_388 : vector<16xf32>
        %swap3A_471 = arith.index_cast %rem3A_150 : i32 to index
        %swap3A_472 = arith.index_cast %add3A_392 : i32 to index
        %swap3A_473 = arith.constant 96 : index
        %swap3A_474 = tpu.vector_load %arg11[%swap3A_471, %swap3A_472, %swap3A_473] {strides = array<i32>} : memref<3x80x128xf32, #tpu.memory_space<vmem>>, vector<1x1x16xf32>,
        %swap3A_475 = vector.shape_cast %swap3A_474 : vector<1x1x16xf32> to vector<16xf32>
        %swap3A_476 = vector.shape_cast %mul3A_470 : vector<16xf32> to vector<1x1x16xf32>
        tpu.vector_store %arg11[%swap3A_471, %swap3A_472, %swap3A_473], %swap3A_476 {strides = array<i32>} : memref<3x80x128xf32, #tpu.memory_space<vmem>>, vector<1x1x16xf32>,
        %get3A_477 = arith.index_cast %rem3A_150 : i32 to index
        %get3A_478 = arith.index_cast %add3A_392 : i32 to index
        %get3A_479 = arith.constant 112 : index
        %get3A_480 = tpu.vector_load %arg11[%get3A_477, %get3A_478, %get3A_479] {strides = array<i32>} : memref<3x80x128xf32, #tpu.memory_space<vmem>>, vector<1x1x16xf32>,
        %get3A_481 = vector.shape_cast %get3A_480 : vector<1x1x16xf32> to vector<16xf32>
        %mul3A_482 = arith.mulf %get3A_481, %broadcast_in_dim3A_388 : vector<16xf32>
        %swap3A_483 = arith.index_cast %rem3A_150 : i32 to index
        %swap3A_484 = arith.index_cast %add3A_392 : i32 to index
        %swap3A_485 = arith.constant 112 : index
        %swap3A_486 = tpu.vector_load %arg11[%swap3A_483, %swap3A_484, %swap3A_485] {strides = array<i32>} : memref<3x80x128xf32, #tpu.memory_space<vmem>>, vector<1x1x16xf32>,
        %swap3A_487 = vector.shape_cast %swap3A_486 : vector<1x1x16xf32> to vector<16xf32>
        %swap3A_488 = vector.shape_cast %mul3A_482 : vector<16xf32> to vector<1x1x16xf32>
        tpu.vector_store %arg11[%swap3A_483, %swap3A_484, %swap3A_485], %swap3A_488 {strides = array<i32>} : memref<3x80x128xf32, #tpu.memory_space<vmem>>, vector<1x1x16xf32>,
        %slice3A_489 = vector.extract_strided_slice %get3A_183 {offsets = [3], sizes = [1], strides = [1]} : vector<16xf32> to vector<1xf32>
        %squeeze3A_490 = vector.extract %slice3A_489[0] : f32 from vector<1xf32>
        %broadcast_in_dim3A_491 = vector.broadcast %squeeze3A_490 : f32 to vector<16xf32>
        %mul3A_492 = arith.constant 16 : i32
        %mul3A_493 = arith.muli %add3A_178, %mul3A_492 : i32
        %add3A_494 = arith.constant 3 : i32
        %add3A_495 = arith.addi %mul3A_493, %add3A_494 : i32
        %get3A_496 = arith.index_cast %rem3A_150 : i32 to index
        %get3A_497 = arith.index_cast %add3A_495 : i32 to index
        %get3A_498 = arith.constant 0 : index
        %get3A_499 = tpu.vector_load %arg11[%get3A_496, %get3A_497, %get3A_498] {strides = array<i32>} : memref<3x80x128xf32, #tpu.memory_space<vmem>>, vector<1x1x16xf32>,
        %get3A_500 = vector.shape_cast %get3A_499 : vector<1x1x16xf32> to vector<16xf32>
        %mul3A_501 = arith.mulf %get3A_500, %broadcast_in_dim3A_491 : vector<16xf32>
        %swap3A_502 = arith.index_cast %rem3A_150 : i32 to index
        %swap3A_503 = arith.index_cast %add3A_495 : i32 to index
        %swap3A_504 = arith.constant 0 : index
        %swap3A_505 = tpu.vector_load %arg11[%swap3A_502, %swap3A_503, %swap3A_504] {strides = array<i32>} : memref<3x80x128xf32, #tpu.memory_space<vmem>>, vector<1x1x16xf32>,
        %swap3A_506 = vector.shape_cast %swap3A_505 : vector<1x1x16xf32> to vector<16xf32>
        %swap3A_507 = vector.shape_cast %mul3A_501 : vector<16xf32> to vector<1x1x16xf32>
        tpu.vector_store %arg11[%swap3A_502, %swap3A_503, %swap3A_504], %swap3A_507 {strides = array<i32>} : memref<3x80x128xf32, #tpu.memory_space<vmem>>, vector<1x1x16xf32>,
        %get3A_508 = arith.index_cast %rem3A_150 : i32 to index
        %get3A_509 = arith.index_cast %add3A_495 : i32 to index
        %get3A_510 = arith.constant 16 : index
        %get3A_511 = tpu.vector_load %arg11[%get3A_508, %get3A_509, %get3A_510] {strides = array<i32>} : memref<3x80x128xf32, #tpu.memory_space<vmem>>, vector<1x1x16xf32>,
        %get3A_512 = vector.shape_cast %get3A_511 : vector<1x1x16xf32> to vector<16xf32>
        %mul3A_513 = arith.mulf %get3A_512, %broadcast_in_dim3A_491 : vector<16xf32>
        %swap3A_514 = arith.index_cast %rem3A_150 : i32 to index
        %swap3A_515 = arith.index_cast %add3A_495 : i32 to index
        %swap3A_516 = arith.constant 16 : index
        %swap3A_517 = tpu.vector_load %arg11[%swap3A_514, %swap3A_515, %swap3A_516] {strides = array<i32>} : memref<3x80x128xf32, #tpu.memory_space<vmem>>, vector<1x1x16xf32>,
        %swap3A_518 = vector.shape_cast %swap3A_517 : vector<1x1x16xf32> to vector<16xf32>
        %swap3A_519 = vector.shape_cast %mul3A_513 : vector<16xf32> to vector<1x1x16xf32>
        tpu.vector_store %arg11[%swap3A_514, %swap3A_515, %swap3A_516], %swap3A_519 {strides = array<i32>} : memref<3x80x128xf32, #tpu.memory_space<vmem>>, vector<1x1x16xf32>,
        %get3A_520 = arith.index_cast %rem3A_150 : i32 to index
        %get3A_521 = arith.index_cast %add3A_495 : i32 to index
        %get3A_522 = arith.constant 32 : index
        %get3A_523 = tpu.vector_load %arg11[%get3A_520, %get3A_521, %get3A_522] {strides = array<i32>} : memref<3x80x128xf32, #tpu.memory_space<vmem>>, vector<1x1x16xf32>,
        %get3A_524 = vector.shape_cast %get3A_523 : vector<1x1x16xf32> to vector<16xf32>
        %mul3A_525 = arith.mulf %get3A_524, %broadcast_in_dim3A_491 : vector<16xf32>
        %swap3A_526 = arith.index_cast %rem3A_150 : i32 to index
        %swap3A_527 = arith.index_cast %add3A_495 : i32 to index
        %swap3A_528 = arith.constant 32 : index
        %swap3A_529 = tpu.vector_load %arg11[%swap3A_526, %swap3A_527, %swap3A_528] {strides = array<i32>} : memref<3x80x128xf32, #tpu.memory_space<vmem>>, vector<1x1x16xf32>,
        %swap3A_530 = vector.shape_cast %swap3A_529 : vector<1x1x16xf32> to vector<16xf32>
        %swap3A_531 = vector.shape_cast %mul3A_525 : vector<16xf32> to vector<1x1x16xf32>
        tpu.vector_store %arg11[%swap3A_526, %swap3A_527, %swap3A_528], %swap3A_531 {strides = array<i32>} : memref<3x80x128xf32, #tpu.memory_space<vmem>>, vector<1x1x16xf32>,
        %get3A_532 = arith.index_cast %rem3A_150 : i32 to index
        %get3A_533 = arith.index_cast %add3A_495 : i32 to index
        %get3A_534 = arith.constant 48 : index
        %get3A_535 = tpu.vector_load %arg11[%get3A_532, %get3A_533, %get3A_534] {strides = array<i32>} : memref<3x80x128xf32, #tpu.memory_space<vmem>>, vector<1x1x16xf32>,
        %get3A_536 = vector.shape_cast %get3A_535 : vector<1x1x16xf32> to vector<16xf32>
        %mul3A_537 = arith.mulf %get3A_536, %broadcast_in_dim3A_491 : vector<16xf32>
        %swap3A_538 = arith.index_cast %rem3A_150 : i32 to index
        %swap3A_539 = arith.index_cast %add3A_495 : i32 to index
        %swap3A_540 = arith.constant 48 : index
        %swap3A_541 = tpu.vector_load %arg11[%swap3A_538, %swap3A_539, %swap3A_540] {strides = array<i32>} : memref<3x80x128xf32, #tpu.memory_space<vmem>>, vector<1x1x16xf32>,
        %swap3A_542 = vector.shape_cast %swap3A_541 : vector<1x1x16xf32> to vector<16xf32>
        %swap3A_543 = vector.shape_cast %mul3A_537 : vector<16xf32> to vector<1x1x16xf32>
        tpu.vector_store %arg11[%swap3A_538, %swap3A_539, %swap3A_540], %swap3A_543 {strides = array<i32>} : memref<3x80x128xf32, #tpu.memory_space<vmem>>, vector<1x1x16xf32>,
        %get3A_544 = arith.index_cast %rem3A_150 : i32 to index
        %get3A_545 = arith.index_cast %add3A_495 : i32 to index
        %get3A_546 = arith.constant 64 : index
        %get3A_547 = tpu.vector_load %arg11[%get3A_544, %get3A_545, %get3A_546] {strides = array<i32>} : memref<3x80x128xf32, #tpu.memory_space<vmem>>, vector<1x1x16xf32>,
        %get3A_548 = vector.shape_cast %get3A_547 : vector<1x1x16xf32> to vector<16xf32>
        %mul3A_549 = arith.mulf %get3A_548, %broadcast_in_dim3A_491 : vector<16xf32>
        %swap3A_550 = arith.index_cast %rem3A_150 : i32 to index
        %swap3A_551 = arith.index_cast %add3A_495 : i32 to index
        %swap3A_552 = arith.constant 64 : index
        %swap3A_553 = tpu.vector_load %arg11[%swap3A_550, %swap3A_551, %swap3A_552] {strides = array<i32>} : memref<3x80x128xf32, #tpu.memory_space<vmem>>, vector<1x1x16xf32>,
        %swap3A_554 = vector.shape_cast %swap3A_553 : vector<1x1x16xf32> to vector<16xf32>
        %swap3A_555 = vector.shape_cast %mul3A_549 : vector<16xf32> to vector<1x1x16xf32>
        tpu.vector_store %arg11[%swap3A_550, %swap3A_551, %swap3A_552], %swap3A_555 {strides = array<i32>} : memref<3x80x128xf32, #tpu.memory_space<vmem>>, vector<1x1x16xf32>,
        %get3A_556 = arith.index_cast %rem3A_150 : i32 to index
        %get3A_557 = arith.index_cast %add3A_495 : i32 to index
        %get3A_558 = arith.constant 80 : index
        %get3A_559 = tpu.vector_load %arg11[%get3A_556, %get3A_557, %get3A_558] {strides = array<i32>} : memref<3x80x128xf32, #tpu.memory_space<vmem>>, vector<1x1x16xf32>,
        %get3A_560 = vector.shape_cast %get3A_559 : vector<1x1x16xf32> to vector<16xf32>
        %mul3A_561 = arith.mulf %get3A_560, %broadcast_in_dim3A_491 : vector<16xf32>
        %swap3A_562 = arith.index_cast %rem3A_150 : i32 to index
        %swap3A_563 = arith.index_cast %add3A_495 : i32 to index
        %swap3A_564 = arith.constant 80 : index
        %swap3A_565 = tpu.vector_load %arg11[%swap3A_562, %swap3A_563, %swap3A_564] {strides = array<i32>} : memref<3x80x128xf32, #tpu.memory_space<vmem>>, vector<1x1x16xf32>,
        %swap3A_566 = vector.shape_cast %swap3A_565 : vector<1x1x16xf32> to vector<16xf32>
        %swap3A_567 = vector.shape_cast %mul3A_561 : vector<16xf32> to vector<1x1x16xf32>
        tpu.vector_store %arg11[%swap3A_562, %swap3A_563, %swap3A_564], %swap3A_567 {strides = array<i32>} : memref<3x80x128xf32, #tpu.memory_space<vmem>>, vector<1x1x16xf32>,
        %get3A_568 = arith.index_cast %rem3A_150 : i32 to index
        %get3A_569 = arith.index_cast %add3A_495 : i32 to index
        %get3A_570 = arith.constant 96 : index
        %get3A_571 = tpu.vector_load %arg11[%get3A_568, %get3A_569, %get3A_570] {strides = array<i32>} : memref<3x80x128xf32, #tpu.memory_space<vmem>>, vector<1x1x16xf32>,
        %get3A_572 = vector.shape_cast %get3A_571 : vector<1x1x16xf32> to vector<16xf32>
        %mul3A_573 = arith.mulf %get3A_572, %broadcast_in_dim3A_491 : vector<16xf32>
        %swap3A_574 = arith.index_cast %rem3A_150 : i32 to index
        %swap3A_575 = arith.index_cast %add3A_495 : i32 to index
        %swap3A_576 = arith.constant 96 : index
        %swap3A_577 = tpu.vector_load %arg11[%swap3A_574, %swap3A_575, %swap3A_576] {strides = array<i32>} : memref<3x80x128xf32, #tpu.memory_space<vmem>>, vector<1x1x16xf32>,
        %swap3A_578 = vector.shape_cast %swap3A_577 : vector<1x1x16xf32> to vector<16xf32>
        %swap3A_579 = vector.shape_cast %mul3A_573 : vector<16xf32> to vector<1x1x16xf32>
        tpu.vector_store %arg11[%swap3A_574, %swap3A_575, %swap3A_576], %swap3A_579 {strides = array<i32>} : memref<3x80x128xf32, #tpu.memory_space<vmem>>, vector<1x1x16xf32>,
        %get3A_580 = arith.index_cast %rem3A_150 : i32 to index
        %get3A_581 = arith.index_cast %add3A_495 : i32 to index
        %get3A_582 = arith.constant 112 : index
        %get3A_583 = tpu.vector_load %arg11[%get3A_580, %get3A_581, %get3A_582] {strides = array<i32>} : memref<3x80x128xf32, #tpu.memory_space<vmem>>, vector<1x1x16xf32>,
        %get3A_584 = vector.shape_cast %get3A_583 : vector<1x1x16xf32> to vector<16xf32>
        %mul3A_585 = arith.mulf %get3A_584, %broadcast_in_dim3A_491 : vector<16xf32>
        %swap3A_586 = arith.index_cast %rem3A_150 : i32 to index
        %swap3A_587 = arith.index_cast %add3A_495 : i32 to index
        %swap3A_588 = arith.constant 112 : index
        %swap3A_589 = tpu.vector_load %arg11[%swap3A_586, %swap3A_587, %swap3A_588] {strides = array<i32>} : memref<3x80x128xf32, #tpu.memory_space<vmem>>, vector<1x1x16xf32>,
        %swap3A_590 = vector.shape_cast %swap3A_589 : vector<1x1x16xf32> to vector<16xf32>
        %swap3A_591 = vector.shape_cast %mul3A_585 : vector<16xf32> to vector<1x1x16xf32>
        tpu.vector_store %arg11[%swap3A_586, %swap3A_587, %swap3A_588], %swap3A_591 {strides = array<i32>} : memref<3x80x128xf32, #tpu.memory_space<vmem>>, vector<1x1x16xf32>,
        %slice3A_592 = vector.extract_strided_slice %get3A_183 {offsets = [4], sizes = [1], strides = [1]} : vector<16xf32> to vector<1xf32>
        %squeeze3A_593 = vector.extract %slice3A_592[0] : f32 from vector<1xf32>
        %broadcast_in_dim3A_594 = vector.broadcast %squeeze3A_593 : f32 to vector<16xf32>
        %mul3A_595 = arith.constant 16 : i32
        %mul3A_596 = arith.muli %add3A_178, %mul3A_595 : i32
        %add3A_597 = arith.constant 4 : i32
        %add3A_598 = arith.addi %mul3A_596, %add3A_597 : i32
        %get3A_599 = arith.index_cast %rem3A_150 : i32 to index
        %get3A_600 = arith.index_cast %add3A_598 : i32 to index
        %get3A_601 = arith.constant 0 : index
        %get3A_602 = tpu.vector_load %arg11[%get3A_599, %get3A_600, %get3A_601] {strides = array<i32>} : memref<3x80x128xf32, #tpu.memory_space<vmem>>, vector<1x1x16xf32>,
        %get3A_603 = vector.shape_cast %get3A_602 : vector<1x1x16xf32> to vector<16xf32>
        %mul3A_604 = arith.mulf %get3A_603, %broadcast_in_dim3A_594 : vector<16xf32>
        %swap3A_605 = arith.index_cast %rem3A_150 : i32 to index
        %swap3A_606 = arith.index_cast %add3A_598 : i32 to index
        %swap3A_607 = arith.constant 0 : index
        %swap3A_608 = tpu.vector_load %arg11[%swap3A_605, %swap3A_606, %swap3A_607] {strides = array<i32>} : memref<3x80x128xf32, #tpu.memory_space<vmem>>, vector<1x1x16xf32>,
        %swap3A_609 = vector.shape_cast %swap3A_608 : vector<1x1x16xf32> to vector<16xf32>
        %swap3A_610 = vector.shape_cast %mul3A_604 : vector<16xf32> to vector<1x1x16xf32>
        tpu.vector_store %arg11[%swap3A_605, %swap3A_606, %swap3A_607], %swap3A_610 {strides = array<i32>} : memref<3x80x128xf32, #tpu.memory_space<vmem>>, vector<1x1x16xf32>,
        %get3A_611 = arith.index_cast %rem3A_150 : i32 to index
        %get3A_612 = arith.index_cast %add3A_598 : i32 to index
        %get3A_613 = arith.constant 16 : index
        %get3A_614 = tpu.vector_load %arg11[%get3A_611, %get3A_612, %get3A_613] {strides = array<i32>} : memref<3x80x128xf32, #tpu.memory_space<vmem>>, vector<1x1x16xf32>,
        %get3A_615 = vector.shape_cast %get3A_614 : vector<1x1x16xf32> to vector<16xf32>
        %mul3A_616 = arith.mulf %get3A_615, %broadcast_in_dim3A_594 : vector<16xf32>
        %swap3A_617 = arith.index_cast %rem3A_150 : i32 to index
        %swap3A_618 = arith.index_cast %add3A_598 : i32 to index
        %swap3A_619 = arith.constant 16 : index
        %swap3A_620 = tpu.vector_load %arg11[%swap3A_617, %swap3A_618, %swap3A_619] {strides = array<i32>} : memref<3x80x128xf32, #tpu.memory_space<vmem>>, vector<1x1x16xf32>,
        %swap3A_621 = vector.shape_cast %swap3A_620 : vector<1x1x16xf32> to vector<16xf32>
        %swap3A_622 = vector.shape_cast %mul3A_616 : vector<16xf32> to vector<1x1x16xf32>
        tpu.vector_store %arg11[%swap3A_617, %swap3A_618, %swap3A_619], %swap3A_622 {strides = array<i32>} : memref<3x80x128xf32, #tpu.memory_space<vmem>>, vector<1x1x16xf32>,
        %get3A_623 = arith.index_cast %rem3A_150 : i32 to index
        %get3A_624 = arith.index_cast %add3A_598 : i32 to index
        %get3A_625 = arith.constant 32 : index
        %get3A_626 = tpu.vector_load %arg11[%get3A_623, %get3A_624, %get3A_625] {strides = array<i32>} : memref<3x80x128xf32, #tpu.memory_space<vmem>>, vector<1x1x16xf32>,
        %get3A_627 = vector.shape_cast %get3A_626 : vector<1x1x16xf32> to vector<16xf32>
        %mul3A_628 = arith.mulf %get3A_627, %broadcast_in_dim3A_594 : vector<16xf32>
        %swap3A_629 = arith.index_cast %rem3A_150 : i32 to index
        %swap3A_630 = arith.index_cast %add3A_598 : i32 to index
        %swap3A_631 = arith.constant 32 : index
        %swap3A_632 = tpu.vector_load %arg11[%swap3A_629, %swap3A_630, %swap3A_631] {strides = array<i32>} : memref<3x80x128xf32, #tpu.memory_space<vmem>>, vector<1x1x16xf32>,
        %swap3A_633 = vector.shape_cast %swap3A_632 : vector<1x1x16xf32> to vector<16xf32>
        %swap3A_634 = vector.shape_cast %mul3A_628 : vector<16xf32> to vector<1x1x16xf32>
        tpu.vector_store %arg11[%swap3A_629, %swap3A_630, %swap3A_631], %swap3A_634 {strides = array<i32>} : memref<3x80x128xf32, #tpu.memory_space<vmem>>, vector<1x1x16xf32>,
        %get3A_635 = arith.index_cast %rem3A_150 : i32 to index
        %get3A_636 = arith.index_cast %add3A_598 : i32 to index
        %get3A_637 = arith.constant 48 : index
        %get3A_638 = tpu.vector_load %arg11[%get3A_635, %get3A_636, %get3A_637] {strides = array<i32>} : memref<3x80x128xf32, #tpu.memory_space<vmem>>, vector<1x1x16xf32>,
        %get3A_639 = vector.shape_cast %get3A_638 : vector<1x1x16xf32> to vector<16xf32>
        %mul3A_640 = arith.mulf %get3A_639, %broadcast_in_dim3A_594 : vector<16xf32>
        %swap3A_641 = arith.index_cast %rem3A_150 : i32 to index
        %swap3A_642 = arith.index_cast %add3A_598 : i32 to index
        %swap3A_643 = arith.constant 48 : index
        %swap3A_644 = tpu.vector_load %arg11[%swap3A_641, %swap3A_642, %swap3A_643] {strides = array<i32>} : memref<3x80x128xf32, #tpu.memory_space<vmem>>, vector<1x1x16xf32>,
        %swap3A_645 = vector.shape_cast %swap3A_644 : vector<1x1x16xf32> to vector<16xf32>
        %swap3A_646 = vector.shape_cast %mul3A_640 : vector<16xf32> to vector<1x1x16xf32>
        tpu.vector_store %arg11[%swap3A_641, %swap3A_642, %swap3A_643], %swap3A_646 {strides = array<i32>} : memref<3x80x128xf32, #tpu.memory_space<vmem>>, vector<1x1x16xf32>,
        %get3A_647 = arith.index_cast %rem3A_150 : i32 to index
        %get3A_648 = arith.index_cast %add3A_598 : i32 to index
        %get3A_649 = arith.constant 64 : index
        %get3A_650 = tpu.vector_load %arg11[%get3A_647, %get3A_648, %get3A_649] {strides = array<i32>} : memref<3x80x128xf32, #tpu.memory_space<vmem>>, vector<1x1x16xf32>,
        %get3A_651 = vector.shape_cast %get3A_650 : vector<1x1x16xf32> to vector<16xf32>
        %mul3A_652 = arith.mulf %get3A_651, %broadcast_in_dim3A_594 : vector<16xf32>
        %swap3A_653 = arith.index_cast %rem3A_150 : i32 to index
        %swap3A_654 = arith.index_cast %add3A_598 : i32 to index
        %swap3A_655 = arith.constant 64 : index
        %swap3A_656 = tpu.vector_load %arg11[%swap3A_653, %swap3A_654, %swap3A_655] {strides = array<i32>} : memref<3x80x128xf32, #tpu.memory_space<vmem>>, vector<1x1x16xf32>,
        %swap3A_657 = vector.shape_cast %swap3A_656 : vector<1x1x16xf32> to vector<16xf32>
        %swap3A_658 = vector.shape_cast %mul3A_652 : vector<16xf32> to vector<1x1x16xf32>
        tpu.vector_store %arg11[%swap3A_653, %swap3A_654, %swap3A_655], %swap3A_658 {strides = array<i32>} : memref<3x80x128xf32, #tpu.memory_space<vmem>>, vector<1x1x16xf32>,
        %get3A_659 = arith.index_cast %rem3A_150 : i32 to index
        %get3A_660 = arith.index_cast %add3A_598 : i32 to index
        %get3A_661 = arith.constant 80 : index
        %get3A_662 = tpu.vector_load %arg11[%get3A_659, %get3A_660, %get3A_661] {strides = array<i32>} : memref<3x80x128xf32, #tpu.memory_space<vmem>>, vector<1x1x16xf32>,
        %get3A_663 = vector.shape_cast %get3A_662 : vector<1x1x16xf32> to vector<16xf32>
        %mul3A_664 = arith.mulf %get3A_663, %broadcast_in_dim3A_594 : vector<16xf32>
        %swap3A_665 = arith.index_cast %rem3A_150 : i32 to index
        %swap3A_666 = arith.index_cast %add3A_598 : i32 to index
        %swap3A_667 = arith.constant 80 : index
        %swap3A_668 = tpu.vector_load %arg11[%swap3A_665, %swap3A_666, %swap3A_667] {strides = array<i32>} : memref<3x80x128xf32, #tpu.memory_space<vmem>>, vector<1x1x16xf32>,
        %swap3A_669 = vector.shape_cast %swap3A_668 : vector<1x1x16xf32> to vector<16xf32>
        %swap3A_670 = vector.shape_cast %mul3A_664 : vector<16xf32> to vector<1x1x16xf32>
        tpu.vector_store %arg11[%swap3A_665, %swap3A_666, %swap3A_667], %swap3A_670 {strides = array<i32>} : memref<3x80x128xf32, #tpu.memory_space<vmem>>, vector<1x1x16xf32>,
        %get3A_671 = arith.index_cast %rem3A_150 : i32 to index
        %get3A_672 = arith.index_cast %add3A_598 : i32 to index
        %get3A_673 = arith.constant 96 : index
        %get3A_674 = tpu.vector_load %arg11[%get3A_671, %get3A_672, %get3A_673] {strides = array<i32>} : memref<3x80x128xf32, #tpu.memory_space<vmem>>, vector<1x1x16xf32>,
        %get3A_675 = vector.shape_cast %get3A_674 : vector<1x1x16xf32> to vector<16xf32>
        %mul3A_676 = arith.mulf %get3A_675, %broadcast_in_dim3A_594 : vector<16xf32>
        %swap3A_677 = arith.index_cast %rem3A_150 : i32 to index
        %swap3A_678 = arith.index_cast %add3A_598 : i32 to index
        %swap3A_679 = arith.constant 96 : index
        %swap3A_680 = tpu.vector_load %arg11[%swap3A_677, %swap3A_678, %swap3A_679] {strides = array<i32>} : memref<3x80x128xf32, #tpu.memory_space<vmem>>, vector<1x1x16xf32>,
        %swap3A_681 = vector.shape_cast %swap3A_680 : vector<1x1x16xf32> to vector<16xf32>
        %swap3A_682 = vector.shape_cast %mul3A_676 : vector<16xf32> to vector<1x1x16xf32>
        tpu.vector_store %arg11[%swap3A_677, %swap3A_678, %swap3A_679], %swap3A_682 {strides = array<i32>} : memref<3x80x128xf32, #tpu.memory_space<vmem>>, vector<1x1x16xf32>,
        %get3A_683 = arith.index_cast %rem3A_150 : i32 to index
        %get3A_684 = arith.index_cast %add3A_598 : i32 to index
        %get3A_685 = arith.constant 112 : index
        %get3A_686 = tpu.vector_load %arg11[%get3A_683, %get3A_684, %get3A_685] {strides = array<i32>} : memref<3x80x128xf32, #tpu.memory_space<vmem>>, vector<1x1x16xf32>,
        %get3A_687 = vector.shape_cast %get3A_686 : vector<1x1x16xf32> to vector<16xf32>
        %mul3A_688 = arith.mulf %get3A_687, %broadcast_in_dim3A_594 : vector<16xf32>
        %swap3A_689 = arith.index_cast %rem3A_150 : i32 to index
        %swap3A_690 = arith.index_cast %add3A_598 : i32 to index
        %swap3A_691 = arith.constant 112 : index
        %swap3A_692 = tpu.vector_load %arg11[%swap3A_689, %swap3A_690, %swap3A_691] {strides = array<i32>} : memref<3x80x128xf32, #tpu.memory_space<vmem>>, vector<1x1x16xf32>,
        %swap3A_693 = vector.shape_cast %swap3A_692 : vector<1x1x16xf32> to vector<16xf32>
        %swap3A_694 = vector.shape_cast %mul3A_688 : vector<16xf32> to vector<1x1x16xf32>
        tpu.vector_store %arg11[%swap3A_689, %swap3A_690, %swap3A_691], %swap3A_694 {strides = array<i32>} : memref<3x80x128xf32, #tpu.memory_space<vmem>>, vector<1x1x16xf32>,
        %slice3A_695 = vector.extract_strided_slice %get3A_183 {offsets = [5], sizes = [1], strides = [1]} : vector<16xf32> to vector<1xf32>
        %squeeze3A_696 = vector.extract %slice3A_695[0] : f32 from vector<1xf32>
        %broadcast_in_dim3A_697 = vector.broadcast %squeeze3A_696 : f32 to vector<16xf32>
        %mul3A_698 = arith.constant 16 : i32
        %mul3A_699 = arith.muli %add3A_178, %mul3A_698 : i32
        %add3A_700 = arith.constant 5 : i32
        %add3A_701 = arith.addi %mul3A_699, %add3A_700 : i32
        %get3A_702 = arith.index_cast %rem3A_150 : i32 to index
        %get3A_703 = arith.index_cast %add3A_701 : i32 to index
        %get3A_704 = arith.constant 0 : index
        %get3A_705 = tpu.vector_load %arg11[%get3A_702, %get3A_703, %get3A_704] {strides = array<i32>} : memref<3x80x128xf32, #tpu.memory_space<vmem>>, vector<1x1x16xf32>,
        %get3A_706 = vector.shape_cast %get3A_705 : vector<1x1x16xf32> to vector<16xf32>
        %mul3A_707 = arith.mulf %get3A_706, %broadcast_in_dim3A_697 : vector<16xf32>
        %swap3A_708 = arith.index_cast %rem3A_150 : i32 to index
        %swap3A_709 = arith.index_cast %add3A_701 : i32 to index
        %swap3A_710 = arith.constant 0 : index
        %swap3A_711 = tpu.vector_load %arg11[%swap3A_708, %swap3A_709, %swap3A_710] {strides = array<i32>} : memref<3x80x128xf32, #tpu.memory_space<vmem>>, vector<1x1x16xf32>,
        %swap3A_712 = vector.shape_cast %swap3A_711 : vector<1x1x16xf32> to vector<16xf32>
        %swap3A_713 = vector.shape_cast %mul3A_707 : vector<16xf32> to vector<1x1x16xf32>
        tpu.vector_store %arg11[%swap3A_708, %swap3A_709, %swap3A_710], %swap3A_713 {strides = array<i32>} : memref<3x80x128xf32, #tpu.memory_space<vmem>>, vector<1x1x16xf32>,
        %get3A_714 = arith.index_cast %rem3A_150 : i32 to index
        %get3A_715 = arith.index_cast %add3A_701 : i32 to index
        %get3A_716 = arith.constant 16 : index
        %get3A_717 = tpu.vector_load %arg11[%get3A_714, %get3A_715, %get3A_716] {strides = array<i32>} : memref<3x80x128xf32, #tpu.memory_space<vmem>>, vector<1x1x16xf32>,
        %get3A_718 = vector.shape_cast %get3A_717 : vector<1x1x16xf32> to vector<16xf32>
        %mul3A_719 = arith.mulf %get3A_718, %broadcast_in_dim3A_697 : vector<16xf32>
        %swap3A_720 = arith.index_cast %rem3A_150 : i32 to index
        %swap3A_721 = arith.index_cast %add3A_701 : i32 to index
        %swap3A_722 = arith.constant 16 : index
        %swap3A_723 = tpu.vector_load %arg11[%swap3A_720, %swap3A_721, %swap3A_722] {strides = array<i32>} : memref<3x80x128xf32, #tpu.memory_space<vmem>>, vector<1x1x16xf32>,
        %swap3A_724 = vector.shape_cast %swap3A_723 : vector<1x1x16xf32> to vector<16xf32>
        %swap3A_725 = vector.shape_cast %mul3A_719 : vector<16xf32> to vector<1x1x16xf32>
        tpu.vector_store %arg11[%swap3A_720, %swap3A_721, %swap3A_722], %swap3A_725 {strides = array<i32>} : memref<3x80x128xf32, #tpu.memory_space<vmem>>, vector<1x1x16xf32>,
        %get3A_726 = arith.index_cast %rem3A_150 : i32 to index
        %get3A_727 = arith.index_cast %add3A_701 : i32 to index
        %get3A_728 = arith.constant 32 : index
        %get3A_729 = tpu.vector_load %arg11[%get3A_726, %get3A_727, %get3A_728] {strides = array<i32>} : memref<3x80x128xf32, #tpu.memory_space<vmem>>, vector<1x1x16xf32>,
        %get3A_730 = vector.shape_cast %get3A_729 : vector<1x1x16xf32> to vector<16xf32>
        %mul3A_731 = arith.mulf %get3A_730, %broadcast_in_dim3A_697 : vector<16xf32>
        %swap3A_732 = arith.index_cast %rem3A_150 : i32 to index
        %swap3A_733 = arith.index_cast %add3A_701 : i32 to index
        %swap3A_734 = arith.constant 32 : index
        %swap3A_735 = tpu.vector_load %arg11[%swap3A_732, %swap3A_733, %swap3A_734] {strides = array<i32>} : memref<3x80x128xf32, #tpu.memory_space<vmem>>, vector<1x1x16xf32>,
        %swap3A_736 = vector.shape_cast %swap3A_735 : vector<1x1x16xf32> to vector<16xf32>
        %swap3A_737 = vector.shape_cast %mul3A_731 : vector<16xf32> to vector<1x1x16xf32>
        tpu.vector_store %arg11[%swap3A_732, %swap3A_733, %swap3A_734], %swap3A_737 {strides = array<i32>} : memref<3x80x128xf32, #tpu.memory_space<vmem>>, vector<1x1x16xf32>,
        %get3A_738 = arith.index_cast %rem3A_150 : i32 to index
        %get3A_739 = arith.index_cast %add3A_701 : i32 to index
        %get3A_740 = arith.constant 48 : index
        %get3A_741 = tpu.vector_load %arg11[%get3A_738, %get3A_739, %get3A_740] {strides = array<i32>} : memref<3x80x128xf32, #tpu.memory_space<vmem>>, vector<1x1x16xf32>,
        %get3A_742 = vector.shape_cast %get3A_741 : vector<1x1x16xf32> to vector<16xf32>
        %mul3A_743 = arith.mulf %get3A_742, %broadcast_in_dim3A_697 : vector<16xf32>
        %swap3A_744 = arith.index_cast %rem3A_150 : i32 to index
        %swap3A_745 = arith.index_cast %add3A_701 : i32 to index
        %swap3A_746 = arith.constant 48 : index
        %swap3A_747 = tpu.vector_load %arg11[%swap3A_744, %swap3A_745, %swap3A_746] {strides = array<i32>} : memref<3x80x128xf32, #tpu.memory_space<vmem>>, vector<1x1x16xf32>,
        %swap3A_748 = vector.shape_cast %swap3A_747 : vector<1x1x16xf32> to vector<16xf32>
        %swap3A_749 = vector.shape_cast %mul3A_743 : vector<16xf32> to vector<1x1x16xf32>
        tpu.vector_store %arg11[%swap3A_744, %swap3A_745, %swap3A_746], %swap3A_749 {strides = array<i32>} : memref<3x80x128xf32, #tpu.memory_space<vmem>>, vector<1x1x16xf32>,
        %get3A_750 = arith.index_cast %rem3A_150 : i32 to index
        %get3A_751 = arith.index_cast %add3A_701 : i32 to index
        %get3A_752 = arith.constant 64 : index
        %get3A_753 = tpu.vector_load %arg11[%get3A_750, %get3A_751, %get3A_752] {strides = array<i32>} : memref<3x80x128xf32, #tpu.memory_space<vmem>>, vector<1x1x16xf32>,
        %get3A_754 = vector.shape_cast %get3A_753 : vector<1x1x16xf32> to vector<16xf32>
        %mul3A_755 = arith.mulf %get3A_754, %broadcast_in_dim3A_697 : vector<16xf32>
        %swap3A_756 = arith.index_cast %rem3A_150 : i32 to index
        %swap3A_757 = arith.index_cast %add3A_701 : i32 to index
        %swap3A_758 = arith.constant 64 : index
        %swap3A_759 = tpu.vector_load %arg11[%swap3A_756, %swap3A_757, %swap3A_758] {strides = array<i32>} : memref<3x80x128xf32, #tpu.memory_space<vmem>>, vector<1x1x16xf32>,
        %swap3A_760 = vector.shape_cast %swap3A_759 : vector<1x1x16xf32> to vector<16xf32>
        %swap3A_761 = vector.shape_cast %mul3A_755 : vector<16xf32> to vector<1x1x16xf32>
        tpu.vector_store %arg11[%swap3A_756, %swap3A_757, %swap3A_758], %swap3A_761 {strides = array<i32>} : memref<3x80x128xf32, #tpu.memory_space<vmem>>, vector<1x1x16xf32>,
        %get3A_762 = arith.index_cast %rem3A_150 : i32 to index
        %get3A_763 = arith.index_cast %add3A_701 : i32 to index
        %get3A_764 = arith.constant 80 : index
        %get3A_765 = tpu.vector_load %arg11[%get3A_762, %get3A_763, %get3A_764] {strides = array<i32>} : memref<3x80x128xf32, #tpu.memory_space<vmem>>, vector<1x1x16xf32>,
        %get3A_766 = vector.shape_cast %get3A_765 : vector<1x1x16xf32> to vector<16xf32>
        %mul3A_767 = arith.mulf %get3A_766, %broadcast_in_dim3A_697 : vector<16xf32>
        %swap3A_768 = arith.index_cast %rem3A_150 : i32 to index
        %swap3A_769 = arith.index_cast %add3A_701 : i32 to index
        %swap3A_770 = arith.constant 80 : index
        %swap3A_771 = tpu.vector_load %arg11[%swap3A_768, %swap3A_769, %swap3A_770] {strides = array<i32>} : memref<3x80x128xf32, #tpu.memory_space<vmem>>, vector<1x1x16xf32>,
        %swap3A_772 = vector.shape_cast %swap3A_771 : vector<1x1x16xf32> to vector<16xf32>
        %swap3A_773 = vector.shape_cast %mul3A_767 : vector<16xf32> to vector<1x1x16xf32>
        tpu.vector_store %arg11[%swap3A_768, %swap3A_769, %swap3A_770], %swap3A_773 {strides = array<i32>} : memref<3x80x128xf32, #tpu.memory_space<vmem>>, vector<1x1x16xf32>,
        %get3A_774 = arith.index_cast %rem3A_150 : i32 to index
        %get3A_775 = arith.index_cast %add3A_701 : i32 to index
        %get3A_776 = arith.constant 96 : index
        %get3A_777 = tpu.vector_load %arg11[%get3A_774, %get3A_775, %get3A_776] {strides = array<i32>} : memref<3x80x128xf32, #tpu.memory_space<vmem>>, vector<1x1x16xf32>,
        %get3A_778 = vector.shape_cast %get3A_777 : vector<1x1x16xf32> to vector<16xf32>
        %mul3A_779 = arith.mulf %get3A_778, %broadcast_in_dim3A_697 : vector<16xf32>
        %swap3A_780 = arith.index_cast %rem3A_150 : i32 to index
        %swap3A_781 = arith.index_cast %add3A_701 : i32 to index
        %swap3A_782 = arith.constant 96 : index
        %swap3A_783 = tpu.vector_load %arg11[%swap3A_780, %swap3A_781, %swap3A_782] {strides = array<i32>} : memref<3x80x128xf32, #tpu.memory_space<vmem>>, vector<1x1x16xf32>,
        %swap3A_784 = vector.shape_cast %swap3A_783 : vector<1x1x16xf32> to vector<16xf32>
        %swap3A_785 = vector.shape_cast %mul3A_779 : vector<16xf32> to vector<1x1x16xf32>
        tpu.vector_store %arg11[%swap3A_780, %swap3A_781, %swap3A_782], %swap3A_785 {strides = array<i32>} : memref<3x80x128xf32, #tpu.memory_space<vmem>>, vector<1x1x16xf32>,
        %get3A_786 = arith.index_cast %rem3A_150 : i32 to index
        %get3A_787 = arith.index_cast %add3A_701 : i32 to index
        %get3A_788 = arith.constant 112 : index
        %get3A_789 = tpu.vector_load %arg11[%get3A_786, %get3A_787, %get3A_788] {strides = array<i32>} : memref<3x80x128xf32, #tpu.memory_space<vmem>>, vector<1x1x16xf32>,
        %get3A_790 = vector.shape_cast %get3A_789 : vector<1x1x16xf32> to vector<16xf32>
        %mul3A_791 = arith.mulf %get3A_790, %broadcast_in_dim3A_697 : vector<16xf32>
        %swap3A_792 = arith.index_cast %rem3A_150 : i32 to index
        %swap3A_793 = arith.index_cast %add3A_701 : i32 to index
        %swap3A_794 = arith.constant 112 : index
        %swap3A_795 = tpu.vector_load %arg11[%swap3A_792, %swap3A_793, %swap3A_794] {strides = array<i32>} : memref<3x80x128xf32, #tpu.memory_space<vmem>>, vector<1x1x16xf32>,
        %swap3A_796 = vector.shape_cast %swap3A_795 : vector<1x1x16xf32> to vector<16xf32>
        %swap3A_797 = vector.shape_cast %mul3A_791 : vector<16xf32> to vector<1x1x16xf32>
        tpu.vector_store %arg11[%swap3A_792, %swap3A_793, %swap3A_794], %swap3A_797 {strides = array<i32>} : memref<3x80x128xf32, #tpu.memory_space<vmem>>, vector<1x1x16xf32>,
        %slice3A_798 = vector.extract_strided_slice %get3A_183 {offsets = [6], sizes = [1], strides = [1]} : vector<16xf32> to vector<1xf32>
        %squeeze3A_799 = vector.extract %slice3A_798[0] : f32 from vector<1xf32>
        %broadcast_in_dim3A_800 = vector.broadcast %squeeze3A_799 : f32 to vector<16xf32>
        %mul3A_801 = arith.constant 16 : i32
        %mul3A_802 = arith.muli %add3A_178, %mul3A_801 : i32
        %add3A_803 = arith.constant 6 : i32
        %add3A_804 = arith.addi %mul3A_802, %add3A_803 : i32
        %get3A_805 = arith.index_cast %rem3A_150 : i32 to index
        %get3A_806 = arith.index_cast %add3A_804 : i32 to index
        %get3A_807 = arith.constant 0 : index
        %get3A_808 = tpu.vector_load %arg11[%get3A_805, %get3A_806, %get3A_807] {strides = array<i32>} : memref<3x80x128xf32, #tpu.memory_space<vmem>>, vector<1x1x16xf32>,
        %get3A_809 = vector.shape_cast %get3A_808 : vector<1x1x16xf32> to vector<16xf32>
        %mul3A_810 = arith.mulf %get3A_809, %broadcast_in_dim3A_800 : vector<16xf32>
        %swap3A_811 = arith.index_cast %rem3A_150 : i32 to index
        %swap3A_812 = arith.index_cast %add3A_804 : i32 to index
        %swap3A_813 = arith.constant 0 : index
        %swap3A_814 = tpu.vector_load %arg11[%swap3A_811, %swap3A_812, %swap3A_813] {strides = array<i32>} : memref<3x80x128xf32, #tpu.memory_space<vmem>>, vector<1x1x16xf32>,
        %swap3A_815 = vector.shape_cast %swap3A_814 : vector<1x1x16xf32> to vector<16xf32>
        %swap3A_816 = vector.shape_cast %mul3A_810 : vector<16xf32> to vector<1x1x16xf32>
        tpu.vector_store %arg11[%swap3A_811, %swap3A_812, %swap3A_813], %swap3A_816 {strides = array<i32>} : memref<3x80x128xf32, #tpu.memory_space<vmem>>, vector<1x1x16xf32>,
        %get3A_817 = arith.index_cast %rem3A_150 : i32 to index
        %get3A_818 = arith.index_cast %add3A_804 : i32 to index
        %get3A_819 = arith.constant 16 : index
        %get3A_820 = tpu.vector_load %arg11[%get3A_817, %get3A_818, %get3A_819] {strides = array<i32>} : memref<3x80x128xf32, #tpu.memory_space<vmem>>, vector<1x1x16xf32>,
        %get3A_821 = vector.shape_cast %get3A_820 : vector<1x1x16xf32> to vector<16xf32>
        %mul3A_822 = arith.mulf %get3A_821, %broadcast_in_dim3A_800 : vector<16xf32>
        %swap3A_823 = arith.index_cast %rem3A_150 : i32 to index
        %swap3A_824 = arith.index_cast %add3A_804 : i32 to index
        %swap3A_825 = arith.constant 16 : index
        %swap3A_826 = tpu.vector_load %arg11[%swap3A_823, %swap3A_824, %swap3A_825] {strides = array<i32>} : memref<3x80x128xf32, #tpu.memory_space<vmem>>, vector<1x1x16xf32>,
        %swap3A_827 = vector.shape_cast %swap3A_826 : vector<1x1x16xf32> to vector<16xf32>
        %swap3A_828 = vector.shape_cast %mul3A_822 : vector<16xf32> to vector<1x1x16xf32>
        tpu.vector_store %arg11[%swap3A_823, %swap3A_824, %swap3A_825], %swap3A_828 {strides = array<i32>} : memref<3x80x128xf32, #tpu.memory_space<vmem>>, vector<1x1x16xf32>,
        %get3A_829 = arith.index_cast %rem3A_150 : i32 to index
        %get3A_830 = arith.index_cast %add3A_804 : i32 to index
        %get3A_831 = arith.constant 32 : index
        %get3A_832 = tpu.vector_load %arg11[%get3A_829, %get3A_830, %get3A_831] {strides = array<i32>} : memref<3x80x128xf32, #tpu.memory_space<vmem>>, vector<1x1x16xf32>,
        %get3A_833 = vector.shape_cast %get3A_832 : vector<1x1x16xf32> to vector<16xf32>
        %mul3A_834 = arith.mulf %get3A_833, %broadcast_in_dim3A_800 : vector<16xf32>
        %swap3A_835 = arith.index_cast %rem3A_150 : i32 to index
        %swap3A_836 = arith.index_cast %add3A_804 : i32 to index
        %swap3A_837 = arith.constant 32 : index
        %swap3A_838 = tpu.vector_load %arg11[%swap3A_835, %swap3A_836, %swap3A_837] {strides = array<i32>} : memref<3x80x128xf32, #tpu.memory_space<vmem>>, vector<1x1x16xf32>,
        %swap3A_839 = vector.shape_cast %swap3A_838 : vector<1x1x16xf32> to vector<16xf32>
        %swap3A_840 = vector.shape_cast %mul3A_834 : vector<16xf32> to vector<1x1x16xf32>
        tpu.vector_store %arg11[%swap3A_835, %swap3A_836, %swap3A_837], %swap3A_840 {strides = array<i32>} : memref<3x80x128xf32, #tpu.memory_space<vmem>>, vector<1x1x16xf32>,
        %get3A_841 = arith.index_cast %rem3A_150 : i32 to index
        %get3A_842 = arith.index_cast %add3A_804 : i32 to index
        %get3A_843 = arith.constant 48 : index
        %get3A_844 = tpu.vector_load %arg11[%get3A_841, %get3A_842, %get3A_843] {strides = array<i32>} : memref<3x80x128xf32, #tpu.memory_space<vmem>>, vector<1x1x16xf32>,
        %get3A_845 = vector.shape_cast %get3A_844 : vector<1x1x16xf32> to vector<16xf32>
        %mul3A_846 = arith.mulf %get3A_845, %broadcast_in_dim3A_800 : vector<16xf32>
        %swap3A_847 = arith.index_cast %rem3A_150 : i32 to index
        %swap3A_848 = arith.index_cast %add3A_804 : i32 to index
        %swap3A_849 = arith.constant 48 : index
        %swap3A_850 = tpu.vector_load %arg11[%swap3A_847, %swap3A_848, %swap3A_849] {strides = array<i32>} : memref<3x80x128xf32, #tpu.memory_space<vmem>>, vector<1x1x16xf32>,
        %swap3A_851 = vector.shape_cast %swap3A_850 : vector<1x1x16xf32> to vector<16xf32>
        %swap3A_852 = vector.shape_cast %mul3A_846 : vector<16xf32> to vector<1x1x16xf32>
        tpu.vector_store %arg11[%swap3A_847, %swap3A_848, %swap3A_849], %swap3A_852 {strides = array<i32>} : memref<3x80x128xf32, #tpu.memory_space<vmem>>, vector<1x1x16xf32>,
        %get3A_853 = arith.index_cast %rem3A_150 : i32 to index
        %get3A_854 = arith.index_cast %add3A_804 : i32 to index
        %get3A_855 = arith.constant 64 : index
        %get3A_856 = tpu.vector_load %arg11[%get3A_853, %get3A_854, %get3A_855] {strides = array<i32>} : memref<3x80x128xf32, #tpu.memory_space<vmem>>, vector<1x1x16xf32>,
        %get3A_857 = vector.shape_cast %get3A_856 : vector<1x1x16xf32> to vector<16xf32>
        %mul3A_858 = arith.mulf %get3A_857, %broadcast_in_dim3A_800 : vector<16xf32>
        %swap3A_859 = arith.index_cast %rem3A_150 : i32 to index
        %swap3A_860 = arith.index_cast %add3A_804 : i32 to index
        %swap3A_861 = arith.constant 64 : index
        %swap3A_862 = tpu.vector_load %arg11[%swap3A_859, %swap3A_860, %swap3A_861] {strides = array<i32>} : memref<3x80x128xf32, #tpu.memory_space<vmem>>, vector<1x1x16xf32>,
        %swap3A_863 = vector.shape_cast %swap3A_862 : vector<1x1x16xf32> to vector<16xf32>
        %swap3A_864 = vector.shape_cast %mul3A_858 : vector<16xf32> to vector<1x1x16xf32>
        tpu.vector_store %arg11[%swap3A_859, %swap3A_860, %swap3A_861], %swap3A_864 {strides = array<i32>} : memref<3x80x128xf32, #tpu.memory_space<vmem>>, vector<1x1x16xf32>,
        %get3A_865 = arith.index_cast %rem3A_150 : i32 to index
        %get3A_866 = arith.index_cast %add3A_804 : i32 to index
        %get3A_867 = arith.constant 80 : index
        %get3A_868 = tpu.vector_load %arg11[%get3A_865, %get3A_866, %get3A_867] {strides = array<i32>} : memref<3x80x128xf32, #tpu.memory_space<vmem>>, vector<1x1x16xf32>,
        %get3A_869 = vector.shape_cast %get3A_868 : vector<1x1x16xf32> to vector<16xf32>
        %mul3A_870 = arith.mulf %get3A_869, %broadcast_in_dim3A_800 : vector<16xf32>
        %swap3A_871 = arith.index_cast %rem3A_150 : i32 to index
        %swap3A_872 = arith.index_cast %add3A_804 : i32 to index
        %swap3A_873 = arith.constant 80 : index
        %swap3A_874 = tpu.vector_load %arg11[%swap3A_871, %swap3A_872, %swap3A_873] {strides = array<i32>} : memref<3x80x128xf32, #tpu.memory_space<vmem>>, vector<1x1x16xf32>,
        %swap3A_875 = vector.shape_cast %swap3A_874 : vector<1x1x16xf32> to vector<16xf32>
        %swap3A_876 = vector.shape_cast %mul3A_870 : vector<16xf32> to vector<1x1x16xf32>
        tpu.vector_store %arg11[%swap3A_871, %swap3A_872, %swap3A_873], %swap3A_876 {strides = array<i32>} : memref<3x80x128xf32, #tpu.memory_space<vmem>>, vector<1x1x16xf32>,
        %get3A_877 = arith.index_cast %rem3A_150 : i32 to index
        %get3A_878 = arith.index_cast %add3A_804 : i32 to index
        %get3A_879 = arith.constant 96 : index
        %get3A_880 = tpu.vector_load %arg11[%get3A_877, %get3A_878, %get3A_879] {strides = array<i32>} : memref<3x80x128xf32, #tpu.memory_space<vmem>>, vector<1x1x16xf32>,
        %get3A_881 = vector.shape_cast %get3A_880 : vector<1x1x16xf32> to vector<16xf32>
        %mul3A_882 = arith.mulf %get3A_881, %broadcast_in_dim3A_800 : vector<16xf32>
        %swap3A_883 = arith.index_cast %rem3A_150 : i32 to index
        %swap3A_884 = arith.index_cast %add3A_804 : i32 to index
        %swap3A_885 = arith.constant 96 : index
        %swap3A_886 = tpu.vector_load %arg11[%swap3A_883, %swap3A_884, %swap3A_885] {strides = array<i32>} : memref<3x80x128xf32, #tpu.memory_space<vmem>>, vector<1x1x16xf32>,
        %swap3A_887 = vector.shape_cast %swap3A_886 : vector<1x1x16xf32> to vector<16xf32>
        %swap3A_888 = vector.shape_cast %mul3A_882 : vector<16xf32> to vector<1x1x16xf32>
        tpu.vector_store %arg11[%swap3A_883, %swap3A_884, %swap3A_885], %swap3A_888 {strides = array<i32>} : memref<3x80x128xf32, #tpu.memory_space<vmem>>, vector<1x1x16xf32>,
        %get3A_889 = arith.index_cast %rem3A_150 : i32 to index
        %get3A_890 = arith.index_cast %add3A_804 : i32 to index
        %get3A_891 = arith.constant 112 : index
        %get3A_892 = tpu.vector_load %arg11[%get3A_889, %get3A_890, %get3A_891] {strides = array<i32>} : memref<3x80x128xf32, #tpu.memory_space<vmem>>, vector<1x1x16xf32>,
        %get3A_893 = vector.shape_cast %get3A_892 : vector<1x1x16xf32> to vector<16xf32>
        %mul3A_894 = arith.mulf %get3A_893, %broadcast_in_dim3A_800 : vector<16xf32>
        %swap3A_895 = arith.index_cast %rem3A_150 : i32 to index
        %swap3A_896 = arith.index_cast %add3A_804 : i32 to index
        %swap3A_897 = arith.constant 112 : index
        %swap3A_898 = tpu.vector_load %arg11[%swap3A_895, %swap3A_896, %swap3A_897] {strides = array<i32>} : memref<3x80x128xf32, #tpu.memory_space<vmem>>, vector<1x1x16xf32>,
        %swap3A_899 = vector.shape_cast %swap3A_898 : vector<1x1x16xf32> to vector<16xf32>
        %swap3A_900 = vector.shape_cast %mul3A_894 : vector<16xf32> to vector<1x1x16xf32>
        tpu.vector_store %arg11[%swap3A_895, %swap3A_896, %swap3A_897], %swap3A_900 {strides = array<i32>} : memref<3x80x128xf32, #tpu.memory_space<vmem>>, vector<1x1x16xf32>,
        %slice3A_901 = vector.extract_strided_slice %get3A_183 {offsets = [7], sizes = [1], strides = [1]} : vector<16xf32> to vector<1xf32>
        %squeeze3A_902 = vector.extract %slice3A_901[0] : f32 from vector<1xf32>
        %broadcast_in_dim3A_903 = vector.broadcast %squeeze3A_902 : f32 to vector<16xf32>
        %mul3A_904 = arith.constant 16 : i32
        %mul3A_905 = arith.muli %add3A_178, %mul3A_904 : i32
        %add3A_906 = arith.constant 7 : i32
        %add3A_907 = arith.addi %mul3A_905, %add3A_906 : i32
        %get3A_908 = arith.index_cast %rem3A_150 : i32 to index
        %get3A_909 = arith.index_cast %add3A_907 : i32 to index
        %get3A_910 = arith.constant 0 : index
        %get3A_911 = tpu.vector_load %arg11[%get3A_908, %get3A_909, %get3A_910] {strides = array<i32>} : memref<3x80x128xf32, #tpu.memory_space<vmem>>, vector<1x1x16xf32>,
        %get3A_912 = vector.shape_cast %get3A_911 : vector<1x1x16xf32> to vector<16xf32>
        %mul3A_913 = arith.mulf %get3A_912, %broadcast_in_dim3A_903 : vector<16xf32>
        %swap3A_914 = arith.index_cast %rem3A_150 : i32 to index
        %swap3A_915 = arith.index_cast %add3A_907 : i32 to index
        %swap3A_916 = arith.constant 0 : index
        %swap3A_917 = tpu.vector_load %arg11[%swap3A_914, %swap3A_915, %swap3A_916] {strides = array<i32>} : memref<3x80x128xf32, #tpu.memory_space<vmem>>, vector<1x1x16xf32>,
        %swap3A_918 = vector.shape_cast %swap3A_917 : vector<1x1x16xf32> to vector<16xf32>
        %swap3A_919 = vector.shape_cast %mul3A_913 : vector<16xf32> to vector<1x1x16xf32>
        tpu.vector_store %arg11[%swap3A_914, %swap3A_915, %swap3A_916], %swap3A_919 {strides = array<i32>} : memref<3x80x128xf32, #tpu.memory_space<vmem>>, vector<1x1x16xf32>,
        %get3A_920 = arith.index_cast %rem3A_150 : i32 to index
        %get3A_921 = arith.index_cast %add3A_907 : i32 to index
        %get3A_922 = arith.constant 16 : index
        %get3A_923 = tpu.vector_load %arg11[%get3A_920, %get3A_921, %get3A_922] {strides = array<i32>} : memref<3x80x128xf32, #tpu.memory_space<vmem>>, vector<1x1x16xf32>,
        %get3A_924 = vector.shape_cast %get3A_923 : vector<1x1x16xf32> to vector<16xf32>
        %mul3A_925 = arith.mulf %get3A_924, %broadcast_in_dim3A_903 : vector<16xf32>
        %swap3A_926 = arith.index_cast %rem3A_150 : i32 to index
        %swap3A_927 = arith.index_cast %add3A_907 : i32 to index
        %swap3A_928 = arith.constant 16 : index
        %swap3A_929 = tpu.vector_load %arg11[%swap3A_926, %swap3A_927, %swap3A_928] {strides = array<i32>} : memref<3x80x128xf32, #tpu.memory_space<vmem>>, vector<1x1x16xf32>,
        %swap3A_930 = vector.shape_cast %swap3A_929 : vector<1x1x16xf32> to vector<16xf32>
        %swap3A_931 = vector.shape_cast %mul3A_925 : vector<16xf32> to vector<1x1x16xf32>
        tpu.vector_store %arg11[%swap3A_926, %swap3A_927, %swap3A_928], %swap3A_931 {strides = array<i32>} : memref<3x80x128xf32, #tpu.memory_space<vmem>>, vector<1x1x16xf32>,
        %get3A_932 = arith.index_cast %rem3A_150 : i32 to index
        %get3A_933 = arith.index_cast %add3A_907 : i32 to index
        %get3A_934 = arith.constant 32 : index
        %get3A_935 = tpu.vector_load %arg11[%get3A_932, %get3A_933, %get3A_934] {strides = array<i32>} : memref<3x80x128xf32, #tpu.memory_space<vmem>>, vector<1x1x16xf32>,
        %get3A_936 = vector.shape_cast %get3A_935 : vector<1x1x16xf32> to vector<16xf32>
        %mul3A_937 = arith.mulf %get3A_936, %broadcast_in_dim3A_903 : vector<16xf32>
        %swap3A_938 = arith.index_cast %rem3A_150 : i32 to index
        %swap3A_939 = arith.index_cast %add3A_907 : i32 to index
        %swap3A_940 = arith.constant 32 : index
        %swap3A_941 = tpu.vector_load %arg11[%swap3A_938, %swap3A_939, %swap3A_940] {strides = array<i32>} : memref<3x80x128xf32, #tpu.memory_space<vmem>>, vector<1x1x16xf32>,
        %swap3A_942 = vector.shape_cast %swap3A_941 : vector<1x1x16xf32> to vector<16xf32>
        %swap3A_943 = vector.shape_cast %mul3A_937 : vector<16xf32> to vector<1x1x16xf32>
        tpu.vector_store %arg11[%swap3A_938, %swap3A_939, %swap3A_940], %swap3A_943 {strides = array<i32>} : memref<3x80x128xf32, #tpu.memory_space<vmem>>, vector<1x1x16xf32>,
        %get3A_944 = arith.index_cast %rem3A_150 : i32 to index
        %get3A_945 = arith.index_cast %add3A_907 : i32 to index
        %get3A_946 = arith.constant 48 : index
        %get3A_947 = tpu.vector_load %arg11[%get3A_944, %get3A_945, %get3A_946] {strides = array<i32>} : memref<3x80x128xf32, #tpu.memory_space<vmem>>, vector<1x1x16xf32>,
        %get3A_948 = vector.shape_cast %get3A_947 : vector<1x1x16xf32> to vector<16xf32>
        %mul3A_949 = arith.mulf %get3A_948, %broadcast_in_dim3A_903 : vector<16xf32>
        %swap3A_950 = arith.index_cast %rem3A_150 : i32 to index
        %swap3A_951 = arith.index_cast %add3A_907 : i32 to index
        %swap3A_952 = arith.constant 48 : index
        %swap3A_953 = tpu.vector_load %arg11[%swap3A_950, %swap3A_951, %swap3A_952] {strides = array<i32>} : memref<3x80x128xf32, #tpu.memory_space<vmem>>, vector<1x1x16xf32>,
        %swap3A_954 = vector.shape_cast %swap3A_953 : vector<1x1x16xf32> to vector<16xf32>
        %swap3A_955 = vector.shape_cast %mul3A_949 : vector<16xf32> to vector<1x1x16xf32>
        tpu.vector_store %arg11[%swap3A_950, %swap3A_951, %swap3A_952], %swap3A_955 {strides = array<i32>} : memref<3x80x128xf32, #tpu.memory_space<vmem>>, vector<1x1x16xf32>,
        %get3A_956 = arith.index_cast %rem3A_150 : i32 to index
        %get3A_957 = arith.index_cast %add3A_907 : i32 to index
        %get3A_958 = arith.constant 64 : index
        %get3A_959 = tpu.vector_load %arg11[%get3A_956, %get3A_957, %get3A_958] {strides = array<i32>} : memref<3x80x128xf32, #tpu.memory_space<vmem>>, vector<1x1x16xf32>,
        %get3A_960 = vector.shape_cast %get3A_959 : vector<1x1x16xf32> to vector<16xf32>
        %mul3A_961 = arith.mulf %get3A_960, %broadcast_in_dim3A_903 : vector<16xf32>
        %swap3A_962 = arith.index_cast %rem3A_150 : i32 to index
        %swap3A_963 = arith.index_cast %add3A_907 : i32 to index
        %swap3A_964 = arith.constant 64 : index
        %swap3A_965 = tpu.vector_load %arg11[%swap3A_962, %swap3A_963, %swap3A_964] {strides = array<i32>} : memref<3x80x128xf32, #tpu.memory_space<vmem>>, vector<1x1x16xf32>,
        %swap3A_966 = vector.shape_cast %swap3A_965 : vector<1x1x16xf32> to vector<16xf32>
        %swap3A_967 = vector.shape_cast %mul3A_961 : vector<16xf32> to vector<1x1x16xf32>
        tpu.vector_store %arg11[%swap3A_962, %swap3A_963, %swap3A_964], %swap3A_967 {strides = array<i32>} : memref<3x80x128xf32, #tpu.memory_space<vmem>>, vector<1x1x16xf32>,
        %get3A_968 = arith.index_cast %rem3A_150 : i32 to index
        %get3A_969 = arith.index_cast %add3A_907 : i32 to index
        %get3A_970 = arith.constant 80 : index
        %get3A_971 = tpu.vector_load %arg11[%get3A_968, %get3A_969, %get3A_970] {strides = array<i32>} : memref<3x80x128xf32, #tpu.memory_space<vmem>>, vector<1x1x16xf32>,
        %get3A_972 = vector.shape_cast %get3A_971 : vector<1x1x16xf32> to vector<16xf32>
        %mul3A_973 = arith.mulf %get3A_972, %broadcast_in_dim3A_903 : vector<16xf32>
        %swap3A_974 = arith.index_cast %rem3A_150 : i32 to index
        %swap3A_975 = arith.index_cast %add3A_907 : i32 to index
        %swap3A_976 = arith.constant 80 : index
        %swap3A_977 = tpu.vector_load %arg11[%swap3A_974, %swap3A_975, %swap3A_976] {strides = array<i32>} : memref<3x80x128xf32, #tpu.memory_space<vmem>>, vector<1x1x16xf32>,
        %swap3A_978 = vector.shape_cast %swap3A_977 : vector<1x1x16xf32> to vector<16xf32>
        %swap3A_979 = vector.shape_cast %mul3A_973 : vector<16xf32> to vector<1x1x16xf32>
        tpu.vector_store %arg11[%swap3A_974, %swap3A_975, %swap3A_976], %swap3A_979 {strides = array<i32>} : memref<3x80x128xf32, #tpu.memory_space<vmem>>, vector<1x1x16xf32>,
        %get3A_980 = arith.index_cast %rem3A_150 : i32 to index
        %get3A_981 = arith.index_cast %add3A_907 : i32 to index
        %get3A_982 = arith.constant 96 : index
        %get3A_983 = tpu.vector_load %arg11[%get3A_980, %get3A_981, %get3A_982] {strides = array<i32>} : memref<3x80x128xf32, #tpu.memory_space<vmem>>, vector<1x1x16xf32>,
        %get3A_984 = vector.shape_cast %get3A_983 : vector<1x1x16xf32> to vector<16xf32>
        %mul3A_985 = arith.mulf %get3A_984, %broadcast_in_dim3A_903 : vector<16xf32>
        %swap3A_986 = arith.index_cast %rem3A_150 : i32 to index
        %swap3A_987 = arith.index_cast %add3A_907 : i32 to index
        %swap3A_988 = arith.constant 96 : index
        %swap3A_989 = tpu.vector_load %arg11[%swap3A_986, %swap3A_987, %swap3A_988] {strides = array<i32>} : memref<3x80x128xf32, #tpu.memory_space<vmem>>, vector<1x1x16xf32>,
        %swap3A_990 = vector.shape_cast %swap3A_989 : vector<1x1x16xf32> to vector<16xf32>
        %swap3A_991 = vector.shape_cast %mul3A_985 : vector<16xf32> to vector<1x1x16xf32>
        tpu.vector_store %arg11[%swap3A_986, %swap3A_987, %swap3A_988], %swap3A_991 {strides = array<i32>} : memref<3x80x128xf32, #tpu.memory_space<vmem>>, vector<1x1x16xf32>,
        %get3A_992 = arith.index_cast %rem3A_150 : i32 to index
        %get3A_993 = arith.index_cast %add3A_907 : i32 to index
        %get3A_994 = arith.constant 112 : index
        %get3A_995 = tpu.vector_load %arg11[%get3A_992, %get3A_993, %get3A_994] {strides = array<i32>} : memref<3x80x128xf32, #tpu.memory_space<vmem>>, vector<1x1x16xf32>,
        %get3A_996 = vector.shape_cast %get3A_995 : vector<1x1x16xf32> to vector<16xf32>
        %mul3A_997 = arith.mulf %get3A_996, %broadcast_in_dim3A_903 : vector<16xf32>
        %swap3A_998 = arith.index_cast %rem3A_150 : i32 to index
        %swap3A_999 = arith.index_cast %add3A_907 : i32 to index
        %swap3A_1000 = arith.constant 112 : index
        %swap3A_1001 = tpu.vector_load %arg11[%swap3A_998, %swap3A_999, %swap3A_1000] {strides = array<i32>} : memref<3x80x128xf32, #tpu.memory_space<vmem>>, vector<1x1x16xf32>,
        %swap3A_1002 = vector.shape_cast %swap3A_1001 : vector<1x1x16xf32> to vector<16xf32>
        %swap3A_1003 = vector.shape_cast %mul3A_997 : vector<16xf32> to vector<1x1x16xf32>
        tpu.vector_store %arg11[%swap3A_998, %swap3A_999, %swap3A_1000], %swap3A_1003 {strides = array<i32>} : memref<3x80x128xf32, #tpu.memory_space<vmem>>, vector<1x1x16xf32>,
        %slice3A_1004 = vector.extract_strided_slice %get3A_183 {offsets = [8], sizes = [1], strides = [1]} : vector<16xf32> to vector<1xf32>
        %squeeze3A_1005 = vector.extract %slice3A_1004[0] : f32 from vector<1xf32>
        %broadcast_in_dim3A_1006 = vector.broadcast %squeeze3A_1005 : f32 to vector<16xf32>
        %mul3A_1007 = arith.constant 16 : i32
        %mul3A_1008 = arith.muli %add3A_178, %mul3A_1007 : i32
        %add3A_1009 = arith.constant 8 : i32
        %add3A_1010 = arith.addi %mul3A_1008, %add3A_1009 : i32
        %get3A_1011 = arith.index_cast %rem3A_150 : i32 to index
        %get3A_1012 = arith.index_cast %add3A_1010 : i32 to index
        %get3A_1013 = arith.constant 0 : index
        %get3A_1014 = tpu.vector_load %arg11[%get3A_1011, %get3A_1012, %get3A_1013] {strides = array<i32>} : memref<3x80x128xf32, #tpu.memory_space<vmem>>, vector<1x1x16xf32>,
        %get3A_1015 = vector.shape_cast %get3A_1014 : vector<1x1x16xf32> to vector<16xf32>
        %mul3A_1016 = arith.mulf %get3A_1015, %broadcast_in_dim3A_1006 : vector<16xf32>
        %swap3A_1017 = arith.index_cast %rem3A_150 : i32 to index
        %swap3A_1018 = arith.index_cast %add3A_1010 : i32 to index
        %swap3A_1019 = arith.constant 0 : index
        %swap3A_1020 = tpu.vector_load %arg11[%swap3A_1017, %swap3A_1018, %swap3A_1019] {strides = array<i32>} : memref<3x80x128xf32, #tpu.memory_space<vmem>>, vector<1x1x16xf32>,
        %swap3A_1021 = vector.shape_cast %swap3A_1020 : vector<1x1x16xf32> to vector<16xf32>
        %swap3A_1022 = vector.shape_cast %mul3A_1016 : vector<16xf32> to vector<1x1x16xf32>
        tpu.vector_store %arg11[%swap3A_1017, %swap3A_1018, %swap3A_1019], %swap3A_1022 {strides = array<i32>} : memref<3x80x128xf32, #tpu.memory_space<vmem>>, vector<1x1x16xf32>,
        %get3A_1023 = arith.index_cast %rem3A_150 : i32 to index
        %get3A_1024 = arith.index_cast %add3A_1010 : i32 to index
        %get3A_1025 = arith.constant 16 : index
        %get3A_1026 = tpu.vector_load %arg11[%get3A_1023, %get3A_1024, %get3A_1025] {strides = array<i32>} : memref<3x80x128xf32, #tpu.memory_space<vmem>>, vector<1x1x16xf32>,
        %get3A_1027 = vector.shape_cast %get3A_1026 : vector<1x1x16xf32> to vector<16xf32>
        %mul3A_1028 = arith.mulf %get3A_1027, %broadcast_in_dim3A_1006 : vector<16xf32>
        %swap3A_1029 = arith.index_cast %rem3A_150 : i32 to index
        %swap3A_1030 = arith.index_cast %add3A_1010 : i32 to index
        %swap3A_1031 = arith.constant 16 : index
        %swap3A_1032 = tpu.vector_load %arg11[%swap3A_1029, %swap3A_1030, %swap3A_1031] {strides = array<i32>} : memref<3x80x128xf32, #tpu.memory_space<vmem>>, vector<1x1x16xf32>,
        %swap3A_1033 = vector.shape_cast %swap3A_1032 : vector<1x1x16xf32> to vector<16xf32>
        %swap3A_1034 = vector.shape_cast %mul3A_1028 : vector<16xf32> to vector<1x1x16xf32>
        tpu.vector_store %arg11[%swap3A_1029, %swap3A_1030, %swap3A_1031], %swap3A_1034 {strides = array<i32>} : memref<3x80x128xf32, #tpu.memory_space<vmem>>, vector<1x1x16xf32>,
        %get3A_1035 = arith.index_cast %rem3A_150 : i32 to index
        %get3A_1036 = arith.index_cast %add3A_1010 : i32 to index
        %get3A_1037 = arith.constant 32 : index
        %get3A_1038 = tpu.vector_load %arg11[%get3A_1035, %get3A_1036, %get3A_1037] {strides = array<i32>} : memref<3x80x128xf32, #tpu.memory_space<vmem>>, vector<1x1x16xf32>,
        %get3A_1039 = vector.shape_cast %get3A_1038 : vector<1x1x16xf32> to vector<16xf32>
        %mul3A_1040 = arith.mulf %get3A_1039, %broadcast_in_dim3A_1006 : vector<16xf32>
        %swap3A_1041 = arith.index_cast %rem3A_150 : i32 to index
        %swap3A_1042 = arith.index_cast %add3A_1010 : i32 to index
        %swap3A_1043 = arith.constant 32 : index
        %swap3A_1044 = tpu.vector_load %arg11[%swap3A_1041, %swap3A_1042, %swap3A_1043] {strides = array<i32>} : memref<3x80x128xf32, #tpu.memory_space<vmem>>, vector<1x1x16xf32>,
        %swap3A_1045 = vector.shape_cast %swap3A_1044 : vector<1x1x16xf32> to vector<16xf32>
        %swap3A_1046 = vector.shape_cast %mul3A_1040 : vector<16xf32> to vector<1x1x16xf32>
        tpu.vector_store %arg11[%swap3A_1041, %swap3A_1042, %swap3A_1043], %swap3A_1046 {strides = array<i32>} : memref<3x80x128xf32, #tpu.memory_space<vmem>>, vector<1x1x16xf32>,
        %get3A_1047 = arith.index_cast %rem3A_150 : i32 to index
        %get3A_1048 = arith.index_cast %add3A_1010 : i32 to index
        %get3A_1049 = arith.constant 48 : index
        %get3A_1050 = tpu.vector_load %arg11[%get3A_1047, %get3A_1048, %get3A_1049] {strides = array<i32>} : memref<3x80x128xf32, #tpu.memory_space<vmem>>, vector<1x1x16xf32>,
        %get3A_1051 = vector.shape_cast %get3A_1050 : vector<1x1x16xf32> to vector<16xf32>
        %mul3A_1052 = arith.mulf %get3A_1051, %broadcast_in_dim3A_1006 : vector<16xf32>
        %swap3A_1053 = arith.index_cast %rem3A_150 : i32 to index
        %swap3A_1054 = arith.index_cast %add3A_1010 : i32 to index
        %swap3A_1055 = arith.constant 48 : index
        %swap3A_1056 = tpu.vector_load %arg11[%swap3A_1053, %swap3A_1054, %swap3A_1055] {strides = array<i32>} : memref<3x80x128xf32, #tpu.memory_space<vmem>>, vector<1x1x16xf32>,
        %swap3A_1057 = vector.shape_cast %swap3A_1056 : vector<1x1x16xf32> to vector<16xf32>
        %swap3A_1058 = vector.shape_cast %mul3A_1052 : vector<16xf32> to vector<1x1x16xf32>
        tpu.vector_store %arg11[%swap3A_1053, %swap3A_1054, %swap3A_1055], %swap3A_1058 {strides = array<i32>} : memref<3x80x128xf32, #tpu.memory_space<vmem>>, vector<1x1x16xf32>,
        %get3A_1059 = arith.index_cast %rem3A_150 : i32 to index
        %get3A_1060 = arith.index_cast %add3A_1010 : i32 to index
        %get3A_1061 = arith.constant 64 : index
        %get3A_1062 = tpu.vector_load %arg11[%get3A_1059, %get3A_1060, %get3A_1061] {strides = array<i32>} : memref<3x80x128xf32, #tpu.memory_space<vmem>>, vector<1x1x16xf32>,
        %get3A_1063 = vector.shape_cast %get3A_1062 : vector<1x1x16xf32> to vector<16xf32>
        %mul3A_1064 = arith.mulf %get3A_1063, %broadcast_in_dim3A_1006 : vector<16xf32>
        %swap3A_1065 = arith.index_cast %rem3A_150 : i32 to index
        %swap3A_1066 = arith.index_cast %add3A_1010 : i32 to index
        %swap3A_1067 = arith.constant 64 : index
        %swap3A_1068 = tpu.vector_load %arg11[%swap3A_1065, %swap3A_1066, %swap3A_1067] {strides = array<i32>} : memref<3x80x128xf32, #tpu.memory_space<vmem>>, vector<1x1x16xf32>,
        %swap3A_1069 = vector.shape_cast %swap3A_1068 : vector<1x1x16xf32> to vector<16xf32>
        %swap3A_1070 = vector.shape_cast %mul3A_1064 : vector<16xf32> to vector<1x1x16xf32>
        tpu.vector_store %arg11[%swap3A_1065, %swap3A_1066, %swap3A_1067], %swap3A_1070 {strides = array<i32>} : memref<3x80x128xf32, #tpu.memory_space<vmem>>, vector<1x1x16xf32>,
        %get3A_1071 = arith.index_cast %rem3A_150 : i32 to index
        %get3A_1072 = arith.index_cast %add3A_1010 : i32 to index
        %get3A_1073 = arith.constant 80 : index
        %get3A_1074 = tpu.vector_load %arg11[%get3A_1071, %get3A_1072, %get3A_1073] {strides = array<i32>} : memref<3x80x128xf32, #tpu.memory_space<vmem>>, vector<1x1x16xf32>,
        %get3A_1075 = vector.shape_cast %get3A_1074 : vector<1x1x16xf32> to vector<16xf32>
        %mul3A_1076 = arith.mulf %get3A_1075, %broadcast_in_dim3A_1006 : vector<16xf32>
        %swap3A_1077 = arith.index_cast %rem3A_150 : i32 to index
        %swap3A_1078 = arith.index_cast %add3A_1010 : i32 to index
        %swap3A_1079 = arith.constant 80 : index
        %swap3A_1080 = tpu.vector_load %arg11[%swap3A_1077, %swap3A_1078, %swap3A_1079] {strides = array<i32>} : memref<3x80x128xf32, #tpu.memory_space<vmem>>, vector<1x1x16xf32>,
        %swap3A_1081 = vector.shape_cast %swap3A_1080 : vector<1x1x16xf32> to vector<16xf32>
        %swap3A_1082 = vector.shape_cast %mul3A_1076 : vector<16xf32> to vector<1x1x16xf32>
        tpu.vector_store %arg11[%swap3A_1077, %swap3A_1078, %swap3A_1079], %swap3A_1082 {strides = array<i32>} : memref<3x80x128xf32, #tpu.memory_space<vmem>>, vector<1x1x16xf32>,
        %get3A_1083 = arith.index_cast %rem3A_150 : i32 to index
        %get3A_1084 = arith.index_cast %add3A_1010 : i32 to index
        %get3A_1085 = arith.constant 96 : index
        %get3A_1086 = tpu.vector_load %arg11[%get3A_1083, %get3A_1084, %get3A_1085] {strides = array<i32>} : memref<3x80x128xf32, #tpu.memory_space<vmem>>, vector<1x1x16xf32>,
        %get3A_1087 = vector.shape_cast %get3A_1086 : vector<1x1x16xf32> to vector<16xf32>
        %mul3A_1088 = arith.mulf %get3A_1087, %broadcast_in_dim3A_1006 : vector<16xf32>
        %swap3A_1089 = arith.index_cast %rem3A_150 : i32 to index
        %swap3A_1090 = arith.index_cast %add3A_1010 : i32 to index
        %swap3A_1091 = arith.constant 96 : index
        %swap3A_1092 = tpu.vector_load %arg11[%swap3A_1089, %swap3A_1090, %swap3A_1091] {strides = array<i32>} : memref<3x80x128xf32, #tpu.memory_space<vmem>>, vector<1x1x16xf32>,
        %swap3A_1093 = vector.shape_cast %swap3A_1092 : vector<1x1x16xf32> to vector<16xf32>
        %swap3A_1094 = vector.shape_cast %mul3A_1088 : vector<16xf32> to vector<1x1x16xf32>
        tpu.vector_store %arg11[%swap3A_1089, %swap3A_1090, %swap3A_1091], %swap3A_1094 {strides = array<i32>} : memref<3x80x128xf32, #tpu.memory_space<vmem>>, vector<1x1x16xf32>,
        %get3A_1095 = arith.index_cast %rem3A_150 : i32 to index
        %get3A_1096 = arith.index_cast %add3A_1010 : i32 to index
        %get3A_1097 = arith.constant 112 : index
        %get3A_1098 = tpu.vector_load %arg11[%get3A_1095, %get3A_1096, %get3A_1097] {strides = array<i32>} : memref<3x80x128xf32, #tpu.memory_space<vmem>>, vector<1x1x16xf32>,
        %get3A_1099 = vector.shape_cast %get3A_1098 : vector<1x1x16xf32> to vector<16xf32>
        %mul3A_1100 = arith.mulf %get3A_1099, %broadcast_in_dim3A_1006 : vector<16xf32>
        %swap3A_1101 = arith.index_cast %rem3A_150 : i32 to index
        %swap3A_1102 = arith.index_cast %add3A_1010 : i32 to index
        %swap3A_1103 = arith.constant 112 : index
        %swap3A_1104 = tpu.vector_load %arg11[%swap3A_1101, %swap3A_1102, %swap3A_1103] {strides = array<i32>} : memref<3x80x128xf32, #tpu.memory_space<vmem>>, vector<1x1x16xf32>,
        %swap3A_1105 = vector.shape_cast %swap3A_1104 : vector<1x1x16xf32> to vector<16xf32>
        %swap3A_1106 = vector.shape_cast %mul3A_1100 : vector<16xf32> to vector<1x1x16xf32>
        tpu.vector_store %arg11[%swap3A_1101, %swap3A_1102, %swap3A_1103], %swap3A_1106 {strides = array<i32>} : memref<3x80x128xf32, #tpu.memory_space<vmem>>, vector<1x1x16xf32>,
        %slice3A_1107 = vector.extract_strided_slice %get3A_183 {offsets = [9], sizes = [1], strides = [1]} : vector<16xf32> to vector<1xf32>
        %squeeze3A_1108 = vector.extract %slice3A_1107[0] : f32 from vector<1xf32>
        %broadcast_in_dim3A_1109 = vector.broadcast %squeeze3A_1108 : f32 to vector<16xf32>
        %mul3A_1110 = arith.constant 16 : i32
        %mul3A_1111 = arith.muli %add3A_178, %mul3A_1110 : i32
        %add3A_1112 = arith.constant 9 : i32
        %add3A_1113 = arith.addi %mul3A_1111, %add3A_1112 : i32
        %get3A_1114 = arith.index_cast %rem3A_150 : i32 to index
        %get3A_1115 = arith.index_cast %add3A_1113 : i32 to index
        %get3A_1116 = arith.constant 0 : index
        %get3A_1117 = tpu.vector_load %arg11[%get3A_1114, %get3A_1115, %get3A_1116] {strides = array<i32>} : memref<3x80x128xf32, #tpu.memory_space<vmem>>, vector<1x1x16xf32>,
        %get3A_1118 = vector.shape_cast %get3A_1117 : vector<1x1x16xf32> to vector<16xf32>
        %mul3A_1119 = arith.mulf %get3A_1118, %broadcast_in_dim3A_1109 : vector<16xf32>
        %swap3A_1120 = arith.index_cast %rem3A_150 : i32 to index
        %swap3A_1121 = arith.index_cast %add3A_1113 : i32 to index
        %swap3A_1122 = arith.constant 0 : index
        %swap3A_1123 = tpu.vector_load %arg11[%swap3A_1120, %swap3A_1121, %swap3A_1122] {strides = array<i32>} : memref<3x80x128xf32, #tpu.memory_space<vmem>>, vector<1x1x16xf32>,
        %swap3A_1124 = vector.shape_cast %swap3A_1123 : vector<1x1x16xf32> to vector<16xf32>
        %swap3A_1125 = vector.shape_cast %mul3A_1119 : vector<16xf32> to vector<1x1x16xf32>
        tpu.vector_store %arg11[%swap3A_1120, %swap3A_1121, %swap3A_1122], %swap3A_1125 {strides = array<i32>} : memref<3x80x128xf32, #tpu.memory_space<vmem>>, vector<1x1x16xf32>,
        %get3A_1126 = arith.index_cast %rem3A_150 : i32 to index
        %get3A_1127 = arith.index_cast %add3A_1113 : i32 to index
        %get3A_1128 = arith.constant 16 : index
        %get3A_1129 = tpu.vector_load %arg11[%get3A_1126, %get3A_1127, %get3A_1128] {strides = array<i32>} : memref<3x80x128xf32, #tpu.memory_space<vmem>>, vector<1x1x16xf32>,
        %get3A_1130 = vector.shape_cast %get3A_1129 : vector<1x1x16xf32> to vector<16xf32>
        %mul3A_1131 = arith.mulf %get3A_1130, %broadcast_in_dim3A_1109 : vector<16xf32>
        %swap3A_1132 = arith.index_cast %rem3A_150 : i32 to index
        %swap3A_1133 = arith.index_cast %add3A_1113 : i32 to index
        %swap3A_1134 = arith.constant 16 : index
        %swap3A_1135 = tpu.vector_load %arg11[%swap3A_1132, %swap3A_1133, %swap3A_1134] {strides = array<i32>} : memref<3x80x128xf32, #tpu.memory_space<vmem>>, vector<1x1x16xf32>,
        %swap3A_1136 = vector.shape_cast %swap3A_1135 : vector<1x1x16xf32> to vector<16xf32>
        %swap3A_1137 = vector.shape_cast %mul3A_1131 : vector<16xf32> to vector<1x1x16xf32>
        tpu.vector_store %arg11[%swap3A_1132, %swap3A_1133, %swap3A_1134], %swap3A_1137 {strides = array<i32>} : memref<3x80x128xf32, #tpu.memory_space<vmem>>, vector<1x1x16xf32>,
        %get3A_1138 = arith.index_cast %rem3A_150 : i32 to index
        %get3A_1139 = arith.index_cast %add3A_1113 : i32 to index
        %get3A_1140 = arith.constant 32 : index
        %get3A_1141 = tpu.vector_load %arg11[%get3A_1138, %get3A_1139, %get3A_1140] {strides = array<i32>} : memref<3x80x128xf32, #tpu.memory_space<vmem>>, vector<1x1x16xf32>,
        %get3A_1142 = vector.shape_cast %get3A_1141 : vector<1x1x16xf32> to vector<16xf32>
        %mul3A_1143 = arith.mulf %get3A_1142, %broadcast_in_dim3A_1109 : vector<16xf32>
        %swap3A_1144 = arith.index_cast %rem3A_150 : i32 to index
        %swap3A_1145 = arith.index_cast %add3A_1113 : i32 to index
        %swap3A_1146 = arith.constant 32 : index
        %swap3A_1147 = tpu.vector_load %arg11[%swap3A_1144, %swap3A_1145, %swap3A_1146] {strides = array<i32>} : memref<3x80x128xf32, #tpu.memory_space<vmem>>, vector<1x1x16xf32>,
        %swap3A_1148 = vector.shape_cast %swap3A_1147 : vector<1x1x16xf32> to vector<16xf32>
        %swap3A_1149 = vector.shape_cast %mul3A_1143 : vector<16xf32> to vector<1x1x16xf32>
        tpu.vector_store %arg11[%swap3A_1144, %swap3A_1145, %swap3A_1146], %swap3A_1149 {strides = array<i32>} : memref<3x80x128xf32, #tpu.memory_space<vmem>>, vector<1x1x16xf32>,
        %get3A_1150 = arith.index_cast %rem3A_150 : i32 to index
        %get3A_1151 = arith.index_cast %add3A_1113 : i32 to index
        %get3A_1152 = arith.constant 48 : index
        %get3A_1153 = tpu.vector_load %arg11[%get3A_1150, %get3A_1151, %get3A_1152] {strides = array<i32>} : memref<3x80x128xf32, #tpu.memory_space<vmem>>, vector<1x1x16xf32>,
        %get3A_1154 = vector.shape_cast %get3A_1153 : vector<1x1x16xf32> to vector<16xf32>
        %mul3A_1155 = arith.mulf %get3A_1154, %broadcast_in_dim3A_1109 : vector<16xf32>
        %swap3A_1156 = arith.index_cast %rem3A_150 : i32 to index
        %swap3A_1157 = arith.index_cast %add3A_1113 : i32 to index
        %swap3A_1158 = arith.constant 48 : index
        %swap3A_1159 = tpu.vector_load %arg11[%swap3A_1156, %swap3A_1157, %swap3A_1158] {strides = array<i32>} : memref<3x80x128xf32, #tpu.memory_space<vmem>>, vector<1x1x16xf32>,
        %swap3A_1160 = vector.shape_cast %swap3A_1159 : vector<1x1x16xf32> to vector<16xf32>
        %swap3A_1161 = vector.shape_cast %mul3A_1155 : vector<16xf32> to vector<1x1x16xf32>
        tpu.vector_store %arg11[%swap3A_1156, %swap3A_1157, %swap3A_1158], %swap3A_1161 {strides = array<i32>} : memref<3x80x128xf32, #tpu.memory_space<vmem>>, vector<1x1x16xf32>,
        %get3A_1162 = arith.index_cast %rem3A_150 : i32 to index
        %get3A_1163 = arith.index_cast %add3A_1113 : i32 to index
        %get3A_1164 = arith.constant 64 : index
        %get3A_1165 = tpu.vector_load %arg11[%get3A_1162, %get3A_1163, %get3A_1164] {strides = array<i32>} : memref<3x80x128xf32, #tpu.memory_space<vmem>>, vector<1x1x16xf32>,
        %get3A_1166 = vector.shape_cast %get3A_1165 : vector<1x1x16xf32> to vector<16xf32>
        %mul3A_1167 = arith.mulf %get3A_1166, %broadcast_in_dim3A_1109 : vector<16xf32>
        %swap3A_1168 = arith.index_cast %rem3A_150 : i32 to index
        %swap3A_1169 = arith.index_cast %add3A_1113 : i32 to index
        %swap3A_1170 = arith.constant 64 : index
        %swap3A_1171 = tpu.vector_load %arg11[%swap3A_1168, %swap3A_1169, %swap3A_1170] {strides = array<i32>} : memref<3x80x128xf32, #tpu.memory_space<vmem>>, vector<1x1x16xf32>,
        %swap3A_1172 = vector.shape_cast %swap3A_1171 : vector<1x1x16xf32> to vector<16xf32>
        %swap3A_1173 = vector.shape_cast %mul3A_1167 : vector<16xf32> to vector<1x1x16xf32>
        tpu.vector_store %arg11[%swap3A_1168, %swap3A_1169, %swap3A_1170], %swap3A_1173 {strides = array<i32>} : memref<3x80x128xf32, #tpu.memory_space<vmem>>, vector<1x1x16xf32>,
        %get3A_1174 = arith.index_cast %rem3A_150 : i32 to index
        %get3A_1175 = arith.index_cast %add3A_1113 : i32 to index
        %get3A_1176 = arith.constant 80 : index
        %get3A_1177 = tpu.vector_load %arg11[%get3A_1174, %get3A_1175, %get3A_1176] {strides = array<i32>} : memref<3x80x128xf32, #tpu.memory_space<vmem>>, vector<1x1x16xf32>,
        %get3A_1178 = vector.shape_cast %get3A_1177 : vector<1x1x16xf32> to vector<16xf32>
        %mul3A_1179 = arith.mulf %get3A_1178, %broadcast_in_dim3A_1109 : vector<16xf32>
        %swap3A_1180 = arith.index_cast %rem3A_150 : i32 to index
        %swap3A_1181 = arith.index_cast %add3A_1113 : i32 to index
        %swap3A_1182 = arith.constant 80 : index
        %swap3A_1183 = tpu.vector_load %arg11[%swap3A_1180, %swap3A_1181, %swap3A_1182] {strides = array<i32>} : memref<3x80x128xf32, #tpu.memory_space<vmem>>, vector<1x1x16xf32>,
        %swap3A_1184 = vector.shape_cast %swap3A_1183 : vector<1x1x16xf32> to vector<16xf32>
        %swap3A_1185 = vector.shape_cast %mul3A_1179 : vector<16xf32> to vector<1x1x16xf32>
        tpu.vector_store %arg11[%swap3A_1180, %swap3A_1181, %swap3A_1182], %swap3A_1185 {strides = array<i32>} : memref<3x80x128xf32, #tpu.memory_space<vmem>>, vector<1x1x16xf32>,
        %get3A_1186 = arith.index_cast %rem3A_150 : i32 to index
        %get3A_1187 = arith.index_cast %add3A_1113 : i32 to index
        %get3A_1188 = arith.constant 96 : index
        %get3A_1189 = tpu.vector_load %arg11[%get3A_1186, %get3A_1187, %get3A_1188] {strides = array<i32>} : memref<3x80x128xf32, #tpu.memory_space<vmem>>, vector<1x1x16xf32>,
        %get3A_1190 = vector.shape_cast %get3A_1189 : vector<1x1x16xf32> to vector<16xf32>
        %mul3A_1191 = arith.mulf %get3A_1190, %broadcast_in_dim3A_1109 : vector<16xf32>
        %swap3A_1192 = arith.index_cast %rem3A_150 : i32 to index
        %swap3A_1193 = arith.index_cast %add3A_1113 : i32 to index
        %swap3A_1194 = arith.constant 96 : index
        %swap3A_1195 = tpu.vector_load %arg11[%swap3A_1192, %swap3A_1193, %swap3A_1194] {strides = array<i32>} : memref<3x80x128xf32, #tpu.memory_space<vmem>>, vector<1x1x16xf32>,
        %swap3A_1196 = vector.shape_cast %swap3A_1195 : vector<1x1x16xf32> to vector<16xf32>
        %swap3A_1197 = vector.shape_cast %mul3A_1191 : vector<16xf32> to vector<1x1x16xf32>
        tpu.vector_store %arg11[%swap3A_1192, %swap3A_1193, %swap3A_1194], %swap3A_1197 {strides = array<i32>} : memref<3x80x128xf32, #tpu.memory_space<vmem>>, vector<1x1x16xf32>,
        %get3A_1198 = arith.index_cast %rem3A_150 : i32 to index
        %get3A_1199 = arith.index_cast %add3A_1113 : i32 to index
        %get3A_1200 = arith.constant 112 : index
        %get3A_1201 = tpu.vector_load %arg11[%get3A_1198, %get3A_1199, %get3A_1200] {strides = array<i32>} : memref<3x80x128xf32, #tpu.memory_space<vmem>>, vector<1x1x16xf32>,
        %get3A_1202 = vector.shape_cast %get3A_1201 : vector<1x1x16xf32> to vector<16xf32>
        %mul3A_1203 = arith.mulf %get3A_1202, %broadcast_in_dim3A_1109 : vector<16xf32>
        %swap3A_1204 = arith.index_cast %rem3A_150 : i32 to index
        %swap3A_1205 = arith.index_cast %add3A_1113 : i32 to index
        %swap3A_1206 = arith.constant 112 : index
        %swap3A_1207 = tpu.vector_load %arg11[%swap3A_1204, %swap3A_1205, %swap3A_1206] {strides = array<i32>} : memref<3x80x128xf32, #tpu.memory_space<vmem>>, vector<1x1x16xf32>,
        %swap3A_1208 = vector.shape_cast %swap3A_1207 : vector<1x1x16xf32> to vector<16xf32>
        %swap3A_1209 = vector.shape_cast %mul3A_1203 : vector<16xf32> to vector<1x1x16xf32>
        tpu.vector_store %arg11[%swap3A_1204, %swap3A_1205, %swap3A_1206], %swap3A_1209 {strides = array<i32>} : memref<3x80x128xf32, #tpu.memory_space<vmem>>, vector<1x1x16xf32>,
        %slice3A_1210 = vector.extract_strided_slice %get3A_183 {offsets = [10], sizes = [1], strides = [1]} : vector<16xf32> to vector<1xf32>
        %squeeze3A_1211 = vector.extract %slice3A_1210[0] : f32 from vector<1xf32>
        %broadcast_in_dim3A_1212 = vector.broadcast %squeeze3A_1211 : f32 to vector<16xf32>
        %mul3A_1213 = arith.constant 16 : i32
        %mul3A_1214 = arith.muli %add3A_178, %mul3A_1213 : i32
        %add3A_1215 = arith.constant 10 : i32
        %add3A_1216 = arith.addi %mul3A_1214, %add3A_1215 : i32
        %get3A_1217 = arith.index_cast %rem3A_150 : i32 to index
        %get3A_1218 = arith.index_cast %add3A_1216 : i32 to index
        %get3A_1219 = arith.constant 0 : index
        %get3A_1220 = tpu.vector_load %arg11[%get3A_1217, %get3A_1218, %get3A_1219] {strides = array<i32>} : memref<3x80x128xf32, #tpu.memory_space<vmem>>, vector<1x1x16xf32>,
        %get3A_1221 = vector.shape_cast %get3A_1220 : vector<1x1x16xf32> to vector<16xf32>
        %mul3A_1222 = arith.mulf %get3A_1221, %broadcast_in_dim3A_1212 : vector<16xf32>
        %swap3A_1223 = arith.index_cast %rem3A_150 : i32 to index
        %swap3A_1224 = arith.index_cast %add3A_1216 : i32 to index
        %swap3A_1225 = arith.constant 0 : index
        %swap3A_1226 = tpu.vector_load %arg11[%swap3A_1223, %swap3A_1224, %swap3A_1225] {strides = array<i32>} : memref<3x80x128xf32, #tpu.memory_space<vmem>>, vector<1x1x16xf32>,
        %swap3A_1227 = vector.shape_cast %swap3A_1226 : vector<1x1x16xf32> to vector<16xf32>
        %swap3A_1228 = vector.shape_cast %mul3A_1222 : vector<16xf32> to vector<1x1x16xf32>
        tpu.vector_store %arg11[%swap3A_1223, %swap3A_1224, %swap3A_1225], %swap3A_1228 {strides = array<i32>} : memref<3x80x128xf32, #tpu.memory_space<vmem>>, vector<1x1x16xf32>,
        %get3A_1229 = arith.index_cast %rem3A_150 : i32 to index
        %get3A_1230 = arith.index_cast %add3A_1216 : i32 to index
        %get3A_1231 = arith.constant 16 : index
        %get3A_1232 = tpu.vector_load %arg11[%get3A_1229, %get3A_1230, %get3A_1231] {strides = array<i32>} : memref<3x80x128xf32, #tpu.memory_space<vmem>>, vector<1x1x16xf32>,
        %get3A_1233 = vector.shape_cast %get3A_1232 : vector<1x1x16xf32> to vector<16xf32>
        %mul3A_1234 = arith.mulf %get3A_1233, %broadcast_in_dim3A_1212 : vector<16xf32>
        %swap3A_1235 = arith.index_cast %rem3A_150 : i32 to index
        %swap3A_1236 = arith.index_cast %add3A_1216 : i32 to index
        %swap3A_1237 = arith.constant 16 : index
        %swap3A_1238 = tpu.vector_load %arg11[%swap3A_1235, %swap3A_1236, %swap3A_1237] {strides = array<i32>} : memref<3x80x128xf32, #tpu.memory_space<vmem>>, vector<1x1x16xf32>,
        %swap3A_1239 = vector.shape_cast %swap3A_1238 : vector<1x1x16xf32> to vector<16xf32>
        %swap3A_1240 = vector.shape_cast %mul3A_1234 : vector<16xf32> to vector<1x1x16xf32>
        tpu.vector_store %arg11[%swap3A_1235, %swap3A_1236, %swap3A_1237], %swap3A_1240 {strides = array<i32>} : memref<3x80x128xf32, #tpu.memory_space<vmem>>, vector<1x1x16xf32>,
        %get3A_1241 = arith.index_cast %rem3A_150 : i32 to index
        %get3A_1242 = arith.index_cast %add3A_1216 : i32 to index
        %get3A_1243 = arith.constant 32 : index
        %get3A_1244 = tpu.vector_load %arg11[%get3A_1241, %get3A_1242, %get3A_1243] {strides = array<i32>} : memref<3x80x128xf32, #tpu.memory_space<vmem>>, vector<1x1x16xf32>,
        %get3A_1245 = vector.shape_cast %get3A_1244 : vector<1x1x16xf32> to vector<16xf32>
        %mul3A_1246 = arith.mulf %get3A_1245, %broadcast_in_dim3A_1212 : vector<16xf32>
        %swap3A_1247 = arith.index_cast %rem3A_150 : i32 to index
        %swap3A_1248 = arith.index_cast %add3A_1216 : i32 to index
        %swap3A_1249 = arith.constant 32 : index
        %swap3A_1250 = tpu.vector_load %arg11[%swap3A_1247, %swap3A_1248, %swap3A_1249] {strides = array<i32>} : memref<3x80x128xf32, #tpu.memory_space<vmem>>, vector<1x1x16xf32>,
        %swap3A_1251 = vector.shape_cast %swap3A_1250 : vector<1x1x16xf32> to vector<16xf32>
        %swap3A_1252 = vector.shape_cast %mul3A_1246 : vector<16xf32> to vector<1x1x16xf32>
        tpu.vector_store %arg11[%swap3A_1247, %swap3A_1248, %swap3A_1249], %swap3A_1252 {strides = array<i32>} : memref<3x80x128xf32, #tpu.memory_space<vmem>>, vector<1x1x16xf32>,
        %get3A_1253 = arith.index_cast %rem3A_150 : i32 to index
        %get3A_1254 = arith.index_cast %add3A_1216 : i32 to index
        %get3A_1255 = arith.constant 48 : index
        %get3A_1256 = tpu.vector_load %arg11[%get3A_1253, %get3A_1254, %get3A_1255] {strides = array<i32>} : memref<3x80x128xf32, #tpu.memory_space<vmem>>, vector<1x1x16xf32>,
        %get3A_1257 = vector.shape_cast %get3A_1256 : vector<1x1x16xf32> to vector<16xf32>
        %mul3A_1258 = arith.mulf %get3A_1257, %broadcast_in_dim3A_1212 : vector<16xf32>
        %swap3A_1259 = arith.index_cast %rem3A_150 : i32 to index
        %swap3A_1260 = arith.index_cast %add3A_1216 : i32 to index
        %swap3A_1261 = arith.constant 48 : index
        %swap3A_1262 = tpu.vector_load %arg11[%swap3A_1259, %swap3A_1260, %swap3A_1261] {strides = array<i32>} : memref<3x80x128xf32, #tpu.memory_space<vmem>>, vector<1x1x16xf32>,
        %swap3A_1263 = vector.shape_cast %swap3A_1262 : vector<1x1x16xf32> to vector<16xf32>
        %swap3A_1264 = vector.shape_cast %mul3A_1258 : vector<16xf32> to vector<1x1x16xf32>
        tpu.vector_store %arg11[%swap3A_1259, %swap3A_1260, %swap3A_1261], %swap3A_1264 {strides = array<i32>} : memref<3x80x128xf32, #tpu.memory_space<vmem>>, vector<1x1x16xf32>,
        %get3A_1265 = arith.index_cast %rem3A_150 : i32 to index
        %get3A_1266 = arith.index_cast %add3A_1216 : i32 to index
        %get3A_1267 = arith.constant 64 : index
        %get3A_1268 = tpu.vector_load %arg11[%get3A_1265, %get3A_1266, %get3A_1267] {strides = array<i32>} : memref<3x80x128xf32, #tpu.memory_space<vmem>>, vector<1x1x16xf32>,
        %get3A_1269 = vector.shape_cast %get3A_1268 : vector<1x1x16xf32> to vector<16xf32>
        %mul3A_1270 = arith.mulf %get3A_1269, %broadcast_in_dim3A_1212 : vector<16xf32>
        %swap3A_1271 = arith.index_cast %rem3A_150 : i32 to index
        %swap3A_1272 = arith.index_cast %add3A_1216 : i32 to index
        %swap3A_1273 = arith.constant 64 : index
        %swap3A_1274 = tpu.vector_load %arg11[%swap3A_1271, %swap3A_1272, %swap3A_1273] {strides = array<i32>} : memref<3x80x128xf32, #tpu.memory_space<vmem>>, vector<1x1x16xf32>,
        %swap3A_1275 = vector.shape_cast %swap3A_1274 : vector<1x1x16xf32> to vector<16xf32>
        %swap3A_1276 = vector.shape_cast %mul3A_1270 : vector<16xf32> to vector<1x1x16xf32>
        tpu.vector_store %arg11[%swap3A_1271, %swap3A_1272, %swap3A_1273], %swap3A_1276 {strides = array<i32>} : memref<3x80x128xf32, #tpu.memory_space<vmem>>, vector<1x1x16xf32>,
        %get3A_1277 = arith.index_cast %rem3A_150 : i32 to index
        %get3A_1278 = arith.index_cast %add3A_1216 : i32 to index
        %get3A_1279 = arith.constant 80 : index
        %get3A_1280 = tpu.vector_load %arg11[%get3A_1277, %get3A_1278, %get3A_1279] {strides = array<i32>} : memref<3x80x128xf32, #tpu.memory_space<vmem>>, vector<1x1x16xf32>,
        %get3A_1281 = vector.shape_cast %get3A_1280 : vector<1x1x16xf32> to vector<16xf32>
        %mul3A_1282 = arith.mulf %get3A_1281, %broadcast_in_dim3A_1212 : vector<16xf32>
        %swap3A_1283 = arith.index_cast %rem3A_150 : i32 to index
        %swap3A_1284 = arith.index_cast %add3A_1216 : i32 to index
        %swap3A_1285 = arith.constant 80 : index
        %swap3A_1286 = tpu.vector_load %arg11[%swap3A_1283, %swap3A_1284, %swap3A_1285] {strides = array<i32>} : memref<3x80x128xf32, #tpu.memory_space<vmem>>, vector<1x1x16xf32>,
        %swap3A_1287 = vector.shape_cast %swap3A_1286 : vector<1x1x16xf32> to vector<16xf32>
        %swap3A_1288 = vector.shape_cast %mul3A_1282 : vector<16xf32> to vector<1x1x16xf32>
        tpu.vector_store %arg11[%swap3A_1283, %swap3A_1284, %swap3A_1285], %swap3A_1288 {strides = array<i32>} : memref<3x80x128xf32, #tpu.memory_space<vmem>>, vector<1x1x16xf32>,
        %get3A_1289 = arith.index_cast %rem3A_150 : i32 to index
        %get3A_1290 = arith.index_cast %add3A_1216 : i32 to index
        %get3A_1291 = arith.constant 96 : index
        %get3A_1292 = tpu.vector_load %arg11[%get3A_1289, %get3A_1290, %get3A_1291] {strides = array<i32>} : memref<3x80x128xf32, #tpu.memory_space<vmem>>, vector<1x1x16xf32>,
        %get3A_1293 = vector.shape_cast %get3A_1292 : vector<1x1x16xf32> to vector<16xf32>
        %mul3A_1294 = arith.mulf %get3A_1293, %broadcast_in_dim3A_1212 : vector<16xf32>
        %swap3A_1295 = arith.index_cast %rem3A_150 : i32 to index
        %swap3A_1296 = arith.index_cast %add3A_1216 : i32 to index
        %swap3A_1297 = arith.constant 96 : index
        %swap3A_1298 = tpu.vector_load %arg11[%swap3A_1295, %swap3A_1296, %swap3A_1297] {strides = array<i32>} : memref<3x80x128xf32, #tpu.memory_space<vmem>>, vector<1x1x16xf32>,
        %swap3A_1299 = vector.shape_cast %swap3A_1298 : vector<1x1x16xf32> to vector<16xf32>
        %swap3A_1300 = vector.shape_cast %mul3A_1294 : vector<16xf32> to vector<1x1x16xf32>
        tpu.vector_store %arg11[%swap3A_1295, %swap3A_1296, %swap3A_1297], %swap3A_1300 {strides = array<i32>} : memref<3x80x128xf32, #tpu.memory_space<vmem>>, vector<1x1x16xf32>,
        %get3A_1301 = arith.index_cast %rem3A_150 : i32 to index
        %get3A_1302 = arith.index_cast %add3A_1216 : i32 to index
        %get3A_1303 = arith.constant 112 : index
        %get3A_1304 = tpu.vector_load %arg11[%get3A_1301, %get3A_1302, %get3A_1303] {strides = array<i32>} : memref<3x80x128xf32, #tpu.memory_space<vmem>>, vector<1x1x16xf32>,
        %get3A_1305 = vector.shape_cast %get3A_1304 : vector<1x1x16xf32> to vector<16xf32>
        %mul3A_1306 = arith.mulf %get3A_1305, %broadcast_in_dim3A_1212 : vector<16xf32>
        %swap3A_1307 = arith.index_cast %rem3A_150 : i32 to index
        %swap3A_1308 = arith.index_cast %add3A_1216 : i32 to index
        %swap3A_1309 = arith.constant 112 : index
        %swap3A_1310 = tpu.vector_load %arg11[%swap3A_1307, %swap3A_1308, %swap3A_1309] {strides = array<i32>} : memref<3x80x128xf32, #tpu.memory_space<vmem>>, vector<1x1x16xf32>,
        %swap3A_1311 = vector.shape_cast %swap3A_1310 : vector<1x1x16xf32> to vector<16xf32>
        %swap3A_1312 = vector.shape_cast %mul3A_1306 : vector<16xf32> to vector<1x1x16xf32>
        tpu.vector_store %arg11[%swap3A_1307, %swap3A_1308, %swap3A_1309], %swap3A_1312 {strides = array<i32>} : memref<3x80x128xf32, #tpu.memory_space<vmem>>, vector<1x1x16xf32>,
        %slice3A_1313 = vector.extract_strided_slice %get3A_183 {offsets = [11], sizes = [1], strides = [1]} : vector<16xf32> to vector<1xf32>
        %squeeze3A_1314 = vector.extract %slice3A_1313[0] : f32 from vector<1xf32>
        %broadcast_in_dim3A_1315 = vector.broadcast %squeeze3A_1314 : f32 to vector<16xf32>
        %mul3A_1316 = arith.constant 16 : i32
        %mul3A_1317 = arith.muli %add3A_178, %mul3A_1316 : i32
        %add3A_1318 = arith.constant 11 : i32
        %add3A_1319 = arith.addi %mul3A_1317, %add3A_1318 : i32
        %get3A_1320 = arith.index_cast %rem3A_150 : i32 to index
        %get3A_1321 = arith.index_cast %add3A_1319 : i32 to index
        %get3A_1322 = arith.constant 0 : index
        %get3A_1323 = tpu.vector_load %arg11[%get3A_1320, %get3A_1321, %get3A_1322] {strides = array<i32>} : memref<3x80x128xf32, #tpu.memory_space<vmem>>, vector<1x1x16xf32>,
        %get3A_1324 = vector.shape_cast %get3A_1323 : vector<1x1x16xf32> to vector<16xf32>
        %mul3A_1325 = arith.mulf %get3A_1324, %broadcast_in_dim3A_1315 : vector<16xf32>
        %swap3A_1326 = arith.index_cast %rem3A_150 : i32 to index
        %swap3A_1327 = arith.index_cast %add3A_1319 : i32 to index
        %swap3A_1328 = arith.constant 0 : index
        %swap3A_1329 = tpu.vector_load %arg11[%swap3A_1326, %swap3A_1327, %swap3A_1328] {strides = array<i32>} : memref<3x80x128xf32, #tpu.memory_space<vmem>>, vector<1x1x16xf32>,
        %swap3A_1330 = vector.shape_cast %swap3A_1329 : vector<1x1x16xf32> to vector<16xf32>
        %swap3A_1331 = vector.shape_cast %mul3A_1325 : vector<16xf32> to vector<1x1x16xf32>
        tpu.vector_store %arg11[%swap3A_1326, %swap3A_1327, %swap3A_1328], %swap3A_1331 {strides = array<i32>} : memref<3x80x128xf32, #tpu.memory_space<vmem>>, vector<1x1x16xf32>,
        %get3A_1332 = arith.index_cast %rem3A_150 : i32 to index
        %get3A_1333 = arith.index_cast %add3A_1319 : i32 to index
        %get3A_1334 = arith.constant 16 : index
        %get3A_1335 = tpu.vector_load %arg11[%get3A_1332, %get3A_1333, %get3A_1334] {strides = array<i32>} : memref<3x80x128xf32, #tpu.memory_space<vmem>>, vector<1x1x16xf32>,
        %get3A_1336 = vector.shape_cast %get3A_1335 : vector<1x1x16xf32> to vector<16xf32>
        %mul3A_1337 = arith.mulf %get3A_1336, %broadcast_in_dim3A_1315 : vector<16xf32>
        %swap3A_1338 = arith.index_cast %rem3A_150 : i32 to index
        %swap3A_1339 = arith.index_cast %add3A_1319 : i32 to index
        %swap3A_1340 = arith.constant 16 : index
        %swap3A_1341 = tpu.vector_load %arg11[%swap3A_1338, %swap3A_1339, %swap3A_1340] {strides = array<i32>} : memref<3x80x128xf32, #tpu.memory_space<vmem>>, vector<1x1x16xf32>,
        %swap3A_1342 = vector.shape_cast %swap3A_1341 : vector<1x1x16xf32> to vector<16xf32>
        %swap3A_1343 = vector.shape_cast %mul3A_1337 : vector<16xf32> to vector<1x1x16xf32>
        tpu.vector_store %arg11[%swap3A_1338, %swap3A_1339, %swap3A_1340], %swap3A_1343 {strides = array<i32>} : memref<3x80x128xf32, #tpu.memory_space<vmem>>, vector<1x1x16xf32>,
        %get3A_1344 = arith.index_cast %rem3A_150 : i32 to index
        %get3A_1345 = arith.index_cast %add3A_1319 : i32 to index
        %get3A_1346 = arith.constant 32 : index
        %get3A_1347 = tpu.vector_load %arg11[%get3A_1344, %get3A_1345, %get3A_1346] {strides = array<i32>} : memref<3x80x128xf32, #tpu.memory_space<vmem>>, vector<1x1x16xf32>,
        %get3A_1348 = vector.shape_cast %get3A_1347 : vector<1x1x16xf32> to vector<16xf32>
        %mul3A_1349 = arith.mulf %get3A_1348, %broadcast_in_dim3A_1315 : vector<16xf32>
        %swap3A_1350 = arith.index_cast %rem3A_150 : i32 to index
        %swap3A_1351 = arith.index_cast %add3A_1319 : i32 to index
        %swap3A_1352 = arith.constant 32 : index
        %swap3A_1353 = tpu.vector_load %arg11[%swap3A_1350, %swap3A_1351, %swap3A_1352] {strides = array<i32>} : memref<3x80x128xf32, #tpu.memory_space<vmem>>, vector<1x1x16xf32>,
        %swap3A_1354 = vector.shape_cast %swap3A_1353 : vector<1x1x16xf32> to vector<16xf32>
        %swap3A_1355 = vector.shape_cast %mul3A_1349 : vector<16xf32> to vector<1x1x16xf32>
        tpu.vector_store %arg11[%swap3A_1350, %swap3A_1351, %swap3A_1352], %swap3A_1355 {strides = array<i32>} : memref<3x80x128xf32, #tpu.memory_space<vmem>>, vector<1x1x16xf32>,
        %get3A_1356 = arith.index_cast %rem3A_150 : i32 to index
        %get3A_1357 = arith.index_cast %add3A_1319 : i32 to index
        %get3A_1358 = arith.constant 48 : index
        %get3A_1359 = tpu.vector_load %arg11[%get3A_1356, %get3A_1357, %get3A_1358] {strides = array<i32>} : memref<3x80x128xf32, #tpu.memory_space<vmem>>, vector<1x1x16xf32>,
        %get3A_1360 = vector.shape_cast %get3A_1359 : vector<1x1x16xf32> to vector<16xf32>
        %mul3A_1361 = arith.mulf %get3A_1360, %broadcast_in_dim3A_1315 : vector<16xf32>
        %swap3A_1362 = arith.index_cast %rem3A_150 : i32 to index
        %swap3A_1363 = arith.index_cast %add3A_1319 : i32 to index
        %swap3A_1364 = arith.constant 48 : index
        %swap3A_1365 = tpu.vector_load %arg11[%swap3A_1362, %swap3A_1363, %swap3A_1364] {strides = array<i32>} : memref<3x80x128xf32, #tpu.memory_space<vmem>>, vector<1x1x16xf32>,
        %swap3A_1366 = vector.shape_cast %swap3A_1365 : vector<1x1x16xf32> to vector<16xf32>
        %swap3A_1367 = vector.shape_cast %mul3A_1361 : vector<16xf32> to vector<1x1x16xf32>
        tpu.vector_store %arg11[%swap3A_1362, %swap3A_1363, %swap3A_1364], %swap3A_1367 {strides = array<i32>} : memref<3x80x128xf32, #tpu.memory_space<vmem>>, vector<1x1x16xf32>,
        %get3A_1368 = arith.index_cast %rem3A_150 : i32 to index
        %get3A_1369 = arith.index_cast %add3A_1319 : i32 to index
        %get3A_1370 = arith.constant 64 : index
        %get3A_1371 = tpu.vector_load %arg11[%get3A_1368, %get3A_1369, %get3A_1370] {strides = array<i32>} : memref<3x80x128xf32, #tpu.memory_space<vmem>>, vector<1x1x16xf32>,
        %get3A_1372 = vector.shape_cast %get3A_1371 : vector<1x1x16xf32> to vector<16xf32>
        %mul3A_1373 = arith.mulf %get3A_1372, %broadcast_in_dim3A_1315 : vector<16xf32>
        %swap3A_1374 = arith.index_cast %rem3A_150 : i32 to index
        %swap3A_1375 = arith.index_cast %add3A_1319 : i32 to index
        %swap3A_1376 = arith.constant 64 : index
        %swap3A_1377 = tpu.vector_load %arg11[%swap3A_1374, %swap3A_1375, %swap3A_1376] {strides = array<i32>} : memref<3x80x128xf32, #tpu.memory_space<vmem>>, vector<1x1x16xf32>,
        %swap3A_1378 = vector.shape_cast %swap3A_1377 : vector<1x1x16xf32> to vector<16xf32>
        %swap3A_1379 = vector.shape_cast %mul3A_1373 : vector<16xf32> to vector<1x1x16xf32>
        tpu.vector_store %arg11[%swap3A_1374, %swap3A_1375, %swap3A_1376], %swap3A_1379 {strides = array<i32>} : memref<3x80x128xf32, #tpu.memory_space<vmem>>, vector<1x1x16xf32>,
        %get3A_1380 = arith.index_cast %rem3A_150 : i32 to index
        %get3A_1381 = arith.index_cast %add3A_1319 : i32 to index
        %get3A_1382 = arith.constant 80 : index
        %get3A_1383 = tpu.vector_load %arg11[%get3A_1380, %get3A_1381, %get3A_1382] {strides = array<i32>} : memref<3x80x128xf32, #tpu.memory_space<vmem>>, vector<1x1x16xf32>,
        %get3A_1384 = vector.shape_cast %get3A_1383 : vector<1x1x16xf32> to vector<16xf32>
        %mul3A_1385 = arith.mulf %get3A_1384, %broadcast_in_dim3A_1315 : vector<16xf32>
        %swap3A_1386 = arith.index_cast %rem3A_150 : i32 to index
        %swap3A_1387 = arith.index_cast %add3A_1319 : i32 to index
        %swap3A_1388 = arith.constant 80 : index
        %swap3A_1389 = tpu.vector_load %arg11[%swap3A_1386, %swap3A_1387, %swap3A_1388] {strides = array<i32>} : memref<3x80x128xf32, #tpu.memory_space<vmem>>, vector<1x1x16xf32>,
        %swap3A_1390 = vector.shape_cast %swap3A_1389 : vector<1x1x16xf32> to vector<16xf32>
        %swap3A_1391 = vector.shape_cast %mul3A_1385 : vector<16xf32> to vector<1x1x16xf32>
        tpu.vector_store %arg11[%swap3A_1386, %swap3A_1387, %swap3A_1388], %swap3A_1391 {strides = array<i32>} : memref<3x80x128xf32, #tpu.memory_space<vmem>>, vector<1x1x16xf32>,
        %get3A_1392 = arith.index_cast %rem3A_150 : i32 to index
        %get3A_1393 = arith.index_cast %add3A_1319 : i32 to index
        %get3A_1394 = arith.constant 96 : index
        %get3A_1395 = tpu.vector_load %arg11[%get3A_1392, %get3A_1393, %get3A_1394] {strides = array<i32>} : memref<3x80x128xf32, #tpu.memory_space<vmem>>, vector<1x1x16xf32>,
        %get3A_1396 = vector.shape_cast %get3A_1395 : vector<1x1x16xf32> to vector<16xf32>
        %mul3A_1397 = arith.mulf %get3A_1396, %broadcast_in_dim3A_1315 : vector<16xf32>
        %swap3A_1398 = arith.index_cast %rem3A_150 : i32 to index
        %swap3A_1399 = arith.index_cast %add3A_1319 : i32 to index
        %swap3A_1400 = arith.constant 96 : index
        %swap3A_1401 = tpu.vector_load %arg11[%swap3A_1398, %swap3A_1399, %swap3A_1400] {strides = array<i32>} : memref<3x80x128xf32, #tpu.memory_space<vmem>>, vector<1x1x16xf32>,
        %swap3A_1402 = vector.shape_cast %swap3A_1401 : vector<1x1x16xf32> to vector<16xf32>
        %swap3A_1403 = vector.shape_cast %mul3A_1397 : vector<16xf32> to vector<1x1x16xf32>
        tpu.vector_store %arg11[%swap3A_1398, %swap3A_1399, %swap3A_1400], %swap3A_1403 {strides = array<i32>} : memref<3x80x128xf32, #tpu.memory_space<vmem>>, vector<1x1x16xf32>,
        %get3A_1404 = arith.index_cast %rem3A_150 : i32 to index
        %get3A_1405 = arith.index_cast %add3A_1319 : i32 to index
        %get3A_1406 = arith.constant 112 : index
        %get3A_1407 = tpu.vector_load %arg11[%get3A_1404, %get3A_1405, %get3A_1406] {strides = array<i32>} : memref<3x80x128xf32, #tpu.memory_space<vmem>>, vector<1x1x16xf32>,
        %get3A_1408 = vector.shape_cast %get3A_1407 : vector<1x1x16xf32> to vector<16xf32>
        %mul3A_1409 = arith.mulf %get3A_1408, %broadcast_in_dim3A_1315 : vector<16xf32>
        %swap3A_1410 = arith.index_cast %rem3A_150 : i32 to index
        %swap3A_1411 = arith.index_cast %add3A_1319 : i32 to index
        %swap3A_1412 = arith.constant 112 : index
        %swap3A_1413 = tpu.vector_load %arg11[%swap3A_1410, %swap3A_1411, %swap3A_1412] {strides = array<i32>} : memref<3x80x128xf32, #tpu.memory_space<vmem>>, vector<1x1x16xf32>,
        %swap3A_1414 = vector.shape_cast %swap3A_1413 : vector<1x1x16xf32> to vector<16xf32>
        %swap3A_1415 = vector.shape_cast %mul3A_1409 : vector<16xf32> to vector<1x1x16xf32>
        tpu.vector_store %arg11[%swap3A_1410, %swap3A_1411, %swap3A_1412], %swap3A_1415 {strides = array<i32>} : memref<3x80x128xf32, #tpu.memory_space<vmem>>, vector<1x1x16xf32>,
        %slice3A_1416 = vector.extract_strided_slice %get3A_183 {offsets = [12], sizes = [1], strides = [1]} : vector<16xf32> to vector<1xf32>
        %squeeze3A_1417 = vector.extract %slice3A_1416[0] : f32 from vector<1xf32>
        %broadcast_in_dim3A_1418 = vector.broadcast %squeeze3A_1417 : f32 to vector<16xf32>
        %mul3A_1419 = arith.constant 16 : i32
        %mul3A_1420 = arith.muli %add3A_178, %mul3A_1419 : i32
        %add3A_1421 = arith.constant 12 : i32
        %add3A_1422 = arith.addi %mul3A_1420, %add3A_1421 : i32
        %get3A_1423 = arith.index_cast %rem3A_150 : i32 to index
        %get3A_1424 = arith.index_cast %add3A_1422 : i32 to index
        %get3A_1425 = arith.constant 0 : index
        %get3A_1426 = tpu.vector_load %arg11[%get3A_1423, %get3A_1424, %get3A_1425] {strides = array<i32>} : memref<3x80x128xf32, #tpu.memory_space<vmem>>, vector<1x1x16xf32>,
        %get3A_1427 = vector.shape_cast %get3A_1426 : vector<1x1x16xf32> to vector<16xf32>
        %mul3A_1428 = arith.mulf %get3A_1427, %broadcast_in_dim3A_1418 : vector<16xf32>
        %swap3A_1429 = arith.index_cast %rem3A_150 : i32 to index
        %swap3A_1430 = arith.index_cast %add3A_1422 : i32 to index
        %swap3A_1431 = arith.constant 0 : index
        %swap3A_1432 = tpu.vector_load %arg11[%swap3A_1429, %swap3A_1430, %swap3A_1431] {strides = array<i32>} : memref<3x80x128xf32, #tpu.memory_space<vmem>>, vector<1x1x16xf32>,
        %swap3A_1433 = vector.shape_cast %swap3A_1432 : vector<1x1x16xf32> to vector<16xf32>
        %swap3A_1434 = vector.shape_cast %mul3A_1428 : vector<16xf32> to vector<1x1x16xf32>
        tpu.vector_store %arg11[%swap3A_1429, %swap3A_1430, %swap3A_1431], %swap3A_1434 {strides = array<i32>} : memref<3x80x128xf32, #tpu.memory_space<vmem>>, vector<1x1x16xf32>,
        %get3A_1435 = arith.index_cast %rem3A_150 : i32 to index
        %get3A_1436 = arith.index_cast %add3A_1422 : i32 to index
        %get3A_1437 = arith.constant 16 : index
        %get3A_1438 = tpu.vector_load %arg11[%get3A_1435, %get3A_1436, %get3A_1437] {strides = array<i32>} : memref<3x80x128xf32, #tpu.memory_space<vmem>>, vector<1x1x16xf32>,
        %get3A_1439 = vector.shape_cast %get3A_1438 : vector<1x1x16xf32> to vector<16xf32>
        %mul3A_1440 = arith.mulf %get3A_1439, %broadcast_in_dim3A_1418 : vector<16xf32>
        %swap3A_1441 = arith.index_cast %rem3A_150 : i32 to index
        %swap3A_1442 = arith.index_cast %add3A_1422 : i32 to index
        %swap3A_1443 = arith.constant 16 : index
        %swap3A_1444 = tpu.vector_load %arg11[%swap3A_1441, %swap3A_1442, %swap3A_1443] {strides = array<i32>} : memref<3x80x128xf32, #tpu.memory_space<vmem>>, vector<1x1x16xf32>,
        %swap3A_1445 = vector.shape_cast %swap3A_1444 : vector<1x1x16xf32> to vector<16xf32>
        %swap3A_1446 = vector.shape_cast %mul3A_1440 : vector<16xf32> to vector<1x1x16xf32>
        tpu.vector_store %arg11[%swap3A_1441, %swap3A_1442, %swap3A_1443], %swap3A_1446 {strides = array<i32>} : memref<3x80x128xf32, #tpu.memory_space<vmem>>, vector<1x1x16xf32>,
        %get3A_1447 = arith.index_cast %rem3A_150 : i32 to index
        %get3A_1448 = arith.index_cast %add3A_1422 : i32 to index
        %get3A_1449 = arith.constant 32 : index
        %get3A_1450 = tpu.vector_load %arg11[%get3A_1447, %get3A_1448, %get3A_1449] {strides = array<i32>} : memref<3x80x128xf32, #tpu.memory_space<vmem>>, vector<1x1x16xf32>,
        %get3A_1451 = vector.shape_cast %get3A_1450 : vector<1x1x16xf32> to vector<16xf32>
        %mul3A_1452 = arith.mulf %get3A_1451, %broadcast_in_dim3A_1418 : vector<16xf32>
        %swap3A_1453 = arith.index_cast %rem3A_150 : i32 to index
        %swap3A_1454 = arith.index_cast %add3A_1422 : i32 to index
        %swap3A_1455 = arith.constant 32 : index
        %swap3A_1456 = tpu.vector_load %arg11[%swap3A_1453, %swap3A_1454, %swap3A_1455] {strides = array<i32>} : memref<3x80x128xf32, #tpu.memory_space<vmem>>, vector<1x1x16xf32>,
        %swap3A_1457 = vector.shape_cast %swap3A_1456 : vector<1x1x16xf32> to vector<16xf32>
        %swap3A_1458 = vector.shape_cast %mul3A_1452 : vector<16xf32> to vector<1x1x16xf32>
        tpu.vector_store %arg11[%swap3A_1453, %swap3A_1454, %swap3A_1455], %swap3A_1458 {strides = array<i32>} : memref<3x80x128xf32, #tpu.memory_space<vmem>>, vector<1x1x16xf32>,
        %get3A_1459 = arith.index_cast %rem3A_150 : i32 to index
        %get3A_1460 = arith.index_cast %add3A_1422 : i32 to index
        %get3A_1461 = arith.constant 48 : index
        %get3A_1462 = tpu.vector_load %arg11[%get3A_1459, %get3A_1460, %get3A_1461] {strides = array<i32>} : memref<3x80x128xf32, #tpu.memory_space<vmem>>, vector<1x1x16xf32>,
        %get3A_1463 = vector.shape_cast %get3A_1462 : vector<1x1x16xf32> to vector<16xf32>
        %mul3A_1464 = arith.mulf %get3A_1463, %broadcast_in_dim3A_1418 : vector<16xf32>
        %swap3A_1465 = arith.index_cast %rem3A_150 : i32 to index
        %swap3A_1466 = arith.index_cast %add3A_1422 : i32 to index
        %swap3A_1467 = arith.constant 48 : index
        %swap3A_1468 = tpu.vector_load %arg11[%swap3A_1465, %swap3A_1466, %swap3A_1467] {strides = array<i32>} : memref<3x80x128xf32, #tpu.memory_space<vmem>>, vector<1x1x16xf32>,
        %swap3A_1469 = vector.shape_cast %swap3A_1468 : vector<1x1x16xf32> to vector<16xf32>
        %swap3A_1470 = vector.shape_cast %mul3A_1464 : vector<16xf32> to vector<1x1x16xf32>
        tpu.vector_store %arg11[%swap3A_1465, %swap3A_1466, %swap3A_1467], %swap3A_1470 {strides = array<i32>} : memref<3x80x128xf32, #tpu.memory_space<vmem>>, vector<1x1x16xf32>,
        %get3A_1471 = arith.index_cast %rem3A_150 : i32 to index
        %get3A_1472 = arith.index_cast %add3A_1422 : i32 to index
        %get3A_1473 = arith.constant 64 : index
        %get3A_1474 = tpu.vector_load %arg11[%get3A_1471, %get3A_1472, %get3A_1473] {strides = array<i32>} : memref<3x80x128xf32, #tpu.memory_space<vmem>>, vector<1x1x16xf32>,
        %get3A_1475 = vector.shape_cast %get3A_1474 : vector<1x1x16xf32> to vector<16xf32>
        %mul3A_1476 = arith.mulf %get3A_1475, %broadcast_in_dim3A_1418 : vector<16xf32>
        %swap3A_1477 = arith.index_cast %rem3A_150 : i32 to index
        %swap3A_1478 = arith.index_cast %add3A_1422 : i32 to index
        %swap3A_1479 = arith.constant 64 : index
        %swap3A_1480 = tpu.vector_load %arg11[%swap3A_1477, %swap3A_1478, %swap3A_1479] {strides = array<i32>} : memref<3x80x128xf32, #tpu.memory_space<vmem>>, vector<1x1x16xf32>,
        %swap3A_1481 = vector.shape_cast %swap3A_1480 : vector<1x1x16xf32> to vector<16xf32>
        %swap3A_1482 = vector.shape_cast %mul3A_1476 : vector<16xf32> to vector<1x1x16xf32>
        tpu.vector_store %arg11[%swap3A_1477, %swap3A_1478, %swap3A_1479], %swap3A_1482 {strides = array<i32>} : memref<3x80x128xf32, #tpu.memory_space<vmem>>, vector<1x1x16xf32>,
        %get3A_1483 = arith.index_cast %rem3A_150 : i32 to index
        %get3A_1484 = arith.index_cast %add3A_1422 : i32 to index
        %get3A_1485 = arith.constant 80 : index
        %get3A_1486 = tpu.vector_load %arg11[%get3A_1483, %get3A_1484, %get3A_1485] {strides = array<i32>} : memref<3x80x128xf32, #tpu.memory_space<vmem>>, vector<1x1x16xf32>,
        %get3A_1487 = vector.shape_cast %get3A_1486 : vector<1x1x16xf32> to vector<16xf32>
        %mul3A_1488 = arith.mulf %get3A_1487, %broadcast_in_dim3A_1418 : vector<16xf32>
        %swap3A_1489 = arith.index_cast %rem3A_150 : i32 to index
        %swap3A_1490 = arith.index_cast %add3A_1422 : i32 to index
        %swap3A_1491 = arith.constant 80 : index
        %swap3A_1492 = tpu.vector_load %arg11[%swap3A_1489, %swap3A_1490, %swap3A_1491] {strides = array<i32>} : memref<3x80x128xf32, #tpu.memory_space<vmem>>, vector<1x1x16xf32>,
        %swap3A_1493 = vector.shape_cast %swap3A_1492 : vector<1x1x16xf32> to vector<16xf32>
        %swap3A_1494 = vector.shape_cast %mul3A_1488 : vector<16xf32> to vector<1x1x16xf32>
        tpu.vector_store %arg11[%swap3A_1489, %swap3A_1490, %swap3A_1491], %swap3A_1494 {strides = array<i32>} : memref<3x80x128xf32, #tpu.memory_space<vmem>>, vector<1x1x16xf32>,
        %get3A_1495 = arith.index_cast %rem3A_150 : i32 to index
        %get3A_1496 = arith.index_cast %add3A_1422 : i32 to index
        %get3A_1497 = arith.constant 96 : index
        %get3A_1498 = tpu.vector_load %arg11[%get3A_1495, %get3A_1496, %get3A_1497] {strides = array<i32>} : memref<3x80x128xf32, #tpu.memory_space<vmem>>, vector<1x1x16xf32>,
        %get3A_1499 = vector.shape_cast %get3A_1498 : vector<1x1x16xf32> to vector<16xf32>
        %mul3A_1500 = arith.mulf %get3A_1499, %broadcast_in_dim3A_1418 : vector<16xf32>
        %swap3A_1501 = arith.index_cast %rem3A_150 : i32 to index
        %swap3A_1502 = arith.index_cast %add3A_1422 : i32 to index
        %swap3A_1503 = arith.constant 96 : index
        %swap3A_1504 = tpu.vector_load %arg11[%swap3A_1501, %swap3A_1502, %swap3A_1503] {strides = array<i32>} : memref<3x80x128xf32, #tpu.memory_space<vmem>>, vector<1x1x16xf32>,
        %swap3A_1505 = vector.shape_cast %swap3A_1504 : vector<1x1x16xf32> to vector<16xf32>
        %swap3A_1506 = vector.shape_cast %mul3A_1500 : vector<16xf32> to vector<1x1x16xf32>
        tpu.vector_store %arg11[%swap3A_1501, %swap3A_1502, %swap3A_1503], %swap3A_1506 {strides = array<i32>} : memref<3x80x128xf32, #tpu.memory_space<vmem>>, vector<1x1x16xf32>,
        %get3A_1507 = arith.index_cast %rem3A_150 : i32 to index
        %get3A_1508 = arith.index_cast %add3A_1422 : i32 to index
        %get3A_1509 = arith.constant 112 : index
        %get3A_1510 = tpu.vector_load %arg11[%get3A_1507, %get3A_1508, %get3A_1509] {strides = array<i32>} : memref<3x80x128xf32, #tpu.memory_space<vmem>>, vector<1x1x16xf32>,
        %get3A_1511 = vector.shape_cast %get3A_1510 : vector<1x1x16xf32> to vector<16xf32>
        %mul3A_1512 = arith.mulf %get3A_1511, %broadcast_in_dim3A_1418 : vector<16xf32>
        %swap3A_1513 = arith.index_cast %rem3A_150 : i32 to index
        %swap3A_1514 = arith.index_cast %add3A_1422 : i32 to index
        %swap3A_1515 = arith.constant 112 : index
        %swap3A_1516 = tpu.vector_load %arg11[%swap3A_1513, %swap3A_1514, %swap3A_1515] {strides = array<i32>} : memref<3x80x128xf32, #tpu.memory_space<vmem>>, vector<1x1x16xf32>,
        %swap3A_1517 = vector.shape_cast %swap3A_1516 : vector<1x1x16xf32> to vector<16xf32>
        %swap3A_1518 = vector.shape_cast %mul3A_1512 : vector<16xf32> to vector<1x1x16xf32>
        tpu.vector_store %arg11[%swap3A_1513, %swap3A_1514, %swap3A_1515], %swap3A_1518 {strides = array<i32>} : memref<3x80x128xf32, #tpu.memory_space<vmem>>, vector<1x1x16xf32>,
        %slice3A_1519 = vector.extract_strided_slice %get3A_183 {offsets = [13], sizes = [1], strides = [1]} : vector<16xf32> to vector<1xf32>
        %squeeze3A_1520 = vector.extract %slice3A_1519[0] : f32 from vector<1xf32>
        %broadcast_in_dim3A_1521 = vector.broadcast %squeeze3A_1520 : f32 to vector<16xf32>
        %mul3A_1522 = arith.constant 16 : i32
        %mul3A_1523 = arith.muli %add3A_178, %mul3A_1522 : i32
        %add3A_1524 = arith.constant 13 : i32
        %add3A_1525 = arith.addi %mul3A_1523, %add3A_1524 : i32
        %get3A_1526 = arith.index_cast %rem3A_150 : i32 to index
        %get3A_1527 = arith.index_cast %add3A_1525 : i32 to index
        %get3A_1528 = arith.constant 0 : index
        %get3A_1529 = tpu.vector_load %arg11[%get3A_1526, %get3A_1527, %get3A_1528] {strides = array<i32>} : memref<3x80x128xf32, #tpu.memory_space<vmem>>, vector<1x1x16xf32>,
        %get3A_1530 = vector.shape_cast %get3A_1529 : vector<1x1x16xf32> to vector<16xf32>
        %mul3A_1531 = arith.mulf %get3A_1530, %broadcast_in_dim3A_1521 : vector<16xf32>
        %swap3A_1532 = arith.index_cast %rem3A_150 : i32 to index
        %swap3A_1533 = arith.index_cast %add3A_1525 : i32 to index
        %swap3A_1534 = arith.constant 0 : index
        %swap3A_1535 = tpu.vector_load %arg11[%swap3A_1532, %swap3A_1533, %swap3A_1534] {strides = array<i32>} : memref<3x80x128xf32, #tpu.memory_space<vmem>>, vector<1x1x16xf32>,
        %swap3A_1536 = vector.shape_cast %swap3A_1535 : vector<1x1x16xf32> to vector<16xf32>
        %swap3A_1537 = vector.shape_cast %mul3A_1531 : vector<16xf32> to vector<1x1x16xf32>
        tpu.vector_store %arg11[%swap3A_1532, %swap3A_1533, %swap3A_1534], %swap3A_1537 {strides = array<i32>} : memref<3x80x128xf32, #tpu.memory_space<vmem>>, vector<1x1x16xf32>,
        %get3A_1538 = arith.index_cast %rem3A_150 : i32 to index
        %get3A_1539 = arith.index_cast %add3A_1525 : i32 to index
        %get3A_1540 = arith.constant 16 : index
        %get3A_1541 = tpu.vector_load %arg11[%get3A_1538, %get3A_1539, %get3A_1540] {strides = array<i32>} : memref<3x80x128xf32, #tpu.memory_space<vmem>>, vector<1x1x16xf32>,
        %get3A_1542 = vector.shape_cast %get3A_1541 : vector<1x1x16xf32> to vector<16xf32>
        %mul3A_1543 = arith.mulf %get3A_1542, %broadcast_in_dim3A_1521 : vector<16xf32>
        %swap3A_1544 = arith.index_cast %rem3A_150 : i32 to index
        %swap3A_1545 = arith.index_cast %add3A_1525 : i32 to index
        %swap3A_1546 = arith.constant 16 : index
        %swap3A_1547 = tpu.vector_load %arg11[%swap3A_1544, %swap3A_1545, %swap3A_1546] {strides = array<i32>} : memref<3x80x128xf32, #tpu.memory_space<vmem>>, vector<1x1x16xf32>,
        %swap3A_1548 = vector.shape_cast %swap3A_1547 : vector<1x1x16xf32> to vector<16xf32>
        %swap3A_1549 = vector.shape_cast %mul3A_1543 : vector<16xf32> to vector<1x1x16xf32>
        tpu.vector_store %arg11[%swap3A_1544, %swap3A_1545, %swap3A_1546], %swap3A_1549 {strides = array<i32>} : memref<3x80x128xf32, #tpu.memory_space<vmem>>, vector<1x1x16xf32>,
        %get3A_1550 = arith.index_cast %rem3A_150 : i32 to index
        %get3A_1551 = arith.index_cast %add3A_1525 : i32 to index
        %get3A_1552 = arith.constant 32 : index
        %get3A_1553 = tpu.vector_load %arg11[%get3A_1550, %get3A_1551, %get3A_1552] {strides = array<i32>} : memref<3x80x128xf32, #tpu.memory_space<vmem>>, vector<1x1x16xf32>,
        %get3A_1554 = vector.shape_cast %get3A_1553 : vector<1x1x16xf32> to vector<16xf32>
        %mul3A_1555 = arith.mulf %get3A_1554, %broadcast_in_dim3A_1521 : vector<16xf32>
        %swap3A_1556 = arith.index_cast %rem3A_150 : i32 to index
        %swap3A_1557 = arith.index_cast %add3A_1525 : i32 to index
        %swap3A_1558 = arith.constant 32 : index
        %swap3A_1559 = tpu.vector_load %arg11[%swap3A_1556, %swap3A_1557, %swap3A_1558] {strides = array<i32>} : memref<3x80x128xf32, #tpu.memory_space<vmem>>, vector<1x1x16xf32>,
        %swap3A_1560 = vector.shape_cast %swap3A_1559 : vector<1x1x16xf32> to vector<16xf32>
        %swap3A_1561 = vector.shape_cast %mul3A_1555 : vector<16xf32> to vector<1x1x16xf32>
        tpu.vector_store %arg11[%swap3A_1556, %swap3A_1557, %swap3A_1558], %swap3A_1561 {strides = array<i32>} : memref<3x80x128xf32, #tpu.memory_space<vmem>>, vector<1x1x16xf32>,
        %get3A_1562 = arith.index_cast %rem3A_150 : i32 to index
        %get3A_1563 = arith.index_cast %add3A_1525 : i32 to index
        %get3A_1564 = arith.constant 48 : index
        %get3A_1565 = tpu.vector_load %arg11[%get3A_1562, %get3A_1563, %get3A_1564] {strides = array<i32>} : memref<3x80x128xf32, #tpu.memory_space<vmem>>, vector<1x1x16xf32>,
        %get3A_1566 = vector.shape_cast %get3A_1565 : vector<1x1x16xf32> to vector<16xf32>
        %mul3A_1567 = arith.mulf %get3A_1566, %broadcast_in_dim3A_1521 : vector<16xf32>
        %swap3A_1568 = arith.index_cast %rem3A_150 : i32 to index
        %swap3A_1569 = arith.index_cast %add3A_1525 : i32 to index
        %swap3A_1570 = arith.constant 48 : index
        %swap3A_1571 = tpu.vector_load %arg11[%swap3A_1568, %swap3A_1569, %swap3A_1570] {strides = array<i32>} : memref<3x80x128xf32, #tpu.memory_space<vmem>>, vector<1x1x16xf32>,
        %swap3A_1572 = vector.shape_cast %swap3A_1571 : vector<1x1x16xf32> to vector<16xf32>
        %swap3A_1573 = vector.shape_cast %mul3A_1567 : vector<16xf32> to vector<1x1x16xf32>
        tpu.vector_store %arg11[%swap3A_1568, %swap3A_1569, %swap3A_1570], %swap3A_1573 {strides = array<i32>} : memref<3x80x128xf32, #tpu.memory_space<vmem>>, vector<1x1x16xf32>,
        %get3A_1574 = arith.index_cast %rem3A_150 : i32 to index
        %get3A_1575 = arith.index_cast %add3A_1525 : i32 to index
        %get3A_1576 = arith.constant 64 : index
        %get3A_1577 = tpu.vector_load %arg11[%get3A_1574, %get3A_1575, %get3A_1576] {strides = array<i32>} : memref<3x80x128xf32, #tpu.memory_space<vmem>>, vector<1x1x16xf32>,
        %get3A_1578 = vector.shape_cast %get3A_1577 : vector<1x1x16xf32> to vector<16xf32>
        %mul3A_1579 = arith.mulf %get3A_1578, %broadcast_in_dim3A_1521 : vector<16xf32>
        %swap3A_1580 = arith.index_cast %rem3A_150 : i32 to index
        %swap3A_1581 = arith.index_cast %add3A_1525 : i32 to index
        %swap3A_1582 = arith.constant 64 : index
        %swap3A_1583 = tpu.vector_load %arg11[%swap3A_1580, %swap3A_1581, %swap3A_1582] {strides = array<i32>} : memref<3x80x128xf32, #tpu.memory_space<vmem>>, vector<1x1x16xf32>,
        %swap3A_1584 = vector.shape_cast %swap3A_1583 : vector<1x1x16xf32> to vector<16xf32>
        %swap3A_1585 = vector.shape_cast %mul3A_1579 : vector<16xf32> to vector<1x1x16xf32>
        tpu.vector_store %arg11[%swap3A_1580, %swap3A_1581, %swap3A_1582], %swap3A_1585 {strides = array<i32>} : memref<3x80x128xf32, #tpu.memory_space<vmem>>, vector<1x1x16xf32>,
        %get3A_1586 = arith.index_cast %rem3A_150 : i32 to index
        %get3A_1587 = arith.index_cast %add3A_1525 : i32 to index
        %get3A_1588 = arith.constant 80 : index
        %get3A_1589 = tpu.vector_load %arg11[%get3A_1586, %get3A_1587, %get3A_1588] {strides = array<i32>} : memref<3x80x128xf32, #tpu.memory_space<vmem>>, vector<1x1x16xf32>,
        %get3A_1590 = vector.shape_cast %get3A_1589 : vector<1x1x16xf32> to vector<16xf32>
        %mul3A_1591 = arith.mulf %get3A_1590, %broadcast_in_dim3A_1521 : vector<16xf32>
        %swap3A_1592 = arith.index_cast %rem3A_150 : i32 to index
        %swap3A_1593 = arith.index_cast %add3A_1525 : i32 to index
        %swap3A_1594 = arith.constant 80 : index
        %swap3A_1595 = tpu.vector_load %arg11[%swap3A_1592, %swap3A_1593, %swap3A_1594] {strides = array<i32>} : memref<3x80x128xf32, #tpu.memory_space<vmem>>, vector<1x1x16xf32>,
        %swap3A_1596 = vector.shape_cast %swap3A_1595 : vector<1x1x16xf32> to vector<16xf32>
        %swap3A_1597 = vector.shape_cast %mul3A_1591 : vector<16xf32> to vector<1x1x16xf32>
        tpu.vector_store %arg11[%swap3A_1592, %swap3A_1593, %swap3A_1594], %swap3A_1597 {strides = array<i32>} : memref<3x80x128xf32, #tpu.memory_space<vmem>>, vector<1x1x16xf32>,
        %get3A_1598 = arith.index_cast %rem3A_150 : i32 to index
        %get3A_1599 = arith.index_cast %add3A_1525 : i32 to index
        %get3A_1600 = arith.constant 96 : index
        %get3A_1601 = tpu.vector_load %arg11[%get3A_1598, %get3A_1599, %get3A_1600] {strides = array<i32>} : memref<3x80x128xf32, #tpu.memory_space<vmem>>, vector<1x1x16xf32>,
        %get3A_1602 = vector.shape_cast %get3A_1601 : vector<1x1x16xf32> to vector<16xf32>
        %mul3A_1603 = arith.mulf %get3A_1602, %broadcast_in_dim3A_1521 : vector<16xf32>
        %swap3A_1604 = arith.index_cast %rem3A_150 : i32 to index
        %swap3A_1605 = arith.index_cast %add3A_1525 : i32 to index
        %swap3A_1606 = arith.constant 96 : index
        %swap3A_1607 = tpu.vector_load %arg11[%swap3A_1604, %swap3A_1605, %swap3A_1606] {strides = array<i32>} : memref<3x80x128xf32, #tpu.memory_space<vmem>>, vector<1x1x16xf32>,
        %swap3A_1608 = vector.shape_cast %swap3A_1607 : vector<1x1x16xf32> to vector<16xf32>
        %swap3A_1609 = vector.shape_cast %mul3A_1603 : vector<16xf32> to vector<1x1x16xf32>
        tpu.vector_store %arg11[%swap3A_1604, %swap3A_1605, %swap3A_1606], %swap3A_1609 {strides = array<i32>} : memref<3x80x128xf32, #tpu.memory_space<vmem>>, vector<1x1x16xf32>,
        %get3A_1610 = arith.index_cast %rem3A_150 : i32 to index
        %get3A_1611 = arith.index_cast %add3A_1525 : i32 to index
        %get3A_1612 = arith.constant 112 : index
        %get3A_1613 = tpu.vector_load %arg11[%get3A_1610, %get3A_1611, %get3A_1612] {strides = array<i32>} : memref<3x80x128xf32, #tpu.memory_space<vmem>>, vector<1x1x16xf32>,
        %get3A_1614 = vector.shape_cast %get3A_1613 : vector<1x1x16xf32> to vector<16xf32>
        %mul3A_1615 = arith.mulf %get3A_1614, %broadcast_in_dim3A_1521 : vector<16xf32>
        %swap3A_1616 = arith.index_cast %rem3A_150 : i32 to index
        %swap3A_1617 = arith.index_cast %add3A_1525 : i32 to index
        %swap3A_1618 = arith.constant 112 : index
        %swap3A_1619 = tpu.vector_load %arg11[%swap3A_1616, %swap3A_1617, %swap3A_1618] {strides = array<i32>} : memref<3x80x128xf32, #tpu.memory_space<vmem>>, vector<1x1x16xf32>,
        %swap3A_1620 = vector.shape_cast %swap3A_1619 : vector<1x1x16xf32> to vector<16xf32>
        %swap3A_1621 = vector.shape_cast %mul3A_1615 : vector<16xf32> to vector<1x1x16xf32>
        tpu.vector_store %arg11[%swap3A_1616, %swap3A_1617, %swap3A_1618], %swap3A_1621 {strides = array<i32>} : memref<3x80x128xf32, #tpu.memory_space<vmem>>, vector<1x1x16xf32>,
        %slice3A_1622 = vector.extract_strided_slice %get3A_183 {offsets = [14], sizes = [1], strides = [1]} : vector<16xf32> to vector<1xf32>
        %squeeze3A_1623 = vector.extract %slice3A_1622[0] : f32 from vector<1xf32>
        %broadcast_in_dim3A_1624 = vector.broadcast %squeeze3A_1623 : f32 to vector<16xf32>
        %mul3A_1625 = arith.constant 16 : i32
        %mul3A_1626 = arith.muli %add3A_178, %mul3A_1625 : i32
        %add3A_1627 = arith.constant 14 : i32
        %add3A_1628 = arith.addi %mul3A_1626, %add3A_1627 : i32
        %get3A_1629 = arith.index_cast %rem3A_150 : i32 to index
        %get3A_1630 = arith.index_cast %add3A_1628 : i32 to index
        %get3A_1631 = arith.constant 0 : index
        %get3A_1632 = tpu.vector_load %arg11[%get3A_1629, %get3A_1630, %get3A_1631] {strides = array<i32>} : memref<3x80x128xf32, #tpu.memory_space<vmem>>, vector<1x1x16xf32>,
        %get3A_1633 = vector.shape_cast %get3A_1632 : vector<1x1x16xf32> to vector<16xf32>
        %mul3A_1634 = arith.mulf %get3A_1633, %broadcast_in_dim3A_1624 : vector<16xf32>
        %swap3A_1635 = arith.index_cast %rem3A_150 : i32 to index
        %swap3A_1636 = arith.index_cast %add3A_1628 : i32 to index
        %swap3A_1637 = arith.constant 0 : index
        %swap3A_1638 = tpu.vector_load %arg11[%swap3A_1635, %swap3A_1636, %swap3A_1637] {strides = array<i32>} : memref<3x80x128xf32, #tpu.memory_space<vmem>>, vector<1x1x16xf32>,
        %swap3A_1639 = vector.shape_cast %swap3A_1638 : vector<1x1x16xf32> to vector<16xf32>
        %swap3A_1640 = vector.shape_cast %mul3A_1634 : vector<16xf32> to vector<1x1x16xf32>
        tpu.vector_store %arg11[%swap3A_1635, %swap3A_1636, %swap3A_1637], %swap3A_1640 {strides = array<i32>} : memref<3x80x128xf32, #tpu.memory_space<vmem>>, vector<1x1x16xf32>,
        %get3A_1641 = arith.index_cast %rem3A_150 : i32 to index
        %get3A_1642 = arith.index_cast %add3A_1628 : i32 to index
        %get3A_1643 = arith.constant 16 : index
        %get3A_1644 = tpu.vector_load %arg11[%get3A_1641, %get3A_1642, %get3A_1643] {strides = array<i32>} : memref<3x80x128xf32, #tpu.memory_space<vmem>>, vector<1x1x16xf32>,
        %get3A_1645 = vector.shape_cast %get3A_1644 : vector<1x1x16xf32> to vector<16xf32>
        %mul3A_1646 = arith.mulf %get3A_1645, %broadcast_in_dim3A_1624 : vector<16xf32>
        %swap3A_1647 = arith.index_cast %rem3A_150 : i32 to index
        %swap3A_1648 = arith.index_cast %add3A_1628 : i32 to index
        %swap3A_1649 = arith.constant 16 : index
        %swap3A_1650 = tpu.vector_load %arg11[%swap3A_1647, %swap3A_1648, %swap3A_1649] {strides = array<i32>} : memref<3x80x128xf32, #tpu.memory_space<vmem>>, vector<1x1x16xf32>,
        %swap3A_1651 = vector.shape_cast %swap3A_1650 : vector<1x1x16xf32> to vector<16xf32>
        %swap3A_1652 = vector.shape_cast %mul3A_1646 : vector<16xf32> to vector<1x1x16xf32>
        tpu.vector_store %arg11[%swap3A_1647, %swap3A_1648, %swap3A_1649], %swap3A_1652 {strides = array<i32>} : memref<3x80x128xf32, #tpu.memory_space<vmem>>, vector<1x1x16xf32>,
        %get3A_1653 = arith.index_cast %rem3A_150 : i32 to index
        %get3A_1654 = arith.index_cast %add3A_1628 : i32 to index
        %get3A_1655 = arith.constant 32 : index
        %get3A_1656 = tpu.vector_load %arg11[%get3A_1653, %get3A_1654, %get3A_1655] {strides = array<i32>} : memref<3x80x128xf32, #tpu.memory_space<vmem>>, vector<1x1x16xf32>,
        %get3A_1657 = vector.shape_cast %get3A_1656 : vector<1x1x16xf32> to vector<16xf32>
        %mul3A_1658 = arith.mulf %get3A_1657, %broadcast_in_dim3A_1624 : vector<16xf32>
        %swap3A_1659 = arith.index_cast %rem3A_150 : i32 to index
        %swap3A_1660 = arith.index_cast %add3A_1628 : i32 to index
        %swap3A_1661 = arith.constant 32 : index
        %swap3A_1662 = tpu.vector_load %arg11[%swap3A_1659, %swap3A_1660, %swap3A_1661] {strides = array<i32>} : memref<3x80x128xf32, #tpu.memory_space<vmem>>, vector<1x1x16xf32>,
        %swap3A_1663 = vector.shape_cast %swap3A_1662 : vector<1x1x16xf32> to vector<16xf32>
        %swap3A_1664 = vector.shape_cast %mul3A_1658 : vector<16xf32> to vector<1x1x16xf32>
        tpu.vector_store %arg11[%swap3A_1659, %swap3A_1660, %swap3A_1661], %swap3A_1664 {strides = array<i32>} : memref<3x80x128xf32, #tpu.memory_space<vmem>>, vector<1x1x16xf32>,
        %get3A_1665 = arith.index_cast %rem3A_150 : i32 to index
        %get3A_1666 = arith.index_cast %add3A_1628 : i32 to index
        %get3A_1667 = arith.constant 48 : index
        %get3A_1668 = tpu.vector_load %arg11[%get3A_1665, %get3A_1666, %get3A_1667] {strides = array<i32>} : memref<3x80x128xf32, #tpu.memory_space<vmem>>, vector<1x1x16xf32>,
        %get3A_1669 = vector.shape_cast %get3A_1668 : vector<1x1x16xf32> to vector<16xf32>
        %mul3A_1670 = arith.mulf %get3A_1669, %broadcast_in_dim3A_1624 : vector<16xf32>
        %swap3A_1671 = arith.index_cast %rem3A_150 : i32 to index
        %swap3A_1672 = arith.index_cast %add3A_1628 : i32 to index
        %swap3A_1673 = arith.constant 48 : index
        %swap3A_1674 = tpu.vector_load %arg11[%swap3A_1671, %swap3A_1672, %swap3A_1673] {strides = array<i32>} : memref<3x80x128xf32, #tpu.memory_space<vmem>>, vector<1x1x16xf32>,
        %swap3A_1675 = vector.shape_cast %swap3A_1674 : vector<1x1x16xf32> to vector<16xf32>
        %swap3A_1676 = vector.shape_cast %mul3A_1670 : vector<16xf32> to vector<1x1x16xf32>
        tpu.vector_store %arg11[%swap3A_1671, %swap3A_1672, %swap3A_1673], %swap3A_1676 {strides = array<i32>} : memref<3x80x128xf32, #tpu.memory_space<vmem>>, vector<1x1x16xf32>,
        %get3A_1677 = arith.index_cast %rem3A_150 : i32 to index
        %get3A_1678 = arith.index_cast %add3A_1628 : i32 to index
        %get3A_1679 = arith.constant 64 : index
        %get3A_1680 = tpu.vector_load %arg11[%get3A_1677, %get3A_1678, %get3A_1679] {strides = array<i32>} : memref<3x80x128xf32, #tpu.memory_space<vmem>>, vector<1x1x16xf32>,
        %get3A_1681 = vector.shape_cast %get3A_1680 : vector<1x1x16xf32> to vector<16xf32>
        %mul3A_1682 = arith.mulf %get3A_1681, %broadcast_in_dim3A_1624 : vector<16xf32>
        %swap3A_1683 = arith.index_cast %rem3A_150 : i32 to index
        %swap3A_1684 = arith.index_cast %add3A_1628 : i32 to index
        %swap3A_1685 = arith.constant 64 : index
        %swap3A_1686 = tpu.vector_load %arg11[%swap3A_1683, %swap3A_1684, %swap3A_1685] {strides = array<i32>} : memref<3x80x128xf32, #tpu.memory_space<vmem>>, vector<1x1x16xf32>,
        %swap3A_1687 = vector.shape_cast %swap3A_1686 : vector<1x1x16xf32> to vector<16xf32>
        %swap3A_1688 = vector.shape_cast %mul3A_1682 : vector<16xf32> to vector<1x1x16xf32>
        tpu.vector_store %arg11[%swap3A_1683, %swap3A_1684, %swap3A_1685], %swap3A_1688 {strides = array<i32>} : memref<3x80x128xf32, #tpu.memory_space<vmem>>, vector<1x1x16xf32>,
        %get3A_1689 = arith.index_cast %rem3A_150 : i32 to index
        %get3A_1690 = arith.index_cast %add3A_1628 : i32 to index
        %get3A_1691 = arith.constant 80 : index
        %get3A_1692 = tpu.vector_load %arg11[%get3A_1689, %get3A_1690, %get3A_1691] {strides = array<i32>} : memref<3x80x128xf32, #tpu.memory_space<vmem>>, vector<1x1x16xf32>,
        %get3A_1693 = vector.shape_cast %get3A_1692 : vector<1x1x16xf32> to vector<16xf32>
        %mul3A_1694 = arith.mulf %get3A_1693, %broadcast_in_dim3A_1624 : vector<16xf32>
        %swap3A_1695 = arith.index_cast %rem3A_150 : i32 to index
        %swap3A_1696 = arith.index_cast %add3A_1628 : i32 to index
        %swap3A_1697 = arith.constant 80 : index
        %swap3A_1698 = tpu.vector_load %arg11[%swap3A_1695, %swap3A_1696, %swap3A_1697] {strides = array<i32>} : memref<3x80x128xf32, #tpu.memory_space<vmem>>, vector<1x1x16xf32>,
        %swap3A_1699 = vector.shape_cast %swap3A_1698 : vector<1x1x16xf32> to vector<16xf32>
        %swap3A_1700 = vector.shape_cast %mul3A_1694 : vector<16xf32> to vector<1x1x16xf32>
        tpu.vector_store %arg11[%swap3A_1695, %swap3A_1696, %swap3A_1697], %swap3A_1700 {strides = array<i32>} : memref<3x80x128xf32, #tpu.memory_space<vmem>>, vector<1x1x16xf32>,
        %get3A_1701 = arith.index_cast %rem3A_150 : i32 to index
        %get3A_1702 = arith.index_cast %add3A_1628 : i32 to index
        %get3A_1703 = arith.constant 96 : index
        %get3A_1704 = tpu.vector_load %arg11[%get3A_1701, %get3A_1702, %get3A_1703] {strides = array<i32>} : memref<3x80x128xf32, #tpu.memory_space<vmem>>, vector<1x1x16xf32>,
        %get3A_1705 = vector.shape_cast %get3A_1704 : vector<1x1x16xf32> to vector<16xf32>
        %mul3A_1706 = arith.mulf %get3A_1705, %broadcast_in_dim3A_1624 : vector<16xf32>
        %swap3A_1707 = arith.index_cast %rem3A_150 : i32 to index
        %swap3A_1708 = arith.index_cast %add3A_1628 : i32 to index
        %swap3A_1709 = arith.constant 96 : index
        %swap3A_1710 = tpu.vector_load %arg11[%swap3A_1707, %swap3A_1708, %swap3A_1709] {strides = array<i32>} : memref<3x80x128xf32, #tpu.memory_space<vmem>>, vector<1x1x16xf32>,
        %swap3A_1711 = vector.shape_cast %swap3A_1710 : vector<1x1x16xf32> to vector<16xf32>
        %swap3A_1712 = vector.shape_cast %mul3A_1706 : vector<16xf32> to vector<1x1x16xf32>
        tpu.vector_store %arg11[%swap3A_1707, %swap3A_1708, %swap3A_1709], %swap3A_1712 {strides = array<i32>} : memref<3x80x128xf32, #tpu.memory_space<vmem>>, vector<1x1x16xf32>,
        %get3A_1713 = arith.index_cast %rem3A_150 : i32 to index
        %get3A_1714 = arith.index_cast %add3A_1628 : i32 to index
        %get3A_1715 = arith.constant 112 : index
        %get3A_1716 = tpu.vector_load %arg11[%get3A_1713, %get3A_1714, %get3A_1715] {strides = array<i32>} : memref<3x80x128xf32, #tpu.memory_space<vmem>>, vector<1x1x16xf32>,
        %get3A_1717 = vector.shape_cast %get3A_1716 : vector<1x1x16xf32> to vector<16xf32>
        %mul3A_1718 = arith.mulf %get3A_1717, %broadcast_in_dim3A_1624 : vector<16xf32>
        %swap3A_1719 = arith.index_cast %rem3A_150 : i32 to index
        %swap3A_1720 = arith.index_cast %add3A_1628 : i32 to index
        %swap3A_1721 = arith.constant 112 : index
        %swap3A_1722 = tpu.vector_load %arg11[%swap3A_1719, %swap3A_1720, %swap3A_1721] {strides = array<i32>} : memref<3x80x128xf32, #tpu.memory_space<vmem>>, vector<1x1x16xf32>,
        %swap3A_1723 = vector.shape_cast %swap3A_1722 : vector<1x1x16xf32> to vector<16xf32>
        %swap3A_1724 = vector.shape_cast %mul3A_1718 : vector<16xf32> to vector<1x1x16xf32>
        tpu.vector_store %arg11[%swap3A_1719, %swap3A_1720, %swap3A_1721], %swap3A_1724 {strides = array<i32>} : memref<3x80x128xf32, #tpu.memory_space<vmem>>, vector<1x1x16xf32>,
        %slice3A_1725 = vector.extract_strided_slice %get3A_183 {offsets = [15], sizes = [1], strides = [1]} : vector<16xf32> to vector<1xf32>
        %squeeze3A_1726 = vector.extract %slice3A_1725[0] : f32 from vector<1xf32>
        %broadcast_in_dim3A_1727 = vector.broadcast %squeeze3A_1726 : f32 to vector<16xf32>
        %mul3A_1728 = arith.constant 16 : i32
        %mul3A_1729 = arith.muli %add3A_178, %mul3A_1728 : i32
        %add3A_1730 = arith.constant 15 : i32
        %add3A_1731 = arith.addi %mul3A_1729, %add3A_1730 : i32
        %get3A_1732 = arith.index_cast %rem3A_150 : i32 to index
        %get3A_1733 = arith.index_cast %add3A_1731 : i32 to index
        %get3A_1734 = arith.constant 0 : index
        %get3A_1735 = tpu.vector_load %arg11[%get3A_1732, %get3A_1733, %get3A_1734] {strides = array<i32>} : memref<3x80x128xf32, #tpu.memory_space<vmem>>, vector<1x1x16xf32>,
        %get3A_1736 = vector.shape_cast %get3A_1735 : vector<1x1x16xf32> to vector<16xf32>
        %mul3A_1737 = arith.mulf %get3A_1736, %broadcast_in_dim3A_1727 : vector<16xf32>
        %swap3A_1738 = arith.index_cast %rem3A_150 : i32 to index
        %swap3A_1739 = arith.index_cast %add3A_1731 : i32 to index
        %swap3A_1740 = arith.constant 0 : index
        %swap3A_1741 = tpu.vector_load %arg11[%swap3A_1738, %swap3A_1739, %swap3A_1740] {strides = array<i32>} : memref<3x80x128xf32, #tpu.memory_space<vmem>>, vector<1x1x16xf32>,
        %swap3A_1742 = vector.shape_cast %swap3A_1741 : vector<1x1x16xf32> to vector<16xf32>
        %swap3A_1743 = vector.shape_cast %mul3A_1737 : vector<16xf32> to vector<1x1x16xf32>
        tpu.vector_store %arg11[%swap3A_1738, %swap3A_1739, %swap3A_1740], %swap3A_1743 {strides = array<i32>} : memref<3x80x128xf32, #tpu.memory_space<vmem>>, vector<1x1x16xf32>,
        %get3A_1744 = arith.index_cast %rem3A_150 : i32 to index
        %get3A_1745 = arith.index_cast %add3A_1731 : i32 to index
        %get3A_1746 = arith.constant 16 : index
        %get3A_1747 = tpu.vector_load %arg11[%get3A_1744, %get3A_1745, %get3A_1746] {strides = array<i32>} : memref<3x80x128xf32, #tpu.memory_space<vmem>>, vector<1x1x16xf32>,
        %get3A_1748 = vector.shape_cast %get3A_1747 : vector<1x1x16xf32> to vector<16xf32>
        %mul3A_1749 = arith.mulf %get3A_1748, %broadcast_in_dim3A_1727 : vector<16xf32>
        %swap3A_1750 = arith.index_cast %rem3A_150 : i32 to index
        %swap3A_1751 = arith.index_cast %add3A_1731 : i32 to index
        %swap3A_1752 = arith.constant 16 : index
        %swap3A_1753 = tpu.vector_load %arg11[%swap3A_1750, %swap3A_1751, %swap3A_1752] {strides = array<i32>} : memref<3x80x128xf32, #tpu.memory_space<vmem>>, vector<1x1x16xf32>,
        %swap3A_1754 = vector.shape_cast %swap3A_1753 : vector<1x1x16xf32> to vector<16xf32>
        %swap3A_1755 = vector.shape_cast %mul3A_1749 : vector<16xf32> to vector<1x1x16xf32>
        tpu.vector_store %arg11[%swap3A_1750, %swap3A_1751, %swap3A_1752], %swap3A_1755 {strides = array<i32>} : memref<3x80x128xf32, #tpu.memory_space<vmem>>, vector<1x1x16xf32>,
        %get3A_1756 = arith.index_cast %rem3A_150 : i32 to index
        %get3A_1757 = arith.index_cast %add3A_1731 : i32 to index
        %get3A_1758 = arith.constant 32 : index
        %get3A_1759 = tpu.vector_load %arg11[%get3A_1756, %get3A_1757, %get3A_1758] {strides = array<i32>} : memref<3x80x128xf32, #tpu.memory_space<vmem>>, vector<1x1x16xf32>,
        %get3A_1760 = vector.shape_cast %get3A_1759 : vector<1x1x16xf32> to vector<16xf32>
        %mul3A_1761 = arith.mulf %get3A_1760, %broadcast_in_dim3A_1727 : vector<16xf32>
        %swap3A_1762 = arith.index_cast %rem3A_150 : i32 to index
        %swap3A_1763 = arith.index_cast %add3A_1731 : i32 to index
        %swap3A_1764 = arith.constant 32 : index
        %swap3A_1765 = tpu.vector_load %arg11[%swap3A_1762, %swap3A_1763, %swap3A_1764] {strides = array<i32>} : memref<3x80x128xf32, #tpu.memory_space<vmem>>, vector<1x1x16xf32>,
        %swap3A_1766 = vector.shape_cast %swap3A_1765 : vector<1x1x16xf32> to vector<16xf32>
        %swap3A_1767 = vector.shape_cast %mul3A_1761 : vector<16xf32> to vector<1x1x16xf32>
        tpu.vector_store %arg11[%swap3A_1762, %swap3A_1763, %swap3A_1764], %swap3A_1767 {strides = array<i32>} : memref<3x80x128xf32, #tpu.memory_space<vmem>>, vector<1x1x16xf32>,
        %get3A_1768 = arith.index_cast %rem3A_150 : i32 to index
        %get3A_1769 = arith.index_cast %add3A_1731 : i32 to index
        %get3A_1770 = arith.constant 48 : index
        %get3A_1771 = tpu.vector_load %arg11[%get3A_1768, %get3A_1769, %get3A_1770] {strides = array<i32>} : memref<3x80x128xf32, #tpu.memory_space<vmem>>, vector<1x1x16xf32>,
        %get3A_1772 = vector.shape_cast %get3A_1771 : vector<1x1x16xf32> to vector<16xf32>
        %mul3A_1773 = arith.mulf %get3A_1772, %broadcast_in_dim3A_1727 : vector<16xf32>
        %swap3A_1774 = arith.index_cast %rem3A_150 : i32 to index
        %swap3A_1775 = arith.index_cast %add3A_1731 : i32 to index
        %swap3A_1776 = arith.constant 48 : index
        %swap3A_1777 = tpu.vector_load %arg11[%swap3A_1774, %swap3A_1775, %swap3A_1776] {strides = array<i32>} : memref<3x80x128xf32, #tpu.memory_space<vmem>>, vector<1x1x16xf32>,
        %swap3A_1778 = vector.shape_cast %swap3A_1777 : vector<1x1x16xf32> to vector<16xf32>
        %swap3A_1779 = vector.shape_cast %mul3A_1773 : vector<16xf32> to vector<1x1x16xf32>
        tpu.vector_store %arg11[%swap3A_1774, %swap3A_1775, %swap3A_1776], %swap3A_1779 {strides = array<i32>} : memref<3x80x128xf32, #tpu.memory_space<vmem>>, vector<1x1x16xf32>,
        %get3A_1780 = arith.index_cast %rem3A_150 : i32 to index
        %get3A_1781 = arith.index_cast %add3A_1731 : i32 to index
        %get3A_1782 = arith.constant 64 : index
        %get3A_1783 = tpu.vector_load %arg11[%get3A_1780, %get3A_1781, %get3A_1782] {strides = array<i32>} : memref<3x80x128xf32, #tpu.memory_space<vmem>>, vector<1x1x16xf32>,
        %get3A_1784 = vector.shape_cast %get3A_1783 : vector<1x1x16xf32> to vector<16xf32>
        %mul3A_1785 = arith.mulf %get3A_1784, %broadcast_in_dim3A_1727 : vector<16xf32>
        %swap3A_1786 = arith.index_cast %rem3A_150 : i32 to index
        %swap3A_1787 = arith.index_cast %add3A_1731 : i32 to index
        %swap3A_1788 = arith.constant 64 : index
        %swap3A_1789 = tpu.vector_load %arg11[%swap3A_1786, %swap3A_1787, %swap3A_1788] {strides = array<i32>} : memref<3x80x128xf32, #tpu.memory_space<vmem>>, vector<1x1x16xf32>,
        %swap3A_1790 = vector.shape_cast %swap3A_1789 : vector<1x1x16xf32> to vector<16xf32>
        %swap3A_1791 = vector.shape_cast %mul3A_1785 : vector<16xf32> to vector<1x1x16xf32>
        tpu.vector_store %arg11[%swap3A_1786, %swap3A_1787, %swap3A_1788], %swap3A_1791 {strides = array<i32>} : memref<3x80x128xf32, #tpu.memory_space<vmem>>, vector<1x1x16xf32>,
        %get3A_1792 = arith.index_cast %rem3A_150 : i32 to index
        %get3A_1793 = arith.index_cast %add3A_1731 : i32 to index
        %get3A_1794 = arith.constant 80 : index
        %get3A_1795 = tpu.vector_load %arg11[%get3A_1792, %get3A_1793, %get3A_1794] {strides = array<i32>} : memref<3x80x128xf32, #tpu.memory_space<vmem>>, vector<1x1x16xf32>,
        %get3A_1796 = vector.shape_cast %get3A_1795 : vector<1x1x16xf32> to vector<16xf32>
        %mul3A_1797 = arith.mulf %get3A_1796, %broadcast_in_dim3A_1727 : vector<16xf32>
        %swap3A_1798 = arith.index_cast %rem3A_150 : i32 to index
        %swap3A_1799 = arith.index_cast %add3A_1731 : i32 to index
        %swap3A_1800 = arith.constant 80 : index
        %swap3A_1801 = tpu.vector_load %arg11[%swap3A_1798, %swap3A_1799, %swap3A_1800] {strides = array<i32>} : memref<3x80x128xf32, #tpu.memory_space<vmem>>, vector<1x1x16xf32>,
        %swap3A_1802 = vector.shape_cast %swap3A_1801 : vector<1x1x16xf32> to vector<16xf32>
        %swap3A_1803 = vector.shape_cast %mul3A_1797 : vector<16xf32> to vector<1x1x16xf32>
        tpu.vector_store %arg11[%swap3A_1798, %swap3A_1799, %swap3A_1800], %swap3A_1803 {strides = array<i32>} : memref<3x80x128xf32, #tpu.memory_space<vmem>>, vector<1x1x16xf32>,
        %get3A_1804 = arith.index_cast %rem3A_150 : i32 to index
        %get3A_1805 = arith.index_cast %add3A_1731 : i32 to index
        %get3A_1806 = arith.constant 96 : index
        %get3A_1807 = tpu.vector_load %arg11[%get3A_1804, %get3A_1805, %get3A_1806] {strides = array<i32>} : memref<3x80x128xf32, #tpu.memory_space<vmem>>, vector<1x1x16xf32>,
        %get3A_1808 = vector.shape_cast %get3A_1807 : vector<1x1x16xf32> to vector<16xf32>
        %mul3A_1809 = arith.mulf %get3A_1808, %broadcast_in_dim3A_1727 : vector<16xf32>
        %swap3A_1810 = arith.index_cast %rem3A_150 : i32 to index
        %swap3A_1811 = arith.index_cast %add3A_1731 : i32 to index
        %swap3A_1812 = arith.constant 96 : index
        %swap3A_1813 = tpu.vector_load %arg11[%swap3A_1810, %swap3A_1811, %swap3A_1812] {strides = array<i32>} : memref<3x80x128xf32, #tpu.memory_space<vmem>>, vector<1x1x16xf32>,
        %swap3A_1814 = vector.shape_cast %swap3A_1813 : vector<1x1x16xf32> to vector<16xf32>
        %swap3A_1815 = vector.shape_cast %mul3A_1809 : vector<16xf32> to vector<1x1x16xf32>
        tpu.vector_store %arg11[%swap3A_1810, %swap3A_1811, %swap3A_1812], %swap3A_1815 {strides = array<i32>} : memref<3x80x128xf32, #tpu.memory_space<vmem>>, vector<1x1x16xf32>,
        %get3A_1816 = arith.index_cast %rem3A_150 : i32 to index
        %get3A_1817 = arith.index_cast %add3A_1731 : i32 to index
        %get3A_1818 = arith.constant 112 : index
        %get3A_1819 = tpu.vector_load %arg11[%get3A_1816, %get3A_1817, %get3A_1818] {strides = array<i32>} : memref<3x80x128xf32, #tpu.memory_space<vmem>>, vector<1x1x16xf32>,
        %get3A_1820 = vector.shape_cast %get3A_1819 : vector<1x1x16xf32> to vector<16xf32>
        %mul3A_1821 = arith.mulf %get3A_1820, %broadcast_in_dim3A_1727 : vector<16xf32>
        %swap3A_1822 = arith.index_cast %rem3A_150 : i32 to index
        %swap3A_1823 = arith.index_cast %add3A_1731 : i32 to index
        %swap3A_1824 = arith.constant 112 : index
        %swap3A_1825 = tpu.vector_load %arg11[%swap3A_1822, %swap3A_1823, %swap3A_1824] {strides = array<i32>} : memref<3x80x128xf32, #tpu.memory_space<vmem>>, vector<1x1x16xf32>,
        %swap3A_1826 = vector.shape_cast %swap3A_1825 : vector<1x1x16xf32> to vector<16xf32>
        %swap3A_1827 = vector.shape_cast %mul3A_1821 : vector<16xf32> to vector<1x1x16xf32>
        tpu.vector_store %arg11[%swap3A_1822, %swap3A_1823, %swap3A_1824], %swap3A_1827 {strides = array<i32>} : memref<3x80x128xf32, #tpu.memory_space<vmem>>, vector<1x1x16xf32>,
      }
      %scan3A_173 = arith.constant 5 : i32
    }
    %scan3A_139 = arith.constant 250 : i32
    %barrier3A_140 = arith.constant 0 : index
    tpu.barrier barrier_id(%barrier3A_140)
    %mul3A_141 = arith.constant 640 : i32
    %mul3A_142 = arith.muli %arg1, %mul3A_141 : i32
    %mul3A_143 = arith.constant 640 : i32
    %mul3A_144 = arith.muli %arg1, %mul3A_143 : i32
    "tpu.region"() ({
      %run_scoped3A = tpu.sem_alloc : memref<!tpu.dma_semaphore, #tpu.memory_space<semaphore_mem>>
      %dma_start3A_145 = arith.constant 0 : i32
      %dma_start3A_146 = tpu.memref_slice %arg7[%arg0, %mul3A_144, %dma_start3A_145] : memref<2x10240x128xf32, #tpu.memory_space<hbm>> -> memref<1x640x128xf32, #tpu.memory_space<hbm>>
      %dma_start3A_147 = tpu.memref_squeeze %dma_start3A_146 : memref<1x640x128xf32, #tpu.memory_space<hbm>> -> memref<640x128xf32, #tpu.memory_space<hbm>>
      %dma_start3A_148 = arith.constant 0 : i32
      %dma_start3A_149 = tpu.memref_slice %arg12[%mul3A_142, %dma_start3A_148] : memref<10240x128xf32, #tpu.memory_space<vmem_shared>> -> memref<640x128xf32, #tpu.memory_space<vmem_shared>>
      tpu.enqueue_dma source(%dma_start3A_149 : memref<640x128xf32, #tpu.memory_space<vmem_shared>>) target(%dma_start3A_147 : memref<640x128xf32, #tpu.memory_space<hbm>>) target_semaphore(%run_scoped3A : memref<!tpu.dma_semaphore, #tpu.memory_space<semaphore_mem>>)
      %dma_wait3A_150 = arith.constant 0 : i32
      %dma_wait3A_151 = tpu.memref_slice %arg7[%arg0, %mul3A_144, %dma_wait3A_150] : memref<2x10240x128xf32, #tpu.memory_space<hbm>> -> memref<1x640x128xf32, #tpu.memory_space<hbm>>
      %dma_wait3A_152 = tpu.memref_squeeze %dma_wait3A_151 : memref<1x640x128xf32, #tpu.memory_space<hbm>> -> memref<640x128xf32, #tpu.memory_space<hbm>>
      %dma_wait3A_153 = arith.constant 0 : i32
      %dma_wait3A_154 = tpu.memref_slice %arg12[%mul3A_142, %dma_wait3A_153] : memref<10240x128xf32, #tpu.memory_space<vmem_shared>> -> memref<640x128xf32, #tpu.memory_space<vmem_shared>>
      tpu.wait_dma2 semaphore(%run_scoped3A : memref<!tpu.dma_semaphore, #tpu.memory_space<semaphore_mem>>) src(%dma_wait3A_154 : memref<640x128xf32, #tpu.memory_space<vmem_shared>>) dst(%dma_wait3A_152 : memref<640x128xf32, #tpu.memory_space<hbm>>)
      tpu.yield
    }) : () -> ()
    return
  }
}

#map = affine_map<(d0, d1) -> (0, 0)>
#map1 = affine_map<(d0, d1) -> (0)>
#map2 = affine_map<(d0, d1) -> (0, 0, 0)>
module attributes {stable_mosaic.version = 14 : i64} {
  func.func @_agg_probe2(%arg0: i32, %arg1: i32, %arg2: memref<20000x128xf32, #tpu.memory_space<hbm>>, %arg3: memref<320000xi32, #tpu.memory_space<hbm>>, %arg4: memref<320000xi32, #tpu.memory_space<hbm>>, %arg5: memref<320000xf32, #tpu.memory_space<hbm>>, %arg6: memref<640x128xf32, #tpu.memory_space<hbm>>, %arg7: memref<2x10240x128xf32, #tpu.memory_space<hbm>>, %arg8: memref<3x80xi32, #tpu.memory_space<vmem>>, %arg9: memref<4x80xi32, #tpu.memory_space<vmem>>, %arg10: memref<3x80xf32, #tpu.memory_space<vmem>>, %arg11: memref<3x80x128xf32, #tpu.memory_space<vmem>>, %arg12: memref<10240x128xf32, #tpu.memory_space<vmem_shared>>, %arg13: memref<4x!tpu.dma_semaphore, #tpu.memory_space<semaphore_mem>>, %arg14: memref<3x!tpu.dma_semaphore, #tpu.memory_space<semaphore_mem>>, %arg15: memref<3x!tpu.dma_semaphore, #tpu.memory_space<semaphore_mem>>) attributes {dimension_semantics = [#tpu.dimension_semantics<core_parallel>, #tpu.dimension_semantics<subcore_parallel>], iteration_bounds = array<i64: 2, 16>, scalar_prefetch = 0 : i64, scratch_operands = 8 : i64, tpu.core_type = #tpu.core_type<sc_vector_subcore>, window_params = [{transform_indices = #map}, {transform_indices = #map1}, {transform_indices = #map1}, {transform_indices = #map1}, {transform_indices = #map}, {transform_indices = #map2}]} {
    %mul3A = arith.constant 640 : i32
    %mul3A_0 = arith.muli %arg1, %mul3A : i32
    "tpu.region"() ({
      %run_scoped3A = tpu.sem_alloc : memref<!tpu.dma_semaphore, #tpu.memory_space<semaphore_mem>>
      %dma_start3A_145 = arith.constant 0 : i32
      %dma_start3A_146 = tpu.memref_slice %arg12[%mul3A_0, %dma_start3A_145] : memref<10240x128xf32, #tpu.memory_space<vmem_shared>> -> memref<640x128xf32, #tpu.memory_space<vmem_shared>>
      tpu.enqueue_dma source(%arg6 : memref<640x128xf32, #tpu.memory_space<hbm>>) target(%dma_start3A_146 : memref<640x128xf32, #tpu.memory_space<vmem_shared>>) target_semaphore(%run_scoped3A : memref<!tpu.dma_semaphore, #tpu.memory_space<semaphore_mem>>)
      %dma_wait3A_147 = arith.constant 0 : i32
      %dma_wait3A_148 = tpu.memref_slice %arg12[%mul3A_0, %dma_wait3A_147] : memref<10240x128xf32, #tpu.memory_space<vmem_shared>> -> memref<640x128xf32, #tpu.memory_space<vmem_shared>>
      tpu.wait_dma2 semaphore(%run_scoped3A : memref<!tpu.dma_semaphore, #tpu.memory_space<semaphore_mem>>) src(%arg6 : memref<640x128xf32, #tpu.memory_space<hbm>>) dst(%dma_wait3A_148 : memref<640x128xf32, #tpu.memory_space<vmem_shared>>)
      tpu.yield
    }) : () -> ()
    %barrier3A = arith.constant 0 : index
    tpu.barrier barrier_id(%barrier3A)
    %mul3A_1 = arith.constant 20000 : i32
    %mul3A_2 = arith.muli %arg1, %mul3A_1 : i32
    %mul3A_3 = arith.constant 10000 : i32
    %mul3A_4 = arith.muli %arg0, %mul3A_3 : i32
    %add3A = arith.constant 0 : i32
    %add3A_5 = arith.addi %mul3A_2, %add3A : i32
    %dma_start3A = arith.constant 0 : i32
    %dma_start3A_6 = arith.constant 0 : i32
    %dma_start3A_7 = arith.constant 0 : i32
    %dma_start3A_8 = tpu.memref_slice %arg8[%dma_start3A, %dma_start3A_7] : memref<3x80xi32, #tpu.memory_space<vmem>> -> memref<1x80xi32, #tpu.memory_space<vmem>>
    %dma_start3A_9 = tpu.memref_squeeze %dma_start3A_8 : memref<1x80xi32, #tpu.memory_space<vmem>> -> memref<80xi32, #tpu.memory_space<vmem>>
    %dma_start3A_10 = tpu.memref_slice %arg3[%add3A_5] : memref<320000xi32, #tpu.memory_space<hbm>> -> memref<80xi32, #tpu.memory_space<hbm>>
    %dma_start3A_11 = tpu.memref_slice %arg13[%dma_start3A_6] : memref<4x!tpu.dma_semaphore, #tpu.memory_space<semaphore_mem>> -> memref<1x!tpu.dma_semaphore, #tpu.memory_space<semaphore_mem>>
    %dma_start3A_12 = tpu.memref_squeeze %dma_start3A_11 : memref<1x!tpu.dma_semaphore, #tpu.memory_space<semaphore_mem>> -> memref<!tpu.dma_semaphore, #tpu.memory_space<semaphore_mem>>
    %dma_start3A_13 = arith.constant 0 : i32
    %dma_start3A_14 = tpu.memref_slice %arg8[%dma_start3A, %dma_start3A_13] : memref<3x80xi32, #tpu.memory_space<vmem>> -> memref<1x80xi32, #tpu.memory_space<vmem>>
    %dma_start3A_15 = tpu.memref_squeeze %dma_start3A_14 : memref<1x80xi32, #tpu.memory_space<vmem>> -> memref<80xi32, #tpu.memory_space<vmem>>
    %dma_start3A_16 = tpu.memref_slice %arg3[%add3A_5] : memref<320000xi32, #tpu.memory_space<hbm>> -> memref<80xi32, #tpu.memory_space<hbm>>
    tpu.enqueue_dma source(%dma_start3A_16 : memref<80xi32, #tpu.memory_space<hbm>>) target(%dma_start3A_15 : memref<80xi32, #tpu.memory_space<vmem>>) target_semaphore(%dma_start3A_12 : memref<!tpu.dma_semaphore, #tpu.memory_space<semaphore_mem>>)
    %dma_start3A_17 = arith.constant 0 : i32
    %dma_start3A_18 = arith.constant 0 : i32
    %dma_start3A_19 = arith.constant 0 : i32
    %dma_start3A_20 = tpu.memref_slice %arg9[%dma_start3A_17, %dma_start3A_19] : memref<4x80xi32, #tpu.memory_space<vmem>> -> memref<1x80xi32, #tpu.memory_space<vmem>>
    %dma_start3A_21 = tpu.memref_squeeze %dma_start3A_20 : memref<1x80xi32, #tpu.memory_space<vmem>> -> memref<80xi32, #tpu.memory_space<vmem>>
    %dma_start3A_22 = tpu.memref_slice %arg4[%add3A_5] : memref<320000xi32, #tpu.memory_space<hbm>> -> memref<80xi32, #tpu.memory_space<hbm>>
    %dma_start3A_23 = tpu.memref_slice %arg13[%dma_start3A_18] : memref<4x!tpu.dma_semaphore, #tpu.memory_space<semaphore_mem>> -> memref<1x!tpu.dma_semaphore, #tpu.memory_space<semaphore_mem>>
    %dma_start3A_24 = tpu.memref_squeeze %dma_start3A_23 : memref<1x!tpu.dma_semaphore, #tpu.memory_space<semaphore_mem>> -> memref<!tpu.dma_semaphore, #tpu.memory_space<semaphore_mem>>
    %dma_start3A_25 = arith.constant 0 : i32
    %dma_start3A_26 = tpu.memref_slice %arg9[%dma_start3A_17, %dma_start3A_25] : memref<4x80xi32, #tpu.memory_space<vmem>> -> memref<1x80xi32, #tpu.memory_space<vmem>>
    %dma_start3A_27 = tpu.memref_squeeze %dma_start3A_26 : memref<1x80xi32, #tpu.memory_space<vmem>> -> memref<80xi32, #tpu.memory_space<vmem>>
    %dma_start3A_28 = tpu.memref_slice %arg4[%add3A_5] : memref<320000xi32, #tpu.memory_space<hbm>> -> memref<80xi32, #tpu.memory_space<hbm>>
    tpu.enqueue_dma source(%dma_start3A_28 : memref<80xi32, #tpu.memory_space<hbm>>) target(%dma_start3A_27 : memref<80xi32, #tpu.memory_space<vmem>>) target_semaphore(%dma_start3A_24 : memref<!tpu.dma_semaphore, #tpu.memory_space<semaphore_mem>>)
    %dma_start3A_29 = arith.constant 0 : i32
    %dma_start3A_30 = arith.constant 0 : i32
    %dma_start3A_31 = arith.constant 0 : i32
    %dma_start3A_32 = tpu.memref_slice %arg10[%dma_start3A_29, %dma_start3A_31] : memref<3x80xf32, #tpu.memory_space<vmem>> -> memref<1x80xf32, #tpu.memory_space<vmem>>
    %dma_start3A_33 = tpu.memref_squeeze %dma_start3A_32 : memref<1x80xf32, #tpu.memory_space<vmem>> -> memref<80xf32, #tpu.memory_space<vmem>>
    %dma_start3A_34 = tpu.memref_slice %arg5[%add3A_5] : memref<320000xf32, #tpu.memory_space<hbm>> -> memref<80xf32, #tpu.memory_space<hbm>>
    %dma_start3A_35 = tpu.memref_slice %arg13[%dma_start3A_30] : memref<4x!tpu.dma_semaphore, #tpu.memory_space<semaphore_mem>> -> memref<1x!tpu.dma_semaphore, #tpu.memory_space<semaphore_mem>>
    %dma_start3A_36 = tpu.memref_squeeze %dma_start3A_35 : memref<1x!tpu.dma_semaphore, #tpu.memory_space<semaphore_mem>> -> memref<!tpu.dma_semaphore, #tpu.memory_space<semaphore_mem>>
    %dma_start3A_37 = arith.constant 0 : i32
    %dma_start3A_38 = tpu.memref_slice %arg10[%dma_start3A_29, %dma_start3A_37] : memref<3x80xf32, #tpu.memory_space<vmem>> -> memref<1x80xf32, #tpu.memory_space<vmem>>
    %dma_start3A_39 = tpu.memref_squeeze %dma_start3A_38 : memref<1x80xf32, #tpu.memory_space<vmem>> -> memref<80xf32, #tpu.memory_space<vmem>>
    %dma_start3A_40 = tpu.memref_slice %arg5[%add3A_5] : memref<320000xf32, #tpu.memory_space<hbm>> -> memref<80xf32, #tpu.memory_space<hbm>>
    tpu.enqueue_dma source(%dma_start3A_40 : memref<80xf32, #tpu.memory_space<hbm>>) target(%dma_start3A_39 : memref<80xf32, #tpu.memory_space<vmem>>) target_semaphore(%dma_start3A_36 : memref<!tpu.dma_semaphore, #tpu.memory_space<semaphore_mem>>)
    %add3A_41 = arith.constant 0 : i32
    %add3A_42 = arith.addi %mul3A_2, %add3A_41 : i32
    %dma_wait3A = arith.constant 0 : i32
    %dma_wait3A_43 = arith.constant 0 : i32
    %dma_wait3A_44 = arith.constant 0 : i32
    %dma_wait3A_45 = tpu.memref_slice %arg8[%dma_wait3A, %dma_wait3A_44] : memref<3x80xi32, #tpu.memory_space<vmem>> -> memref<1x80xi32, #tpu.memory_space<vmem>>
    %dma_wait3A_46 = tpu.memref_squeeze %dma_wait3A_45 : memref<1x80xi32, #tpu.memory_space<vmem>> -> memref<80xi32, #tpu.memory_space<vmem>>
    %dma_wait3A_47 = tpu.memref_slice %arg3[%add3A_42] : memref<320000xi32, #tpu.memory_space<hbm>> -> memref<80xi32, #tpu.memory_space<hbm>>
    %dma_wait3A_48 = tpu.memref_slice %arg13[%dma_wait3A_43] : memref<4x!tpu.dma_semaphore, #tpu.memory_space<semaphore_mem>> -> memref<1x!tpu.dma_semaphore, #tpu.memory_space<semaphore_mem>>
    %dma_wait3A_49 = tpu.memref_squeeze %dma_wait3A_48 : memref<1x!tpu.dma_semaphore, #tpu.memory_space<semaphore_mem>> -> memref<!tpu.dma_semaphore, #tpu.memory_space<semaphore_mem>>
    %dma_wait3A_50 = arith.constant 0 : i32
    %dma_wait3A_51 = tpu.memref_slice %arg8[%dma_wait3A, %dma_wait3A_50] : memref<3x80xi32, #tpu.memory_space<vmem>> -> memref<1x80xi32, #tpu.memory_space<vmem>>
    %dma_wait3A_52 = tpu.memref_squeeze %dma_wait3A_51 : memref<1x80xi32, #tpu.memory_space<vmem>> -> memref<80xi32, #tpu.memory_space<vmem>>
    %dma_wait3A_53 = tpu.memref_slice %arg3[%add3A_42] : memref<320000xi32, #tpu.memory_space<hbm>> -> memref<80xi32, #tpu.memory_space<hbm>>
    tpu.wait_dma2 semaphore(%dma_wait3A_49 : memref<!tpu.dma_semaphore, #tpu.memory_space<semaphore_mem>>) src(%dma_wait3A_53 : memref<80xi32, #tpu.memory_space<hbm>>) dst(%dma_wait3A_52 : memref<80xi32, #tpu.memory_space<vmem>>)
    %dma_wait3A_54 = arith.constant 0 : i32
    %dma_wait3A_55 = arith.constant 0 : i32
    %dma_wait3A_56 = arith.constant 0 : i32
    %dma_wait3A_57 = tpu.memref_slice %arg9[%dma_wait3A_54, %dma_wait3A_56] : memref<4x80xi32, #tpu.memory_space<vmem>> -> memref<1x80xi32, #tpu.memory_space<vmem>>
    %dma_wait3A_58 = tpu.memref_squeeze %dma_wait3A_57 : memref<1x80xi32, #tpu.memory_space<vmem>> -> memref<80xi32, #tpu.memory_space<vmem>>
    %dma_wait3A_59 = tpu.memref_slice %arg4[%add3A_42] : memref<320000xi32, #tpu.memory_space<hbm>> -> memref<80xi32, #tpu.memory_space<hbm>>
    %dma_wait3A_60 = tpu.memref_slice %arg13[%dma_wait3A_55] : memref<4x!tpu.dma_semaphore, #tpu.memory_space<semaphore_mem>> -> memref<1x!tpu.dma_semaphore, #tpu.memory_space<semaphore_mem>>
    %dma_wait3A_61 = tpu.memref_squeeze %dma_wait3A_60 : memref<1x!tpu.dma_semaphore, #tpu.memory_space<semaphore_mem>> -> memref<!tpu.dma_semaphore, #tpu.memory_space<semaphore_mem>>
    %dma_wait3A_62 = arith.constant 0 : i32
    %dma_wait3A_63 = tpu.memref_slice %arg9[%dma_wait3A_54, %dma_wait3A_62] : memref<4x80xi32, #tpu.memory_space<vmem>> -> memref<1x80xi32, #tpu.memory_space<vmem>>
    %dma_wait3A_64 = tpu.memref_squeeze %dma_wait3A_63 : memref<1x80xi32, #tpu.memory_space<vmem>> -> memref<80xi32, #tpu.memory_space<vmem>>
    %dma_wait3A_65 = tpu.memref_slice %arg4[%add3A_42] : memref<320000xi32, #tpu.memory_space<hbm>> -> memref<80xi32, #tpu.memory_space<hbm>>
    tpu.wait_dma2 semaphore(%dma_wait3A_61 : memref<!tpu.dma_semaphore, #tpu.memory_space<semaphore_mem>>) src(%dma_wait3A_65 : memref<80xi32, #tpu.memory_space<hbm>>) dst(%dma_wait3A_64 : memref<80xi32, #tpu.memory_space<vmem>>)
    %dma_wait3A_66 = arith.constant 0 : i32
    %dma_wait3A_67 = arith.constant 0 : i32
    %dma_wait3A_68 = arith.constant 0 : i32
    %dma_wait3A_69 = tpu.memref_slice %arg10[%dma_wait3A_66, %dma_wait3A_68] : memref<3x80xf32, #tpu.memory_space<vmem>> -> memref<1x80xf32, #tpu.memory_space<vmem>>
    %dma_wait3A_70 = tpu.memref_squeeze %dma_wait3A_69 : memref<1x80xf32, #tpu.memory_space<vmem>> -> memref<80xf32, #tpu.memory_space<vmem>>
    %dma_wait3A_71 = tpu.memref_slice %arg5[%add3A_42] : memref<320000xf32, #tpu.memory_space<hbm>> -> memref<80xf32, #tpu.memory_space<hbm>>
    %dma_wait3A_72 = tpu.memref_slice %arg13[%dma_wait3A_67] : memref<4x!tpu.dma_semaphore, #tpu.memory_space<semaphore_mem>> -> memref<1x!tpu.dma_semaphore, #tpu.memory_space<semaphore_mem>>
    %dma_wait3A_73 = tpu.memref_squeeze %dma_wait3A_72 : memref<1x!tpu.dma_semaphore, #tpu.memory_space<semaphore_mem>> -> memref<!tpu.dma_semaphore, #tpu.memory_space<semaphore_mem>>
    %dma_wait3A_74 = arith.constant 0 : i32
    %dma_wait3A_75 = tpu.memref_slice %arg10[%dma_wait3A_66, %dma_wait3A_74] : memref<3x80xf32, #tpu.memory_space<vmem>> -> memref<1x80xf32, #tpu.memory_space<vmem>>
    %dma_wait3A_76 = tpu.memref_squeeze %dma_wait3A_75 : memref<1x80xf32, #tpu.memory_space<vmem>> -> memref<80xf32, #tpu.memory_space<vmem>>
    %dma_wait3A_77 = tpu.memref_slice %arg5[%add3A_42] : memref<320000xf32, #tpu.memory_space<hbm>> -> memref<80xf32, #tpu.memory_space<hbm>>
    tpu.wait_dma2 semaphore(%dma_wait3A_73 : memref<!tpu.dma_semaphore, #tpu.memory_space<semaphore_mem>>) src(%dma_wait3A_77 : memref<80xf32, #tpu.memory_space<hbm>>) dst(%dma_wait3A_76 : memref<80xf32, #tpu.memory_space<vmem>>)
    %scan3A = arith.constant 0 : i32
    %scan3A_78 = arith.constant 5 : i32
    %scan3A_79 = arith.addi %scan3A, %scan3A_78 : i32
    %scan3A_80 = arith.constant 1 : i32
    scf.for %scan3A_145 = %scan3A to %scan3A_79 step %scan3A_80  : i32 {
      %mul3A_146 = arith.constant 1 : i32
      %mul3A_147 = arith.muli %scan3A_145, %mul3A_146 : i32
      %add3A_148 = arith.constant 0 : i32
      %add3A_149 = arith.addi %add3A_148, %mul3A_147 : i32
      %mul3A_150 = arith.constant 16 : i32
      %mul3A_151 = arith.muli %add3A_149, %mul3A_150 : i32
      %get3A = arith.constant 0 : i32
      %get3A_152 = arith.index_cast %get3A : i32 to index
      %get3A_153 = arith.index_cast %mul3A_151 : i32 to index
      %get3A_154 = tpu.vector_load %arg8[%get3A_152, %get3A_153] {strides = array<i32>} : memref<3x80xi32, #tpu.memory_space<vmem>>, vector<1x16xi32>,
      %get3A_155 = vector.shape_cast %get3A_154 : vector<1x16xi32> to vector<16xi32>
      %add3A_156 = vector.broadcast %mul3A_4 : i32 to vector<16xi32>
      %add3A_157 = arith.addi %get3A_155, %add3A_156 : vector<16xi32>
      %mul3A_158 = arith.constant 16 : i32
      %mul3A_159 = arith.muli %add3A_149, %mul3A_158 : i32
      %swap3A = arith.constant 0 : i32
      %swap3A_160 = arith.index_cast %swap3A : i32 to index
      %swap3A_161 = arith.index_cast %mul3A_159 : i32 to index
      %swap3A_162 = tpu.vector_load %arg8[%swap3A_160, %swap3A_161] {strides = array<i32>} : memref<3x80xi32, #tpu.memory_space<vmem>>, vector<1x16xi32>,
      %swap3A_163 = vector.shape_cast %swap3A_162 : vector<1x16xi32> to vector<16xi32>
      %swap3A_164 = vector.shape_cast %add3A_157 : vector<16xi32> to vector<1x16xi32>
      tpu.vector_store %arg8[%swap3A_160, %swap3A_161], %swap3A_164 {strides = array<i32>} : memref<3x80xi32, #tpu.memory_space<vmem>>, vector<1x16xi32>,
    }
    %scan3A_81 = arith.constant 5 : i32
    %dma_start3A_82 = arith.constant 0 : i32
    %dma_start3A_83 = arith.constant 0 : i32
    %dma_start3A_84 = arith.constant 0 : i32
    %dma_start3A_85 = arith.constant 0 : i32
    %dma_start3A_86 = arith.constant 0 : i32
    %dma_start3A_87 = tpu.memref_slice %arg11[%dma_start3A_83, %dma_start3A_85, %dma_start3A_86] : memref<3x80x128xf32, #tpu.memory_space<vmem>> -> memref<1x80x128xf32, #tpu.memory_space<vmem>>
    %dma_start3A_88 = tpu.memref_squeeze %dma_start3A_87 : memref<1x80x128xf32, #tpu.memory_space<vmem>> -> memref<80x128xf32, #tpu.memory_space<vmem>>
    %dma_start3A_89 = arith.constant 0 : i32
    %dma_start3A_90 = tpu.memref_slice %arg8[%dma_start3A_82, %dma_start3A_89] : memref<3x80xi32, #tpu.memory_space<vmem>> -> memref<1x80xi32, #tpu.memory_space<vmem>>
    %dma_start3A_91 = tpu.memref_squeeze %dma_start3A_90 : memref<1x80xi32, #tpu.memory_space<vmem>> -> memref<80xi32, #tpu.memory_space<vmem>>
    %dma_start3A_92 = arith.constant 0 : i32
    %dma_start3A_93 = arith.constant 0 : i32
    %dma_start3A_94 = tpu.memref_slice %arg2[%dma_start3A_92, %dma_start3A_93] : memref<20000x128xf32, #tpu.memory_space<hbm>> -> memref<20000x128xf32, #tpu.memory_space<hbm>>
    %dma_start3A_95 = tpu.memref_slice %arg14[%dma_start3A_84] : memref<3x!tpu.dma_semaphore, #tpu.memory_space<semaphore_mem>> -> memref<1x!tpu.dma_semaphore, #tpu.memory_space<semaphore_mem>>
    %dma_start3A_96 = tpu.memref_squeeze %dma_start3A_95 : memref<1x!tpu.dma_semaphore, #tpu.memory_space<semaphore_mem>> -> memref<!tpu.dma_semaphore, #tpu.memory_space<semaphore_mem>>
    tpu.enqueue_indirect_dma source(%dma_start3A_94 : memref<20000x128xf32, #tpu.memory_space<hbm>>) target(%dma_start3A_88 : memref<80x128xf32, #tpu.memory_space<vmem>>) offsets(%dma_start3A_91 : memref<80xi32, #tpu.memory_space<vmem>>) semaphore(%dma_start3A_96 : memref<!tpu.dma_semaphore, #tpu.memory_space<semaphore_mem>>)
    %add3A_97 = arith.constant 80 : i32
    %add3A_98 = arith.addi %mul3A_2, %add3A_97 : i32
    %dma_start3A_99 = arith.constant 1 : i32
    %dma_start3A_100 = arith.constant 1 : i32
    %dma_start3A_101 = arith.constant 0 : i32
    %dma_start3A_102 = tpu.memref_slice %arg8[%dma_start3A_99, %dma_start3A_101] : memref<3x80xi32, #tpu.memory_space<vmem>> -> memref<1x80xi32, #tpu.memory_space<vmem>>
    %dma_start3A_103 = tpu.memref_squeeze %dma_start3A_102 : memref<1x80xi32, #tpu.memory_space<vmem>> -> memref<80xi32, #tpu.memory_space<vmem>>
    %dma_start3A_104 = tpu.memref_slice %arg3[%add3A_98] : memref<320000xi32, #tpu.memory_space<hbm>> -> memref<80xi32, #tpu.memory_space<hbm>>
    %dma_start3A_105 = tpu.memref_slice %arg13[%dma_start3A_100] : memref<4x!tpu.dma_semaphore, #tpu.memory_space<semaphore_mem>> -> memref<1x!tpu.dma_semaphore, #tpu.memory_space<semaphore_mem>>
    %dma_start3A_106 = tpu.memref_squeeze %dma_start3A_105 : memref<1x!tpu.dma_semaphore, #tpu.memory_space<semaphore_mem>> -> memref<!tpu.dma_semaphore, #tpu.memory_space<semaphore_mem>>
    %dma_start3A_107 = arith.constant 0 : i32
    %dma_start3A_108 = tpu.memref_slice %arg8[%dma_start3A_99, %dma_start3A_107] : memref<3x80xi32, #tpu.memory_space<vmem>> -> memref<1x80xi32, #tpu.memory_space<vmem>>
    %dma_start3A_109 = tpu.memref_squeeze %dma_start3A_108 : memref<1x80xi32, #tpu.memory_space<vmem>> -> memref<80xi32, #tpu.memory_space<vmem>>
    %dma_start3A_110 = tpu.memref_slice %arg3[%add3A_98] : memref<320000xi32, #tpu.memory_space<hbm>> -> memref<80xi32, #tpu.memory_space<hbm>>
    tpu.enqueue_dma source(%dma_start3A_110 : memref<80xi32, #tpu.memory_space<hbm>>) target(%dma_start3A_109 : memref<80xi32, #tpu.memory_space<vmem>>) target_semaphore(%dma_start3A_106 : memref<!tpu.dma_semaphore, #tpu.memory_space<semaphore_mem>>)
    %dma_start3A_111 = arith.constant 1 : i32
    %dma_start3A_112 = arith.constant 1 : i32
    %dma_start3A_113 = arith.constant 0 : i32
    %dma_start3A_114 = tpu.memref_slice %arg9[%dma_start3A_111, %dma_start3A_113] : memref<4x80xi32, #tpu.memory_space<vmem>> -> memref<1x80xi32, #tpu.memory_space<vmem>>
    %dma_start3A_115 = tpu.memref_squeeze %dma_start3A_114 : memref<1x80xi32, #tpu.memory_space<vmem>> -> memref<80xi32, #tpu.memory_space<vmem>>
    %dma_start3A_116 = tpu.memref_slice %arg4[%add3A_98] : memref<320000xi32, #tpu.memory_space<hbm>> -> memref<80xi32, #tpu.memory_space<hbm>>
    %dma_start3A_117 = tpu.memref_slice %arg13[%dma_start3A_112] : memref<4x!tpu.dma_semaphore, #tpu.memory_space<semaphore_mem>> -> memref<1x!tpu.dma_semaphore, #tpu.memory_space<semaphore_mem>>
    %dma_start3A_118 = tpu.memref_squeeze %dma_start3A_117 : memref<1x!tpu.dma_semaphore, #tpu.memory_space<semaphore_mem>> -> memref<!tpu.dma_semaphore, #tpu.memory_space<semaphore_mem>>
    %dma_start3A_119 = arith.constant 0 : i32
    %dma_start3A_120 = tpu.memref_slice %arg9[%dma_start3A_111, %dma_start3A_119] : memref<4x80xi32, #tpu.memory_space<vmem>> -> memref<1x80xi32, #tpu.memory_space<vmem>>
    %dma_start3A_121 = tpu.memref_squeeze %dma_start3A_120 : memref<1x80xi32, #tpu.memory_space<vmem>> -> memref<80xi32, #tpu.memory_space<vmem>>
    %dma_start3A_122 = tpu.memref_slice %arg4[%add3A_98] : memref<320000xi32, #tpu.memory_space<hbm>> -> memref<80xi32, #tpu.memory_space<hbm>>
    tpu.enqueue_dma source(%dma_start3A_122 : memref<80xi32, #tpu.memory_space<hbm>>) target(%dma_start3A_121 : memref<80xi32, #tpu.memory_space<vmem>>) target_semaphore(%dma_start3A_118 : memref<!tpu.dma_semaphore, #tpu.memory_space<semaphore_mem>>)
    %dma_start3A_123 = arith.constant 1 : i32
    %dma_start3A_124 = arith.constant 1 : i32
    %dma_start3A_125 = arith.constant 0 : i32
    %dma_start3A_126 = tpu.memref_slice %arg10[%dma_start3A_123, %dma_start3A_125] : memref<3x80xf32, #tpu.memory_space<vmem>> -> memref<1x80xf32, #tpu.memory_space<vmem>>
    %dma_start3A_127 = tpu.memref_squeeze %dma_start3A_126 : memref<1x80xf32, #tpu.memory_space<vmem>> -> memref<80xf32, #tpu.memory_space<vmem>>
    %dma_start3A_128 = tpu.memref_slice %arg5[%add3A_98] : memref<320000xf32, #tpu.memory_space<hbm>> -> memref<80xf32, #tpu.memory_space<hbm>>
    %dma_start3A_129 = tpu.memref_slice %arg13[%dma_start3A_124] : memref<4x!tpu.dma_semaphore, #tpu.memory_space<semaphore_mem>> -> memref<1x!tpu.dma_semaphore, #tpu.memory_space<semaphore_mem>>
    %dma_start3A_130 = tpu.memref_squeeze %dma_start3A_129 : memref<1x!tpu.dma_semaphore, #tpu.memory_space<semaphore_mem>> -> memref<!tpu.dma_semaphore, #tpu.memory_space<semaphore_mem>>
    %dma_start3A_131 = arith.constant 0 : i32
    %dma_start3A_132 = tpu.memref_slice %arg10[%dma_start3A_123, %dma_start3A_131] : memref<3x80xf32, #tpu.memory_space<vmem>> -> memref<1x80xf32, #tpu.memory_space<vmem>>
    %dma_start3A_133 = tpu.memref_squeeze %dma_start3A_132 : memref<1x80xf32, #tpu.memory_space<vmem>> -> memref<80xf32, #tpu.memory_space<vmem>>
    %dma_start3A_134 = tpu.memref_slice %arg5[%add3A_98] : memref<320000xf32, #tpu.memory_space<hbm>> -> memref<80xf32, #tpu.memory_space<hbm>>
    tpu.enqueue_dma source(%dma_start3A_134 : memref<80xf32, #tpu.memory_space<hbm>>) target(%dma_start3A_133 : memref<80xf32, #tpu.memory_space<vmem>>) target_semaphore(%dma_start3A_130 : memref<!tpu.dma_semaphore, #tpu.memory_space<semaphore_mem>>)
    %scan3A_135 = arith.constant 0 : i32
    %scan3A_136 = arith.constant 250 : i32
    %scan3A_137 = arith.addi %scan3A_135, %scan3A_136 : i32
    %scan3A_138 = arith.constant 1 : i32
    scf.for %scan3A_145 = %scan3A_135 to %scan3A_137 step %scan3A_138  : i32 {
      %mul3A_146 = arith.constant 1 : i32
      %mul3A_147 = arith.muli %scan3A_145, %mul3A_146 : i32
      %add3A_148 = arith.constant 0 : i32
      %add3A_149 = arith.addi %add3A_148, %mul3A_147 : i32
      %rem3A = arith.constant 3 : i32
      %rem3A_150 = arith.remsi %add3A_149, %rem3A : i32
      %rem3A_151 = arith.constant 4 : i32
      %rem3A_152 = arith.remsi %add3A_149, %rem3A_151 : i32
      %add3A_153 = arith.constant 1 : i32
      %add3A_154 = arith.addi %add3A_149, %add3A_153 : i32
      %lt3A = arith.constant 250 : i32
      %lt3A_155 = arith.cmpi slt, %add3A_154, %lt3A : i32
      %convert_element_type3A = arith.extui %lt3A_155 : i1 to i32
      %cond3A = arith.constant 0 : i32
      %cond3A_156 = arith.cmpi ne, %convert_element_type3A, %cond3A : i32
      scf.if %cond3A_156 {
        %add3A_169 = arith.constant 1 : i32
        %add3A_170 = arith.addi %add3A_149, %add3A_169 : i32
        %rem3A_171 = arith.constant 3 : i32
        %rem3A_172 = arith.remsi %add3A_170, %rem3A_171 : i32
        %add3A_173 = arith.constant 1 : i32
        %add3A_174 = arith.addi %add3A_149, %add3A_173 : i32
        %rem3A_175 = arith.constant 4 : i32
        %rem3A_176 = arith.remsi %add3A_174, %rem3A_175 : i32
        %add3A_177 = arith.constant 1 : i32
        %add3A_178 = arith.addi %add3A_149, %add3A_177 : i32
        %mul3A_179 = arith.constant 80 : i32
        %mul3A_180 = arith.muli %add3A_178, %mul3A_179 : i32
        %add3A_181 = arith.addi %mul3A_2, %mul3A_180 : i32
        %dma_wait3A_182 = arith.constant 0 : i32
        %dma_wait3A_183 = tpu.memref_slice %arg8[%rem3A_172, %dma_wait3A_182] : memref<3x80xi32, #tpu.memory_space<vmem>> -> memref<1x80xi32, #tpu.memory_space<vmem>>
        %dma_wait3A_184 = tpu.memref_squeeze %dma_wait3A_183 : memref<1x80xi32, #tpu.memory_space<vmem>> -> memref<80xi32, #tpu.memory_space<vmem>>
        %dma_wait3A_185 = tpu.memref_slice %arg3[%add3A_181] : memref<320000xi32, #tpu.memory_space<hbm>> -> memref<80xi32, #tpu.memory_space<hbm>>
        %dma_wait3A_186 = tpu.memref_slice %arg13[%rem3A_176] : memref<4x!tpu.dma_semaphore, #tpu.memory_space<semaphore_mem>> -> memref<1x!tpu.dma_semaphore, #tpu.memory_space<semaphore_mem>>
        %dma_wait3A_187 = tpu.memref_squeeze %dma_wait3A_186 : memref<1x!tpu.dma_semaphore, #tpu.memory_space<semaphore_mem>> -> memref<!tpu.dma_semaphore, #tpu.memory_space<semaphore_mem>>
        %dma_wait3A_188 = arith.constant 0 : i32
        %dma_wait3A_189 = tpu.memref_slice %arg8[%rem3A_172, %dma_wait3A_188] : memref<3x80xi32, #tpu.memory_space<vmem>> -> memref<1x80xi32, #tpu.memory_space<vmem>>
        %dma_wait3A_190 = tpu.memref_squeeze %dma_wait3A_189 : memref<1x80xi32, #tpu.memory_space<vmem>> -> memref<80xi32, #tpu.memory_space<vmem>>
        %dma_wait3A_191 = tpu.memref_slice %arg3[%add3A_181] : memref<320000xi32, #tpu.memory_space<hbm>> -> memref<80xi32, #tpu.memory_space<hbm>>
        tpu.wait_dma2 semaphore(%dma_wait3A_187 : memref<!tpu.dma_semaphore, #tpu.memory_space<semaphore_mem>>) src(%dma_wait3A_191 : memref<80xi32, #tpu.memory_space<hbm>>) dst(%dma_wait3A_190 : memref<80xi32, #tpu.memory_space<vmem>>)
        %dma_wait3A_192 = arith.constant 0 : i32
        %dma_wait3A_193 = tpu.memref_slice %arg9[%rem3A_176, %dma_wait3A_192] : memref<4x80xi32, #tpu.memory_space<vmem>> -> memref<1x80xi32, #tpu.memory_space<vmem>>
        %dma_wait3A_194 = tpu.memref_squeeze %dma_wait3A_193 : memref<1x80xi32, #tpu.memory_space<vmem>> -> memref<80xi32, #tpu.memory_space<vmem>>
        %dma_wait3A_195 = tpu.memref_slice %arg4[%add3A_181] : memref<320000xi32, #tpu.memory_space<hbm>> -> memref<80xi32, #tpu.memory_space<hbm>>
        %dma_wait3A_196 = tpu.memref_slice %arg13[%rem3A_176] : memref<4x!tpu.dma_semaphore, #tpu.memory_space<semaphore_mem>> -> memref<1x!tpu.dma_semaphore, #tpu.memory_space<semaphore_mem>>
        %dma_wait3A_197 = tpu.memref_squeeze %dma_wait3A_196 : memref<1x!tpu.dma_semaphore, #tpu.memory_space<semaphore_mem>> -> memref<!tpu.dma_semaphore, #tpu.memory_space<semaphore_mem>>
        %dma_wait3A_198 = arith.constant 0 : i32
        %dma_wait3A_199 = tpu.memref_slice %arg9[%rem3A_176, %dma_wait3A_198] : memref<4x80xi32, #tpu.memory_space<vmem>> -> memref<1x80xi32, #tpu.memory_space<vmem>>
        %dma_wait3A_200 = tpu.memref_squeeze %dma_wait3A_199 : memref<1x80xi32, #tpu.memory_space<vmem>> -> memref<80xi32, #tpu.memory_space<vmem>>
        %dma_wait3A_201 = tpu.memref_slice %arg4[%add3A_181] : memref<320000xi32, #tpu.memory_space<hbm>> -> memref<80xi32, #tpu.memory_space<hbm>>
        tpu.wait_dma2 semaphore(%dma_wait3A_197 : memref<!tpu.dma_semaphore, #tpu.memory_space<semaphore_mem>>) src(%dma_wait3A_201 : memref<80xi32, #tpu.memory_space<hbm>>) dst(%dma_wait3A_200 : memref<80xi32, #tpu.memory_space<vmem>>)
        %dma_wait3A_202 = arith.constant 0 : i32
        %dma_wait3A_203 = tpu.memref_slice %arg10[%rem3A_172, %dma_wait3A_202] : memref<3x80xf32, #tpu.memory_space<vmem>> -> memref<1x80xf32, #tpu.memory_space<vmem>>
        %dma_wait3A_204 = tpu.memref_squeeze %dma_wait3A_203 : memref<1x80xf32, #tpu.memory_space<vmem>> -> memref<80xf32, #tpu.memory_space<vmem>>
        %dma_wait3A_205 = tpu.memref_slice %arg5[%add3A_181] : memref<320000xf32, #tpu.memory_space<hbm>> -> memref<80xf32, #tpu.memory_space<hbm>>
        %dma_wait3A_206 = tpu.memref_slice %arg13[%rem3A_176] : memref<4x!tpu.dma_semaphore, #tpu.memory_space<semaphore_mem>> -> memref<1x!tpu.dma_semaphore, #tpu.memory_space<semaphore_mem>>
        %dma_wait3A_207 = tpu.memref_squeeze %dma_wait3A_206 : memref<1x!tpu.dma_semaphore, #tpu.memory_space<semaphore_mem>> -> memref<!tpu.dma_semaphore, #tpu.memory_space<semaphore_mem>>
        %dma_wait3A_208 = arith.constant 0 : i32
        %dma_wait3A_209 = tpu.memref_slice %arg10[%rem3A_172, %dma_wait3A_208] : memref<3x80xf32, #tpu.memory_space<vmem>> -> memref<1x80xf32, #tpu.memory_space<vmem>>
        %dma_wait3A_210 = tpu.memref_squeeze %dma_wait3A_209 : memref<1x80xf32, #tpu.memory_space<vmem>> -> memref<80xf32, #tpu.memory_space<vmem>>
        %dma_wait3A_211 = tpu.memref_slice %arg5[%add3A_181] : memref<320000xf32, #tpu.memory_space<hbm>> -> memref<80xf32, #tpu.memory_space<hbm>>
        tpu.wait_dma2 semaphore(%dma_wait3A_207 : memref<!tpu.dma_semaphore, #tpu.memory_space<semaphore_mem>>) src(%dma_wait3A_211 : memref<80xf32, #tpu.memory_space<hbm>>) dst(%dma_wait3A_210 : memref<80xf32, #tpu.memory_space<vmem>>)
        %scan3A_212 = arith.constant 0 : i32
        %scan3A_213 = arith.constant 5 : i32
        %scan3A_214 = arith.addi %scan3A_212, %scan3A_213 : i32
        %scan3A_215 = arith.constant 1 : i32
        scf.for %scan3A_240 = %scan3A_212 to %scan3A_214 step %scan3A_215  : i32 {
          %mul3A_241 = arith.constant 1 : i32
          %mul3A_242 = arith.muli %scan3A_240, %mul3A_241 : i32
          %add3A_243 = arith.constant 0 : i32
          %add3A_244 = arith.addi %add3A_243, %mul3A_242 : i32
          %mul3A_245 = arith.constant 16 : i32
          %mul3A_246 = arith.muli %add3A_244, %mul3A_245 : i32
          %get3A = arith.index_cast %rem3A_172 : i32 to index
          %get3A_247 = arith.index_cast %mul3A_246 : i32 to index
          %get3A_248 = tpu.vector_load %arg8[%get3A, %get3A_247] {strides = array<i32>} : memref<3x80xi32, #tpu.memory_space<vmem>>, vector<1x16xi32>,
          %get3A_249 = vector.shape_cast %get3A_248 : vector<1x16xi32> to vector<16xi32>
          %add3A_250 = vector.broadcast %mul3A_4 : i32 to vector<16xi32>
          %add3A_251 = arith.addi %get3A_249, %add3A_250 : vector<16xi32>
          %mul3A_252 = arith.constant 16 : i32
          %mul3A_253 = arith.muli %add3A_244, %mul3A_252 : i32
          %swap3A = arith.index_cast %rem3A_172 : i32 to index
          %swap3A_254 = arith.index_cast %mul3A_253 : i32 to index
          %swap3A_255 = tpu.vector_load %arg8[%swap3A, %swap3A_254] {strides = array<i32>} : memref<3x80xi32, #tpu.memory_space<vmem>>, vector<1x16xi32>,
          %swap3A_256 = vector.shape_cast %swap3A_255 : vector<1x16xi32> to vector<16xi32>
          %swap3A_257 = vector.shape_cast %add3A_251 : vector<16xi32> to vector<1x16xi32>
          tpu.vector_store %arg8[%swap3A, %swap3A_254], %swap3A_257 {strides = array<i32>} : memref<3x80xi32, #tpu.memory_space<vmem>>, vector<1x16xi32>,
        }
        %scan3A_216 = arith.constant 5 : i32
        %ge3A = arith.constant 2 : i32
        %ge3A_217 = arith.cmpi sge, %add3A_149, %ge3A : i32
        %convert_element_type3A_218 = arith.extui %ge3A_217 : i1 to i32
        %cond3A_219 = arith.constant 0 : i32
        %cond3A_220 = arith.cmpi ne, %convert_element_type3A_218, %cond3A_219 : i32
        scf.if %cond3A_220 {
          %sub3A = arith.constant 2 : i32
          %sub3A_240 = arith.subi %add3A_149, %sub3A : i32
          %rem3A_241 = arith.constant 4 : i32
          %rem3A_242 = arith.remsi %sub3A_240, %rem3A_241 : i32
          %sub3A_243 = arith.constant 2 : i32
          %sub3A_244 = arith.subi %add3A_149, %sub3A_243 : i32
          %rem3A_245 = arith.constant 3 : i32
          %rem3A_246 = arith.remsi %sub3A_244, %rem3A_245 : i32
        } else {
        }
        %dma_start3A_221 = arith.constant 0 : i32
        %dma_start3A_222 = arith.constant 0 : i32
        %dma_start3A_223 = tpu.memref_slice %arg11[%rem3A_172, %dma_start3A_221, %dma_start3A_222] : memref<3x80x128xf32, #tpu.memory_space<vmem>> -> memref<1x80x128xf32, #tpu.memory_space<vmem>>
        %dma_start3A_224 = tpu.memref_squeeze %dma_start3A_223 : memref<1x80x128xf32, #tpu.memory_space<vmem>> -> memref<80x128xf32, #tpu.memory_space<vmem>>
        %dma_start3A_225 = arith.constant 0 : i32
        %dma_start3A_226 = tpu.memref_slice %arg8[%rem3A_172, %dma_start3A_225] : memref<3x80xi32, #tpu.memory_space<vmem>> -> memref<1x80xi32, #tpu.memory_space<vmem>>
        %dma_start3A_227 = tpu.memref_squeeze %dma_start3A_226 : memref<1x80xi32, #tpu.memory_space<vmem>> -> memref<80xi32, #tpu.memory_space<vmem>>
        %dma_start3A_228 = arith.constant 0 : i32
        %dma_start3A_229 = arith.constant 0 : i32
        %dma_start3A_230 = tpu.memref_slice %arg2[%dma_start3A_228, %dma_start3A_229] : memref<20000x128xf32, #tpu.memory_space<hbm>> -> memref<20000x128xf32, #tpu.memory_space<hbm>>
        %dma_start3A_231 = tpu.memref_slice %arg14[%rem3A_172] : memref<3x!tpu.dma_semaphore, #tpu.memory_space<semaphore_mem>> -> memref<1x!tpu.dma_semaphore, #tpu.memory_space<semaphore_mem>>
        %dma_start3A_232 = tpu.memref_squeeze %dma_start3A_231 : memref<1x!tpu.dma_semaphore, #tpu.memory_space<semaphore_mem>> -> memref<!tpu.dma_semaphore, #tpu.memory_space<semaphore_mem>>
        tpu.enqueue_indirect_dma source(%dma_start3A_230 : memref<20000x128xf32, #tpu.memory_space<hbm>>) target(%dma_start3A_224 : memref<80x128xf32, #tpu.memory_space<vmem>>) offsets(%dma_start3A_227 : memref<80xi32, #tpu.memory_space<vmem>>) semaphore(%dma_start3A_232 : memref<!tpu.dma_semaphore, #tpu.memory_space<semaphore_mem>>)
        %add3A_233 = arith.constant 2 : i32
        %add3A_234 = arith.addi %add3A_149, %add3A_233 : i32
        %lt3A_235 = arith.constant 250 : i32
        %lt3A_236 = arith.cmpi slt, %add3A_234, %lt3A_235 : i32
        %convert_element_type3A_237 = arith.extui %lt3A_236 : i1 to i32
        %cond3A_238 = arith.constant 0 : i32
        %cond3A_239 = arith.cmpi ne, %convert_element_type3A_237, %cond3A_238 : i32
        scf.if %cond3A_239 {
          %add3A_240 = arith.constant 2 : i32
          %add3A_241 = arith.addi %add3A_149, %add3A_240 : i32
          %add3A_242 = arith.constant 2 : i32
          %add3A_243 = arith.addi %add3A_149, %add3A_242 : i32
          %rem3A_244 = arith.constant 3 : i32
          %rem3A_245 = arith.remsi %add3A_243, %rem3A_244 : i32
          %add3A_246 = arith.constant 2 : i32
          %add3A_247 = arith.addi %add3A_149, %add3A_246 : i32
          %rem3A_248 = arith.constant 4 : i32
          %rem3A_249 = arith.remsi %add3A_247, %rem3A_248 : i32
          %mul3A_250 = arith.constant 80 : i32
          %mul3A_251 = arith.muli %add3A_241, %mul3A_250 : i32
          %add3A_252 = arith.addi %mul3A_2, %mul3A_251 : i32
          %dma_start3A_253 = arith.constant 0 : i32
          %dma_start3A_254 = tpu.memref_slice %arg8[%rem3A_245, %dma_start3A_253] : memref<3x80xi32, #tpu.memory_space<vmem>> -> memref<1x80xi32, #tpu.memory_space<vmem>>
          %dma_start3A_255 = tpu.memref_squeeze %dma_start3A_254 : memref<1x80xi32, #tpu.memory_space<vmem>> -> memref<80xi32, #tpu.memory_space<vmem>>
          %dma_start3A_256 = tpu.memref_slice %arg3[%add3A_252] : memref<320000xi32, #tpu.memory_space<hbm>> -> memref<80xi32, #tpu.memory_space<hbm>>
          %dma_start3A_257 = tpu.memref_slice %arg13[%rem3A_249] : memref<4x!tpu.dma_semaphore, #tpu.memory_space<semaphore_mem>> -> memref<1x!tpu.dma_semaphore, #tpu.memory_space<semaphore_mem>>
          %dma_start3A_258 = tpu.memref_squeeze %dma_start3A_257 : memref<1x!tpu.dma_semaphore, #tpu.memory_space<semaphore_mem>> -> memref<!tpu.dma_semaphore, #tpu.memory_space<semaphore_mem>>
          %dma_start3A_259 = arith.constant 0 : i32
          %dma_start3A_260 = tpu.memref_slice %arg8[%rem3A_245, %dma_start3A_259] : memref<3x80xi32, #tpu.memory_space<vmem>> -> memref<1x80xi32, #tpu.memory_space<vmem>>
          %dma_start3A_261 = tpu.memref_squeeze %dma_start3A_260 : memref<1x80xi32, #tpu.memory_space<vmem>> -> memref<80xi32, #tpu.memory_space<vmem>>
          %dma_start3A_262 = tpu.memref_slice %arg3[%add3A_252] : memref<320000xi32, #tpu.memory_space<hbm>> -> memref<80xi32, #tpu.memory_space<hbm>>
          tpu.enqueue_dma source(%dma_start3A_262 : memref<80xi32, #tpu.memory_space<hbm>>) target(%dma_start3A_261 : memref<80xi32, #tpu.memory_space<vmem>>) target_semaphore(%dma_start3A_258 : memref<!tpu.dma_semaphore, #tpu.memory_space<semaphore_mem>>)
          %dma_start3A_263 = arith.constant 0 : i32
          %dma_start3A_264 = tpu.memref_slice %arg9[%rem3A_249, %dma_start3A_263] : memref<4x80xi32, #tpu.memory_space<vmem>> -> memref<1x80xi32, #tpu.memory_space<vmem>>
          %dma_start3A_265 = tpu.memref_squeeze %dma_start3A_264 : memref<1x80xi32, #tpu.memory_space<vmem>> -> memref<80xi32, #tpu.memory_space<vmem>>
          %dma_start3A_266 = tpu.memref_slice %arg4[%add3A_252] : memref<320000xi32, #tpu.memory_space<hbm>> -> memref<80xi32, #tpu.memory_space<hbm>>
          %dma_start3A_267 = tpu.memref_slice %arg13[%rem3A_249] : memref<4x!tpu.dma_semaphore, #tpu.memory_space<semaphore_mem>> -> memref<1x!tpu.dma_semaphore, #tpu.memory_space<semaphore_mem>>
          %dma_start3A_268 = tpu.memref_squeeze %dma_start3A_267 : memref<1x!tpu.dma_semaphore, #tpu.memory_space<semaphore_mem>> -> memref<!tpu.dma_semaphore, #tpu.memory_space<semaphore_mem>>
          %dma_start3A_269 = arith.constant 0 : i32
          %dma_start3A_270 = tpu.memref_slice %arg9[%rem3A_249, %dma_start3A_269] : memref<4x80xi32, #tpu.memory_space<vmem>> -> memref<1x80xi32, #tpu.memory_space<vmem>>
          %dma_start3A_271 = tpu.memref_squeeze %dma_start3A_270 : memref<1x80xi32, #tpu.memory_space<vmem>> -> memref<80xi32, #tpu.memory_space<vmem>>
          %dma_start3A_272 = tpu.memref_slice %arg4[%add3A_252] : memref<320000xi32, #tpu.memory_space<hbm>> -> memref<80xi32, #tpu.memory_space<hbm>>
          tpu.enqueue_dma source(%dma_start3A_272 : memref<80xi32, #tpu.memory_space<hbm>>) target(%dma_start3A_271 : memref<80xi32, #tpu.memory_space<vmem>>) target_semaphore(%dma_start3A_268 : memref<!tpu.dma_semaphore, #tpu.memory_space<semaphore_mem>>)
          %dma_start3A_273 = arith.constant 0 : i32
          %dma_start3A_274 = tpu.memref_slice %arg10[%rem3A_245, %dma_start3A_273] : memref<3x80xf32, #tpu.memory_space<vmem>> -> memref<1x80xf32, #tpu.memory_space<vmem>>
          %dma_start3A_275 = tpu.memref_squeeze %dma_start3A_274 : memref<1x80xf32, #tpu.memory_space<vmem>> -> memref<80xf32, #tpu.memory_space<vmem>>
          %dma_start3A_276 = tpu.memref_slice %arg5[%add3A_252] : memref<320000xf32, #tpu.memory_space<hbm>> -> memref<80xf32, #tpu.memory_space<hbm>>
          %dma_start3A_277 = tpu.memref_slice %arg13[%rem3A_249] : memref<4x!tpu.dma_semaphore, #tpu.memory_space<semaphore_mem>> -> memref<1x!tpu.dma_semaphore, #tpu.memory_space<semaphore_mem>>
          %dma_start3A_278 = tpu.memref_squeeze %dma_start3A_277 : memref<1x!tpu.dma_semaphore, #tpu.memory_space<semaphore_mem>> -> memref<!tpu.dma_semaphore, #tpu.memory_space<semaphore_mem>>
          %dma_start3A_279 = arith.constant 0 : i32
          %dma_start3A_280 = tpu.memref_slice %arg10[%rem3A_245, %dma_start3A_279] : memref<3x80xf32, #tpu.memory_space<vmem>> -> memref<1x80xf32, #tpu.memory_space<vmem>>
          %dma_start3A_281 = tpu.memref_squeeze %dma_start3A_280 : memref<1x80xf32, #tpu.memory_space<vmem>> -> memref<80xf32, #tpu.memory_space<vmem>>
          %dma_start3A_282 = tpu.memref_slice %arg5[%add3A_252] : memref<320000xf32, #tpu.memory_space<hbm>> -> memref<80xf32, #tpu.memory_space<hbm>>
          tpu.enqueue_dma source(%dma_start3A_282 : memref<80xf32, #tpu.memory_space<hbm>>) target(%dma_start3A_281 : memref<80xf32, #tpu.memory_space<vmem>>) target_semaphore(%dma_start3A_278 : memref<!tpu.dma_semaphore, #tpu.memory_space<semaphore_mem>>)
        } else {
        }
      } else {
      }
      %dma_wait3A_157 = arith.constant 0 : i32
      %dma_wait3A_158 = arith.constant 0 : i32
      %dma_wait3A_159 = tpu.memref_slice %arg11[%rem3A_150, %dma_wait3A_157, %dma_wait3A_158] : memref<3x80x128xf32, #tpu.memory_space<vmem>> -> memref<1x80x128xf32, #tpu.memory_space<vmem>>
      %dma_wait3A_160 = tpu.memref_squeeze %dma_wait3A_159 : memref<1x80x128xf32, #tpu.memory_space<vmem>> -> memref<80x128xf32, #tpu.memory_space<vmem>>
      %dma_wait3A_161 = arith.constant 0 : i32
      %dma_wait3A_162 = tpu.memref_slice %arg8[%rem3A_150, %dma_wait3A_161] : memref<3x80xi32, #tpu.memory_space<vmem>> -> memref<1x80xi32, #tpu.memory_space<vmem>>
      %dma_wait3A_163 = tpu.memref_squeeze %dma_wait3A_162 : memref<1x80xi32, #tpu.memory_space<vmem>> -> memref<80xi32, #tpu.memory_space<vmem>>
      %dma_wait3A_164 = arith.constant 0 : i32
      %dma_wait3A_165 = arith.constant 0 : i32
      %dma_wait3A_166 = tpu.memref_slice %arg2[%dma_wait3A_164, %dma_wait3A_165] : memref<20000x128xf32, #tpu.memory_space<hbm>> -> memref<20000x128xf32, #tpu.memory_space<hbm>>
      %dma_wait3A_167 = tpu.memref_slice %arg14[%rem3A_150] : memref<3x!tpu.dma_semaphore, #tpu.memory_space<semaphore_mem>> -> memref<1x!tpu.dma_semaphore, #tpu.memory_space<semaphore_mem>>
      %dma_wait3A_168 = tpu.memref_squeeze %dma_wait3A_167 : memref<1x!tpu.dma_semaphore, #tpu.memory_space<semaphore_mem>> -> memref<!tpu.dma_semaphore, #tpu.memory_space<semaphore_mem>>
      tpu.wait_indirect_dma semaphore(%dma_wait3A_168 : memref<!tpu.dma_semaphore, #tpu.memory_space<semaphore_mem>>) src(%dma_wait3A_166 : memref<20000x128xf32, #tpu.memory_space<hbm>>) dst(%dma_wait3A_160 : memref<80x128xf32, #tpu.memory_space<vmem>>)
    }
    %scan3A_139 = arith.constant 250 : i32
    %barrier3A_140 = arith.constant 0 : index
    tpu.barrier barrier_id(%barrier3A_140)
    %mul3A_141 = arith.constant 640 : i32
    %mul3A_142 = arith.muli %arg1, %mul3A_141 : i32
    %mul3A_143 = arith.constant 640 : i32
    %mul3A_144 = arith.muli %arg1, %mul3A_143 : i32
    "tpu.region"() ({
      %run_scoped3A = tpu.sem_alloc : memref<!tpu.dma_semaphore, #tpu.memory_space<semaphore_mem>>
      %dma_start3A_145 = arith.constant 0 : i32
      %dma_start3A_146 = tpu.memref_slice %arg7[%arg0, %mul3A_144, %dma_start3A_145] : memref<2x10240x128xf32, #tpu.memory_space<hbm>> -> memref<1x640x128xf32, #tpu.memory_space<hbm>>
      %dma_start3A_147 = tpu.memref_squeeze %dma_start3A_146 : memref<1x640x128xf32, #tpu.memory_space<hbm>> -> memref<640x128xf32, #tpu.memory_space<hbm>>
      %dma_start3A_148 = arith.constant 0 : i32
      %dma_start3A_149 = tpu.memref_slice %arg12[%mul3A_142, %dma_start3A_148] : memref<10240x128xf32, #tpu.memory_space<vmem_shared>> -> memref<640x128xf32, #tpu.memory_space<vmem_shared>>
      tpu.enqueue_dma source(%dma_start3A_149 : memref<640x128xf32, #tpu.memory_space<vmem_shared>>) target(%dma_start3A_147 : memref<640x128xf32, #tpu.memory_space<hbm>>) target_semaphore(%run_scoped3A : memref<!tpu.dma_semaphore, #tpu.memory_space<semaphore_mem>>)
      %dma_wait3A_150 = arith.constant 0 : i32
      %dma_wait3A_151 = tpu.memref_slice %arg7[%arg0, %mul3A_144, %dma_wait3A_150] : memref<2x10240x128xf32, #tpu.memory_space<hbm>> -> memref<1x640x128xf32, #tpu.memory_space<hbm>>
      %dma_wait3A_152 = tpu.memref_squeeze %dma_wait3A_151 : memref<1x640x128xf32, #tpu.memory_space<hbm>> -> memref<640x128xf32, #tpu.memory_space<hbm>>
      %dma_wait3A_153 = arith.constant 0 : i32
      %dma_wait3A_154 = tpu.memref_slice %arg12[%mul3A_142, %dma_wait3A_153] : memref<10240x128xf32, #tpu.memory_space<vmem_shared>> -> memref<640x128xf32, #tpu.memory_space<vmem_shared>>
      tpu.wait_dma2 semaphore(%run_scoped3A : memref<!tpu.dma_semaphore, #tpu.memory_space<semaphore_mem>>) src(%dma_wait3A_154 : memref<640x128xf32, #tpu.memory_space<vmem_shared>>) dst(%dma_wait3A_152 : memref<640x128xf32, #tpu.memory_space<hbm>>)
      tpu.yield
    }) : () -> ()
    return
  }
}

#map = affine_map<(d0, d1) -> (0)>
#map1 = affine_map<(d0, d1) -> (0, 0)>
module attributes {stable_mosaic.version = 14 : i64} {
  func.func @_deg_kernel(%arg0: i32, %arg1: i32, %arg2: memref<320000xi32, #tpu.memory_space<hbm>>, %arg3: memref<320000xf32, #tpu.memory_space<hbm>>, %arg4: memref<640xf32, #tpu.memory_space<hbm>>, %arg5: memref<2x10240xf32, #tpu.memory_space<hbm>>, %arg6: memref<2x80xi32, #tpu.memory_space<vmem>>, %arg7: memref<2x80xf32, #tpu.memory_space<vmem>>, %arg8: memref<10240xf32, #tpu.memory_space<vmem_shared>>, %arg9: memref<2x!tpu.dma_semaphore, #tpu.memory_space<semaphore_mem>>, %arg10: memref<2x!tpu.dma_semaphore, #tpu.memory_space<semaphore_mem>>) attributes {dimension_semantics = [#tpu.dimension_semantics<core_parallel>, #tpu.dimension_semantics<subcore_parallel>], iteration_bounds = array<i64: 2, 16>, scalar_prefetch = 0 : i64, scratch_operands = 5 : i64, tpu.core_type = #tpu.core_type<sc_vector_subcore>, window_params = [{transform_indices = #map}, {transform_indices = #map}, {transform_indices = #map}, {transform_indices = #map1}]} {
    %mul3A = arith.constant 640 : i32
    %mul3A_0 = arith.muli %arg1, %mul3A : i32
    "tpu.region"() ({
      %run_scoped3A = tpu.sem_alloc : memref<!tpu.dma_semaphore, #tpu.memory_space<semaphore_mem>>
      %dma_start3A_64 = tpu.memref_slice %arg8[%mul3A_0] : memref<10240xf32, #tpu.memory_space<vmem_shared>> -> memref<640xf32, #tpu.memory_space<vmem_shared>>
      tpu.enqueue_dma source(%arg4 : memref<640xf32, #tpu.memory_space<hbm>>) target(%dma_start3A_64 : memref<640xf32, #tpu.memory_space<vmem_shared>>) target_semaphore(%run_scoped3A : memref<!tpu.dma_semaphore, #tpu.memory_space<semaphore_mem>>)
      %dma_wait3A_65 = tpu.memref_slice %arg8[%mul3A_0] : memref<10240xf32, #tpu.memory_space<vmem_shared>> -> memref<640xf32, #tpu.memory_space<vmem_shared>>
      tpu.wait_dma2 semaphore(%run_scoped3A : memref<!tpu.dma_semaphore, #tpu.memory_space<semaphore_mem>>) src(%arg4 : memref<640xf32, #tpu.memory_space<hbm>>) dst(%dma_wait3A_65 : memref<640xf32, #tpu.memory_space<vmem_shared>>)
      tpu.yield
    }) : () -> ()
    %barrier3A = arith.constant 0 : index
    tpu.barrier barrier_id(%barrier3A)
    %mul3A_1 = arith.constant 2 : i32
    %mul3A_2 = arith.muli %arg1, %mul3A_1 : i32
    %add3A = arith.addi %mul3A_2, %arg0 : i32
    %mul3A_3 = arith.constant 10000 : i32
    %mul3A_4 = arith.muli %add3A, %mul3A_3 : i32
    %add3A_5 = arith.constant 0 : i32
    %add3A_6 = arith.addi %mul3A_4, %add3A_5 : i32
    %dma_start3A = arith.constant 0 : i32
    %dma_start3A_7 = arith.constant 0 : i32
    %dma_start3A_8 = arith.constant 0 : i32
    %dma_start3A_9 = tpu.memref_slice %arg6[%dma_start3A, %dma_start3A_8] : memref<2x80xi32, #tpu.memory_space<vmem>> -> memref<1x80xi32, #tpu.memory_space<vmem>>
    %dma_start3A_10 = tpu.memref_squeeze %dma_start3A_9 : memref<1x80xi32, #tpu.memory_space<vmem>> -> memref<80xi32, #tpu.memory_space<vmem>>
    %dma_start3A_11 = tpu.memref_slice %arg2[%add3A_6] : memref<320000xi32, #tpu.memory_space<hbm>> -> memref<80xi32, #tpu.memory_space<hbm>>
    %dma_start3A_12 = tpu.memref_slice %arg9[%dma_start3A_7] : memref<2x!tpu.dma_semaphore, #tpu.memory_space<semaphore_mem>> -> memref<1x!tpu.dma_semaphore, #tpu.memory_space<semaphore_mem>>
    %dma_start3A_13 = tpu.memref_squeeze %dma_start3A_12 : memref<1x!tpu.dma_semaphore, #tpu.memory_space<semaphore_mem>> -> memref<!tpu.dma_semaphore, #tpu.memory_space<semaphore_mem>>
    %dma_start3A_14 = arith.constant 0 : i32
    %dma_start3A_15 = tpu.memref_slice %arg6[%dma_start3A, %dma_start3A_14] : memref<2x80xi32, #tpu.memory_space<vmem>> -> memref<1x80xi32, #tpu.memory_space<vmem>>
    %dma_start3A_16 = tpu.memref_squeeze %dma_start3A_15 : memref<1x80xi32, #tpu.memory_space<vmem>> -> memref<80xi32, #tpu.memory_space<vmem>>
    %dma_start3A_17 = tpu.memref_slice %arg2[%add3A_6] : memref<320000xi32, #tpu.memory_space<hbm>> -> memref<80xi32, #tpu.memory_space<hbm>>
    tpu.enqueue_dma source(%dma_start3A_17 : memref<80xi32, #tpu.memory_space<hbm>>) target(%dma_start3A_16 : memref<80xi32, #tpu.memory_space<vmem>>) target_semaphore(%dma_start3A_13 : memref<!tpu.dma_semaphore, #tpu.memory_space<semaphore_mem>>)
    %dma_start3A_18 = arith.constant 0 : i32
    %dma_start3A_19 = arith.constant 0 : i32
    %dma_start3A_20 = arith.constant 0 : i32
    %dma_start3A_21 = tpu.memref_slice %arg7[%dma_start3A_18, %dma_start3A_20] : memref<2x80xf32, #tpu.memory_space<vmem>> -> memref<1x80xf32, #tpu.memory_space<vmem>>
    %dma_start3A_22 = tpu.memref_squeeze %dma_start3A_21 : memref<1x80xf32, #tpu.memory_space<vmem>> -> memref<80xf32, #tpu.memory_space<vmem>>
    %dma_start3A_23 = tpu.memref_slice %arg3[%add3A_6] : memref<320000xf32, #tpu.memory_space<hbm>> -> memref<80xf32, #tpu.memory_space<hbm>>
    %dma_start3A_24 = tpu.memref_slice %arg9[%dma_start3A_19] : memref<2x!tpu.dma_semaphore, #tpu.memory_space<semaphore_mem>> -> memref<1x!tpu.dma_semaphore, #tpu.memory_space<semaphore_mem>>
    %dma_start3A_25 = tpu.memref_squeeze %dma_start3A_24 : memref<1x!tpu.dma_semaphore, #tpu.memory_space<semaphore_mem>> -> memref<!tpu.dma_semaphore, #tpu.memory_space<semaphore_mem>>
    %dma_start3A_26 = arith.constant 0 : i32
    %dma_start3A_27 = tpu.memref_slice %arg7[%dma_start3A_18, %dma_start3A_26] : memref<2x80xf32, #tpu.memory_space<vmem>> -> memref<1x80xf32, #tpu.memory_space<vmem>>
    %dma_start3A_28 = tpu.memref_squeeze %dma_start3A_27 : memref<1x80xf32, #tpu.memory_space<vmem>> -> memref<80xf32, #tpu.memory_space<vmem>>
    %dma_start3A_29 = tpu.memref_slice %arg3[%add3A_6] : memref<320000xf32, #tpu.memory_space<hbm>> -> memref<80xf32, #tpu.memory_space<hbm>>
    tpu.enqueue_dma source(%dma_start3A_29 : memref<80xf32, #tpu.memory_space<hbm>>) target(%dma_start3A_28 : memref<80xf32, #tpu.memory_space<vmem>>) target_semaphore(%dma_start3A_25 : memref<!tpu.dma_semaphore, #tpu.memory_space<semaphore_mem>>)
    %scan3A = arith.constant 0 : i32
    %scan3A_30 = arith.constant 125 : i32
    %scan3A_31 = arith.addi %scan3A, %scan3A_30 : i32
    %scan3A_32 = arith.constant 1 : i32
    scf.for %scan3A_64 = %scan3A to %scan3A_31 step %scan3A_32  : i32 {
      %mul3A_65 = arith.constant 1 : i32
      %mul3A_66 = arith.muli %scan3A_64, %mul3A_65 : i32
      %add3A_67 = arith.constant 0 : i32
      %add3A_68 = arith.addi %add3A_67, %mul3A_66 : i32
      %rem3A = arith.constant 2 : i32
      %rem3A_69 = arith.remsi %add3A_68, %rem3A : i32
      %mul3A_70 = arith.constant 80 : i32
      %mul3A_71 = arith.muli %add3A_68, %mul3A_70 : i32
      %add3A_72 = arith.addi %mul3A_4, %mul3A_71 : i32
      %dma_wait3A_73 = arith.constant 0 : i32
      %dma_wait3A_74 = tpu.memref_slice %arg6[%rem3A_69, %dma_wait3A_73] : memref<2x80xi32, #tpu.memory_space<vmem>> -> memref<1x80xi32, #tpu.memory_space<vmem>>
      %dma_wait3A_75 = tpu.memref_squeeze %dma_wait3A_74 : memref<1x80xi32, #tpu.memory_space<vmem>> -> memref<80xi32, #tpu.memory_space<vmem>>
      %dma_wait3A_76 = tpu.memref_slice %arg2[%add3A_72] : memref<320000xi32, #tpu.memory_space<hbm>> -> memref<80xi32, #tpu.memory_space<hbm>>
      %dma_wait3A_77 = tpu.memref_slice %arg9[%rem3A_69] : memref<2x!tpu.dma_semaphore, #tpu.memory_space<semaphore_mem>> -> memref<1x!tpu.dma_semaphore, #tpu.memory_space<semaphore_mem>>
      %dma_wait3A_78 = tpu.memref_squeeze %dma_wait3A_77 : memref<1x!tpu.dma_semaphore, #tpu.memory_space<semaphore_mem>> -> memref<!tpu.dma_semaphore, #tpu.memory_space<semaphore_mem>>
      %dma_wait3A_79 = arith.constant 0 : i32
      %dma_wait3A_80 = tpu.memref_slice %arg6[%rem3A_69, %dma_wait3A_79] : memref<2x80xi32, #tpu.memory_space<vmem>> -> memref<1x80xi32, #tpu.memory_space<vmem>>
      %dma_wait3A_81 = tpu.memref_squeeze %dma_wait3A_80 : memref<1x80xi32, #tpu.memory_space<vmem>> -> memref<80xi32, #tpu.memory_space<vmem>>
      %dma_wait3A_82 = tpu.memref_slice %arg2[%add3A_72] : memref<320000xi32, #tpu.memory_space<hbm>> -> memref<80xi32, #tpu.memory_space<hbm>>
      tpu.wait_dma2 semaphore(%dma_wait3A_78 : memref<!tpu.dma_semaphore, #tpu.memory_space<semaphore_mem>>) src(%dma_wait3A_82 : memref<80xi32, #tpu.memory_space<hbm>>) dst(%dma_wait3A_81 : memref<80xi32, #tpu.memory_space<vmem>>)
      %dma_wait3A_83 = arith.constant 0 : i32
      %dma_wait3A_84 = tpu.memref_slice %arg7[%rem3A_69, %dma_wait3A_83] : memref<2x80xf32, #tpu.memory_space<vmem>> -> memref<1x80xf32, #tpu.memory_space<vmem>>
      %dma_wait3A_85 = tpu.memref_squeeze %dma_wait3A_84 : memref<1x80xf32, #tpu.memory_space<vmem>> -> memref<80xf32, #tpu.memory_space<vmem>>
      %dma_wait3A_86 = tpu.memref_slice %arg3[%add3A_72] : memref<320000xf32, #tpu.memory_space<hbm>> -> memref<80xf32, #tpu.memory_space<hbm>>
      %dma_wait3A_87 = tpu.memref_slice %arg9[%rem3A_69] : memref<2x!tpu.dma_semaphore, #tpu.memory_space<semaphore_mem>> -> memref<1x!tpu.dma_semaphore, #tpu.memory_space<semaphore_mem>>
      %dma_wait3A_88 = tpu.memref_squeeze %dma_wait3A_87 : memref<1x!tpu.dma_semaphore, #tpu.memory_space<semaphore_mem>> -> memref<!tpu.dma_semaphore, #tpu.memory_space<semaphore_mem>>
      %dma_wait3A_89 = arith.constant 0 : i32
      %dma_wait3A_90 = tpu.memref_slice %arg7[%rem3A_69, %dma_wait3A_89] : memref<2x80xf32, #tpu.memory_space<vmem>> -> memref<1x80xf32, #tpu.memory_space<vmem>>
      %dma_wait3A_91 = tpu.memref_squeeze %dma_wait3A_90 : memref<1x80xf32, #tpu.memory_space<vmem>> -> memref<80xf32, #tpu.memory_space<vmem>>
      %dma_wait3A_92 = tpu.memref_slice %arg3[%add3A_72] : memref<320000xf32, #tpu.memory_space<hbm>> -> memref<80xf32, #tpu.memory_space<hbm>>
      tpu.wait_dma2 semaphore(%dma_wait3A_88 : memref<!tpu.dma_semaphore, #tpu.memory_space<semaphore_mem>>) src(%dma_wait3A_92 : memref<80xf32, #tpu.memory_space<hbm>>) dst(%dma_wait3A_91 : memref<80xf32, #tpu.memory_space<vmem>>)
      %dma_start3A_93 = arith.constant 0 : i32
      %dma_start3A_94 = tpu.memref_slice %arg7[%rem3A_69, %dma_start3A_93] : memref<2x80xf32, #tpu.memory_space<vmem>> -> memref<1x80xf32, #tpu.memory_space<vmem>>
      %dma_start3A_95 = tpu.memref_squeeze %dma_start3A_94 : memref<1x80xf32, #tpu.memory_space<vmem>> -> memref<80xf32, #tpu.memory_space<vmem>>
      %dma_start3A_96 = arith.constant 0 : i32
      %dma_start3A_97 = tpu.memref_slice %arg6[%rem3A_69, %dma_start3A_96] : memref<2x80xi32, #tpu.memory_space<vmem>> -> memref<1x80xi32, #tpu.memory_space<vmem>>
      %dma_start3A_98 = tpu.memref_squeeze %dma_start3A_97 : memref<1x80xi32, #tpu.memory_space<vmem>> -> memref<80xi32, #tpu.memory_space<vmem>>
      %dma_start3A_99 = arith.constant 0 : i32
      %dma_start3A_100 = tpu.memref_slice %arg8[%dma_start3A_99] : memref<10240xf32, #tpu.memory_space<vmem_shared>> -> memref<10240xf32, #tpu.memory_space<vmem_shared>>
      %dma_start3A_101 = tpu.memref_slice %arg10[%rem3A_69] : memref<2x!tpu.dma_semaphore, #tpu.memory_space<semaphore_mem>> -> memref<1x!tpu.dma_semaphore, #tpu.memory_space<semaphore_mem>>
      %dma_start3A_102 = tpu.memref_squeeze %dma_start3A_101 : memref<1x!tpu.dma_semaphore, #tpu.memory_space<semaphore_mem>> -> memref<!tpu.dma_semaphore, #tpu.memory_space<semaphore_mem>>
      tpu.enqueue_indirect_dma source(%dma_start3A_95 : memref<80xf32, #tpu.memory_space<vmem>>) target(%dma_start3A_100 : memref<10240xf32, #tpu.memory_space<vmem_shared>>) offsets(%dma_start3A_98 : memref<80xi32, #tpu.memory_space<vmem>>) semaphore(%dma_start3A_102 : memref<!tpu.dma_semaphore, #tpu.memory_space<semaphore_mem>>) {add = true}
      %add3A_103 = arith.constant 1 : i32
      %add3A_104 = arith.addi %add3A_68, %add3A_103 : i32
      %lt3A = arith.constant 125 : i32
      %lt3A_105 = arith.cmpi slt, %add3A_104, %lt3A : i32
      %convert_element_type3A = arith.extui %lt3A_105 : i1 to i32
      %cond3A = arith.constant 0 : i32
      %cond3A_106 = arith.cmpi ne, %convert_element_type3A, %cond3A : i32
      scf.if %cond3A_106 {
        %ge3A = arith.constant 1 : i32
        %ge3A_107 = arith.cmpi sge, %add3A_68, %ge3A : i32
        %convert_element_type3A_108 = arith.extui %ge3A_107 : i1 to i32
        %cond3A_109 = arith.constant 0 : i32
        %cond3A_110 = arith.cmpi ne, %convert_element_type3A_108, %cond3A_109 : i32
        scf.if %cond3A_110 {
          %sub3A_137 = arith.constant 1 : i32
          %sub3A_138 = arith.subi %sub3A_137, %rem3A_69 : i32
          %dma_wait3A_139 = arith.constant 0 : i32
          %dma_wait3A_140 = tpu.memref_slice %arg7[%sub3A_138, %dma_wait3A_139] : memref<2x80xf32, #tpu.memory_space<vmem>> -> memref<1x80xf32, #tpu.memory_space<vmem>>
          %dma_wait3A_141 = tpu.memref_squeeze %dma_wait3A_140 : memref<1x80xf32, #tpu.memory_space<vmem>> -> memref<80xf32, #tpu.memory_space<vmem>>
          %dma_wait3A_142 = arith.constant 0 : i32
          %dma_wait3A_143 = tpu.memref_slice %arg6[%sub3A_138, %dma_wait3A_142] : memref<2x80xi32, #tpu.memory_space<vmem>> -> memref<1x80xi32, #tpu.memory_space<vmem>>
          %dma_wait3A_144 = tpu.memref_squeeze %dma_wait3A_143 : memref<1x80xi32, #tpu.memory_space<vmem>> -> memref<80xi32, #tpu.memory_space<vmem>>
          %dma_wait3A_145 = arith.constant 0 : i32
          %dma_wait3A_146 = tpu.memref_slice %arg8[%dma_wait3A_145] : memref<10240xf32, #tpu.memory_space<vmem_shared>> -> memref<10240xf32, #tpu.memory_space<vmem_shared>>
          %dma_wait3A_147 = tpu.memref_slice %arg10[%sub3A_138] : memref<2x!tpu.dma_semaphore, #tpu.memory_space<semaphore_mem>> -> memref<1x!tpu.dma_semaphore, #tpu.memory_space<semaphore_mem>>
          %dma_wait3A_148 = tpu.memref_squeeze %dma_wait3A_147 : memref<1x!tpu.dma_semaphore, #tpu.memory_space<semaphore_mem>> -> memref<!tpu.dma_semaphore, #tpu.memory_space<semaphore_mem>>
          tpu.wait_indirect_dma semaphore(%dma_wait3A_148 : memref<!tpu.dma_semaphore, #tpu.memory_space<semaphore_mem>>) src(%dma_wait3A_141 : memref<80xf32, #tpu.memory_space<vmem>>) dst(%dma_wait3A_146 : memref<10240xf32, #tpu.memory_space<vmem_shared>>)
        } else {
        }
        %add3A_111 = arith.constant 1 : i32
        %add3A_112 = arith.addi %add3A_68, %add3A_111 : i32
        %sub3A = arith.constant 1 : i32
        %sub3A_113 = arith.subi %sub3A, %rem3A_69 : i32
        %mul3A_114 = arith.constant 80 : i32
        %mul3A_115 = arith.muli %add3A_112, %mul3A_114 : i32
        %add3A_116 = arith.addi %mul3A_4, %mul3A_115 : i32
        %dma_start3A_117 = arith.constant 0 : i32
        %dma_start3A_118 = tpu.memref_slice %arg6[%sub3A_113, %dma_start3A_117] : memref<2x80xi32, #tpu.memory_space<vmem>> -> memref<1x80xi32, #tpu.memory_space<vmem>>
        %dma_start3A_119 = tpu.memref_squeeze %dma_start3A_118 : memref<1x80xi32, #tpu.memory_space<vmem>> -> memref<80xi32, #tpu.memory_space<vmem>>
        %dma_start3A_120 = tpu.memref_slice %arg2[%add3A_116] : memref<320000xi32, #tpu.memory_space<hbm>> -> memref<80xi32, #tpu.memory_space<hbm>>
        %dma_start3A_121 = tpu.memref_slice %arg9[%sub3A_113] : memref<2x!tpu.dma_semaphore, #tpu.memory_space<semaphore_mem>> -> memref<1x!tpu.dma_semaphore, #tpu.memory_space<semaphore_mem>>
        %dma_start3A_122 = tpu.memref_squeeze %dma_start3A_121 : memref<1x!tpu.dma_semaphore, #tpu.memory_space<semaphore_mem>> -> memref<!tpu.dma_semaphore, #tpu.memory_space<semaphore_mem>>
        %dma_start3A_123 = arith.constant 0 : i32
        %dma_start3A_124 = tpu.memref_slice %arg6[%sub3A_113, %dma_start3A_123] : memref<2x80xi32, #tpu.memory_space<vmem>> -> memref<1x80xi32, #tpu.memory_space<vmem>>
        %dma_start3A_125 = tpu.memref_squeeze %dma_start3A_124 : memref<1x80xi32, #tpu.memory_space<vmem>> -> memref<80xi32, #tpu.memory_space<vmem>>
        %dma_start3A_126 = tpu.memref_slice %arg2[%add3A_116] : memref<320000xi32, #tpu.memory_space<hbm>> -> memref<80xi32, #tpu.memory_space<hbm>>
        tpu.enqueue_dma source(%dma_start3A_126 : memref<80xi32, #tpu.memory_space<hbm>>) target(%dma_start3A_125 : memref<80xi32, #tpu.memory_space<vmem>>) target_semaphore(%dma_start3A_122 : memref<!tpu.dma_semaphore, #tpu.memory_space<semaphore_mem>>)
        %dma_start3A_127 = arith.constant 0 : i32
        %dma_start3A_128 = tpu.memref_slice %arg7[%sub3A_113, %dma_start3A_127] : memref<2x80xf32, #tpu.memory_space<vmem>> -> memref<1x80xf32, #tpu.memory_space<vmem>>
        %dma_start3A_129 = tpu.memref_squeeze %dma_start3A_128 : memref<1x80xf32, #tpu.memory_space<vmem>> -> memref<80xf32, #tpu.memory_space<vmem>>
        %dma_start3A_130 = tpu.memref_slice %arg3[%add3A_116] : memref<320000xf32, #tpu.memory_space<hbm>> -> memref<80xf32, #tpu.memory_space<hbm>>
        %dma_start3A_131 = tpu.memref_slice %arg9[%sub3A_113] : memref<2x!tpu.dma_semaphore, #tpu.memory_space<semaphore_mem>> -> memref<1x!tpu.dma_semaphore, #tpu.memory_space<semaphore_mem>>
        %dma_start3A_132 = tpu.memref_squeeze %dma_start3A_131 : memref<1x!tpu.dma_semaphore, #tpu.memory_space<semaphore_mem>> -> memref<!tpu.dma_semaphore, #tpu.memory_space<semaphore_mem>>
        %dma_start3A_133 = arith.constant 0 : i32
        %dma_start3A_134 = tpu.memref_slice %arg7[%sub3A_113, %dma_start3A_133] : memref<2x80xf32, #tpu.memory_space<vmem>> -> memref<1x80xf32, #tpu.memory_space<vmem>>
        %dma_start3A_135 = tpu.memref_squeeze %dma_start3A_134 : memref<1x80xf32, #tpu.memory_space<vmem>> -> memref<80xf32, #tpu.memory_space<vmem>>
        %dma_start3A_136 = tpu.memref_slice %arg3[%add3A_116] : memref<320000xf32, #tpu.memory_space<hbm>> -> memref<80xf32, #tpu.memory_space<hbm>>
        tpu.enqueue_dma source(%dma_start3A_136 : memref<80xf32, #tpu.memory_space<hbm>>) target(%dma_start3A_135 : memref<80xf32, #tpu.memory_space<vmem>>) target_semaphore(%dma_start3A_132 : memref<!tpu.dma_semaphore, #tpu.memory_space<semaphore_mem>>)
      } else {
      }
    }
    %scan3A_33 = arith.constant 125 : i32
    %dma_wait3A = arith.constant 1 : i32
    %dma_wait3A_34 = arith.constant 1 : i32
    %dma_wait3A_35 = arith.constant 1 : i32
    %dma_wait3A_36 = arith.constant 0 : i32
    %dma_wait3A_37 = tpu.memref_slice %arg7[%dma_wait3A, %dma_wait3A_36] : memref<2x80xf32, #tpu.memory_space<vmem>> -> memref<1x80xf32, #tpu.memory_space<vmem>>
    %dma_wait3A_38 = tpu.memref_squeeze %dma_wait3A_37 : memref<1x80xf32, #tpu.memory_space<vmem>> -> memref<80xf32, #tpu.memory_space<vmem>>
    %dma_wait3A_39 = arith.constant 0 : i32
    %dma_wait3A_40 = tpu.memref_slice %arg6[%dma_wait3A_34, %dma_wait3A_39] : memref<2x80xi32, #tpu.memory_space<vmem>> -> memref<1x80xi32, #tpu.memory_space<vmem>>
    %dma_wait3A_41 = tpu.memref_squeeze %dma_wait3A_40 : memref<1x80xi32, #tpu.memory_space<vmem>> -> memref<80xi32, #tpu.memory_space<vmem>>
    %dma_wait3A_42 = arith.constant 0 : i32
    %dma_wait3A_43 = tpu.memref_slice %arg8[%dma_wait3A_42] : memref<10240xf32, #tpu.memory_space<vmem_shared>> -> memref<10240xf32, #tpu.memory_space<vmem_shared>>
    %dma_wait3A_44 = tpu.memref_slice %arg10[%dma_wait3A_35] : memref<2x!tpu.dma_semaphore, #tpu.memory_space<semaphore_mem>> -> memref<1x!tpu.dma_semaphore, #tpu.memory_space<semaphore_mem>>
    %dma_wait3A_45 = tpu.memref_squeeze %dma_wait3A_44 : memref<1x!tpu.dma_semaphore, #tpu.memory_space<semaphore_mem>> -> memref<!tpu.dma_semaphore, #tpu.memory_space<semaphore_mem>>
    tpu.wait_indirect_dma semaphore(%dma_wait3A_45 : memref<!tpu.dma_semaphore, #tpu.memory_space<semaphore_mem>>) src(%dma_wait3A_38 : memref<80xf32, #tpu.memory_space<vmem>>) dst(%dma_wait3A_43 : memref<10240xf32, #tpu.memory_space<vmem_shared>>)
    %dma_wait3A_46 = arith.constant 0 : i32
    %dma_wait3A_47 = arith.constant 0 : i32
    %dma_wait3A_48 = arith.constant 0 : i32
    %dma_wait3A_49 = arith.constant 0 : i32
    %dma_wait3A_50 = tpu.memref_slice %arg7[%dma_wait3A_46, %dma_wait3A_49] : memref<2x80xf32, #tpu.memory_space<vmem>> -> memref<1x80xf32, #tpu.memory_space<vmem>>
    %dma_wait3A_51 = tpu.memref_squeeze %dma_wait3A_50 : memref<1x80xf32, #tpu.memory_space<vmem>> -> memref<80xf32, #tpu.memory_space<vmem>>
    %dma_wait3A_52 = arith.constant 0 : i32
    %dma_wait3A_53 = tpu.memref_slice %arg6[%dma_wait3A_47, %dma_wait3A_52] : memref<2x80xi32, #tpu.memory_space<vmem>> -> memref<1x80xi32, #tpu.memory_space<vmem>>
    %dma_wait3A_54 = tpu.memref_squeeze %dma_wait3A_53 : memref<1x80xi32, #tpu.memory_space<vmem>> -> memref<80xi32, #tpu.memory_space<vmem>>
    %dma_wait3A_55 = arith.constant 0 : i32
    %dma_wait3A_56 = tpu.memref_slice %arg8[%dma_wait3A_55] : memref<10240xf32, #tpu.memory_space<vmem_shared>> -> memref<10240xf32, #tpu.memory_space<vmem_shared>>
    %dma_wait3A_57 = tpu.memref_slice %arg10[%dma_wait3A_48] : memref<2x!tpu.dma_semaphore, #tpu.memory_space<semaphore_mem>> -> memref<1x!tpu.dma_semaphore, #tpu.memory_space<semaphore_mem>>
    %dma_wait3A_58 = tpu.memref_squeeze %dma_wait3A_57 : memref<1x!tpu.dma_semaphore, #tpu.memory_space<semaphore_mem>> -> memref<!tpu.dma_semaphore, #tpu.memory_space<semaphore_mem>>
    tpu.wait_indirect_dma semaphore(%dma_wait3A_58 : memref<!tpu.dma_semaphore, #tpu.memory_space<semaphore_mem>>) src(%dma_wait3A_51 : memref<80xf32, #tpu.memory_space<vmem>>) dst(%dma_wait3A_56 : memref<10240xf32, #tpu.memory_space<vmem_shared>>)
    %barrier3A_59 = arith.constant 0 : index
    tpu.barrier barrier_id(%barrier3A_59)
    %mul3A_60 = arith.constant 640 : i32
    %mul3A_61 = arith.muli %arg1, %mul3A_60 : i32
    %mul3A_62 = arith.constant 640 : i32
    %mul3A_63 = arith.muli %arg1, %mul3A_62 : i32
    "tpu.region"() ({
      %run_scoped3A = tpu.sem_alloc : memref<!tpu.dma_semaphore, #tpu.memory_space<semaphore_mem>>
      %dma_start3A_64 = tpu.memref_slice %arg5[%arg0, %mul3A_63] : memref<2x10240xf32, #tpu.memory_space<hbm>> -> memref<1x640xf32, #tpu.memory_space<hbm>>
      %dma_start3A_65 = tpu.memref_squeeze %dma_start3A_64 : memref<1x640xf32, #tpu.memory_space<hbm>> -> memref<640xf32, #tpu.memory_space<hbm>>
      %dma_start3A_66 = tpu.memref_slice %arg8[%mul3A_61] : memref<10240xf32, #tpu.memory_space<vmem_shared>> -> memref<640xf32, #tpu.memory_space<vmem_shared>>
      tpu.enqueue_dma source(%dma_start3A_66 : memref<640xf32, #tpu.memory_space<vmem_shared>>) target(%dma_start3A_65 : memref<640xf32, #tpu.memory_space<hbm>>) target_semaphore(%run_scoped3A : memref<!tpu.dma_semaphore, #tpu.memory_space<semaphore_mem>>)
      %dma_wait3A_67 = tpu.memref_slice %arg5[%arg0, %mul3A_63] : memref<2x10240xf32, #tpu.memory_space<hbm>> -> memref<1x640xf32, #tpu.memory_space<hbm>>
      %dma_wait3A_68 = tpu.memref_squeeze %dma_wait3A_67 : memref<1x640xf32, #tpu.memory_space<hbm>> -> memref<640xf32, #tpu.memory_space<hbm>>
      %dma_wait3A_69 = tpu.memref_slice %arg8[%mul3A_61] : memref<10240xf32, #tpu.memory_space<vmem_shared>> -> memref<640xf32, #tpu.memory_space<vmem_shared>>
      tpu.wait_dma2 semaphore(%run_scoped3A : memref<!tpu.dma_semaphore, #tpu.memory_space<semaphore_mem>>) src(%dma_wait3A_69 : memref<640xf32, #tpu.memory_space<vmem_shared>>) dst(%dma_wait3A_68 : memref<640xf32, #tpu.memory_space<hbm>>)
      tpu.yield
    }) : () -> ()
    return
  }
}

module attributes {stable_mosaic.version = 14 : i64} {
  func.func @_tc1_body(%arg0: i32, %arg1: i32, %arg2: memref<1000x128xf32, #tpu.memory_space<vmem>>, %arg3: memref<128x128xf32, #tpu.memory_space<vmem>>, %arg4: memref<1000x2xf32, #tpu.memory_space<vmem>>, %arg5: memref<1x1000x128xf32, #tpu.memory_space<vmem>>, %arg6: memref<1000x128xf32, #tpu.memory_space<vmem>>) attributes {dimension_semantics = [#tpu.dimension_semantics<arbitrary>, #tpu.dimension_semantics<arbitrary>], iteration_bounds = array<i64: 2, 10>, scalar_prefetch = 0 : i64, scratch_operands = 0 : i64, tpu.core_type = #tpu.core_type<tc>, window_params = [{transform_indices = @transform_0, window_bounds = array<i64: 1000, 128>}, {transform_indices = @transform_1, window_bounds = array<i64: 128, 128>}, {transform_indices = @transform_2, window_bounds = array<i64: 1000, 2>}, {transform_indices = @transform_3, window_bounds = array<i64: 1, 1000, 128>}, {transform_indices = @transform_4, window_bounds = array<i64: 1000, 128>}]} {
    %get3A = arith.constant 0 : index
    %get3A_0 = arith.constant 0 : index
    %get3A_1 = vector.load %arg4[%get3A, %get3A_0] : memref<1000x2xf32, #tpu.memory_space<vmem>>, vector<1000x1xf32>
    %get3A_2 = vector.shape_cast %get3A_1 : vector<1000x1xf32> to vector<1000xf32>
    %get3A_3 = arith.constant 0 : index
    %get3A_4 = arith.constant 1 : index
    %get3A_5 = vector.load %arg4[%get3A_3, %get3A_4] : memref<1000x2xf32, #tpu.memory_space<vmem>>, vector<1000x1xf32>
    %get3A_6 = vector.shape_cast %get3A_5 : vector<1000x1xf32> to vector<1000xf32>
    %add3A = arith.addf %get3A_2, %get3A_6 : vector<1000xf32>
    %add3A_7 = arith.constant 1.000000e+00 : f32
    %add3A_8 = vector.broadcast %add3A_7 : f32 to vector<1000xf32>
    %add3A_9 = arith.addf %add3A, %add3A_8 : vector<1000xf32>
    %rsqrt3A = math.rsqrt %add3A_9 : vector<1000xf32>
    %get3A_10 = arith.constant 0 : index
    %get3A_11 = arith.constant 0 : index
    %get3A_12 = vector.load %arg2[%get3A_10, %get3A_11] : memref<1000x128xf32, #tpu.memory_space<vmem>>, vector<1000x128xf32>
    %get3A_13 = arith.constant 0 : index
    %get3A_14 = arith.constant 0 : index
    %get3A_15 = vector.load %arg3[%get3A_13, %get3A_14] : memref<128x128xf32, #tpu.memory_space<vmem>>, vector<128x128xf32>
    %dot_general3A = arith.constant dense<0.000000e+00> : vector<1000x128xf32>
    %dot_general3A_16 = tpu.matmul %get3A_12, %get3A_15, %dot_general3A {dimension_numbers = #tpu.dot_dimension_numbers<[1], [0], [0], [1], [0, 0, 1, 1], [], []>, transpose_lhs_hint = false} : vector<1000x128xf32>, vector<128x128xf32>, vector<1000x128xf32> -> vector<1000x128xf32>
    %broadcast_in_dim3A = vector.shape_cast %rsqrt3A : vector<1000xf32> to vector<1000x1xf32>
    %mul3A = vector.broadcast %broadcast_in_dim3A : vector<1000x1xf32> to vector<1000x128xf32>
    %mul3A_17 = arith.mulf %mul3A, %dot_general3A_16 : vector<1000x128xf32>
    %swap3A = arith.constant 0 : index
    %swap3A_18 = arith.constant 0 : index
    %swap3A_19 = arith.constant 0 : index
    %swap3A_20 = vector.load %arg5[%swap3A, %swap3A_18, %swap3A_19] : memref<1x1000x128xf32, #tpu.memory_space<vmem>>, vector<1x1000x128xf32>
    %swap3A_21 = vector.shape_cast %swap3A_20 : vector<1x1000x128xf32> to vector<1000x128xf32>
    %swap3A_22 = vector.shape_cast %mul3A_17 : vector<1000x128xf32> to vector<1x1000x128xf32>
    tpu.vector_store %arg5[%swap3A, %swap3A_18, %swap3A_19], %swap3A_22 {strides = array<i32>} : memref<1x1000x128xf32, #tpu.memory_space<vmem>>, vector<1x1000x128xf32>,
    %mul3A_23 = arith.mulf %rsqrt3A, %rsqrt3A : vector<1000xf32>
    %broadcast_in_dim3A_24 = vector.shape_cast %mul3A_23 : vector<1000xf32> to vector<1000x1xf32>
    %mul3A_25 = vector.broadcast %broadcast_in_dim3A_24 : vector<1000x1xf32> to vector<1000x128xf32>
    %mul3A_26 = arith.mulf %mul3A_25, %dot_general3A_16 : vector<1000x128xf32>
    %swap3A_27 = arith.constant 0 : index
    %swap3A_28 = arith.constant 0 : index
    %swap3A_29 = vector.load %arg6[%swap3A_27, %swap3A_28] : memref<1000x128xf32, #tpu.memory_space<vmem>>, vector<1000x128xf32>
    tpu.vector_store %arg6[%swap3A_27, %swap3A_28], %mul3A_26 {strides = array<i32>} : memref<1000x128xf32, #tpu.memory_space<vmem>>, vector<1000x128xf32>,
    return
  }
  func.func @transform_0(%arg0: i32, %arg1: i32) -> (i32, i32) {
    %c0_i32 = arith.constant 0 : i32
    %c0_i32_0 = arith.constant 0 : i32
    return %arg1, %c0_i32 : i32, i32
  }
  func.func @transform_1(%arg0: i32, %arg1: i32) -> (i32, i32) {
    %c0_i32 = arith.constant 0 : i32
    %c0_i32_0 = arith.constant 0 : i32
    return %c0_i32, %arg0 : i32, i32
  }
  func.func @transform_2(%arg0: i32, %arg1: i32) -> (i32, i32) {
    %c0_i32 = arith.constant 0 : i32
    %c0_i32_0 = arith.constant 0 : i32
    return %arg1, %c0_i32 : i32, i32
  }
  func.func @transform_3(%arg0: i32, %arg1: i32) -> (i32, i32, i32) {
    %c0_i32 = arith.constant 0 : i32
    %c0_i32_0 = arith.constant 0 : i32
    return %arg0, %arg1, %c0_i32 : i32, i32, i32
  }
  func.func @transform_4(%arg0: i32, %arg1: i32) -> (i32, i32) {
    %c0_i32 = arith.constant 0 : i32
    return %arg1, %arg0 : i32, i32
  }
}

module attributes {stable_mosaic.version = 14 : i64} {
  func.func @_tc2_body(%arg0: i32, %arg1: memref<2x1000x128xf32, #tpu.memory_space<vmem>>, %arg2: memref<1000x256xf32, #tpu.memory_space<vmem>>, %arg3: memref<1000x2xf32, #tpu.memory_space<vmem>>, %arg4: memref<1x256xf32, #tpu.memory_space<vmem>>, %arg5: memref<256x256xf32, #tpu.memory_space<vmem>>, %arg6: memref<2x1000x128xf32, #tpu.memory_space<vmem>>, %arg7: memref<1000x256xf32, #tpu.memory_space<vmem>>) attributes {dimension_semantics = [#tpu.dimension_semantics<arbitrary>], iteration_bounds = array<i64: 10>, scalar_prefetch = 0 : i64, scratch_operands = 0 : i64, tpu.core_type = #tpu.core_type<tc>, window_params = [{transform_indices = @transform_0, window_bounds = array<i64: 2, 1000, 128>}, {transform_indices = @transform_1, window_bounds = array<i64: 1000, 256>}, {transform_indices = @transform_2, window_bounds = array<i64: 1000, 2>}, {pipeline_mode = #tpu.pipeline_mode<synchronous>, transform_indices = @transform_3, window_bounds = array<i64: 1, 256>}, {pipeline_mode = #tpu.pipeline_mode<synchronous>, transform_indices = @transform_4, window_bounds = array<i64: 256, 256>}, {transform_indices = @transform_5, window_bounds = array<i64: 2, 1000, 128>}, {transform_indices = @transform_6, window_bounds = array<i64: 1000, 256>}]} {
    %get3A = arith.constant 0 : index
    %get3A_0 = arith.constant 0 : index
    %get3A_1 = vector.load %arg3[%get3A, %get3A_0] : memref<1000x2xf32, #tpu.memory_space<vmem>>, vector<1000x1xf32>
    %get3A_2 = vector.shape_cast %get3A_1 : vector<1000x1xf32> to vector<1000xf32>
    %get3A_3 = arith.constant 0 : index
    %get3A_4 = arith.constant 1 : index
    %get3A_5 = vector.load %arg3[%get3A_3, %get3A_4] : memref<1000x2xf32, #tpu.memory_space<vmem>>, vector<1000x1xf32>
    %get3A_6 = vector.shape_cast %get3A_5 : vector<1000x1xf32> to vector<1000xf32>
    %add3A = arith.addf %get3A_2, %get3A_6 : vector<1000xf32>
    %add3A_7 = arith.constant 1.000000e+00 : f32
    %add3A_8 = vector.broadcast %add3A_7 : f32 to vector<1000xf32>
    %add3A_9 = arith.addf %add3A, %add3A_8 : vector<1000xf32>
    %rsqrt3A = math.rsqrt %add3A_9 : vector<1000xf32>
    %get3A_10 = arith.constant 0 : index
    %get3A_11 = arith.constant 0 : index
    %get3A_12 = arith.constant 0 : index
    %get3A_13 = vector.load %arg1[%get3A_10, %get3A_11, %get3A_12] : memref<2x1000x128xf32, #tpu.memory_space<vmem>>, vector<1x1000x128xf32>
    %get3A_14 = vector.shape_cast %get3A_13 : vector<1x1000x128xf32> to vector<1000x128xf32>
    %get3A_15 = arith.constant 1 : index
    %get3A_16 = arith.constant 0 : index
    %get3A_17 = arith.constant 0 : index
    %get3A_18 = vector.load %arg1[%get3A_15, %get3A_16, %get3A_17] : memref<2x1000x128xf32, #tpu.memory_space<vmem>>, vector<1x1000x128xf32>
    %get3A_19 = vector.shape_cast %get3A_18 : vector<1x1000x128xf32> to vector<1000x128xf32>
    %concatenate3A = tpu.concatenate %get3A_14, %get3A_19 in 1 : vector<1000x128xf32>, vector<1000x128xf32> -> vector<1000x256xf32>
    %broadcast_in_dim3A = vector.shape_cast %rsqrt3A : vector<1000xf32> to vector<1000x1xf32>
    %mul3A = vector.broadcast %broadcast_in_dim3A : vector<1000x1xf32> to vector<1000x256xf32>
    %mul3A_20 = arith.mulf %mul3A, %concatenate3A : vector<1000x256xf32>
    %get3A_21 = arith.constant 0 : index
    %get3A_22 = arith.constant 0 : index
    %get3A_23 = vector.load %arg2[%get3A_21, %get3A_22] : memref<1000x256xf32, #tpu.memory_space<vmem>>, vector<1000x256xf32>
    %add3A_24 = arith.addf %mul3A_20, %get3A_23 : vector<1000x256xf32>
    %get3A_25 = arith.constant 0 : index
    %get3A_26 = arith.constant 0 : index
    %get3A_27 = vector.load %arg4[%get3A_25, %get3A_26] : memref<1x256xf32, #tpu.memory_space<vmem>>, vector<1x256xf32>
    %add3A_28 = vector.broadcast %get3A_27 : vector<1x256xf32> to vector<1000x256xf32>
    %add3A_29 = arith.addf %add3A_24, %add3A_28 : vector<1000x256xf32>
    %max3A = arith.constant 0.000000e+00 : f32
    %max3A_30 = vector.broadcast %max3A : f32 to vector<1000x256xf32>
    %max3A_31 = arith.maximumf %add3A_29, %max3A_30 : vector<1000x256xf32>
    %get3A_32 = arith.constant 0 : index
    %get3A_33 = arith.constant 0 : index
    %get3A_34 = vector.load %arg5[%get3A_32, %get3A_33] : memref<256x256xf32, #tpu.memory_space<vmem>>, vector<256x256xf32>
    %dot_general3A = arith.constant dense<0.000000e+00> : vector<1000x256xf32>
    %dot_general3A_35 = tpu.matmul %max3A_31, %get3A_34, %dot_general3A {dimension_numbers = #tpu.dot_dimension_numbers<[1], [0], [0], [1], [0, 0, 1, 1], [], []>, transpose_lhs_hint = false} : vector<1000x256xf32>, vector<256x256xf32>, vector<1000x256xf32> -> vector<1000x256xf32>
    %broadcast_in_dim3A_36 = vector.shape_cast %rsqrt3A : vector<1000xf32> to vector<1000x1xf32>
    %slice3A = vector.extract_strided_slice %dot_general3A_35 {offsets = [0, 0], sizes = [1000, 128], strides = [1, 1]} : vector<1000x256xf32> to vector<1000x128xf32>
    %mul3A_37 = vector.broadcast %broadcast_in_dim3A_36 : vector<1000x1xf32> to vector<1000x128xf32>
    %mul3A_38 = arith.mulf %mul3A_37, %slice3A : vector<1000x128xf32>
    %swap3A = arith.constant 0 : index
    %swap3A_39 = arith.constant 0 : index
    %swap3A_40 = arith.constant 0 : index
    %swap3A_41 = vector.load %arg6[%swap3A, %swap3A_39, %swap3A_40] : memref<2x1000x128xf32, #tpu.memory_space<vmem>>, vector<1x1000x128xf32>
    %swap3A_42 = vector.shape_cast %swap3A_41 : vector<1x1000x128xf32> to vector<1000x128xf32>
    %swap3A_43 = vector.shape_cast %mul3A_38 : vector<1000x128xf32> to vector<1x1000x128xf32>
    tpu.vector_store %arg6[%swap3A, %swap3A_39, %swap3A_40], %swap3A_43 {strides = array<i32>} : memref<2x1000x128xf32, #tpu.memory_space<vmem>>, vector<1x1000x128xf32>,
    %broadcast_in_dim3A_44 = vector.shape_cast %rsqrt3A : vector<1000xf32> to vector<1000x1xf32>
    %slice3A_45 = vector.extract_strided_slice %dot_general3A_35 {offsets = [0, 128], sizes = [1000, 128], strides = [1, 1]} : vector<1000x256xf32> to vector<1000x128xf32>
    %mul3A_46 = vector.broadcast %broadcast_in_dim3A_44 : vector<1000x1xf32> to vector<1000x128xf32>
    %mul3A_47 = arith.mulf %mul3A_46, %slice3A_45 : vector<1000x128xf32>
    %swap3A_48 = arith.constant 1 : index
    %swap3A_49 = arith.constant 0 : index
    %swap3A_50 = arith.constant 0 : index
    %swap3A_51 = vector.load %arg6[%swap3A_48, %swap3A_49, %swap3A_50] : memref<2x1000x128xf32, #tpu.memory_space<vmem>>, vector<1x1000x128xf32>
    %swap3A_52 = vector.shape_cast %swap3A_51 : vector<1x1000x128xf32> to vector<1000x128xf32>
    %swap3A_53 = vector.shape_cast %mul3A_47 : vector<1000x128xf32> to vector<1x1000x128xf32>
    tpu.vector_store %arg6[%swap3A_48, %swap3A_49, %swap3A_50], %swap3A_53 {strides = array<i32>} : memref<2x1000x128xf32, #tpu.memory_space<vmem>>, vector<1x1000x128xf32>,
    %mul3A_54 = arith.mulf %rsqrt3A, %rsqrt3A : vector<1000xf32>
    %broadcast_in_dim3A_55 = vector.shape_cast %mul3A_54 : vector<1000xf32> to vector<1000x1xf32>
    %mul3A_56 = vector.broadcast %broadcast_in_dim3A_55 : vector<1000x1xf32> to vector<1000x256xf32>
    %mul3A_57 = arith.mulf %mul3A_56, %dot_general3A_35 : vector<1000x256xf32>
    %swap3A_58 = arith.constant 0 : index
    %swap3A_59 = arith.constant 0 : index
    %swap3A_60 = vector.load %arg7[%swap3A_58, %swap3A_59] : memref<1000x256xf32, #tpu.memory_space<vmem>>, vector<1000x256xf32>
    tpu.vector_store %arg7[%swap3A_58, %swap3A_59], %mul3A_57 {strides = array<i32>} : memref<1000x256xf32, #tpu.memory_space<vmem>>, vector<1000x256xf32>,
    return
  }
  func.func @transform_0(%arg0: i32) -> (i32, i32, i32) {
    %c0_i32 = arith.constant 0 : i32
    %c0_i32_0 = arith.constant 0 : i32
    %c0_i32_1 = arith.constant 0 : i32
    return %c0_i32, %arg0, %c0_i32_0 : i32, i32, i32
  }
  func.func @transform_1(%arg0: i32) -> (i32, i32) {
    %c0_i32 = arith.constant 0 : i32
    %c0_i32_0 = arith.constant 0 : i32
    return %arg0, %c0_i32 : i32, i32
  }
  func.func @transform_2(%arg0: i32) -> (i32, i32) {
    %c0_i32 = arith.constant 0 : i32
    %c0_i32_0 = arith.constant 0 : i32
    return %arg0, %c0_i32 : i32, i32
  }
  func.func @transform_3(%arg0: i32) -> (i32, i32) {
    %c0_i32 = arith.constant 0 : i32
    %c0_i32_0 = arith.constant 0 : i32
    %c0_i32_1 = arith.constant 0 : i32
    return %c0_i32, %c0_i32_0 : i32, i32
  }
  func.func @transform_4(%arg0: i32) -> (i32, i32) {
    %c0_i32 = arith.constant 0 : i32
    %c0_i32_0 = arith.constant 0 : i32
    %c0_i32_1 = arith.constant 0 : i32
    return %c0_i32, %c0_i32_0 : i32, i32
  }
  func.func @transform_5(%arg0: i32) -> (i32, i32, i32) {
    %c0_i32 = arith.constant 0 : i32
    %c0_i32_0 = arith.constant 0 : i32
    %c0_i32_1 = arith.constant 0 : i32
    return %c0_i32, %arg0, %c0_i32_0 : i32, i32, i32
  }
  func.func @transform_6(%arg0: i32) -> (i32, i32) {
    %c0_i32 = arith.constant 0 : i32
    %c0_i32_0 = arith.constant 0 : i32
    return %arg0, %c0_i32 : i32, i32
  }
}

module attributes {stable_mosaic.version = 14 : i64} {
  func.func @_tc3_body(%arg0: i32, %arg1: memref<2x1000x128xf32, #tpu.memory_space<vmem>>, %arg2: memref<1000x256xf32, #tpu.memory_space<vmem>>, %arg3: memref<1000x2xf32, #tpu.memory_space<vmem>>, %arg4: memref<1x256xf32, #tpu.memory_space<vmem>>, %arg5: memref<1000x1xi32, #tpu.memory_space<vmem>>, %arg6: memref<256x128xf32, #tpu.memory_space<vmem>>, %arg7: memref<1x128xf32, #tpu.memory_space<vmem>>, %arg8: memref<32x128xf32, #tpu.memory_space<vmem>>, %arg9: memref<32x256xf32, #tpu.memory_space<vmem>>) attributes {dimension_semantics = [#tpu.dimension_semantics<arbitrary>], iteration_bounds = array<i64: 10>, scalar_prefetch = 0 : i64, scratch_operands = 1 : i64, tpu.core_type = #tpu.core_type<tc>, window_params = [{transform_indices = @transform_0, window_bounds = array<i64: 2, 1000, 128>}, {transform_indices = @transform_1, window_bounds = array<i64: 1000, 256>}, {transform_indices = @transform_2, window_bounds = array<i64: 1000, 2>}, {pipeline_mode = #tpu.pipeline_mode<synchronous>, transform_indices = @transform_3, window_bounds = array<i64: 1, 256>}, {transform_indices = @transform_4, window_bounds = array<i64: 1000, 1>}, {pipeline_mode = #tpu.pipeline_mode<synchronous>, transform_indices = @transform_5, window_bounds = array<i64: 256, 128>}, {pipeline_mode = #tpu.pipeline_mode<synchronous>, transform_indices = @transform_6, window_bounds = array<i64: 1, 128>}, {pipeline_mode = #tpu.pipeline_mode<synchronous>, transform_indices = @transform_7, window_bounds = array<i64: 32, 128>}]} {
    %eq3A = arith.constant 0 : i32
    %eq3A_0 = arith.cmpi eq, %arg0, %eq3A : i32
    %convert_element_type3A = arith.extui %eq3A_0 : i1 to i32
    %cond3A = arith.constant 0 : i32
    %cond3A_1 = arith.cmpi ne, %convert_element_type3A, %cond3A : i32
    scf.if %cond3A_1 {
      %broadcast_in_dim3A_394 = arith.constant 0xFF800000 : f32
      %broadcast_in_dim3A_395 = vector.broadcast %broadcast_in_dim3A_394 : f32 to vector<32x256xf32>
      %swap3A_396 = arith.constant 0 : index
      %swap3A_397 = arith.constant 0 : index
      %swap3A_398 = vector.load %arg9[%swap3A_396, %swap3A_397] : memref<32x256xf32, #tpu.memory_space<vmem>>, vector<32x256xf32>
      tpu.vector_store %arg9[%swap3A_396, %swap3A_397], %broadcast_in_dim3A_395 {strides = array<i32>} : memref<32x256xf32, #tpu.memory_space<vmem>>, vector<32x256xf32>,
    } else {
    }
    %get3A = arith.constant 0 : index
    %get3A_2 = arith.constant 0 : index
    %get3A_3 = vector.load %arg3[%get3A, %get3A_2] : memref<1000x2xf32, #tpu.memory_space<vmem>>, vector<1000x1xf32>
    %get3A_4 = vector.shape_cast %get3A_3 : vector<1000x1xf32> to vector<1000xf32>
    %get3A_5 = arith.constant 0 : index
    %get3A_6 = arith.constant 1 : index
    %get3A_7 = vector.load %arg3[%get3A_5, %get3A_6] : memref<1000x2xf32, #tpu.memory_space<vmem>>, vector<1000x1xf32>
    %get3A_8 = vector.shape_cast %get3A_7 : vector<1000x1xf32> to vector<1000xf32>
    %add3A = arith.addf %get3A_4, %get3A_8 : vector<1000xf32>
    %add3A_9 = arith.constant 1.000000e+00 : f32
    %add3A_10 = vector.broadcast %add3A_9 : f32 to vector<1000xf32>
    %add3A_11 = arith.addf %add3A, %add3A_10 : vector<1000xf32>
    %rsqrt3A = math.rsqrt %add3A_11 : vector<1000xf32>
    %get3A_12 = arith.constant 0 : index
    %get3A_13 = arith.constant 0 : index
    %get3A_14 = arith.constant 0 : index
    %get3A_15 = vector.load %arg1[%get3A_12, %get3A_13, %get3A_14] : memref<2x1000x128xf32, #tpu.memory_space<vmem>>, vector<1x1000x128xf32>
    %get3A_16 = vector.shape_cast %get3A_15 : vector<1x1000x128xf32> to vector<1000x128xf32>
    %get3A_17 = arith.constant 1 : index
    %get3A_18 = arith.constant 0 : index
    %get3A_19 = arith.constant 0 : index
    %get3A_20 = vector.load %arg1[%get3A_17, %get3A_18, %get3A_19] : memref<2x1000x128xf32, #tpu.memory_space<vmem>>, vector<1x1000x128xf32>
    %get3A_21 = vector.shape_cast %get3A_20 : vector<1x1000x128xf32> to vector<1000x128xf32>
    %concatenate3A = tpu.concatenate %get3A_16, %get3A_21 in 1 : vector<1000x128xf32>, vector<1000x128xf32> -> vector<1000x256xf32>
    %broadcast_in_dim3A = vector.shape_cast %rsqrt3A : vector<1000xf32> to vector<1000x1xf32>
    %mul3A = vector.broadcast %broadcast_in_dim3A : vector<1000x1xf32> to vector<1000x256xf32>
    %mul3A_22 = arith.mulf %mul3A, %concatenate3A : vector<1000x256xf32>
    %get3A_23 = arith.constant 0 : index
    %get3A_24 = arith.constant 0 : index
    %get3A_25 = vector.load %arg2[%get3A_23, %get3A_24] : memref<1000x256xf32, #tpu.memory_space<vmem>>, vector<1000x256xf32>
    %add3A_26 = arith.addf %mul3A_22, %get3A_25 : vector<1000x256xf32>
    %get3A_27 = arith.constant 0 : index
    %get3A_28 = arith.constant 0 : index
    %get3A_29 = vector.load %arg4[%get3A_27, %get3A_28] : memref<1x256xf32, #tpu.memory_space<vmem>>, vector<1x256xf32>
    %add3A_30 = vector.broadcast %get3A_29 : vector<1x256xf32> to vector<1000x256xf32>
    %add3A_31 = arith.addf %add3A_26, %add3A_30 : vector<1000x256xf32>
    %get3A_32 = arith.constant 0 : index
    %get3A_33 = arith.constant 0 : index
    %get3A_34 = vector.load %arg5[%get3A_32, %get3A_33] : memref<1000x1xi32, #tpu.memory_space<vmem>>, vector<1000x1xi32>
    %eq3A_35 = arith.constant 0 : i32
    %eq3A_36 = vector.broadcast %eq3A_35 : i32 to vector<1000x1xi32>
    %eq3A_37 = arith.cmpi eq, %get3A_34, %eq3A_36 : vector<1000x1xi32>
    %jit3A = arith.constant 0xFF800000 : f32
    %broadcast_in_dim3A_38 = vector.shape_cast %eq3A_37 : vector<1000x1xi1> to vector<1000x1xi1>
    %broadcast_in_dim3A_39 = vector.broadcast %broadcast_in_dim3A_38 : vector<1000x1xi1> to vector<1000x256xi1>
    %broadcast_in_dim3A_40 = vector.broadcast %jit3A : f32 to vector<1000x256xf32>
    %select_n3A = arith.select %broadcast_in_dim3A_39, %add3A_31, %broadcast_in_dim3A_40 : vector<1000x256xi1>, vector<1000x256xf32>
    %reduce_max3A = arith.constant dense<0xFF800000> : vector<256xf32>
    %reduce_max3A_41 = vector.multi_reduction <maximumf>, %select_n3A, %reduce_max3A [0] : vector<1000x256xf32> to vector<256xf32>
    %eq3A_42 = arith.constant 1 : i32
    %eq3A_43 = vector.broadcast %eq3A_42 : i32 to vector<1000x1xi32>
    %eq3A_44 = arith.cmpi eq, %get3A_34, %eq3A_43 : vector<1000x1xi32>
    %jit3A_45 = arith.constant 0xFF800000 : f32
    %broadcast_in_dim3A_46 = vector.shape_cast %eq3A_44 : vector<1000x1xi1> to vector<1000x1xi1>
    %broadcast_in_dim3A_47 = vector.broadcast %broadcast_in_dim3A_46 : vector<1000x1xi1> to vector<1000x256xi1>
    %broadcast_in_dim3A_48 = vector.broadcast %jit3A_45 : f32 to vector<1000x256xf32>
    %select_n3A_49 = arith.select %broadcast_in_dim3A_47, %add3A_31, %broadcast_in_dim3A_48 : vector<1000x256xi1>, vector<1000x256xf32>
    %reduce_max3A_50 = arith.constant dense<0xFF800000> : vector<256xf32>
    %reduce_max3A_51 = vector.multi_reduction <maximumf>, %select_n3A_49, %reduce_max3A_50 [0] : vector<1000x256xf32> to vector<256xf32>
    %eq3A_52 = arith.constant 2 : i32
    %eq3A_53 = vector.broadcast %eq3A_52 : i32 to vector<1000x1xi32>
    %eq3A_54 = arith.cmpi eq, %get3A_34, %eq3A_53 : vector<1000x1xi32>
    %jit3A_55 = arith.constant 0xFF800000 : f32
    %broadcast_in_dim3A_56 = vector.shape_cast %eq3A_54 : vector<1000x1xi1> to vector<1000x1xi1>
    %broadcast_in_dim3A_57 = vector.broadcast %broadcast_in_dim3A_56 : vector<1000x1xi1> to vector<1000x256xi1>
    %broadcast_in_dim3A_58 = vector.broadcast %jit3A_55 : f32 to vector<1000x256xf32>
    %select_n3A_59 = arith.select %broadcast_in_dim3A_57, %add3A_31, %broadcast_in_dim3A_58 : vector<1000x256xi1>, vector<1000x256xf32>
    %reduce_max3A_60 = arith.constant dense<0xFF800000> : vector<256xf32>
    %reduce_max3A_61 = vector.multi_reduction <maximumf>, %select_n3A_59, %reduce_max3A_60 [0] : vector<1000x256xf32> to vector<256xf32>
    %eq3A_62 = arith.constant 3 : i32
    %eq3A_63 = vector.broadcast %eq3A_62 : i32 to vector<1000x1xi32>
    %eq3A_64 = arith.cmpi eq, %get3A_34, %eq3A_63 : vector<1000x1xi32>
    %jit3A_65 = arith.constant 0xFF800000 : f32
    %broadcast_in_dim3A_66 = vector.shape_cast %eq3A_64 : vector<1000x1xi1> to vector<1000x1xi1>
    %broadcast_in_dim3A_67 = vector.broadcast %broadcast_in_dim3A_66 : vector<1000x1xi1> to vector<1000x256xi1>
    %broadcast_in_dim3A_68 = vector.broadcast %jit3A_65 : f32 to vector<1000x256xf32>
    %select_n3A_69 = arith.select %broadcast_in_dim3A_67, %add3A_31, %broadcast_in_dim3A_68 : vector<1000x256xi1>, vector<1000x256xf32>
    %reduce_max3A_70 = arith.constant dense<0xFF800000> : vector<256xf32>
    %reduce_max3A_71 = vector.multi_reduction <maximumf>, %select_n3A_69, %reduce_max3A_70 [0] : vector<1000x256xf32> to vector<256xf32>
    %eq3A_72 = arith.constant 4 : i32
    %eq3A_73 = vector.broadcast %eq3A_72 : i32 to vector<1000x1xi32>
    %eq3A_74 = arith.cmpi eq, %get3A_34, %eq3A_73 : vector<1000x1xi32>
    %jit3A_75 = arith.constant 0xFF800000 : f32
    %broadcast_in_dim3A_76 = vector.shape_cast %eq3A_74 : vector<1000x1xi1> to vector<1000x1xi1>
    %broadcast_in_dim3A_77 = vector.broadcast %broadcast_in_dim3A_76 : vector<1000x1xi1> to vector<1000x256xi1>
    %broadcast_in_dim3A_78 = vector.broadcast %jit3A_75 : f32 to vector<1000x256xf32>
    %select_n3A_79 = arith.select %broadcast_in_dim3A_77, %add3A_31, %broadcast_in_dim3A_78 : vector<1000x256xi1>, vector<1000x256xf32>
    %reduce_max3A_80 = arith.constant dense<0xFF800000> : vector<256xf32>
    %reduce_max3A_81 = vector.multi_reduction <maximumf>, %select_n3A_79, %reduce_max3A_80 [0] : vector<1000x256xf32> to vector<256xf32>
    %eq3A_82 = arith.constant 5 : i32
    %eq3A_83 = vector.broadcast %eq3A_82 : i32 to vector<1000x1xi32>
    %eq3A_84 = arith.cmpi eq, %get3A_34, %eq3A_83 : vector<1000x1xi32>
    %jit3A_85 = arith.constant 0xFF800000 : f32
    %broadcast_in_dim3A_86 = vector.shape_cast %eq3A_84 : vector<1000x1xi1> to vector<1000x1xi1>
    %broadcast_in_dim3A_87 = vector.broadcast %broadcast_in_dim3A_86 : vector<1000x1xi1> to vector<1000x256xi1>
    %broadcast_in_dim3A_88 = vector.broadcast %jit3A_85 : f32 to vector<1000x256xf32>
    %select_n3A_89 = arith.select %broadcast_in_dim3A_87, %add3A_31, %broadcast_in_dim3A_88 : vector<1000x256xi1>, vector<1000x256xf32>
    %reduce_max3A_90 = arith.constant dense<0xFF800000> : vector<256xf32>
    %reduce_max3A_91 = vector.multi_reduction <maximumf>, %select_n3A_89, %reduce_max3A_90 [0] : vector<1000x256xf32> to vector<256xf32>
    %eq3A_92 = arith.constant 6 : i32
    %eq3A_93 = vector.broadcast %eq3A_92 : i32 to vector<1000x1xi32>
    %eq3A_94 = arith.cmpi eq, %get3A_34, %eq3A_93 : vector<1000x1xi32>
    %jit3A_95 = arith.constant 0xFF800000 : f32
    %broadcast_in_dim3A_96 = vector.shape_cast %eq3A_94 : vector<1000x1xi1> to vector<1000x1xi1>
    %broadcast_in_dim3A_97 = vector.broadcast %broadcast_in_dim3A_96 : vector<1000x1xi1> to vector<1000x256xi1>
    %broadcast_in_dim3A_98 = vector.broadcast %jit3A_95 : f32 to vector<1000x256xf32>
    %select_n3A_99 = arith.select %broadcast_in_dim3A_97, %add3A_31, %broadcast_in_dim3A_98 : vector<1000x256xi1>, vector<1000x256xf32>
    %reduce_max3A_100 = arith.constant dense<0xFF800000> : vector<256xf32>
    %reduce_max3A_101 = vector.multi_reduction <maximumf>, %select_n3A_99, %reduce_max3A_100 [0] : vector<1000x256xf32> to vector<256xf32>
    %eq3A_102 = arith.constant 7 : i32
    %eq3A_103 = vector.broadcast %eq3A_102 : i32 to vector<1000x1xi32>
    %eq3A_104 = arith.cmpi eq, %get3A_34, %eq3A_103 : vector<1000x1xi32>
    %jit3A_105 = arith.constant 0xFF800000 : f32
    %broadcast_in_dim3A_106 = vector.shape_cast %eq3A_104 : vector<1000x1xi1> to vector<1000x1xi1>
    %broadcast_in_dim3A_107 = vector.broadcast %broadcast_in_dim3A_106 : vector<1000x1xi1> to vector<1000x256xi1>
    %broadcast_in_dim3A_108 = vector.broadcast %jit3A_105 : f32 to vector<1000x256xf32>
    %select_n3A_109 = arith.select %broadcast_in_dim3A_107, %add3A_31, %broadcast_in_dim3A_108 : vector<1000x256xi1>, vector<1000x256xf32>
    %reduce_max3A_110 = arith.constant dense<0xFF800000> : vector<256xf32>
    %reduce_max3A_111 = vector.multi_reduction <maximumf>, %select_n3A_109, %reduce_max3A_110 [0] : vector<1000x256xf32> to vector<256xf32>
    %eq3A_112 = arith.constant 8 : i32
    %eq3A_113 = vector.broadcast %eq3A_112 : i32 to vector<1000x1xi32>
    %eq3A_114 = arith.cmpi eq, %get3A_34, %eq3A_113 : vector<1000x1xi32>
    %jit3A_115 = arith.constant 0xFF800000 : f32
    %broadcast_in_dim3A_116 = vector.shape_cast %eq3A_114 : vector<1000x1xi1> to vector<1000x1xi1>
    %broadcast_in_dim3A_117 = vector.broadcast %broadcast_in_dim3A_116 : vector<1000x1xi1> to vector<1000x256xi1>
    %broadcast_in_dim3A_118 = vector.broadcast %jit3A_115 : f32 to vector<1000x256xf32>
    %select_n3A_119 = arith.select %broadcast_in_dim3A_117, %add3A_31, %broadcast_in_dim3A_118 : vector<1000x256xi1>, vector<1000x256xf32>
    %reduce_max3A_120 = arith.constant dense<0xFF800000> : vector<256xf32>
    %reduce_max3A_121 = vector.multi_reduction <maximumf>, %select_n3A_119, %reduce_max3A_120 [0] : vector<1000x256xf32> to vector<256xf32>
    %eq3A_122 = arith.constant 9 : i32
    %eq3A_123 = vector.broadcast %eq3A_122 : i32 to vector<1000x1xi32>
    %eq3A_124 = arith.cmpi eq, %get3A_34, %eq3A_123 : vector<1000x1xi32>
    %jit3A_125 = arith.constant 0xFF800000 : f32
    %broadcast_in_dim3A_126 = vector.shape_cast %eq3A_124 : vector<1000x1xi1> to vector<1000x1xi1>
    %broadcast_in_dim3A_127 = vector.broadcast %broadcast_in_dim3A_126 : vector<1000x1xi1> to vector<1000x256xi1>
    %broadcast_in_dim3A_128 = vector.broadcast %jit3A_125 : f32 to vector<1000x256xf32>
    %select_n3A_129 = arith.select %broadcast_in_dim3A_127, %add3A_31, %broadcast_in_dim3A_128 : vector<1000x256xi1>, vector<1000x256xf32>
    %reduce_max3A_130 = arith.constant dense<0xFF800000> : vector<256xf32>
    %reduce_max3A_131 = vector.multi_reduction <maximumf>, %select_n3A_129, %reduce_max3A_130 [0] : vector<1000x256xf32> to vector<256xf32>
    %eq3A_132 = arith.constant 10 : i32
    %eq3A_133 = vector.broadcast %eq3A_132 : i32 to vector<1000x1xi32>
    %eq3A_134 = arith.cmpi eq, %get3A_34, %eq3A_133 : vector<1000x1xi32>
    %jit3A_135 = arith.constant 0xFF800000 : f32
    %broadcast_in_dim3A_136 = vector.shape_cast %eq3A_134 : vector<1000x1xi1> to vector<1000x1xi1>
    %broadcast_in_dim3A_137 = vector.broadcast %broadcast_in_dim3A_136 : vector<1000x1xi1> to vector<1000x256xi1>
    %broadcast_in_dim3A_138 = vector.broadcast %jit3A_135 : f32 to vector<1000x256xf32>
    %select_n3A_139 = arith.select %broadcast_in_dim3A_137, %add3A_31, %broadcast_in_dim3A_138 : vector<1000x256xi1>, vector<1000x256xf32>
    %reduce_max3A_140 = arith.constant dense<0xFF800000> : vector<256xf32>
    %reduce_max3A_141 = vector.multi_reduction <maximumf>, %select_n3A_139, %reduce_max3A_140 [0] : vector<1000x256xf32> to vector<256xf32>
    %eq3A_142 = arith.constant 11 : i32
    %eq3A_143 = vector.broadcast %eq3A_142 : i32 to vector<1000x1xi32>
    %eq3A_144 = arith.cmpi eq, %get3A_34, %eq3A_143 : vector<1000x1xi32>
    %jit3A_145 = arith.constant 0xFF800000 : f32
    %broadcast_in_dim3A_146 = vector.shape_cast %eq3A_144 : vector<1000x1xi1> to vector<1000x1xi1>
    %broadcast_in_dim3A_147 = vector.broadcast %broadcast_in_dim3A_146 : vector<1000x1xi1> to vector<1000x256xi1>
    %broadcast_in_dim3A_148 = vector.broadcast %jit3A_145 : f32 to vector<1000x256xf32>
    %select_n3A_149 = arith.select %broadcast_in_dim3A_147, %add3A_31, %broadcast_in_dim3A_148 : vector<1000x256xi1>, vector<1000x256xf32>
    %reduce_max3A_150 = arith.constant dense<0xFF800000> : vector<256xf32>
    %reduce_max3A_151 = vector.multi_reduction <maximumf>, %select_n3A_149, %reduce_max3A_150 [0] : vector<1000x256xf32> to vector<256xf32>
    %eq3A_152 = arith.constant 12 : i32
    %eq3A_153 = vector.broadcast %eq3A_152 : i32 to vector<1000x1xi32>
    %eq3A_154 = arith.cmpi eq, %get3A_34, %eq3A_153 : vector<1000x1xi32>
    %jit3A_155 = arith.constant 0xFF800000 : f32
    %broadcast_in_dim3A_156 = vector.shape_cast %eq3A_154 : vector<1000x1xi1> to vector<1000x1xi1>
    %broadcast_in_dim3A_157 = vector.broadcast %broadcast_in_dim3A_156 : vector<1000x1xi1> to vector<1000x256xi1>
    %broadcast_in_dim3A_158 = vector.broadcast %jit3A_155 : f32 to vector<1000x256xf32>
    %select_n3A_159 = arith.select %broadcast_in_dim3A_157, %add3A_31, %broadcast_in_dim3A_158 : vector<1000x256xi1>, vector<1000x256xf32>
    %reduce_max3A_160 = arith.constant dense<0xFF800000> : vector<256xf32>
    %reduce_max3A_161 = vector.multi_reduction <maximumf>, %select_n3A_159, %reduce_max3A_160 [0] : vector<1000x256xf32> to vector<256xf32>
    %eq3A_162 = arith.constant 13 : i32
    %eq3A_163 = vector.broadcast %eq3A_162 : i32 to vector<1000x1xi32>
    %eq3A_164 = arith.cmpi eq, %get3A_34, %eq3A_163 : vector<1000x1xi32>
    %jit3A_165 = arith.constant 0xFF800000 : f32
    %broadcast_in_dim3A_166 = vector.shape_cast %eq3A_164 : vector<1000x1xi1> to vector<1000x1xi1>
    %broadcast_in_dim3A_167 = vector.broadcast %broadcast_in_dim3A_166 : vector<1000x1xi1> to vector<1000x256xi1>
    %broadcast_in_dim3A_168 = vector.broadcast %jit3A_165 : f32 to vector<1000x256xf32>
    %select_n3A_169 = arith.select %broadcast_in_dim3A_167, %add3A_31, %broadcast_in_dim3A_168 : vector<1000x256xi1>, vector<1000x256xf32>
    %reduce_max3A_170 = arith.constant dense<0xFF800000> : vector<256xf32>
    %reduce_max3A_171 = vector.multi_reduction <maximumf>, %select_n3A_169, %reduce_max3A_170 [0] : vector<1000x256xf32> to vector<256xf32>
    %eq3A_172 = arith.constant 14 : i32
    %eq3A_173 = vector.broadcast %eq3A_172 : i32 to vector<1000x1xi32>
    %eq3A_174 = arith.cmpi eq, %get3A_34, %eq3A_173 : vector<1000x1xi32>
    %jit3A_175 = arith.constant 0xFF800000 : f32
    %broadcast_in_dim3A_176 = vector.shape_cast %eq3A_174 : vector<1000x1xi1> to vector<1000x1xi1>
    %broadcast_in_dim3A_177 = vector.broadcast %broadcast_in_dim3A_176 : vector<1000x1xi1> to vector<1000x256xi1>
    %broadcast_in_dim3A_178 = vector.broadcast %jit3A_175 : f32 to vector<1000x256xf32>
    %select_n3A_179 = arith.select %broadcast_in_dim3A_177, %add3A_31, %broadcast_in_dim3A_178 : vector<1000x256xi1>, vector<1000x256xf32>
    %reduce_max3A_180 = arith.constant dense<0xFF800000> : vector<256xf32>
    %reduce_max3A_181 = vector.multi_reduction <maximumf>, %select_n3A_179, %reduce_max3A_180 [0] : vector<1000x256xf32> to vector<256xf32>
    %eq3A_182 = arith.constant 15 : i32
    %eq3A_183 = vector.broadcast %eq3A_182 : i32 to vector<1000x1xi32>
    %eq3A_184 = arith.cmpi eq, %get3A_34, %eq3A_183 : vector<1000x1xi32>
    %jit3A_185 = arith.constant 0xFF800000 : f32
    %broadcast_in_dim3A_186 = vector.shape_cast %eq3A_184 : vector<1000x1xi1> to vector<1000x1xi1>
    %broadcast_in_dim3A_187 = vector.broadcast %broadcast_in_dim3A_186 : vector<1000x1xi1> to vector<1000x256xi1>
    %broadcast_in_dim3A_188 = vector.broadcast %jit3A_185 : f32 to vector<1000x256xf32>
    %select_n3A_189 = arith.select %broadcast_in_dim3A_187, %add3A_31, %broadcast_in_dim3A_188 : vector<1000x256xi1>, vector<1000x256xf32>
    %reduce_max3A_190 = arith.constant dense<0xFF800000> : vector<256xf32>
    %reduce_max3A_191 = vector.multi_reduction <maximumf>, %select_n3A_189, %reduce_max3A_190 [0] : vector<1000x256xf32> to vector<256xf32>
    %eq3A_192 = arith.constant 16 : i32
    %eq3A_193 = vector.broadcast %eq3A_192 : i32 to vector<1000x1xi32>
    %eq3A_194 = arith.cmpi eq, %get3A_34, %eq3A_193 : vector<1000x1xi32>
    %jit3A_195 = arith.constant 0xFF800000 : f32
    %broadcast_in_dim3A_196 = vector.shape_cast %eq3A_194 : vector<1000x1xi1> to vector<1000x1xi1>
    %broadcast_in_dim3A_197 = vector.broadcast %broadcast_in_dim3A_196 : vector<1000x1xi1> to vector<1000x256xi1>
    %broadcast_in_dim3A_198 = vector.broadcast %jit3A_195 : f32 to vector<1000x256xf32>
    %select_n3A_199 = arith.select %broadcast_in_dim3A_197, %add3A_31, %broadcast_in_dim3A_198 : vector<1000x256xi1>, vector<1000x256xf32>
    %reduce_max3A_200 = arith.constant dense<0xFF800000> : vector<256xf32>
    %reduce_max3A_201 = vector.multi_reduction <maximumf>, %select_n3A_199, %reduce_max3A_200 [0] : vector<1000x256xf32> to vector<256xf32>
    %eq3A_202 = arith.constant 17 : i32
    %eq3A_203 = vector.broadcast %eq3A_202 : i32 to vector<1000x1xi32>
    %eq3A_204 = arith.cmpi eq, %get3A_34, %eq3A_203 : vector<1000x1xi32>
    %jit3A_205 = arith.constant 0xFF800000 : f32
    %broadcast_in_dim3A_206 = vector.shape_cast %eq3A_204 : vector<1000x1xi1> to vector<1000x1xi1>
    %broadcast_in_dim3A_207 = vector.broadcast %broadcast_in_dim3A_206 : vector<1000x1xi1> to vector<1000x256xi1>
    %broadcast_in_dim3A_208 = vector.broadcast %jit3A_205 : f32 to vector<1000x256xf32>
    %select_n3A_209 = arith.select %broadcast_in_dim3A_207, %add3A_31, %broadcast_in_dim3A_208 : vector<1000x256xi1>, vector<1000x256xf32>
    %reduce_max3A_210 = arith.constant dense<0xFF800000> : vector<256xf32>
    %reduce_max3A_211 = vector.multi_reduction <maximumf>, %select_n3A_209, %reduce_max3A_210 [0] : vector<1000x256xf32> to vector<256xf32>
    %eq3A_212 = arith.constant 18 : i32
    %eq3A_213 = vector.broadcast %eq3A_212 : i32 to vector<1000x1xi32>
    %eq3A_214 = arith.cmpi eq, %get3A_34, %eq3A_213 : vector<1000x1xi32>
    %jit3A_215 = arith.constant 0xFF800000 : f32
    %broadcast_in_dim3A_216 = vector.shape_cast %eq3A_214 : vector<1000x1xi1> to vector<1000x1xi1>
    %broadcast_in_dim3A_217 = vector.broadcast %broadcast_in_dim3A_216 : vector<1000x1xi1> to vector<1000x256xi1>
    %broadcast_in_dim3A_218 = vector.broadcast %jit3A_215 : f32 to vector<1000x256xf32>
    %select_n3A_219 = arith.select %broadcast_in_dim3A_217, %add3A_31, %broadcast_in_dim3A_218 : vector<1000x256xi1>, vector<1000x256xf32>
    %reduce_max3A_220 = arith.constant dense<0xFF800000> : vector<256xf32>
    %reduce_max3A_221 = vector.multi_reduction <maximumf>, %select_n3A_219, %reduce_max3A_220 [0] : vector<1000x256xf32> to vector<256xf32>
    %eq3A_222 = arith.constant 19 : i32
    %eq3A_223 = vector.broadcast %eq3A_222 : i32 to vector<1000x1xi32>
    %eq3A_224 = arith.cmpi eq, %get3A_34, %eq3A_223 : vector<1000x1xi32>
    %jit3A_225 = arith.constant 0xFF800000 : f32
    %broadcast_in_dim3A_226 = vector.shape_cast %eq3A_224 : vector<1000x1xi1> to vector<1000x1xi1>
    %broadcast_in_dim3A_227 = vector.broadcast %broadcast_in_dim3A_226 : vector<1000x1xi1> to vector<1000x256xi1>
    %broadcast_in_dim3A_228 = vector.broadcast %jit3A_225 : f32 to vector<1000x256xf32>
    %select_n3A_229 = arith.select %broadcast_in_dim3A_227, %add3A_31, %broadcast_in_dim3A_228 : vector<1000x256xi1>, vector<1000x256xf32>
    %reduce_max3A_230 = arith.constant dense<0xFF800000> : vector<256xf32>
    %reduce_max3A_231 = vector.multi_reduction <maximumf>, %select_n3A_229, %reduce_max3A_230 [0] : vector<1000x256xf32> to vector<256xf32>
    %eq3A_232 = arith.constant 20 : i32
    %eq3A_233 = vector.broadcast %eq3A_232 : i32 to vector<1000x1xi32>
    %eq3A_234 = arith.cmpi eq, %get3A_34, %eq3A_233 : vector<1000x1xi32>
    %jit3A_235 = arith.constant 0xFF800000 : f32
    %broadcast_in_dim3A_236 = vector.shape_cast %eq3A_234 : vector<1000x1xi1> to vector<1000x1xi1>
    %broadcast_in_dim3A_237 = vector.broadcast %broadcast_in_dim3A_236 : vector<1000x1xi1> to vector<1000x256xi1>
    %broadcast_in_dim3A_238 = vector.broadcast %jit3A_235 : f32 to vector<1000x256xf32>
    %select_n3A_239 = arith.select %broadcast_in_dim3A_237, %add3A_31, %broadcast_in_dim3A_238 : vector<1000x256xi1>, vector<1000x256xf32>
    %reduce_max3A_240 = arith.constant dense<0xFF800000> : vector<256xf32>
    %reduce_max3A_241 = vector.multi_reduction <maximumf>, %select_n3A_239, %reduce_max3A_240 [0] : vector<1000x256xf32> to vector<256xf32>
    %eq3A_242 = arith.constant 21 : i32
    %eq3A_243 = vector.broadcast %eq3A_242 : i32 to vector<1000x1xi32>
    %eq3A_244 = arith.cmpi eq, %get3A_34, %eq3A_243 : vector<1000x1xi32>
    %jit3A_245 = arith.constant 0xFF800000 : f32
    %broadcast_in_dim3A_246 = vector.shape_cast %eq3A_244 : vector<1000x1xi1> to vector<1000x1xi1>
    %broadcast_in_dim3A_247 = vector.broadcast %broadcast_in_dim3A_246 : vector<1000x1xi1> to vector<1000x256xi1>
    %broadcast_in_dim3A_248 = vector.broadcast %jit3A_245 : f32 to vector<1000x256xf32>
    %select_n3A_249 = arith.select %broadcast_in_dim3A_247, %add3A_31, %broadcast_in_dim3A_248 : vector<1000x256xi1>, vector<1000x256xf32>
    %reduce_max3A_250 = arith.constant dense<0xFF800000> : vector<256xf32>
    %reduce_max3A_251 = vector.multi_reduction <maximumf>, %select_n3A_249, %reduce_max3A_250 [0] : vector<1000x256xf32> to vector<256xf32>
    %eq3A_252 = arith.constant 22 : i32
    %eq3A_253 = vector.broadcast %eq3A_252 : i32 to vector<1000x1xi32>
    %eq3A_254 = arith.cmpi eq, %get3A_34, %eq3A_253 : vector<1000x1xi32>
    %jit3A_255 = arith.constant 0xFF800000 : f32
    %broadcast_in_dim3A_256 = vector.shape_cast %eq3A_254 : vector<1000x1xi1> to vector<1000x1xi1>
    %broadcast_in_dim3A_257 = vector.broadcast %broadcast_in_dim3A_256 : vector<1000x1xi1> to vector<1000x256xi1>
    %broadcast_in_dim3A_258 = vector.broadcast %jit3A_255 : f32 to vector<1000x256xf32>
    %select_n3A_259 = arith.select %broadcast_in_dim3A_257, %add3A_31, %broadcast_in_dim3A_258 : vector<1000x256xi1>, vector<1000x256xf32>
    %reduce_max3A_260 = arith.constant dense<0xFF800000> : vector<256xf32>
    %reduce_max3A_261 = vector.multi_reduction <maximumf>, %select_n3A_259, %reduce_max3A_260 [0] : vector<1000x256xf32> to vector<256xf32>
    %eq3A_262 = arith.constant 23 : i32
    %eq3A_263 = vector.broadcast %eq3A_262 : i32 to vector<1000x1xi32>
    %eq3A_264 = arith.cmpi eq, %get3A_34, %eq3A_263 : vector<1000x1xi32>
    %jit3A_265 = arith.constant 0xFF800000 : f32
    %broadcast_in_dim3A_266 = vector.shape_cast %eq3A_264 : vector<1000x1xi1> to vector<1000x1xi1>
    %broadcast_in_dim3A_267 = vector.broadcast %broadcast_in_dim3A_266 : vector<1000x1xi1> to vector<1000x256xi1>
    %broadcast_in_dim3A_268 = vector.broadcast %jit3A_265 : f32 to vector<1000x256xf32>
    %select_n3A_269 = arith.select %broadcast_in_dim3A_267, %add3A_31, %broadcast_in_dim3A_268 : vector<1000x256xi1>, vector<1000x256xf32>
    %reduce_max3A_270 = arith.constant dense<0xFF800000> : vector<256xf32>
    %reduce_max3A_271 = vector.multi_reduction <maximumf>, %select_n3A_269, %reduce_max3A_270 [0] : vector<1000x256xf32> to vector<256xf32>
    %eq3A_272 = arith.constant 24 : i32
    %eq3A_273 = vector.broadcast %eq3A_272 : i32 to vector<1000x1xi32>
    %eq3A_274 = arith.cmpi eq, %get3A_34, %eq3A_273 : vector<1000x1xi32>
    %jit3A_275 = arith.constant 0xFF800000 : f32
    %broadcast_in_dim3A_276 = vector.shape_cast %eq3A_274 : vector<1000x1xi1> to vector<1000x1xi1>
    %broadcast_in_dim3A_277 = vector.broadcast %broadcast_in_dim3A_276 : vector<1000x1xi1> to vector<1000x256xi1>
    %broadcast_in_dim3A_278 = vector.broadcast %jit3A_275 : f32 to vector<1000x256xf32>
    %select_n3A_279 = arith.select %broadcast_in_dim3A_277, %add3A_31, %broadcast_in_dim3A_278 : vector<1000x256xi1>, vector<1000x256xf32>
    %reduce_max3A_280 = arith.constant dense<0xFF800000> : vector<256xf32>
    %reduce_max3A_281 = vector.multi_reduction <maximumf>, %select_n3A_279, %reduce_max3A_280 [0] : vector<1000x256xf32> to vector<256xf32>
    %eq3A_282 = arith.constant 25 : i32
    %eq3A_283 = vector.broadcast %eq3A_282 : i32 to vector<1000x1xi32>
    %eq3A_284 = arith.cmpi eq, %get3A_34, %eq3A_283 : vector<1000x1xi32>
    %jit3A_285 = arith.constant 0xFF800000 : f32
    %broadcast_in_dim3A_286 = vector.shape_cast %eq3A_284 : vector<1000x1xi1> to vector<1000x1xi1>
    %broadcast_in_dim3A_287 = vector.broadcast %broadcast_in_dim3A_286 : vector<1000x1xi1> to vector<1000x256xi1>
    %broadcast_in_dim3A_288 = vector.broadcast %jit3A_285 : f32 to vector<1000x256xf32>
    %select_n3A_289 = arith.select %broadcast_in_dim3A_287, %add3A_31, %broadcast_in_dim3A_288 : vector<1000x256xi1>, vector<1000x256xf32>
    %reduce_max3A_290 = arith.constant dense<0xFF800000> : vector<256xf32>
    %reduce_max3A_291 = vector.multi_reduction <maximumf>, %select_n3A_289, %reduce_max3A_290 [0] : vector<1000x256xf32> to vector<256xf32>
    %eq3A_292 = arith.constant 26 : i32
    %eq3A_293 = vector.broadcast %eq3A_292 : i32 to vector<1000x1xi32>
    %eq3A_294 = arith.cmpi eq, %get3A_34, %eq3A_293 : vector<1000x1xi32>
    %jit3A_295 = arith.constant 0xFF800000 : f32
    %broadcast_in_dim3A_296 = vector.shape_cast %eq3A_294 : vector<1000x1xi1> to vector<1000x1xi1>
    %broadcast_in_dim3A_297 = vector.broadcast %broadcast_in_dim3A_296 : vector<1000x1xi1> to vector<1000x256xi1>
    %broadcast_in_dim3A_298 = vector.broadcast %jit3A_295 : f32 to vector<1000x256xf32>
    %select_n3A_299 = arith.select %broadcast_in_dim3A_297, %add3A_31, %broadcast_in_dim3A_298 : vector<1000x256xi1>, vector<1000x256xf32>
    %reduce_max3A_300 = arith.constant dense<0xFF800000> : vector<256xf32>
    %reduce_max3A_301 = vector.multi_reduction <maximumf>, %select_n3A_299, %reduce_max3A_300 [0] : vector<1000x256xf32> to vector<256xf32>
    %eq3A_302 = arith.constant 27 : i32
    %eq3A_303 = vector.broadcast %eq3A_302 : i32 to vector<1000x1xi32>
    %eq3A_304 = arith.cmpi eq, %get3A_34, %eq3A_303 : vector<1000x1xi32>
    %jit3A_305 = arith.constant 0xFF800000 : f32
    %broadcast_in_dim3A_306 = vector.shape_cast %eq3A_304 : vector<1000x1xi1> to vector<1000x1xi1>
    %broadcast_in_dim3A_307 = vector.broadcast %broadcast_in_dim3A_306 : vector<1000x1xi1> to vector<1000x256xi1>
    %broadcast_in_dim3A_308 = vector.broadcast %jit3A_305 : f32 to vector<1000x256xf32>
    %select_n3A_309 = arith.select %broadcast_in_dim3A_307, %add3A_31, %broadcast_in_dim3A_308 : vector<1000x256xi1>, vector<1000x256xf32>
    %reduce_max3A_310 = arith.constant dense<0xFF800000> : vector<256xf32>
    %reduce_max3A_311 = vector.multi_reduction <maximumf>, %select_n3A_309, %reduce_max3A_310 [0] : vector<1000x256xf32> to vector<256xf32>
    %eq3A_312 = arith.constant 28 : i32
    %eq3A_313 = vector.broadcast %eq3A_312 : i32 to vector<1000x1xi32>
    %eq3A_314 = arith.cmpi eq, %get3A_34, %eq3A_313 : vector<1000x1xi32>
    %jit3A_315 = arith.constant 0xFF800000 : f32
    %broadcast_in_dim3A_316 = vector.shape_cast %eq3A_314 : vector<1000x1xi1> to vector<1000x1xi1>
    %broadcast_in_dim3A_317 = vector.broadcast %broadcast_in_dim3A_316 : vector<1000x1xi1> to vector<1000x256xi1>
    %broadcast_in_dim3A_318 = vector.broadcast %jit3A_315 : f32 to vector<1000x256xf32>
    %select_n3A_319 = arith.select %broadcast_in_dim3A_317, %add3A_31, %broadcast_in_dim3A_318 : vector<1000x256xi1>, vector<1000x256xf32>
    %reduce_max3A_320 = arith.constant dense<0xFF800000> : vector<256xf32>
    %reduce_max3A_321 = vector.multi_reduction <maximumf>, %select_n3A_319, %reduce_max3A_320 [0] : vector<1000x256xf32> to vector<256xf32>
    %eq3A_322 = arith.constant 29 : i32
    %eq3A_323 = vector.broadcast %eq3A_322 : i32 to vector<1000x1xi32>
    %eq3A_324 = arith.cmpi eq, %get3A_34, %eq3A_323 : vector<1000x1xi32>
    %jit3A_325 = arith.constant 0xFF800000 : f32
    %broadcast_in_dim3A_326 = vector.shape_cast %eq3A_324 : vector<1000x1xi1> to vector<1000x1xi1>
    %broadcast_in_dim3A_327 = vector.broadcast %broadcast_in_dim3A_326 : vector<1000x1xi1> to vector<1000x256xi1>
    %broadcast_in_dim3A_328 = vector.broadcast %jit3A_325 : f32 to vector<1000x256xf32>
    %select_n3A_329 = arith.select %broadcast_in_dim3A_327, %add3A_31, %broadcast_in_dim3A_328 : vector<1000x256xi1>, vector<1000x256xf32>
    %reduce_max3A_330 = arith.constant dense<0xFF800000> : vector<256xf32>
    %reduce_max3A_331 = vector.multi_reduction <maximumf>, %select_n3A_329, %reduce_max3A_330 [0] : vector<1000x256xf32> to vector<256xf32>
    %eq3A_332 = arith.constant 30 : i32
    %eq3A_333 = vector.broadcast %eq3A_332 : i32 to vector<1000x1xi32>
    %eq3A_334 = arith.cmpi eq, %get3A_34, %eq3A_333 : vector<1000x1xi32>
    %jit3A_335 = arith.constant 0xFF800000 : f32
    %broadcast_in_dim3A_336 = vector.shape_cast %eq3A_334 : vector<1000x1xi1> to vector<1000x1xi1>
    %broadcast_in_dim3A_337 = vector.broadcast %broadcast_in_dim3A_336 : vector<1000x1xi1> to vector<1000x256xi1>
    %broadcast_in_dim3A_338 = vector.broadcast %jit3A_335 : f32 to vector<1000x256xf32>
    %select_n3A_339 = arith.select %broadcast_in_dim3A_337, %add3A_31, %broadcast_in_dim3A_338 : vector<1000x256xi1>, vector<1000x256xf32>
    %reduce_max3A_340 = arith.constant dense<0xFF800000> : vector<256xf32>
    %reduce_max3A_341 = vector.multi_reduction <maximumf>, %select_n3A_339, %reduce_max3A_340 [0] : vector<1000x256xf32> to vector<256xf32>
    %eq3A_342 = arith.constant 31 : i32
    %eq3A_343 = vector.broadcast %eq3A_342 : i32 to vector<1000x1xi32>
    %eq3A_344 = arith.cmpi eq, %get3A_34, %eq3A_343 : vector<1000x1xi32>
    %jit3A_345 = arith.constant 0xFF800000 : f32
    %broadcast_in_dim3A_346 = vector.shape_cast %eq3A_344 : vector<1000x1xi1> to vector<1000x1xi1>
    %broadcast_in_dim3A_347 = vector.broadcast %broadcast_in_dim3A_346 : vector<1000x1xi1> to vector<1000x256xi1>
    %broadcast_in_dim3A_348 = vector.broadcast %jit3A_345 : f32 to vector<1000x256xf32>
    %select_n3A_349 = arith.select %broadcast_in_dim3A_347, %add3A_31, %broadcast_in_dim3A_348 : vector<1000x256xi1>, vector<1000x256xf32>
    %reduce_max3A_350 = arith.constant dense<0xFF800000> : vector<256xf32>
    %reduce_max3A_351 = vector.multi_reduction <maximumf>, %select_n3A_349, %reduce_max3A_350 [0] : vector<1000x256xf32> to vector<256xf32>
    %get3A_352 = arith.constant 0 : index
    %get3A_353 = arith.constant 0 : index
    %get3A_354 = vector.load %arg9[%get3A_352, %get3A_353] : memref<32x256xf32, #tpu.memory_space<vmem>>, vector<32x256xf32>
    %stack3A = vector.shape_cast %reduce_max3A_41 : vector<256xf32> to vector<1x256xf32>
    %stack3A_355 = vector.shape_cast %reduce_max3A_51 : vector<256xf32> to vector<1x256xf32>
    %stack3A_356 = vector.shape_cast %reduce_max3A_61 : vector<256xf32> to vector<1x256xf32>
    %stack3A_357 = vector.shape_cast %reduce_max3A_71 : vector<256xf32> to vector<1x256xf32>
    %stack3A_358 = vector.shape_cast %reduce_max3A_81 : vector<256xf32> to vector<1x256xf32>
    %stack3A_359 = vector.shape_cast %reduce_max3A_91 : vector<256xf32> to vector<1x256xf32>
    %stack3A_360 = vector.shape_cast %reduce_max3A_101 : vector<256xf32> to vector<1x256xf32>
    %stack3A_361 = vector.shape_cast %reduce_max3A_111 : vector<256xf32> to vector<1x256xf32>
    %stack3A_362 = vector.shape_cast %reduce_max3A_121 : vector<256xf32> to vector<1x256xf32>
    %stack3A_363 = vector.shape_cast %reduce_max3A_131 : vector<256xf32> to vector<1x256xf32>
    %stack3A_364 = vector.shape_cast %reduce_max3A_141 : vector<256xf32> to vector<1x256xf32>
    %stack3A_365 = vector.shape_cast %reduce_max3A_151 : vector<256xf32> to vector<1x256xf32>
    %stack3A_366 = vector.shape_cast %reduce_max3A_161 : vector<256xf32> to vector<1x256xf32>
    %stack3A_367 = vector.shape_cast %reduce_max3A_171 : vector<256xf32> to vector<1x256xf32>
    %stack3A_368 = vector.shape_cast %reduce_max3A_181 : vector<256xf32> to vector<1x256xf32>
    %stack3A_369 = vector.shape_cast %reduce_max3A_191 : vector<256xf32> to vector<1x256xf32>
    %stack3A_370 = vector.shape_cast %reduce_max3A_201 : vector<256xf32> to vector<1x256xf32>
    %stack3A_371 = vector.shape_cast %reduce_max3A_211 : vector<256xf32> to vector<1x256xf32>
    %stack3A_372 = vector.shape_cast %reduce_max3A_221 : vector<256xf32> to vector<1x256xf32>
    %stack3A_373 = vector.shape_cast %reduce_max3A_231 : vector<256xf32> to vector<1x256xf32>
    %stack3A_374 = vector.shape_cast %reduce_max3A_241 : vector<256xf32> to vector<1x256xf32>
    %stack3A_375 = vector.shape_cast %reduce_max3A_251 : vector<256xf32> to vector<1x256xf32>
    %stack3A_376 = vector.shape_cast %reduce_max3A_261 : vector<256xf32> to vector<1x256xf32>
    %stack3A_377 = vector.shape_cast %reduce_max3A_271 : vector<256xf32> to vector<1x256xf32>
    %stack3A_378 = vector.shape_cast %reduce_max3A_281 : vector<256xf32> to vector<1x256xf32>
    %stack3A_379 = vector.shape_cast %reduce_max3A_291 : vector<256xf32> to vector<1x256xf32>
    %stack3A_380 = vector.shape_cast %reduce_max3A_301 : vector<256xf32> to vector<1x256xf32>
    %stack3A_381 = vector.shape_cast %reduce_max3A_311 : vector<256xf32> to vector<1x256xf32>
    %stack3A_382 = vector.shape_cast %reduce_max3A_321 : vector<256xf32> to vector<1x256xf32>
    %stack3A_383 = vector.shape_cast %reduce_max3A_331 : vector<256xf32> to vector<1x256xf32>
    %stack3A_384 = vector.shape_cast %reduce_max3A_341 : vector<256xf32> to vector<1x256xf32>
    %stack3A_385 = vector.shape_cast %reduce_max3A_351 : vector<256xf32> to vector<1x256xf32>
    %stack3A_386 = tpu.concatenate %stack3A, %stack3A_355, %stack3A_356, %stack3A_357, %stack3A_358, %stack3A_359, %stack3A_360, %stack3A_361, %stack3A_362, %stack3A_363, %stack3A_364, %stack3A_365, %stack3A_366, %stack3A_367, %stack3A_368, %stack3A_369, %stack3A_370, %stack3A_371, %stack3A_372, %stack3A_373, %stack3A_374, %stack3A_375, %stack3A_376, %stack3A_377, %stack3A_378, %stack3A_379, %stack3A_380, %stack3A_381, %stack3A_382, %stack3A_383, %stack3A_384, %stack3A_385 in 0 : vector<1x256xf32>, vector<1x256xf32>, vector<1x256xf32>, vector<1x256xf32>, vector<1x256xf32>, vector<1x256xf32>, vector<1x256xf32>, vector<1x256xf32>, vector<1x256xf32>, vector<1x256xf32>, vector<1x256xf32>, vector<1x256xf32>, vector<1x256xf32>, vector<1x256xf32>, vector<1x256xf32>, vector<1x256xf32>, vector<1x256xf32>, vector<1x256xf32>, vector<1x256xf32>, vector<1x256xf32>, vector<1x256xf32>, vector<1x256xf32>, vector<1x256xf32>, vector<1x256xf32>, vector<1x256xf32>, vector<1x256xf32>, vector<1x256xf32>, vector<1x256xf32>, vector<1x256xf32>, vector<1x256xf32>, vector<1x256xf32>, vector<1x256xf32> -> vector<32x256xf32>
    %max3A = arith.maximumf %get3A_354, %stack3A_386 : vector<32x256xf32>
    %swap3A = arith.constant 0 : index
    %swap3A_387 = arith.constant 0 : index
    %swap3A_388 = vector.load %arg9[%swap3A, %swap3A_387] : memref<32x256xf32, #tpu.memory_space<vmem>>, vector<32x256xf32>
    tpu.vector_store %arg9[%swap3A, %swap3A_387], %max3A {strides = array<i32>} : memref<32x256xf32, #tpu.memory_space<vmem>>, vector<32x256xf32>,
    %eq3A_389 = arith.constant 9 : i32
    %eq3A_390 = arith.cmpi eq, %arg0, %eq3A_389 : i32
    %convert_element_type3A_391 = arith.extui %eq3A_390 : i1 to i32
    %cond3A_392 = arith.constant 0 : i32
    %cond3A_393 = arith.cmpi ne, %convert_element_type3A_391, %cond3A_392 : i32
    scf.if %cond3A_393 {
      %get3A_394 = arith.constant 0 : index
      %get3A_395 = arith.constant 0 : index
      %get3A_396 = vector.load %arg9[%get3A_394, %get3A_395] : memref<32x256xf32, #tpu.memory_space<vmem>>, vector<32x256xf32>
      %get3A_397 = arith.constant 0 : index
      %get3A_398 = arith.constant 0 : index
      %get3A_399 = vector.load %arg6[%get3A_397, %get3A_398] : memref<256x128xf32, #tpu.memory_space<vmem>>, vector<256x128xf32>
      %dot_general3A = arith.constant dense<0.000000e+00> : vector<32x128xf32>
      %dot_general3A_400 = tpu.matmul %get3A_396, %get3A_399, %dot_general3A {dimension_numbers = #tpu.dot_dimension_numbers<[1], [0], [0], [1], [0, 0, 1, 1], [], []>, transpose_lhs_hint = false} : vector<32x256xf32>, vector<256x128xf32>, vector<32x128xf32> -> vector<32x128xf32>
      %get3A_401 = arith.constant 0 : index
      %get3A_402 = arith.constant 0 : index
      %get3A_403 = vector.load %arg7[%get3A_401, %get3A_402] : memref<1x128xf32, #tpu.memory_space<vmem>>, vector<1x128xf32>
      %add3A_404 = vector.broadcast %get3A_403 : vector<1x128xf32> to vector<32x128xf32>
      %add3A_405 = arith.addf %dot_general3A_400, %add3A_404 : vector<32x128xf32>
      %max3A_406 = arith.constant 0.000000e+00 : f32
      %max3A_407 = vector.broadcast %max3A_406 : f32 to vector<32x128xf32>
      %max3A_408 = arith.maximumf %add3A_405, %max3A_407 : vector<32x128xf32>
      %swap3A_409 = arith.constant 0 : index
      %swap3A_410 = arith.constant 0 : index
      %swap3A_411 = vector.load %arg8[%swap3A_409, %swap3A_410] : memref<32x128xf32, #tpu.memory_space<vmem>>, vector<32x128xf32>
      tpu.vector_store %arg8[%swap3A_409, %swap3A_410], %max3A_408 {strides = array<i32>} : memref<32x128xf32, #tpu.memory_space<vmem>>, vector<32x128xf32>,
    } else {
    }
    return
  }
  func.func @transform_0(%arg0: i32) -> (i32, i32, i32) {
    %c0_i32 = arith.constant 0 : i32
    %c0_i32_0 = arith.constant 0 : i32
    %c0_i32_1 = arith.constant 0 : i32
    return %c0_i32, %arg0, %c0_i32_0 : i32, i32, i32
  }
  func.func @transform_1(%arg0: i32) -> (i32, i32) {
    %c0_i32 = arith.constant 0 : i32
    %c0_i32_0 = arith.constant 0 : i32
    return %arg0, %c0_i32 : i32, i32
  }
  func.func @transform_2(%arg0: i32) -> (i32, i32) {
    %c0_i32 = arith.constant 0 : i32
    %c0_i32_0 = arith.constant 0 : i32
    return %arg0, %c0_i32 : i32, i32
  }
  func.func @transform_3(%arg0: i32) -> (i32, i32) {
    %c0_i32 = arith.constant 0 : i32
    %c0_i32_0 = arith.constant 0 : i32
    %c0_i32_1 = arith.constant 0 : i32
    return %c0_i32, %c0_i32_0 : i32, i32
  }
  func.func @transform_4(%arg0: i32) -> (i32, i32) {
    %c0_i32 = arith.constant 0 : i32
    %c0_i32_0 = arith.constant 0 : i32
    return %arg0, %c0_i32 : i32, i32
  }
  func.func @transform_5(%arg0: i32) -> (i32, i32) {
    %c0_i32 = arith.constant 0 : i32
    %c0_i32_0 = arith.constant 0 : i32
    %c0_i32_1 = arith.constant 0 : i32
    return %c0_i32, %c0_i32_0 : i32, i32
  }
  func.func @transform_6(%arg0: i32) -> (i32, i32) {
    %c0_i32 = arith.constant 0 : i32
    %c0_i32_0 = arith.constant 0 : i32
    %c0_i32_1 = arith.constant 0 : i32
    return %c0_i32, %c0_i32_0 : i32, i32
  }
  func.func @transform_7(%arg0: i32) -> (i32, i32) {
    %c0_i32 = arith.constant 0 : i32
    %c0_i32_0 = arith.constant 0 : i32
    %c0_i32_1 = arith.constant 0 : i32
    return %c0_i32, %c0_i32_0 : i32, i32
  }
}

</mosaic_0001>

<sc_bundles>
// kernel: kernel.11.cloned.1.call-start
scs
__scs_entry_jumppad:
0x0: {  	(pc) =	sbr.rel $0x88, $3  }
0x1: {  	(tag) =	ssettag $0x0;
	lr =	simm.s32 $0x1  }
0x2: {  	[smem:$0x3F97] =	sst lr;
	_ =	strace $0xD0000000  }
0x3: {  	_ = 	snop  }
0x4: {  	_ = 	snop  }
0x5: {  	_ = 	snop  }
0x6: {  	_ = 	snop  }
0x7: {  	_ = 	snop  }
__scs_overlays_trampoline_lowered:
0x8: {  	[smem:$0x3FA6] =	sst s0  }
0x9: {  	[smem:$0x3FA7] =	sst s1  }
0xa: {  	[smem:$0x3FA8] =	sst s2  }
0xb: {  	[smem:$0x3FA9] =	sst s3  }
0xc: {  	[smem:$0x3FAA] =	sst s4  }
0xd: {  	[smem:$0x3FAB] =	sst s5  }
0xe: {  	[smem:$0x3FAC] =	sst s6  }
0xf: {  	[smem:$0x3FAD] =	sst s7  }
0x10: {  	[smem:$0x3FAE] =	sst s8  }
0x11: {  	[smem:$0x3FAF] =	sst s9;
	s0 =	simm.s32 @!p0 $0x0  }
0x12: {  	s1 =	sld [smem:$0x3F95];
	s0 =	simm.s32 @p0 $0x1  }
0x13: {  	[smem:$0x3FB0] =	sst s0;
	s0 =	simm.s32 @!p1 $0x0  }
0x14: {  	s2 =	sld [smem:$0x3F94];
	s0 =	simm.s32 @p1 $0x1  }
0x15: {  	[smem:$0x3FB1] =	sst s0;
	s0 =	simm.s32 @!p2 $0x0  }
0x16: {  	s3 =	sld [smem:$0x3FDB];
	s0 =	simm.s32 @p2 $0x1  }
0x17: {  	s4 =	simm.s32 $0x1BF5;
	[smem:$0x3FB3] =	sst s0  }
0x18: {  	s0 =	sld [smem:$0x3F96];
	_ =	swait.ge [sflag:s4], $0x0  }
0x19: {  	s7 =	sld [smem:$0x3F97]  }
0x1a: {  	s8 =	sadd.s32 $0xFFFFE003, lr  }
0x1b: {  	s9 =	sadd.s32 $0xFFFFFEF7, lr;
	s5 =	simm.s32 $0xFFFFFFFF;
	p2 =	slt.u32 s8, $0xFFFFF086  }
0x1c: {  	p1 =	slt.u32 s9, $0xF7A;
	s5 =	simm.s32 @!p2 $0x0  }
0x1d: {  	s5 =	simm.s32 @p1 $0x1;
	p0 =	seq.s32 s7, s2  }
0x1e: {  	s7 =	smul.u32 @!p0 $0xF7A, s2;
	p2 =	seq.s32 @!p0 s5, $0x0  }
0x1f: {  	s9 =	smul.u32 $0xF7A, s1;
	s8 =	simm.s32 @!p0 $0x1BF5;
	p2 =	por !p2, p0  }
0x20: {  	[sflag:s8] =	ssyncset.s32 @!p0 $0xFFFFF086;
	s6 =	sadd.s32 @!p0 s3, s7;
	s7 =	simm.s32 @!p0 $0x108  }
0x21: {  	s3 =	sadd.s32 s3, s9;
	s6 =	sadd.s32 @!p0 $0x88, s6;
	s7 =	simm.s32 @p2 $0x1082  }
0x22: {  	[simem:s7], [sflag:s8] =	dma.local @!p0 [hbm:s6], $0xF7A  }
0x23: {  	s9 =	sor.u32 $0xD0000000, s2;
	s6 =	simm.s32 $0x108;
	_ =	swait.ge @!p0 [sflag:s8], $0x0  }
0x24: {  	s3 =	sadd.s32 $0x88, s3;
	s6 =	simm.s32 @!p1 $0x1082;
	[sflag:s4] =	ssyncset.s32 $0xFFFFF086  }
0x25: {  	[simem:s6], [sflag:s4] =	dma.local [hbm:s3], $0xF7A  }
0x26: {  	[smem:$0x3F97] =	sst s1;
	(tag) =	ssettag s2;
	_ =	strace s9  }
0x27: {  	s1 =	sld [smem:$0x3FA7]  }
0x28: {  	s2 =	sld [smem:$0x3FA8]  }
0x29: {  	s4 =	sld [smem:$0x3FAA]  }
0x2a: {  	p0 =	seq.s32 s5, $0x0;
	s5 =	sld [smem:$0x3FAB]  }
0x2b: {  	s6 =	sld [smem:$0x3FAC]  }
0x2c: {  	s7 =	sld [smem:$0x3FAD]  }
0x2d: {  	s3 =	simm.s32 $0x108;
	s8 =	sld [smem:$0x3FAE]  }
0x2e: {  	s3 =	simm.s32 @!p0 $0x1082;
	s9 =	sld [smem:$0x3FAF]  }
0x2f: {  	lr =	sadd.s32 s0, s3;
	s0 =	sld [smem:$0x3FA6]  }
0x30: {  	s3 =	sld [smem:$0x3FA9]  }
0x31: {  	[smem:$0x3FB2] =	sst s10  }
0x32: {  	s10 =	sld [smem:$0x3FB0];
	_ =	sdelay $0x3  }
0x33: {  	p0 =	seq.s32 s10, $0x1;
	s10 =	sld [smem:$0x3FB2];
	_ =	sdelay $0x3  }
0x34: {  	[smem:$0x3FB2] =	sst s10  }
0x35: {  	s10 =	sld [smem:$0x3FB1];
	_ =	sdelay $0x3  }
0x36: {  	p1 =	seq.s32 s10, $0x1;
	s10 =	sld [smem:$0x3FB2];
	_ =	sdelay $0x3  }
0x37: {  	[smem:$0x3FB2] =	sst s10  }
0x38: {  	s10 =	sld [smem:$0x3FB3]  }
0x39: {  	_ = 	snop;
	(pc) =	sbr.ind lr, $3  }
0x3a: {  	_ = 	snop  }
0x3b: {  	_ = 	snop  }
0x3c: {  	p2 =	seq.s32 s10, $0x1;
	s10 =	sld [smem:$0x3FB2]  }
0x3d: {  	_ =	shalt  }
0x3e: {  	_ =	shalt  }
0x3f: {  	_ =	shalt  }
0x40: {  	_ =	shalt  }
0x41: {  	_ =	shalt  }
0x42: {  	_ =	shalt  }
0x43: {  	_ =	shalt  }
0x44: {  	_ =	shalt  }
0x45: {  	_ =	shalt  }
0x46: {  	_ =	shalt  }
0x47: {  	_ =	shalt  }
0x48: {  	_ =	shalt  }
0x49: {  	_ =	shalt  }
0x4a: {  	_ =	shalt  }
0x4b: {  	_ =	shalt  }
0x4c: {  	_ =	shalt  }
0x4d: {  	_ =	shalt  }
0x4e: {  	_ =	shalt  }
0x4f: {  	_ =	shalt  }
0x50: {  	_ =	shalt  }
0x51: {  	_ =	shalt  }
0x52: {  	_ =	shalt  }
0x53: {  	_ =	shalt  }
0x54: {  	_ =	shalt  }
0x55: {  	_ =	shalt  }
0x56: {  	_ =	shalt  }
0x57: {  	_ =	shalt  }
0x58: {  	_ =	shalt  }
0x59: {  	_ =	shalt  }
0x5a: {  	_ =	shalt  }
0x5b: {  	_ =	shalt  }
0x5c: {  	_ =	shalt  }
0x5d: {  	_ =	shalt  }
0x5e: {  	_ =	shalt  }
0x5f: {  	_ =	shalt  }
0x60: {  	_ =	shalt  }
0x61: {  	_ =	shalt  }
0x62: {  	_ =	shalt  }
0x63: {  	_ =	shalt  }
0x64: {  	_ =	shalt  }
0x65: {  	_ =	shalt  }
0x66: {  	_ =	shalt  }
0x67: {  	_ =	shalt  }
0x68: {  	_ =	shalt  }
0x69: {  	_ =	shalt  }
0x6a: {  	_ =	shalt  }
0x6b: {  	_ =	shalt  }
0x6c: {  	_ =	shalt  }
0x6d: {  	_ =	shalt  }
0x6e: {  	_ =	shalt  }
0x6f: {  	_ =	shalt  }
0x70: {  	_ =	shalt  }
0x71: {  	_ =	shalt  }
0x72: {  	_ =	shalt  }
0x73: {  	_ =	shalt  }
0x74: {  	_ =	shalt  }
0x75: {  	_ =	shalt  }
0x76: {  	_ =	shalt  }
0x77: {  	_ =	shalt  }
0x78: {  	_ =	shalt  }
0x79: {  	_ =	shalt  }
0x7a: {  	_ =	shalt  }
0x7b: {  	_ =	shalt  }
0x7c: {  	_ =	shalt  }
0x7d: {  	_ =	shalt  }
0x7e: {  	_ =	shalt  }
0x7f: {  	_ =	shalt  }
0x80: {  	_ =	shalt  }
0x81: {  	_ =	shalt  }
0x82: {  	_ =	shalt  }
0x83: {  	_ =	shalt  }
0x84: {  	_ =	shalt  }
0x85: {  	_ =	shalt  }
0x86: {  	_ =	shalt  }
0x87: {  	_ =	shalt  }
.Lfunc_end0:
.L_simem_size_0:
called_computation.1_lowered:
.L_overlay_start_0:
0x88: {  	s2 =	sld [smem:$0x3FD9]  }
0x89: {  	s3 =	sld [smem:$0x3FFE];
	_ =	sdelay $0x1  }
0x8a: {  	s1 =	srdreg.scid  }
0x8b: {  	s0 =	sand.u32 $0x1, s1  }
0x8c: {  	s16 =	sshll.u32 s0, $0xA;
	s2 =	sadd.s32 s3, s2  }
0x8d: {  	s2 =	sadd.s32 s2, s16  }
0x8e: {  	[smem:$0x3FBE] =	sst s2  }
0x8f: {  	_ = 	snop  }
0x90: {  	(tm) =	ssettm $0x1  }
0x91: {  	s17 =	sld [smem:$0x3FFB];
	_ =	sdelay $0x3  }
0x92: {  	_ =	strace s17  }
0x93: {  	s2 =	sld [smem:$0x3FFC];
	_ =	sdelay $0x3  }
0x94: {  	_ =	strace s2  }
0x95: {  	s2 =	sld [smem:$0x3FFD];
	_ =	sdelay $0x3  }
0x96: {  	_ =	strace s2  }
0x97: {  	_ =	strace $0x8FFFFFFF  }
0x98: {  	s18 =	sld [smem:$0x3FDB];
	_ =	sdelay $0x1  }
0x99: {  	s19 =	simm.s32 $_scs_section_size  }
0x9a: {  	s4 =	simm.s32 $_size__tile_overlayer_lowered;
	s5 =	simm.s32 $_tile_overlayer_lowered  }
0x9b: {  	s22 =	simm.s32 $0x1BFF;
	s21 =	sshll.u32 s5, $0x1;
	s2 =	sadd.s32 s19, s18  }
0x9c: {  	s6 =	simm.s32 $0x0;
	s20 =	sshll.u32 s4, $0x1;
	s4 =	sadd.s32 s21, s2  }
0x9d: {  	[timem:s6], [sflag:s22] =	dma.local [hbm:s4], s20  }
0x9e: {  	_ =	swait.ge [sflag:s22], s20  }
0x9f: {  	s3 =	ssub.s32 $0x0, s20;
	[sflag:s22] =	ssyncset.done $0x0  }
0xa0: {  	[sflag:s22] =	ssyncadd.s32 s3;
	_ =	sdelay $0x1  }
0xa1: {  	s23 =	simm.s32 $0x1B8B  }
0xa2: {  	_ =	swait.ge [sflag:s23], $0x1  }
0xa3: {  	[sflag:s23] =	ssyncset.done $0x0  }
0xa4: {  	s25 =	simm.s32 $0x1B8E;
	s24 =	sld [smem:$0x3FFE];
	[sflag:s23] =	ssyncadd.s32 $0xFFFFFFFF  }
0xa5: {  	s26 =	simm.s32 $execute0_lowered;
	[smem:$0x3FD2] =	sst s25  }
0xa6: {  	s4 =	sshll.u32 s26, $0x1;
	_ =	strace $0x80000049;
	[dreg:$0x1] =	wrdreg $0xFFFFFFFF  }
0xa7: {  	s28 =	simm.s32 $_size_execute0_lowered;
	s2 =	sadd.s32 s2, s4;
	[dreg:$0x0] =	wrdreg $0x0  }
0xa8: {  	s4 =	sshll.u32 s28, $0x1;
	[dreg:$0x2] =	wrdreg s2  }
0xa9: {  	[dreg:$0x3] =	wrdreg s4  }
0xaa: {  	[dreg:$0x4] =	wrdreg $0xC0  }
0xab: {  	_ =	task [dreg:s6], $0x5FFFF  }
0xac: {  	[dreg:$0x1] =	wrdreg $0xFFFFFFFF  }
0xad: {  	[dreg:$0x0] =	wrdreg $0x60  }
0xae: {  	[dreg:$0x2] =	wrdreg s24  }
0xaf: {  	[dreg:$0x3] =	wrdreg $0x7E000  }
0xb0: {  	[dreg:$0x4] =	wrdreg $0x9  }
0xb1: {  	_ =	task.clear_ibuf [dreg:s6], $0x5FFFF;
	_ =	strace $0x90000049  }
0xb2: {  	s29 =	simm.s32 $0x9;
	_ =	strace $0x8000004B  }
0xb3: {  	_ =	swait.ge [sflag:s29], $0x1  }
0xb4: {  	[sflag:s29] =	ssyncadd.s32 $0xFFFFFFFF  }
0xb5: {  	_ =	strace $0x9000004B  }
0xb6: {  	_ =	sfence  }
0xb7: {  	s30 =	sld [smem:$0x0];
	_ =	sdelay $0x2  }
0xb8: {  	s31 =	sshll.u32 s1, $0xD;
	s1 =	sshrl.u32 s1, $0x2  }
0xb9: {  	s3 =	sand.u32 $0x4000, s31;
	s1 =	sadd.s32 s1, s30  }
0xba: {  	s0 =	sor.u32 s3, s0;
	s1 =	sshll.u32 s1, $0x11  }
0xbb: {  	s0 =	sor.u32 s1, s0  }
0xbc: {  	s0 =	sadd.s32 $0x8F2B, s0  }
0xbd: {  	[sflag:s0] =	ssyncadd.remote.s32 $0x1  }
0xbe: {  	_ =	sfence.sel $0xFFFF  }
0xbf: {  	[dreg:$0x0] =	wrdreg $0xFFFFFFFF;
	(pc) =	sbr.abs _section_cstart, $3  }
0xc0: {  	[dreg:$0x1] =	wrdreg $0xFFFFFFFF  }
0xc1: {  	_ =	task.clear_ibuf [dreg:s6], $0x2FFFF;
	_ =	strace $0x9FFFFFFF  }
0xc2: {  	(tm) =	ssettm $0x7FFFFFFF  }
0xc3: {  	_ =	shalt  }
tec
execute0_lowered:
.L_overlay_start_1:
0x0: {  	(tag) =	ssettag $0x1  }
0x1: {  	s0 =	rddreg [dreg:$0x0]  }
0x2: {  	s9 =	rddreg [dreg:$0x1]  }
0x3: {  	s2 =	simm.s32 $0x0;
	s1 =	srdreg.scid;
	s24 =	stileid.u32  }
0x4: {  	s19 =	simm.s32 $0x8;
	s22 =	simm.s32 $0x1;
	s28 =	simm.s32 $0x480  }
0x5: {  	s29 =	simm.s32 $0x0;
	[smem:$0x7FF] =	sst s2;
	s10 =	sand.u32 $0x1, s1  }
0x6: {  	s11 =	smul.u32 $0x14000, s24;
	s3 =	sadd.s32 $0x6D800, s0;
	s4 =	sadd.s32 $0x1C00, s0  }
0x7: {  	s5 =	sadd.s32 $0xBA00, s0;
	s6 =	sadd.s32 $0x15800, s0;
	s8 =	smul.u32 $0x140000, s10  }
0x8: {  	s7 =	sadd.s32 $0xBBA00, s0;
	s12 =	smul.u32 $0x50000, s24;
	s30 =	sshll.u32 s24, $0x6  }
0x9: {  	_ =	strace $0x8000004A;
	s25 =	ssub.s32 $0x2, s10;
	s8 =	sadd.s32 s11, s8  }
0xa: {  	s13 =	sshrl.u32 s25, $0x1;
	s26 =	sshrl.u32 s12, $0x2;
	s8 =	sshrl.u32 s8, $0x3  }
0xb: {  	s17 =	ssub.s32 s25, s13;
	s0 =	sadd.s32 s8, s0;
	s8 =	smul.u32 $0x4E20, s24  }
0xc: {  	s18 =	sadd.s32 s26, s9;
	s9 =	sor.u32 $0x1C08, s30;
	s26 =	smul.u32 $0x2710, s10  }
0xd: {  	s17 =	smax.u32 s17, $0x1;
	s18 =	sshrl.u32 s18, $0x3;
	s31 =	sshrl.u32 s8, $0x3  }
0xe: {  	v0 =	vmov s26;
	s26 =	simm.s32 $0x280;
	s16 =	sadd.s32 $0xBE200, s0;
	s10 =	sadd.s32 s4, s31  }
0xf: {  	s15 =	sadd.s32 $0xA, s31;
	s11 =	sadd.s32 s5, s31;
	s12 =	sadd.s32 s6, s31  }
0x10: {  	s13 =	sadd.s32 s4, s15;
	s14 =	sadd.s32 s5, s15;
	s15 =	sadd.s32 s6, s15  }
.LBB2_1:
0x11: {  	[spmem:s18], [sflag:s9] =	dma.local [hbm:s7], $0x2800  }
0x12: {  	_ =	swait.ge [sflag:s19], $0x2800  }
0x13: {  	[sflag:s19] =	ssyncset.done $0x0  }
0x14: {  	[sflag:s19] =	ssyncadd.s32 $0xFFFFD800  }
0x15: {  	[bflag:$0x0] =	sbarrier.arrive $0xFFFF  }
0x16: {  	[tilespmem:s2], [sflag:$0x1] =	stream.linear.gather [hbm4b:s10+s2], $0x50, $0x38;
	[tilespmem:$0x1BE00] =	vst v63  }
0x17: {  	s0 =	simm.s32 $0x200  }
0x18: {  	[tilespmem:s0], [sflag:$0x1] =	stream.linear.gather [hbm4b:s11+s2], $0x50, $0x38;
	[tilespmem:$0x1BE00] =	vst v63  }
0x19: {  	s24 =	simm.s32 $0x400  }
0x1a: {  	[tilespmem:s24], [sflag:$0x1] =	stream.linear.gather [hbm4b:s12+s2], $0x50, $0x38;
	[tilespmem:$0x1BE00] =	vst v63  }
0x1b: {  	_ =	swait.ge [sflag:s22], $0x50  }
0x1c: {  	[sflag:s22] =	ssyncset.done $0x0  }
0x1d: {  	[sflag:s22] =	ssyncadd.s32 $0xFFFFFFB0  }
0x1e: {  	_ =	swait.ge [sflag:s22], $0x50  }
0x1f: {  	[sflag:s22] =	ssyncset.done $0x0  }
0x20: {  	[sflag:s22] =	ssyncadd.s32 $0xFFFFFFB0  }
0x21: {  	_ =	swait.ge [sflag:s22], $0x50  }
0x22: {  	[sflag:s22] =	ssyncset.done $0x0  }
0x23: {  	[sflag:s22] =	ssyncadd.s32 $0xFFFFFFB0  }
0x24: {  	v1 =	vld [tilespmem:$0x0]  }
0x25: {  	v2 =	vld [tilespmem:$0x10]  }
0x26: {  	v3 =	vld [tilespmem:$0x20]  }
0x27: {  	v4 =	vld [tilespmem:$0x30]  }
0x28: {  	v5 =	vld [tilespmem:$0x40]  }
0x29: {  	v1 =	vadd.s32 v0, v1  }
0x2a: {  	[tilespmem:$0x0] =	vst v1;
	v1 =	vadd.s32 v0, v2  }
0x2b: {  	[tilespmem:$0x10] =	vst v1;
	v1 =	vadd.s32 v0, v3  }
0x2c: {  	[tilespmem:$0x20] =	vst v1;
	v1 =	vadd.s32 v0, v4  }
0x2d: {  	[tilespmem:$0x30] =	vst v1;
	v1 =	vadd.s32 v0, v5  }
0x2e: {  	s25 =	simm.s32 $0x50;
	s1 =	simm.s32 $0x600;
	[tilespmem:$0x40] =	vst v1  }
0x2f: {  	[tilespmem:s1], [sflag:$0x5] =	stream.indirect.gather [hbm4b:s3+s25], $0x80, s2, s25, $0xb8;
	[tilespmem:$0x1BE00] =	vst v63  }
0x30: {  	s31 =	simm.s32 $0x80  }
0x31: {  	[tilespmem:s31], [sflag:$0x2] =	stream.linear.gather [hbm4b:s13+s2], $0x50, $0x38;
	[tilespmem:$0x1BE00] =	vst v63  }
0x32: {  	_ = 	snop  }
0x33: {  	[tilespmem:s26], [sflag:$0x2] =	stream.linear.gather [hbm4b:s14+s2], $0x50, $0x38;
	[tilespmem:$0x1BE00] =	vst v63  }
0x34: {  	s30 =	simm.s32 $0x0  }
0x35: {  	[tilespmem:s28], [sflag:$0x2] =	stream.linear.gather [hbm4b:s15+s2], $0x50, $0x38;
	[tilespmem:$0x1BE00] =	vst v63  }
.LBB2_3:
0x36: {  	s0 =	smov.u32 s30  }
0x37: {  	s30 =	sadd.s32 $0x1, s30;
	p0 =	seq.s32 s0, $0xF9  }
0x38: {  	s31 =	sand.u32 @!p0 $0x3, s30  }
0x39: {  	s31 =	sadd.s32 @!p0 $0x1, s31  }
0x3a: {  	s1 =	sand.u32 @!p0 $0xFF, s30;
	_ =	swait.ge @!p0 [sflag:s31], $0x50  }
0x3b: {  	s1 =	smul.u32 @!p0 $0xAB, s1;
	[sflag:s31] =	ssyncset.done @!p0 $0x0  }
0x3c: {  	[sflag:s31] =	ssyncadd.s32 @!p0 $0xFFFFFFB0  }
0x3d: {  	s1 =	sshrl.u32 @!p0 s1, $0x9;
	_ =	swait.ge @!p0 [sflag:s31], $0x50  }
0x3e: {  	s1 =	smul.u32 @!p0 $0x3, s1;
	[sflag:s31] =	ssyncset.done @!p0 $0x0  }
0x3f: {  	[sflag:s31] =	ssyncadd.s32 @!p0 $0xFFFFFFB0  }
0x40: {  	s1 =	ssub.s32 @!p0 s30, s1;
	_ =	swait.ge @!p0 [sflag:s31], $0x50  }
0x41: {  	s1 =	sand.u32 @!p0 $0xFF, s1;
	[sflag:s31] =	ssyncset.done @!p0 $0x0  }
0x42: {  	s20 =	sshll.u32 @!p0 s1, $0x7;
	[sflag:s31] =	ssyncadd.s32 @!p0 $0xFFFFFFB0  }
0x43: {  	v1 =	vld @!p0 [tilespmem:s20+$0x0]  }
0x44: {  	v2 =	vld @!p0 [tilespmem:s20+$0x10]  }
0x45: {  	v3 =	vld @!p0 [tilespmem:s20+$0x20]  }
0x46: {  	v4 =	vld @!p0 [tilespmem:s20+$0x30]  }
0x47: {  	v5 =	vld @!p0 [tilespmem:s20+$0x40]  }
0x48: {  	v1 =	vadd.s32 @!p0 v0, v1  }
0x49: {  	[tilespmem:s20+$0x0] =	vst @!p0 v1;
	v1 =	vadd.s32 @!p0 v0, v2  }
0x4a: {  	p1 =	sgt.u32 @!p0 s0, $0xF7;
	s31 =	smul.u32 @!p0 $0xA000, s1;
	[tilespmem:s20+$0x10] =	vst @!p0 v1;
	v1 =	vadd.s32 @!p0 v0, v3  }
0x4b: {  	p1 =	por p1, p0;
	[tilespmem:s20+$0x20] =	vst @!p0 v1;
	v1 =	vadd.s32 @!p0 v0, v4  }
0x4c: {  	s23 =	simm.s32 @!p0 $0x50;
	s21 =	sadd.s32 @!p1 $0x2, s0;
	s31 =	sshrl.u32 @!p0 s31, $0x2;
	[tilespmem:s20+$0x30] =	vst @!p0 v1;
	v1 =	vadd.s32 @!p0 v0, v5  }
0x4d: {  	s24 =	smul.u32 @!p1 $0xAB, s21;
	s1 =	sadd.s32 @!p0 $0x5, s1;
	s31 =	sor.u32 @!p0 $0x600, s31;
	[tilespmem:s20+$0x40] =	vst @!p0 v1  }
0x4e: {  	[tilespmem:s31], [sflag:s1] =	stream.indirect.gather @!p0 [hbm4b:s3+s23], $0x80, s20, s23, $0xb8;
	[tilespmem:$0x1BE00] =	vst v63  }
0x4f: {  	s1 =	sshrl.u32 @!p1 s24, $0x9;
	s20 =	smul.u32 @!p1 $0x50, s21  }
0x50: {  	s23 =	smul.u32 $0xAB, s0;
	s1 =	sand.u32 @!p1 $0x7F, s1  }
0x51: {  	s1 =	smul.u32 @!p1 $0x3, s1;
	s20 =	sadd.s32 @!p1 s8, s20  }
0x52: {  	s25 =	simm.s32 @!p1 $0x0;
	s23 =	sshrl.u32 s23, $0x9;
	s20 =	sshrl.u32 @!p1 s20, $0x3  }
0x53: {  	s23 =	sand.u32 $0x7F, s23;
	s1 =	ssub.s32 @!p1 s21, s1;
	s21 =	sand.u32 @!p1 $0x3, s21  }
0x54: {  	s31 =	sadd.s32 @!p1 s4, s20;
	s23 =	smul.u32 $0x3, s23;
	s1 =	sand.u32 @!p1 $0xFF, s1  }
0x55: {  	s24 =	sadd.s32 @!p1 $0x1, s21;
	s21 =	sshll.u32 @!p1 s21, $0x7;
	s1 =	sshll.u32 @!p1 s1, $0x7  }
0x56: {  	[tilespmem:s1], [sflag:s24] =	stream.linear.gather @!p1 [hbm4b:s31+s25], $0x50, $0x38;
	[tilespmem:$0x1BE00] =	vst v63  }
0x57: {  	s0 =	ssub.s32 s0, s23;
	s21 =	sor.u32 @!p1 $0x200, s21;
	s23 =	sadd.s32 @!p1 s5, s20  }
0x58: {  	[tilespmem:s21], [sflag:s24] =	stream.linear.gather @!p1 [hbm4b:s23+s25], $0x50, $0x38;
	[tilespmem:$0x1BE00] =	vst v63  }
0x59: {  	s20 =	sadd.s32 @!p1 s6, s20;
	s0 =	sand.u32 $0xFF, s0;
	s1 =	sor.u32 @!p1 $0x400, s1  }
0x5a: {  	[tilespmem:s1], [sflag:s24] =	stream.linear.gather @!p1 [hbm4b:s20+s25], $0x50, $0x38;
	[tilespmem:$0x1BE00] =	vst v63  }
0x5b: {  	s24 =	smul.u32 $0xA000, s0;
	s25 =	sadd.s32 $0x5, s0;
	s0 =	sshll.u32 s0, $0x7  }
0x5c: {  	s0 =	sadd.s32 $0x400, s0  }
0x5d: {  	_ =	swait.ge [sflag:s25], $0x2800;
	s1 =	sshrl.u32 s24, $0x2;
	v1 =	vmov s0  }
0x5e: {  	[sflag:s25] =	ssyncset.done $0x0;
	s1 =	sor.u32 $0x600, s1  }
0x5f: {  	s31 =	simm.s32 $0x0;
	[sflag:s25] =	ssyncadd.s32 $0xFFFFD800;
	v2 =	vmov s1  }
.LBB2_4:
0x60: {  	s0 =	sshll.u32 s31, $0x4  }
0x61: {  	s0 =	sand.u32 $0x3FFFFFF0, s0  }
0x62: {  	s25 =	sshll.u32 s31, $0xD;
	v3 =	vld.idx.msk [tilespmem:v1+s0+$0x0 ss:$0x1], $0xffff  }
0x63: {  	s0 =	sshra.s32 s25, $0x2  }
0x64: {  	v4 =	vld.idx.msk [tilespmem:v2+s0+$0x0 ss:$0x1], $0xffff;
	_ =	sdelay $0x2  }
0x65: {  	v5 =	vbroadcast v3, $0x0;
	_ =	sdelay $0x1  }
0x66: {  	v4 =	vmul.f32 v5, v4;
	_ =	sdelay $0x1  }
0x67: {  	[tilespmem:v2+s0+$0x0 ss:$0x1] =	vst.idx.msk $0xffff, v4  }
0x68: {  	v4 =	vld.idx.msk [tilespmem:v2+s0+$0x10 ss:$0x1], $0xffff;
	_ =	sdelay $0x4  }
0x69: {  	v4 =	vmul.f32 v4, v5;
	_ =	sdelay $0x1  }
0x6a: {  	[tilespmem:v2+s0+$0x10 ss:$0x1] =	vst.idx.msk $0xffff, v4  }
0x6b: {  	v4 =	vld.idx.msk [tilespmem:v2+s0+$0x20 ss:$0x1], $0xffff;
	_ =	sdelay $0x4  }
0x6c: {  	v4 =	vmul.f32 v4, v5;
	_ =	sdelay $0x1  }
0x6d: {  	[tilespmem:v2+s0+$0x20 ss:$0x1] =	vst.idx.msk $0xffff, v4  }
0x6e: {  	v4 =	vld.idx.msk [tilespmem:v2+s0+$0x30 ss:$0x1], $0xffff;
	_ =	sdelay $0x4  }
0x6f: {  	v4 =	vmul.f32 v4, v5;
	_ =	sdelay $0x1  }
0x70: {  	[tilespmem:v2+s0+$0x30 ss:$0x1] =	vst.idx.msk $0xffff, v4  }
0x71: {  	v4 =	vld.idx.msk [tilespmem:v2+s0+$0x40 ss:$0x1], $0xffff;
	_ =	sdelay $0x4  }
0x72: {  	v4 =	vmul.f32 v4, v5;
	_ =	sdelay $0x1  }
0x73: {  	[tilespmem:v2+s0+$0x40 ss:$0x1] =	vst.idx.msk $0xffff, v4  }
0x74: {  	v4 =	vld.idx.msk [tilespmem:v2+s0+$0x50 ss:$0x1], $0xffff;
	_ =	sdelay $0x4  }
0x75: {  	v4 =	vmul.f32 v4, v5;
	_ =	sdelay $0x1  }
0x76: {  	[tilespmem:v2+s0+$0x50 ss:$0x1] =	vst.idx.msk $0xffff, v4  }
0x77: {  	v4 =	vld.idx.msk [tilespmem:v2+s0+$0x60 ss:$0x1], $0xffff;
	_ =	sdelay $0x4  }
0x78: {  	v4 =	vmul.f32 v4, v5;
	_ =	sdelay $0x1  }
0x79: {  	[tilespmem:v2+s0+$0x60 ss:$0x1] =	vst.idx.msk $0xffff, v4  }
0x7a: {  	v4 =	vld.idx.msk [tilespmem:v2+s0+$0x70 ss:$0x1], $0xffff;
	_ =	sdelay $0x4  }
0x7b: {  	v4 =	vmul.f32 v4, v5;
	_ =	sdelay $0x1  }
0x7c: {  	[tilespmem:v2+s0+$0x70 ss:$0x1] =	vst.idx.msk $0xffff, v4  }
0x7d: {  	v4 =	vld.idx.msk [tilespmem:v2+s0+$0x80 ss:$0x1], $0xffff;
	_ =	sdelay $0x2  }
0x7e: {  	v50 =	vbroadcast v3, $0x1;
	_ =	sdelay $0x1  }
0x7f: {  	v4 =	vmul.f32 v4, v50;
	_ =	sdelay $0x1  }
0x80: {  	[tilespmem:v2+s0+$0x80 ss:$0x1] =	vst.idx.msk $0xffff, v4  }
0x81: {  	v4 =	vld.idx.msk [tilespmem:v2+s0+$0x90 ss:$0x1], $0xffff;
	_ =	sdelay $0x4  }
0x82: {  	v4 =	vmul.f32 v4, v50;
	_ =	sdelay $0x1  }
0x83: {  	[tilespmem:v2+s0+$0x90 ss:$0x1] =	vst.idx.msk $0xffff, v4  }
0x84: {  	v4 =	vld.idx.msk [tilespmem:v2+s0+$0xA0 ss:$0x1], $0xffff;
	_ =	sdelay $0x4  }
0x85: {  	v4 =	vmul.f32 v4, v50;
	_ =	sdelay $0x1  }
0x86: {  	[tilespmem:v2+s0+$0xA0 ss:$0x1] =	vst.idx.msk $0xffff, v4  }
0x87: {  	v4 =	vld.idx.msk [tilespmem:v2+s0+$0xB0 ss:$0x1], $0xffff;
	_ =	sdelay $0x4  }
0x88: {  	v4 =	vmul.f32 v4, v50;
	_ =	sdelay $0x1  }
0x89: {  	[tilespmem:v2+s0+$0xB0 ss:$0x1] =	vst.idx.msk $0xffff, v4  }
0x8a: {  	v4 =	vld.idx.msk [tilespmem:v2+s0+$0xC0 ss:$0x1], $0xffff;
	_ =	sdelay $0x4  }
0x8b: {  	v4 =	vmul.f32 v4, v50;
	_ =	sdelay $0x1  }
0x8c: {  	[tilespmem:v2+s0+$0xC0 ss:$0x1] =	vst.idx.msk $0xffff, v4  }
0x8d: {  	v4 =	vld.idx.msk [tilespmem:v2+s0+$0xD0 ss:$0x1], $0xffff;
	_ =	sdelay $0x4  }
0x8e: {  	v4 =	vmul.f32 v4, v50;
	_ =	sdelay $0x1  }
0x8f: {  	[tilespmem:v2+s0+$0xD0 ss:$0x1] =	vst.idx.msk $0xffff, v4  }
0x90: {  	v4 =	vld.idx.msk [tilespmem:v2+s0+$0xE0 ss:$0x1], $0xffff;
	_ =	sdelay $0x4  }
0x91: {  	v4 =	vmul.f32 v4, v50;
	_ =	sdelay $0x1  }
0x92: {  	[tilespmem:v2+s0+$0xE0 ss:$0x1] =	vst.idx.msk $0xffff, v4  }
0x93: {  	v4 =	vld.idx.msk [tilespmem:v2+s0+$0xF0 ss:$0x1], $0xffff;
	_ =	sdelay $0x4  }
0x94: {  	v4 =	vmul.f32 v4, v50;
	_ =	sdelay $0x1  }
0x95: {  	[tilespmem:v2+s0+$0xF0 ss:$0x1] =	vst.idx.msk $0xffff, v4  }
0x96: {  	v4 =	vld.idx.msk [tilespmem:v2+s0+$0x100 ss:$0x1], $0xffff;
	_ =	sdelay $0x2  }
0x97: {  	v51 =	vbroadcast v3, $0x2;
	_ =	sdelay $0x1  }
0x98: {  	v4 =	vmul.f32 v4, v51;
	_ =	sdelay $0x1  }
0x99: {  	[tilespmem:v2+s0+$0x100 ss:$0x1] =	vst.idx.msk $0xffff, v4  }
0x9a: {  	v4 =	vld.idx.msk [tilespmem:v2+s0+$0x110 ss:$0x1], $0xffff;
	_ =	sdelay $0x4  }
0x9b: {  	v4 =	vmul.f32 v4, v51;
	_ =	sdelay $0x1  }
0x9c: {  	[tilespmem:v2+s0+$0x110 ss:$0x1] =	vst.idx.msk $0xffff, v4  }
0x9d: {  	v4 =	vld.idx.msk [tilespmem:v2+s0+$0x120 ss:$0x1], $0xffff;
	_ =	sdelay $0x4  }
0x9e: {  	v4 =	vmul.f32 v4, v51;
	_ =	sdelay $0x1  }
0x9f: {  	[tilespmem:v2+s0+$0x120 ss:$0x1] =	vst.idx.msk $0xffff, v4  }
0xa0: {  	v4 =	vld.idx.msk [tilespmem:v2+s0+$0x130 ss:$0x1], $0xffff;
	_ =	sdelay $0x4  }
0xa1: {  	v4 =	vmul.f32 v4, v51;
	_ =	sdelay $0x1  }
0xa2: {  	[tilespmem:v2+s0+$0x130 ss:$0x1] =	vst.idx.msk $0xffff, v4  }
0xa3: {  	v4 =	vld.idx.msk [tilespmem:v2+s0+$0x140 ss:$0x1], $0xffff;
	_ =	sdelay $0x4  }
0xa4: {  	v4 =	vmul.f32 v4, v51;
	_ =	sdelay $0x1  }
0xa5: {  	[tilespmem:v2+s0+$0x140 ss:$0x1] =	vst.idx.msk $0xffff, v4  }
0xa6: {  	v4 =	vld.idx.msk [tilespmem:v2+s0+$0x150 ss:$0x1], $0xffff;
	_ =	sdelay $0x4  }
0xa7: {  	v4 =	vmul.f32 v4, v51;
	_ =	sdelay $0x1  }
0xa8: {  	[tilespmem:v2+s0+$0x150 ss:$0x1] =	vst.idx.msk $0xffff, v4  }
0xa9: {  	v4 =	vld.idx.msk [tilespmem:v2+s0+$0x160 ss:$0x1], $0xffff;
	_ =	sdelay $0x4  }
0xaa: {  	v4 =	vmul.f32 v4, v51;
	_ =	sdelay $0x1  }
0xab: {  	[tilespmem:v2+s0+$0x160 ss:$0x1] =	vst.idx.msk $0xffff, v4  }
0xac: {  	v4 =	vld.idx.msk [tilespmem:v2+s0+$0x170 ss:$0x1], $0xffff;
	_ =	sdelay $0x4  }
0xad: {  	v4 =	vmul.f32 v4, v51;
	_ =	sdelay $0x1  }
0xae: {  	[tilespmem:v2+s0+$0x170 ss:$0x1] =	vst.idx.msk $0xffff, v4  }
0xaf: {  	v4 =	vld.idx.msk [tilespmem:v2+s0+$0x180 ss:$0x1], $0xffff;
	_ =	sdelay $0x2  }
0xb0: {  	v52 =	vbroadcast v3, $0x3;
	_ =	sdelay $0x1  }
0xb1: {  	v4 =	vmul.f32 v4, v52;
	_ =	sdelay $0x1  }
0xb2: {  	[tilespmem:v2+s0+$0x180 ss:$0x1] =	vst.idx.msk $0xffff, v4  }
0xb3: {  	v4 =	vld.idx.msk [tilespmem:v2+s0+$0x190 ss:$0x1], $0xffff;
	_ =	sdelay $0x4  }
0xb4: {  	v4 =	vmul.f32 v4, v52;
	_ =	sdelay $0x1  }
0xb5: {  	[tilespmem:v2+s0+$0x190 ss:$0x1] =	vst.idx.msk $0xffff, v4  }
0xb6: {  	v4 =	vld.idx.msk [tilespmem:v2+s0+$0x1A0 ss:$0x1], $0xffff;
	_ =	sdelay $0x4  }
0xb7: {  	v4 =	vmul.f32 v4, v52;
	_ =	sdelay $0x1  }
0xb8: {  	[tilespmem:v2+s0+$0x1A0 ss:$0x1] =	vst.idx.msk $0xffff, v4  }
0xb9: {  	v4 =	vld.idx.msk [tilespmem:v2+s0+$0x1B0 ss:$0x1], $0xffff;
	_ =	sdelay $0x4  }
0xba: {  	v4 =	vmul.f32 v4, v52;
	_ =	sdelay $0x1  }
0xbb: {  	[tilespmem:v2+s0+$0x1B0 ss:$0x1] =	vst.idx.msk $0xffff, v4  }
0xbc: {  	v4 =	vld.idx.msk [tilespmem:v2+s0+$0x1C0 ss:$0x1], $0xffff;
	_ =	sdelay $0x4  }
0xbd: {  	v4 =	vmul.f32 v4, v52;
	_ =	sdelay $0x1  }
0xbe: {  	[tilespmem:v2+s0+$0x1C0 ss:$0x1] =	vst.idx.msk $0xffff, v4  }
0xbf: {  	v4 =	vld.idx.msk [tilespmem:v2+s0+$0x1D0 ss:$0x1], $0xffff;
	_ =	sdelay $0x4  }
0xc0: {  	v4 =	vmul.f32 v4, v52;
	_ =	sdelay $0x1  }
0xc1: {  	[tilespmem:v2+s0+$0x1D0 ss:$0x1] =	vst.idx.msk $0xffff, v4  }
0xc2: {  	v4 =	vld.idx.msk [tilespmem:v2+s0+$0x1E0 ss:$0x1], $0xffff;
	_ =	sdelay $0x4  }
0xc3: {  	v4 =	vmul.f32 v4, v52;
	_ =	sdelay $0x1  }
0xc4: {  	[tilespmem:v2+s0+$0x1E0 ss:$0x1] =	vst.idx.msk $0xffff, v4  }
0xc5: {  	v4 =	vld.idx.msk [tilespmem:v2+s0+$0x1F0 ss:$0x1], $0xffff;
	_ =	sdelay $0x4  }
0xc6: {  	v4 =	vmul.f32 v4, v52;
	_ =	sdelay $0x1  }
0xc7: {  	[tilespmem:v2+s0+$0x1F0 ss:$0x1] =	vst.idx.msk $0xffff, v4  }
0xc8: {  	v4 =	vld.idx.msk [tilespmem:v2+s0+$0x200 ss:$0x1], $0xffff;
	_ =	sdelay $0x2  }
0xc9: {  	v53 =	vbroadcast v3, $0x4;
	_ =	sdelay $0x1  }
0xca: {  	v4 =	vmul.f32 v4, v53;
	_ =	sdelay $0x1  }
0xcb: {  	[tilespmem:v2+s0+$0x200 ss:$0x1] =	vst.idx.msk $0xffff, v4  }
0xcc: {  	v4 =	vld.idx.msk [tilespmem:v2+s0+$0x210 ss:$0x1], $0xffff;
	_ =	sdelay $0x4  }
0xcd: {  	v4 =	vmul.f32 v4, v53;
	_ =	sdelay $0x1  }
0xce: {  	[tilespmem:v2+s0+$0x210 ss:$0x1] =	vst.idx.msk $0xffff, v4  }
0xcf: {  	v4 =	vld.idx.msk [tilespmem:v2+s0+$0x220 ss:$0x1], $0xffff;
	_ =	sdelay $0x4  }
0xd0: {  	v4 =	vmul.f32 v4, v53;
	_ =	sdelay $0x1  }
0xd1: {  	[tilespmem:v2+s0+$0x220 ss:$0x1] =	vst.idx.msk $0xffff, v4  }
0xd2: {  	v4 =	vld.idx.msk [tilespmem:v2+s0+$0x230 ss:$0x1], $0xffff;
	_ =	sdelay $0x4  }
0xd3: {  	v4 =	vmul.f32 v4, v53;
	_ =	sdelay $0x1  }
0xd4: {  	[tilespmem:v2+s0+$0x230 ss:$0x1] =	vst.idx.msk $0xffff, v4  }
0xd5: {  	v4 =	vld.idx.msk [tilespmem:v2+s0+$0x240 ss:$0x1], $0xffff;
	_ =	sdelay $0x4  }
0xd6: {  	v4 =	vmul.f32 v4, v53;
	_ =	sdelay $0x1  }
0xd7: {  	[tilespmem:v2+s0+$0x240 ss:$0x1] =	vst.idx.msk $0xffff, v4  }
0xd8: {  	v4 =	vld.idx.msk [tilespmem:v2+s0+$0x250 ss:$0x1], $0xffff;
	_ =	sdelay $0x4  }
0xd9: {  	v4 =	vmul.f32 v4, v53;
	_ =	sdelay $0x1  }
0xda: {  	[tilespmem:v2+s0+$0x250 ss:$0x1] =	vst.idx.msk $0xffff, v4  }
0xdb: {  	v4 =	vld.idx.msk [tilespmem:v2+s0+$0x260 ss:$0x1], $0xffff;
	_ =	sdelay $0x4  }
0xdc: {  	v4 =	vmul.f32 v4, v53;
	_ =	sdelay $0x1  }
0xdd: {  	[tilespmem:v2+s0+$0x260 ss:$0x1] =	vst.idx.msk $0xffff, v4  }
0xde: {  	v4 =	vld.idx.msk [tilespmem:v2+s0+$0x270 ss:$0x1], $0xffff;
	_ =	sdelay $0x4  }
0xdf: {  	v4 =	vmul.f32 v4, v53;
	_ =	sdelay $0x1  }
0xe0: {  	[tilespmem:v2+s0+$0x270 ss:$0x1] =	vst.idx.msk $0xffff, v4  }
0xe1: {  	v4 =	vld.idx.msk [tilespmem:v2+s0+$0x280 ss:$0x1], $0xffff;
	_ =	sdelay $0x2  }
0xe2: {  	v54 =	vbroadcast v3, $0x5;
	_ =	sdelay $0x1  }
0xe3: {  	v4 =	vmul.f32 v4, v54;
	_ =	sdelay $0x1  }
0xe4: {  	[tilespmem:v2+s0+$0x280 ss:$0x1] =	vst.idx.msk $0xffff, v4  }
0xe5: {  	v4 =	vld.idx.msk [tilespmem:v2+s0+$0x290 ss:$0x1], $0xffff;
	_ =	sdelay $0x4  }
0xe6: {  	v4 =	vmul.f32 v4, v54;
	_ =	sdelay $0x1  }
0xe7: {  	[tilespmem:v2+s0+$0x290 ss:$0x1] =	vst.idx.msk $0xffff, v4  }
0xe8: {  	v4 =	vld.idx.msk [tilespmem:v2+s0+$0x2A0 ss:$0x1], $0xffff;
	_ =	sdelay $0x4  }
0xe9: {  	v4 =	vmul.f32 v4, v54;
	_ =	sdelay $0x1  }
0xea: {  	[tilespmem:v2+s0+$0x2A0 ss:$0x1] =	vst.idx.msk $0xffff, v4  }
0xeb: {  	v4 =	vld.idx.msk [tilespmem:v2+s0+$0x2B0 ss:$0x1], $0xffff;
	_ =	sdelay $0x4  }
0xec: {  	v4 =	vmul.f32 v4, v54;
	_ =	sdelay $0x1  }
0xed: {  	[tilespmem:v2+s0+$0x2B0 ss:$0x1] =	vst.idx.msk $0xffff, v4  }
0xee: {  	v4 =	vld.idx.msk [tilespmem:v2+s0+$0x2C0 ss:$0x1], $0xffff;
	_ =	sdelay $0x4  }
0xef: {  	v4 =	vmul.f32 v4, v54;
	_ =	sdelay $0x1  }
0xf0: {  	[tilespmem:v2+s0+$0x2C0 ss:$0x1] =	vst.idx.msk $0xffff, v4  }
0xf1: {  	v4 =	vld.idx.msk [tilespmem:v2+s0+$0x2D0 ss:$0x1], $0xffff;
	_ =	sdelay $0x4  }
0xf2: {  	v4 =	vmul.f32 v4, v54;
	_ =	sdelay $0x1  }
0xf3: {  	[tilespmem:v2+s0+$0x2D0 ss:$0x1] =	vst.idx.msk $0xffff, v4  }
0xf4: {  	v4 =	vld.idx.msk [tilespmem:v2+s0+$0x2E0 ss:$0x1], $0xffff;
	_ =	sdelay $0x4  }
0xf5: {  	v4 =	vmul.f32 v4, v54;
	_ =	sdelay $0x1  }
0xf6: {  	[tilespmem:v2+s0+$0x2E0 ss:$0x1] =	vst.idx.msk $0xffff, v4  }
0xf7: {  	v4 =	vld.idx.msk [tilespmem:v2+s0+$0x2F0 ss:$0x1], $0xffff;
	_ =	sdelay $0x4  }
0xf8: {  	v4 =	vmul.f32 v4, v54;
	_ =	sdelay $0x1  }
0xf9: {  	[tilespmem:v2+s0+$0x2F0 ss:$0x1] =	vst.idx.msk $0xffff, v4  }
0xfa: {  	v4 =	vld.idx.msk [tilespmem:v2+s0+$0x300 ss:$0x1], $0xffff;
	_ =	sdelay $0x2  }
0xfb: {  	v55 =	vbroadcast v3, $0x6;
	_ =	sdelay $0x1  }
0xfc: {  	v4 =	vmul.f32 v4, v55;
	_ =	sdelay $0x1  }
0xfd: {  	[tilespmem:v2+s0+$0x300 ss:$0x1] =	vst.idx.msk $0xffff, v4  }
0xfe: {  	v4 =	vld.idx.msk [tilespmem:v2+s0+$0x310 ss:$0x1], $0xffff;
	_ =	sdelay $0x4  }
0xff: {  	v4 =	vmul.f32 v4, v55;
	_ =	sdelay $0x1  }
0x100: {  	[tilespmem:v2+s0+$0x310 ss:$0x1] =	vst.idx.msk $0xffff, v4  }
0x101: {  	v4 =	vld.idx.msk [tilespmem:v2+s0+$0x320 ss:$0x1], $0xffff;
	_ =	sdelay $0x4  }
0x102: {  	v4 =	vmul.f32 v4, v55;
	_ =	sdelay $0x1  }
0x103: {  	[tilespmem:v2+s0+$0x320 ss:$0x1] =	vst.idx.msk $0xffff, v4  }
0x104: {  	v4 =	vld.idx.msk [tilespmem:v2+s0+$0x330 ss:$0x1], $0xffff;
	_ =	sdelay $0x4  }
0x105: {  	v4 =	vmul.f32 v4, v55;
	_ =	sdelay $0x1  }
0x106: {  	[tilespmem:v2+s0+$0x330 ss:$0x1] =	vst.idx.msk $0xffff, v4  }
0x107: {  	v4 =	vld.idx.msk [tilespmem:v2+s0+$0x340 ss:$0x1], $0xffff;
	_ =	sdelay $0x4  }
0x108: {  	v4 =	vmul.f32 v4, v55;
	_ =	sdelay $0x1  }
0x109: {  	[tilespmem:v2+s0+$0x340 ss:$0x1] =	vst.idx.msk $0xffff, v4  }
0x10a: {  	v4 =	vld.idx.msk [tilespmem:v2+s0+$0x350 ss:$0x1], $0xffff;
	_ =	sdelay $0x4  }
0x10b: {  	v4 =	vmul.f32 v4, v55;
	_ =	sdelay $0x1  }
0x10c: {  	[tilespmem:v2+s0+$0x350 ss:$0x1] =	vst.idx.msk $0xffff, v4  }
0x10d: {  	v4 =	vld.idx.msk [tilespmem:v2+s0+$0x360 ss:$0x1], $0xffff;
	_ =	sdelay $0x4  }
0x10e: {  	v4 =	vmul.f32 v4, v55;
	_ =	sdelay $0x1  }
0x10f: {  	[tilespmem:v2+s0+$0x360 ss:$0x1] =	vst.idx.msk $0xffff, v4  }
0x110: {  	v4 =	vld.idx.msk [tilespmem:v2+s0+$0x370 ss:$0x1], $0xffff;
	_ =	sdelay $0x4  }
0x111: {  	v4 =	vmul.f32 v4, v55;
	_ =	sdelay $0x1  }
0x112: {  	[tilespmem:v2+s0+$0x370 ss:$0x1] =	vst.idx.msk $0xffff, v4  }
0x113: {  	v4 =	vld.idx.msk [tilespmem:v2+s0+$0x380 ss:$0x1], $0xffff;
	_ =	sdelay $0x2  }
0x114: {  	v56 =	vbroadcast v3, $0x7;
	_ =	sdelay $0x1  }
0x115: {  	v4 =	vmul.f32 v4, v56;
	_ =	sdelay $0x1  }
0x116: {  	[tilespmem:v2+s0+$0x380 ss:$0x1] =	vst.idx.msk $0xffff, v4  }
0x117: {  	v4 =	vld.idx.msk [tilespmem:v2+s0+$0x390 ss:$0x1], $0xffff;
	_ =	sdelay $0x4  }
0x118: {  	v4 =	vmul.f32 v4, v56;
	_ =	sdelay $0x1  }
0x119: {  	[tilespmem:v2+s0+$0x390 ss:$0x1] =	vst.idx.msk $0xffff, v4  }
0x11a: {  	v4 =	vld.idx.msk [tilespmem:v2+s0+$0x3A0 ss:$0x1], $0xffff;
	_ =	sdelay $0x4  }
0x11b: {  	v4 =	vmul.f32 v4, v56;
	_ =	sdelay $0x1  }
0x11c: {  	[tilespmem:v2+s0+$0x3A0 ss:$0x1] =	vst.idx.msk $0xffff, v4  }
0x11d: {  	v4 =	vld.idx.msk [tilespmem:v2+s0+$0x3B0 ss:$0x1], $0xffff;
	_ =	sdelay $0x4  }
0x11e: {  	v4 =	vmul.f32 v4, v56;
	_ =	sdelay $0x1  }
0x11f: {  	[tilespmem:v2+s0+$0x3B0 ss:$0x1] =	vst.idx.msk $0xffff, v4  }
0x120: {  	v4 =	vld.idx.msk [tilespmem:v2+s0+$0x3C0 ss:$0x1], $0xffff;
	_ =	sdelay $0x4  }
0x121: {  	v4 =	vmul.f32 v4, v56;
	_ =	sdelay $0x1  }
0x122: {  	[tilespmem:v2+s0+$0x3C0 ss:$0x1] =	vst.idx.msk $0xffff, v4  }
0x123: {  	v4 =	vld.idx.msk [tilespmem:v2+s0+$0x3D0 ss:$0x1], $0xffff;
	_ =	sdelay $0x4  }
0x124: {  	v4 =	vmul.f32 v4, v56;
	_ =	sdelay $0x1  }
0x125: {  	[tilespmem:v2+s0+$0x3D0 ss:$0x1] =	vst.idx.msk $0xffff, v4  }
0x126: {  	v4 =	vld.idx.msk [tilespmem:v2+s0+$0x3E0 ss:$0x1], $0xffff;
	_ =	sdelay $0x4  }
0x127: {  	v4 =	vmul.f32 v4, v56;
	_ =	sdelay $0x1  }
0x128: {  	[tilespmem:v2+s0+$0x3E0 ss:$0x1] =	vst.idx.msk $0xffff, v4  }
0x129: {  	v4 =	vld.idx.msk [tilespmem:v2+s0+$0x3F0 ss:$0x1], $0xffff;
	_ =	sdelay $0x4  }
0x12a: {  	v4 =	vmul.f32 v4, v56;
	_ =	sdelay $0x1  }
0x12b: {  	[tilespmem:v2+s0+$0x3F0 ss:$0x1] =	vst.idx.msk $0xffff, v4  }
0x12c: {  	v4 =	vld.idx.msk [tilespmem:v2+s0+$0x400 ss:$0x1], $0xffff;
	_ =	sdelay $0x2  }
0x12d: {  	v57 =	vbroadcast v3, $0x8;
	_ =	sdelay $0x1  }
0x12e: {  	v4 =	vmul.f32 v4, v57;
	_ =	sdelay $0x1  }
0x12f: {  	[tilespmem:v2+s0+$0x400 ss:$0x1] =	vst.idx.msk $0xffff, v4  }
0x130: {  	v4 =	vld.idx.msk [tilespmem:v2+s0+$0x410 ss:$0x1], $0xffff;
	_ =	sdelay $0x4  }
0x131: {  	v4 =	vmul.f32 v4, v57;
	_ =	sdelay $0x1  }
0x132: {  	[tilespmem:v2+s0+$0x410 ss:$0x1] =	vst.idx.msk $0xffff, v4  }
0x133: {  	v4 =	vld.idx.msk [tilespmem:v2+s0+$0x420 ss:$0x1], $0xffff;
	_ =	sdelay $0x4  }
0x134: {  	v4 =	vmul.f32 v4, v57;
	_ =	sdelay $0x1  }
0x135: {  	[tilespmem:v2+s0+$0x420 ss:$0x1] =	vst.idx.msk $0xffff, v4  }
0x136: {  	v4 =	vld.idx.msk [tilespmem:v2+s0+$0x430 ss:$0x1], $0xffff;
	_ =	sdelay $0x4  }
0x137: {  	v4 =	vmul.f32 v4, v57;
	_ =	sdelay $0x1  }
0x138: {  	[tilespmem:v2+s0+$0x430 ss:$0x1] =	vst.idx.msk $0xffff, v4  }
0x139: {  	v4 =	vld.idx.msk [tilespmem:v2+s0+$0x440 ss:$0x1], $0xffff;
	_ =	sdelay $0x4  }
0x13a: {  	v4 =	vmul.f32 v4, v57;
	_ =	sdelay $0x1  }
0x13b: {  	[tilespmem:v2+s0+$0x440 ss:$0x1] =	vst.idx.msk $0xffff, v4  }
0x13c: {  	v4 =	vld.idx.msk [tilespmem:v2+s0+$0x450 ss:$0x1], $0xffff;
	_ =	sdelay $0x4  }
0x13d: {  	v4 =	vmul.f32 v4, v57;
	_ =	sdelay $0x1  }
0x13e: {  	[tilespmem:v2+s0+$0x450 ss:$0x1] =	vst.idx.msk $0xffff, v4  }
0x13f: {  	v4 =	vld.idx.msk [tilespmem:v2+s0+$0x460 ss:$0x1], $0xffff;
	_ =	sdelay $0x4  }
0x140: {  	v4 =	vmul.f32 v4, v57;
	_ =	sdelay $0x1  }
0x141: {  	[tilespmem:v2+s0+$0x460 ss:$0x1] =	vst.idx.msk $0xffff, v4  }
0x142: {  	v4 =	vld.idx.msk [tilespmem:v2+s0+$0x470 ss:$0x1], $0xffff;
	_ =	sdelay $0x4  }
0x143: {  	v4 =	vmul.f32 v4, v57;
	_ =	sdelay $0x1  }
0x144: {  	[tilespmem:v2+s0+$0x470 ss:$0x1] =	vst.idx.msk $0xffff, v4  }
0x145: {  	v4 =	vld.idx.msk [tilespmem:v2+s0+$0x480 ss:$0x1], $0xffff;
	_ =	sdelay $0x2  }
0x146: {  	v58 =	vbroadcast v3, $0x9;
	_ =	sdelay $0x1  }
0x147: {  	v4 =	vmul.f32 v4, v58;
	_ =	sdelay $0x1  }
0x148: {  	[tilespmem:v2+s0+$0x480 ss:$0x1] =	vst.idx.msk $0xffff, v4  }
0x149: {  	v4 =	vld.idx.msk [tilespmem:v2+s0+$0x490 ss:$0x1], $0xffff;
	_ =	sdelay $0x4  }
0x14a: {  	v4 =	vmul.f32 v4, v58;
	_ =	sdelay $0x1  }
0x14b: {  	[tilespmem:v2+s0+$0x490 ss:$0x1] =	vst.idx.msk $0xffff, v4  }
0x14c: {  	v4 =	vld.idx.msk [tilespmem:v2+s0+$0x4A0 ss:$0x1], $0xffff;
	_ =	sdelay $0x4  }
0x14d: {  	v4 =	vmul.f32 v4, v58;
	_ =	sdelay $0x1  }
0x14e: {  	[tilespmem:v2+s0+$0x4A0 ss:$0x1] =	vst.idx.msk $0xffff, v4  }
0x14f: {  	v4 =	vld.idx.msk [tilespmem:v2+s0+$0x4B0 ss:$0x1], $0xffff;
	_ =	sdelay $0x4  }
0x150: {  	v4 =	vmul.f32 v4, v58;
	_ =	sdelay $0x1  }
0x151: {  	[tilespmem:v2+s0+$0x4B0 ss:$0x1] =	vst.idx.msk $0xffff, v4  }
0x152: {  	v4 =	vld.idx.msk [tilespmem:v2+s0+$0x4C0 ss:$0x1], $0xffff;
	_ =	sdelay $0x4  }
0x153: {  	v4 =	vmul.f32 v4, v58;
	_ =	sdelay $0x1  }
0x154: {  	[tilespmem:v2+s0+$0x4C0 ss:$0x1] =	vst.idx.msk $0xffff, v4  }
0x155: {  	v4 =	vld.idx.msk [tilespmem:v2+s0+$0x4D0 ss:$0x1], $0xffff;
	_ =	sdelay $0x4  }
0x156: {  	v4 =	vmul.f32 v4, v58;
	_ =	sdelay $0x1  }
0x157: {  	[tilespmem:v2+s0+$0x4D0 ss:$0x1] =	vst.idx.msk $0xffff, v4  }
0x158: {  	v4 =	vld.idx.msk [tilespmem:v2+s0+$0x4E0 ss:$0x1], $0xffff;
	_ =	sdelay $0x4  }
0x159: {  	v4 =	vmul.f32 v4, v58;
	_ =	sdelay $0x1  }
0x15a: {  	[tilespmem:v2+s0+$0x4E0 ss:$0x1] =	vst.idx.msk $0xffff, v4  }
0x15b: {  	v4 =	vld.idx.msk [tilespmem:v2+s0+$0x4F0 ss:$0x1], $0xffff;
	_ =	sdelay $0x4  }
0x15c: {  	v4 =	vmul.f32 v4, v58;
	_ =	sdelay $0x1  }
0x15d: {  	[tilespmem:v2+s0+$0x4F0 ss:$0x1] =	vst.idx.msk $0xffff, v4  }
0x15e: {  	v4 =	vld.idx.msk [tilespmem:v2+s0+$0x500 ss:$0x1], $0xffff;
	_ =	sdelay $0x2  }
0x15f: {  	v59 =	vbroadcast v3, $0xA;
	_ =	sdelay $0x1  }
0x160: {  	v4 =	vmul.f32 v4, v59;
	_ =	sdelay $0x1  }
0x161: {  	[tilespmem:v2+s0+$0x500 ss:$0x1] =	vst.idx.msk $0xffff, v4  }
0x162: {  	v4 =	vld.idx.msk [tilespmem:v2+s0+$0x510 ss:$0x1], $0xffff;
	_ =	sdelay $0x4  }
0x163: {  	v4 =	vmul.f32 v4, v59;
	_ =	sdelay $0x1  }
0x164: {  	[tilespmem:v2+s0+$0x510 ss:$0x1] =	vst.idx.msk $0xffff, v4  }
0x165: {  	v4 =	vld.idx.msk [tilespmem:v2+s0+$0x520 ss:$0x1], $0xffff;
	_ =	sdelay $0x4  }
0x166: {  	v4 =	vmul.f32 v4, v59;
	_ =	sdelay $0x1  }
0x167: {  	[tilespmem:v2+s0+$0x520 ss:$0x1] =	vst.idx.msk $0xffff, v4  }
0x168: {  	v4 =	vld.idx.msk [tilespmem:v2+s0+$0x530 ss:$0x1], $0xffff;
	_ =	sdelay $0x4  }
0x169: {  	v4 =	vmul.f32 v4, v59;
	_ =	sdelay $0x1  }
0x16a: {  	[tilespmem:v2+s0+$0x530 ss:$0x1] =	vst.idx.msk $0xffff, v4  }
0x16b: {  	v4 =	vld.idx.msk [tilespmem:v2+s0+$0x540 ss:$0x1], $0xffff;
	_ =	sdelay $0x4  }
0x16c: {  	v4 =	vmul.f32 v4, v59;
	_ =	sdelay $0x1  }
0x16d: {  	[tilespmem:v2+s0+$0x540 ss:$0x1] =	vst.idx.msk $0xffff, v4  }
0x16e: {  	v4 =	vld.idx.msk [tilespmem:v2+s0+$0x550 ss:$0x1], $0xffff;
	_ =	sdelay $0x4  }
0x16f: {  	v4 =	vmul.f32 v4, v59;
	_ =	sdelay $0x1  }
0x170: {  	[tilespmem:v2+s0+$0x550 ss:$0x1] =	vst.idx.msk $0xffff, v4  }
0x171: {  	v4 =	vld.idx.msk [tilespmem:v2+s0+$0x560 ss:$0x1], $0xffff;
	_ =	sdelay $0x4  }
0x172: {  	v4 =	vmul.f32 v4, v59;
	_ =	sdelay $0x1  }
0x173: {  	[tilespmem:v2+s0+$0x560 ss:$0x1] =	vst.idx.msk $0xffff, v4  }
0x174: {  	v4 =	vld.idx.msk [tilespmem:v2+s0+$0x570 ss:$0x1], $0xffff;
	_ =	sdelay $0x4  }
0x175: {  	v4 =	vmul.f32 v4, v59;
	_ =	sdelay $0x1  }
0x176: {  	[tilespmem:v2+s0+$0x570 ss:$0x1] =	vst.idx.msk $0xffff, v4  }
0x177: {  	v4 =	vld.idx.msk [tilespmem:v2+s0+$0x580 ss:$0x1], $0xffff;
	_ =	sdelay $0x2  }
0x178: {  	v60 =	vbroadcast v3, $0xB;
	_ =	sdelay $0x1  }
0x179: {  	v4 =	vmul.f32 v4, v60;
	_ =	sdelay $0x1  }
0x17a: {  	[tilespmem:v2+s0+$0x580 ss:$0x1] =	vst.idx.msk $0xffff, v4  }
0x17b: {  	v4 =	vld.idx.msk [tilespmem:v2+s0+$0x590 ss:$0x1], $0xffff;
	_ =	sdelay $0x4  }
0x17c: {  	v4 =	vmul.f32 v4, v60;
	_ =	sdelay $0x1  }
0x17d: {  	[tilespmem:v2+s0+$0x590 ss:$0x1] =	vst.idx.msk $0xffff, v4  }
0x17e: {  	v4 =	vld.idx.msk [tilespmem:v2+s0+$0x5A0 ss:$0x1], $0xffff;
	_ =	sdelay $0x4  }
0x17f: {  	v4 =	vmul.f32 v4, v60;
	_ =	sdelay $0x1  }
0x180: {  	[tilespmem:v2+s0+$0x5A0 ss:$0x1] =	vst.idx.msk $0xffff, v4  }
0x181: {  	v4 =	vld.idx.msk [tilespmem:v2+s0+$0x5B0 ss:$0x1], $0xffff;
	_ =	sdelay $0x4  }
0x182: {  	v4 =	vmul.f32 v4, v60;
	_ =	sdelay $0x1  }
0x183: {  	[tilespmem:v2+s0+$0x5B0 ss:$0x1] =	vst.idx.msk $0xffff, v4  }
0x184: {  	v4 =	vld.idx.msk [tilespmem:v2+s0+$0x5C0 ss:$0x1], $0xffff;
	_ =	sdelay $0x4  }
0x185: {  	v4 =	vmul.f32 v4, v60;
	_ =	sdelay $0x1  }
0x186: {  	[tilespmem:v2+s0+$0x5C0 ss:$0x1] =	vst.idx.msk $0xffff, v4  }
0x187: {  	v4 =	vld.idx.msk [tilespmem:v2+s0+$0x5D0 ss:$0x1], $0xffff;
	_ =	sdelay $0x4  }
0x188: {  	v4 =	vmul.f32 v4, v60;
	_ =	sdelay $0x1  }
0x189: {  	[tilespmem:v2+s0+$0x5D0 ss:$0x1] =	vst.idx.msk $0xffff, v4  }
0x18a: {  	v4 =	vld.idx.msk [tilespmem:v2+s0+$0x5E0 ss:$0x1], $0xffff;
	_ =	sdelay $0x4  }
0x18b: {  	v4 =	vmul.f32 v4, v60;
	_ =	sdelay $0x1  }
0x18c: {  	[tilespmem:v2+s0+$0x5E0 ss:$0x1] =	vst.idx.msk $0xffff, v4  }
0x18d: {  	v4 =	vld.idx.msk [tilespmem:v2+s0+$0x5F0 ss:$0x1], $0xffff;
	_ =	sdelay $0x4  }
0x18e: {  	v4 =	vmul.f32 v4, v60;
	_ =	sdelay $0x1  }
0x18f: {  	[tilespmem:v2+s0+$0x5F0 ss:$0x1] =	vst.idx.msk $0xffff, v4  }
0x190: {  	v4 =	vld.idx.msk [tilespmem:v2+s0+$0x600 ss:$0x1], $0xffff;
	_ =	sdelay $0x2  }
0x191: {  	v61 =	vbroadcast v3, $0xC;
	_ =	sdelay $0x1  }
0x192: {  	v4 =	vmul.f32 v4, v61;
	_ =	sdelay $0x1  }
0x193: {  	[tilespmem:v2+s0+$0x600 ss:$0x1] =	vst.idx.msk $0xffff, v4  }
0x194: {  	v4 =	vld.idx.msk [tilespmem:v2+s0+$0x610 ss:$0x1], $0xffff;
	_ =	sdelay $0x4  }
0x195: {  	v4 =	vmul.f32 v4, v61;
	_ =	sdelay $0x1  }
0x196: {  	[tilespmem:v2+s0+$0x610 ss:$0x1] =	vst.idx.msk $0xffff, v4  }
0x197: {  	v4 =	vld.idx.msk [tilespmem:v2+s0+$0x620 ss:$0x1], $0xffff;
	_ =	sdelay $0x4  }
0x198: {  	v4 =	vmul.f32 v4, v61;
	_ =	sdelay $0x1  }
0x199: {  	[tilespmem:v2+s0+$0x620 ss:$0x1] =	vst.idx.msk $0xffff, v4  }
0x19a: {  	v4 =	vld.idx.msk [tilespmem:v2+s0+$0x630 ss:$0x1], $0xffff;
	_ =	sdelay $0x4  }
0x19b: {  	v4 =	vmul.f32 v4, v61;
	_ =	sdelay $0x1  }
0x19c: {  	[tilespmem:v2+s0+$0x630 ss:$0x1] =	vst.idx.msk $0xffff, v4  }
0x19d: {  	v4 =	vld.idx.msk [tilespmem:v2+s0+$0x640 ss:$0x1], $0xffff;
	_ =	sdelay $0x4  }
0x19e: {  	v4 =	vmul.f32 v4, v61;
	_ =	sdelay $0x1  }
0x19f: {  	[tilespmem:v2+s0+$0x640 ss:$0x1] =	vst.idx.msk $0xffff, v4  }
0x1a0: {  	v4 =	vld.idx.msk [tilespmem:v2+s0+$0x650 ss:$0x1], $0xffff;
	_ =	sdelay $0x4  }
0x1a1: {  	v4 =	vmul.f32 v4, v61;
	_ =	sdelay $0x1  }
0x1a2: {  	[tilespmem:v2+s0+$0x650 ss:$0x1] =	vst.idx.msk $0xffff, v4  }
0x1a3: {  	v4 =	vld.idx.msk [tilespmem:v2+s0+$0x660 ss:$0x1], $0xffff;
	_ =	sdelay $0x4  }
0x1a4: {  	v4 =	vmul.f32 v4, v61;
	_ =	sdelay $0x1  }
0x1a5: {  	[tilespmem:v2+s0+$0x660 ss:$0x1] =	vst.idx.msk $0xffff, v4  }
0x1a6: {  	v4 =	vld.idx.msk [tilespmem:v2+s0+$0x670 ss:$0x1], $0xffff;
	_ =	sdelay $0x4  }
0x1a7: {  	v4 =	vmul.f32 v4, v61;
	_ =	sdelay $0x1  }
0x1a8: {  	[tilespmem:v2+s0+$0x670 ss:$0x1] =	vst.idx.msk $0xffff, v4  }
0x1a9: {  	v4 =	vld.idx.msk [tilespmem:v2+s0+$0x680 ss:$0x1], $0xffff;
	_ =	sdelay $0x2  }
0x1aa: {  	v62 =	vbroadcast v3, $0xD;
	_ =	sdelay $0x1  }
0x1ab: {  	v4 =	vmul.f32 v4, v62;
	_ =	sdelay $0x1  }
0x1ac: {  	[tilespmem:v2+s0+$0x680 ss:$0x1] =	vst.idx.msk $0xffff, v4  }
0x1ad: {  	v4 =	vld.idx.msk [tilespmem:v2+s0+$0x690 ss:$0x1], $0xffff;
	_ =	sdelay $0x4  }
0x1ae: {  	v4 =	vmul.f32 v4, v62;
	_ =	sdelay $0x1  }
0x1af: {  	[tilespmem:v2+s0+$0x690 ss:$0x1] =	vst.idx.msk $0xffff, v4  }
0x1b0: {  	v4 =	vld.idx.msk [tilespmem:v2+s0+$0x6A0 ss:$0x1], $0xffff;
	_ =	sdelay $0x4  }
0x1b1: {  	v4 =	vmul.f32 v4, v62;
	_ =	sdelay $0x1  }
0x1b2: {  	[tilespmem:v2+s0+$0x6A0 ss:$0x1] =	vst.idx.msk $0xffff, v4  }
0x1b3: {  	v4 =	vld.idx.msk [tilespmem:v2+s0+$0x6B0 ss:$0x1], $0xffff;
	_ =	sdelay $0x4  }
0x1b4: {  	v4 =	vmul.f32 v4, v62;
	_ =	sdelay $0x1  }
0x1b5: {  	[tilespmem:v2+s0+$0x6B0 ss:$0x1] =	vst.idx.msk $0xffff, v4  }
0x1b6: {  	v4 =	vld.idx.msk [tilespmem:v2+s0+$0x6C0 ss:$0x1], $0xffff;
	_ =	sdelay $0x4  }
0x1b7: {  	v4 =	vmul.f32 v4, v62;
	_ =	sdelay $0x1  }
0x1b8: {  	[tilespmem:v2+s0+$0x6C0 ss:$0x1] =	vst.idx.msk $0xffff, v4  }
0x1b9: {  	v4 =	vld.idx.msk [tilespmem:v2+s0+$0x6D0 ss:$0x1], $0xffff;
	_ =	sdelay $0x4  }
0x1ba: {  	v4 =	vmul.f32 v4, v62;
	_ =	sdelay $0x1  }
0x1bb: {  	[tilespmem:v2+s0+$0x6D0 ss:$0x1] =	vst.idx.msk $0xffff, v4  }
0x1bc: {  	v4 =	vld.idx.msk [tilespmem:v2+s0+$0x6E0 ss:$0x1], $0xffff;
	_ =	sdelay $0x4  }
0x1bd: {  	v4 =	vmul.f32 v4, v62;
	_ =	sdelay $0x1  }
0x1be: {  	[tilespmem:v2+s0+$0x6E0 ss:$0x1] =	vst.idx.msk $0xffff, v4  }
0x1bf: {  	v4 =	vld.idx.msk [tilespmem:v2+s0+$0x6F0 ss:$0x1], $0xffff;
	_ =	sdelay $0x4  }
0x1c0: {  	v4 =	vmul.f32 v4, v62;
	_ =	sdelay $0x1  }
0x1c1: {  	[tilespmem:v2+s0+$0x6F0 ss:$0x1] =	vst.idx.msk $0xffff, v4  }
0x1c2: {  	v4 =	vld.idx.msk [tilespmem:v2+s0+$0x700 ss:$0x1], $0xffff;
	_ =	sdelay $0x2  }
0x1c3: {  	v63 =	vbroadcast v3, $0xE;
	_ =	sdelay $0x1  }
0x1c4: {  	v4 =	vmul.f32 v4, v63;
	_ =	sdelay $0x1  }
0x1c5: {  	[tilespmem:v2+s0+$0x700 ss:$0x1] =	vst.idx.msk $0xffff, v4  }
0x1c6: {  	v4 =	vld.idx.msk [tilespmem:v2+s0+$0x710 ss:$0x1], $0xffff;
	_ =	sdelay $0x4  }
0x1c7: {  	v4 =	vmul.f32 v4, v63;
	_ =	sdelay $0x1  }
0x1c8: {  	[tilespmem:v2+s0+$0x710 ss:$0x1] =	vst.idx.msk $0xffff, v4  }
0x1c9: {  	v4 =	vld.idx.msk [tilespmem:v2+s0+$0x720 ss:$0x1], $0xffff;
	_ =	sdelay $0x4  }
0x1ca: {  	v4 =	vmul.f32 v4, v63;
	_ =	sdelay $0x1  }
0x1cb: {  	[tilespmem:v2+s0+$0x720 ss:$0x1] =	vst.idx.msk $0xffff, v4  }
0x1cc: {  	v4 =	vld.idx.msk [tilespmem:v2+s0+$0x730 ss:$0x1], $0xffff;
	_ =	sdelay $0x4  }
0x1cd: {  	v4 =	vmul.f32 v4, v63;
	_ =	sdelay $0x1  }
0x1ce: {  	[tilespmem:v2+s0+$0x730 ss:$0x1] =	vst.idx.msk $0xffff, v4  }
0x1cf: {  	v4 =	vld.idx.msk [tilespmem:v2+s0+$0x740 ss:$0x1], $0xffff;
	_ =	sdelay $0x4  }
0x1d0: {  	v4 =	vmul.f32 v4, v63;
	_ =	sdelay $0x1  }
0x1d1: {  	[tilespmem:v2+s0+$0x740 ss:$0x1] =	vst.idx.msk $0xffff, v4  }
0x1d2: {  	v4 =	vld.idx.msk [tilespmem:v2+s0+$0x750 ss:$0x1], $0xffff;
	_ =	sdelay $0x4  }
0x1d3: {  	v4 =	vmul.f32 v4, v63;
	_ =	sdelay $0x1  }
0x1d4: {  	[tilespmem:v2+s0+$0x750 ss:$0x1] =	vst.idx.msk $0xffff, v4  }
0x1d5: {  	v4 =	vld.idx.msk [tilespmem:v2+s0+$0x760 ss:$0x1], $0xffff;
	_ =	sdelay $0x4  }
0x1d6: {  	v4 =	vmul.f32 v4, v63;
	_ =	sdelay $0x1  }
0x1d7: {  	[tilespmem:v2+s0+$0x760 ss:$0x1] =	vst.idx.msk $0xffff, v4  }
0x1d8: {  	v4 =	vld.idx.msk [tilespmem:v2+s0+$0x770 ss:$0x1], $0xffff;
	_ =	sdelay $0x4  }
0x1d9: {  	v4 =	vmul.f32 v4, v63;
	_ =	sdelay $0x1  }
0x1da: {  	[tilespmem:v2+s0+$0x770 ss:$0x1] =	vst.idx.msk $0xffff, v4  }
0x1db: {  	v4 =	vld.idx.msk [tilespmem:v2+s0+$0x780 ss:$0x1], $0xffff;
	_ =	sdelay $0x2  }
0x1dc: {  	v3 =	vbroadcast v3, $0xF;
	_ =	sdelay $0x1  }
0x1dd: {  	v4 =	vmul.f32 v4, v3;
	_ =	sdelay $0x1  }
0x1de: {  	[tilespmem:v2+s0+$0x780 ss:$0x1] =	vst.idx.msk $0xffff, v4  }
0x1df: {  	v4 =	vld.idx.msk [tilespmem:v2+s0+$0x790 ss:$0x1], $0xffff;
	_ =	sdelay $0x4  }
0x1e0: {  	v4 =	vmul.f32 v4, v3;
	_ =	sdelay $0x1  }
0x1e1: {  	[tilespmem:v2+s0+$0x790 ss:$0x1] =	vst.idx.msk $0xffff, v4  }
0x1e2: {  	v4 =	vld.idx.msk [tilespmem:v2+s0+$0x7A0 ss:$0x1], $0xffff;
	_ =	sdelay $0x4  }
0x1e3: {  	v4 =	vmul.f32 v4, v3;
	_ =	sdelay $0x1  }
0x1e4: {  	[tilespmem:v2+s0+$0x7A0 ss:$0x1] =	vst.idx.msk $0xffff, v4  }
0x1e5: {  	v4 =	vld.idx.msk [tilespmem:v2+s0+$0x7B0 ss:$0x1], $0xffff;
	_ =	sdelay $0x4  }
0x1e6: {  	v4 =	vmul.f32 v4, v3;
	_ =	sdelay $0x1  }
0x1e7: {  	[tilespmem:v2+s0+$0x7B0 ss:$0x1] =	vst.idx.msk $0xffff, v4  }
0x1e8: {  	v4 =	vld.idx.msk [tilespmem:v2+s0+$0x7C0 ss:$0x1], $0xffff;
	_ =	sdelay $0x4  }
0x1e9: {  	v4 =	vmul.f32 v4, v3;
	_ =	sdelay $0x1  }
0x1ea: {  	[tilespmem:v2+s0+$0x7C0 ss:$0x1] =	vst.idx.msk $0xffff, v4  }
0x1eb: {  	v4 =	vld.idx.msk [tilespmem:v2+s0+$0x7D0 ss:$0x1], $0xffff;
	_ =	sdelay $0x4  }
0x1ec: {  	v4 =	vmul.f32 v4, v3;
	_ =	sdelay $0x1  }
0x1ed: {  	[tilespmem:v2+s0+$0x7D0 ss:$0x1] =	vst.idx.msk $0xffff, v4  }
0x1ee: {  	v4 =	vld.idx.msk [tilespmem:v2+s0+$0x7E0 ss:$0x1], $0xffff;
	_ =	sdelay $0x4  }
0x1ef: {  	v4 =	vmul.f32 v4, v3;
	_ =	sdelay $0x1  }
0x1f0: {  	[tilespmem:v2+s0+$0x7E0 ss:$0x1] =	vst.idx.msk $0xffff, v4  }
0x1f1: {  	v4 =	vld.idx.msk [tilespmem:v2+s0+$0x7F0 ss:$0x1], $0xffff;
	_ =	sdelay $0x1  }
0x1f2: {  	p0 =	seq.s32 s31, $0x4  }
.Ltmp0:
0x1f3: {  	_ = 	snop;
	(pc) =	sbr.rel @!p0 .LBB2_4-.Ltmp0, $3  }
0x1f4: {  	_ = 	snop  }
0x1f5: {  	v3 =	vmul.f32 v4, v3;
	_ =	sdelay $0x1  }
0x1f6: {  	s31 =	sadd.s32 $0x1, s31;
	[tilespmem:v2+s0+$0x7F0 ss:$0x1] =	vst.idx.msk $0xffff, v3  }
0x1f7: {  	p0 =	seq.s32 s30, $0xFA  }
.Ltmp1:
0x1f8: {  	_ = 	snop;
	(pc) =	sbr.rel @!p0 .LBB2_3-.Ltmp1, $1  }
0x1f9: {  	_ =	sdelay $0x3  }
0x1fa: {  	s29 =	sadd.s32 $0x1, s29  }
0x1fb: {  	p0 =	sne.s32 s29, s17  }
.Ltmp2:
0x1fc: {  	[bflag:$0x0] =	sbarrier.arrive $0xFFFF;
	(pc) =	sbr.rel @p0 .LBB2_1-.Ltmp2, $4  }
0x1fd: {  	[hbm:s16], [sflag:s9] =	dma.local [spmem:s18], $0x2800  }
0x1fe: {  	_ =	swait.ge [sflag:s19], $0x2800  }
0x1ff: {  	[sflag:s19] =	ssyncset.done $0x0  }
0x200: {  	[sflag:s19] =	ssyncadd.s32 $0xFFFFD800  }
0x201: {  	_ =	sfence.sel $0x180000  }
0x202: {  	[bflag:$0x0] =	sbarrier.arrive $0xFFFF  }
0x203: {  	_ =	strace $0x9000004A  }
0x204: {  	s0 =	stileid.u32;
	[bflag:$0x2] =	sbarrier.arrive $0xFFFF  }
0x205: {  	p0 =	sne.s32 s0, $0x0;
	s0 =	rddreg [dreg:$0x2]  }
0x206: {  	s0 =	sadd.s32 @!p0 $0x100000, s0  }
0x207: {  	[sflag:s0] =	ssyncadd.tile.s32 @!p0 $0x1;
	_ =	shalt  }
.Lfunc_end2:
_tile_overlayer_lowered:
.L_overlay_start_2:
0x208: {  	(tag) =	ssettag $0x2  }
0x209: {  	s0 =	rddreg [dreg:$0x0];
	s2 =	stileid.u32  }
0x20a: {  	s1 =	rddreg [dreg:$0x1];
	p0 =	sne.s32 s2, $0x0  }
0x20b: {  	s3 =	rddreg [dreg:$0x2];
	[bflag:$0x3] =	sbarrier.arrive $0xFFFF;
	s2 =	simm.s32 @!p0 $0x1C08  }
0x20c: {  	[timem:s3], [sflag:s2] =	dma.local @!p0 [hbm:s0], s1  }
0x20d: {  	s0 =	simm.s32 @!p0 $0x8  }
0x20e: {  	_ =	swait.ge @!p0 [sflag:s0], s1  }
0x20f: {  	s1 =	ssub.s32 @!p0 $0x0, s1;
	[sflag:s0] =	ssyncset.done @!p0 $0x0  }
0x210: {  	[sflag:s0] =	ssyncadd.s32 @!p0 s1  }
0x211: {  	[bflag:$0x3] =	sbarrier.arrive $0xFFFF  }
0x212: {  	_ =	shalt  }

// kernel: kernel.14.cloned.1.call-start
scs
__scs_entry_jumppad:
0x0: {  	(pc) =	sbr.rel $0x88, $3  }
0x1: {  	(tag) =	ssettag $0x0;
	lr =	simm.s32 $0x1  }
0x2: {  	[smem:$0x3F97] =	sst lr;
	_ =	strace $0xD0000000  }
0x3: {  	_ = 	snop  }
0x4: {  	_ = 	snop  }
0x5: {  	_ = 	snop  }
0x6: {  	_ = 	snop  }
0x7: {  	_ = 	snop  }
__scs_overlays_trampoline_lowered:
0x8: {  	[smem:$0x3FA6] =	sst s0  }
0x9: {  	[smem:$0x3FA7] =	sst s1  }
0xa: {  	[smem:$0x3FA8] =	sst s2  }
0xb: {  	[smem:$0x3FA9] =	sst s3  }
0xc: {  	[smem:$0x3FAA] =	sst s4  }
0xd: {  	[smem:$0x3FAB] =	sst s5  }
0xe: {  	[smem:$0x3FAC] =	sst s6  }
0xf: {  	[smem:$0x3FAD] =	sst s7  }
0x10: {  	[smem:$0x3FAE] =	sst s8  }
0x11: {  	[smem:$0x3FAF] =	sst s9;
	s0 =	simm.s32 @!p0 $0x0  }
0x12: {  	s1 =	sld [smem:$0x3F95];
	s0 =	simm.s32 @p0 $0x1  }
0x13: {  	[smem:$0x3FB0] =	sst s0;
	s0 =	simm.s32 @!p1 $0x0  }
0x14: {  	s2 =	sld [smem:$0x3F94];
	s0 =	simm.s32 @p1 $0x1  }
0x15: {  	[smem:$0x3FB1] =	sst s0;
	s0 =	simm.s32 @!p2 $0x0  }
0x16: {  	s3 =	sld [smem:$0x3FDB];
	s0 =	simm.s32 @p2 $0x1  }
0x17: {  	s4 =	simm.s32 $0x1BF5;
	[smem:$0x3FB3] =	sst s0  }
0x18: {  	s0 =	sld [smem:$0x3F96];
	_ =	swait.ge [sflag:s4], $0x0  }
0x19: {  	s7 =	sld [smem:$0x3F97]  }
0x1a: {  	s8 =	sadd.s32 $0xFFFFE003, lr  }
0x1b: {  	s9 =	sadd.s32 $0xFFFFFEF7, lr;
	s5 =	simm.s32 $0xFFFFFFFF;
	p2 =	slt.u32 s8, $0xFFFFF086  }
0x1c: {  	p1 =	slt.u32 s9, $0xF7A;
	s5 =	simm.s32 @!p2 $0x0  }
0x1d: {  	s5 =	simm.s32 @p1 $0x1;
	p0 =	seq.s32 s7, s2  }
0x1e: {  	s7 =	smul.u32 @!p0 $0xF7A, s2;
	p2 =	seq.s32 @!p0 s5, $0x0  }
0x1f: {  	s9 =	smul.u32 $0xF7A, s1;
	s8 =	simm.s32 @!p0 $0x1BF5;
	p2 =	por !p2, p0  }
0x20: {  	[sflag:s8] =	ssyncset.s32 @!p0 $0xFFFFF086;
	s6 =	sadd.s32 @!p0 s3, s7;
	s7 =	simm.s32 @!p0 $0x108  }
0x21: {  	s3 =	sadd.s32 s3, s9;
	s6 =	sadd.s32 @!p0 $0x88, s6;
	s7 =	simm.s32 @p2 $0x1082  }
0x22: {  	[simem:s7], [sflag:s8] =	dma.local @!p0 [hbm:s6], $0xF7A  }
0x23: {  	s9 =	sor.u32 $0xD0000000, s2;
	s6 =	simm.s32 $0x108;
	_ =	swait.ge @!p0 [sflag:s8], $0x0  }
0x24: {  	s3 =	sadd.s32 $0x88, s3;
	s6 =	simm.s32 @!p1 $0x1082;
	[sflag:s4] =	ssyncset.s32 $0xFFFFF086  }
0x25: {  	[simem:s6], [sflag:s4] =	dma.local [hbm:s3], $0xF7A  }
0x26: {  	[smem:$0x3F97] =	sst s1;
	(tag) =	ssettag s2;
	_ =	strace s9  }
0x27: {  	s1 =	sld [smem:$0x3FA7]  }
0x28: {  	s2 =	sld [smem:$0x3FA8]  }
0x29: {  	s4 =	sld [smem:$0x3FAA]  }
0x2a: {  	p0 =	seq.s32 s5, $0x0;
	s5 =	sld [smem:$0x3FAB]  }
0x2b: {  	s6 =	sld [smem:$0x3FAC]  }
0x2c: {  	s7 =	sld [smem:$0x3FAD]  }
0x2d: {  	s3 =	simm.s32 $0x108;
	s8 =	sld [smem:$0x3FAE]  }
0x2e: {  	s3 =	simm.s32 @!p0 $0x1082;
	s9 =	sld [smem:$0x3FAF]  }
0x2f: {  	lr =	sadd.s32 s0, s3;
	s0 =	sld [smem:$0x3FA6]  }
0x30: {  	s3 =	sld [smem:$0x3FA9]  }
0x31: {  	[smem:$0x3FB2] =	sst s10  }
0x32: {  	s10 =	sld [smem:$0x3FB0];
	_ =	sdelay $0x3  }
0x33: {  	p0 =	seq.s32 s10, $0x1;
	s10 =	sld [smem:$0x3FB2];
	_ =	sdelay $0x3  }
0x34: {  	[smem:$0x3FB2] =	sst s10  }
0x35: {  	s10 =	sld [smem:$0x3FB1];
	_ =	sdelay $0x3  }
0x36: {  	p1 =	seq.s32 s10, $0x1;
	s10 =	sld [smem:$0x3FB2];
	_ =	sdelay $0x3  }
0x37: {  	[smem:$0x3FB2] =	sst s10  }
0x38: {  	s10 =	sld [smem:$0x3FB3]  }
0x39: {  	_ = 	snop;
	(pc) =	sbr.ind lr, $3  }
0x3a: {  	_ = 	snop  }
0x3b: {  	_ = 	snop  }
0x3c: {  	p2 =	seq.s32 s10, $0x1;
	s10 =	sld [smem:$0x3FB2]  }
0x3d: {  	_ =	shalt  }
0x3e: {  	_ =	shalt  }
0x3f: {  	_ =	shalt  }
0x40: {  	_ =	shalt  }
0x41: {  	_ =	shalt  }
0x42: {  	_ =	shalt  }
0x43: {  	_ =	shalt  }
0x44: {  	_ =	shalt  }
0x45: {  	_ =	shalt  }
0x46: {  	_ =	shalt  }
0x47: {  	_ =	shalt  }
0x48: {  	_ =	shalt  }
0x49: {  	_ =	shalt  }
0x4a: {  	_ =	shalt  }
0x4b: {  	_ =	shalt  }
0x4c: {  	_ =	shalt  }
0x4d: {  	_ =	shalt  }
0x4e: {  	_ =	shalt  }
0x4f: {  	_ =	shalt  }
0x50: {  	_ =	shalt  }
0x51: {  	_ =	shalt  }
0x52: {  	_ =	shalt  }
0x53: {  	_ =	shalt  }
0x54: {  	_ =	shalt  }
0x55: {  	_ =	shalt  }
0x56: {  	_ =	shalt  }
0x57: {  	_ =	shalt  }
0x58: {  	_ =	shalt  }
0x59: {  	_ =	shalt  }
0x5a: {  	_ =	shalt  }
0x5b: {  	_ =	shalt  }
0x5c: {  	_ =	shalt  }
0x5d: {  	_ =	shalt  }
0x5e: {  	_ =	shalt  }
0x5f: {  	_ =	shalt  }
0x60: {  	_ =	shalt  }
0x61: {  	_ =	shalt  }
0x62: {  	_ =	shalt  }
0x63: {  	_ =	shalt  }
0x64: {  	_ =	shalt  }
0x65: {  	_ =	shalt  }
0x66: {  	_ =	shalt  }
0x67: {  	_ =	shalt  }
0x68: {  	_ =	shalt  }
0x69: {  	_ =	shalt  }
0x6a: {  	_ =	shalt  }
0x6b: {  	_ =	shalt  }
0x6c: {  	_ =	shalt  }
0x6d: {  	_ =	shalt  }
0x6e: {  	_ =	shalt  }
0x6f: {  	_ =	shalt  }
0x70: {  	_ =	shalt  }
0x71: {  	_ =	shalt  }
0x72: {  	_ =	shalt  }
0x73: {  	_ =	shalt  }
0x74: {  	_ =	shalt  }
0x75: {  	_ =	shalt  }
0x76: {  	_ =	shalt  }
0x77: {  	_ =	shalt  }
0x78: {  	_ =	shalt  }
0x79: {  	_ =	shalt  }
0x7a: {  	_ =	shalt  }
0x7b: {  	_ =	shalt  }
0x7c: {  	_ =	shalt  }
0x7d: {  	_ =	shalt  }
0x7e: {  	_ =	shalt  }
0x7f: {  	_ =	shalt  }
0x80: {  	_ =	shalt  }
0x81: {  	_ =	shalt  }
0x82: {  	_ =	shalt  }
0x83: {  	_ =	shalt  }
0x84: {  	_ =	shalt  }
0x85: {  	_ =	shalt  }
0x86: {  	_ =	shalt  }
0x87: {  	_ =	shalt  }
.Lfunc_end0:
.L_simem_size_0:
called_computation.2_lowered:
.L_overlay_start_0:
0x88: {  	s2 =	sld [smem:$0x3FD9]  }
0x89: {  	s3 =	sld [smem:$0x3FFE];
	_ =	sdelay $0x1  }
0x8a: {  	s1 =	srdreg.scid  }
0x8b: {  	s0 =	sand.u32 $0x1, s1  }
0x8c: {  	s16 =	sshll.u32 s0, $0xA;
	s2 =	sadd.s32 s3, s2  }
0x8d: {  	s2 =	sadd.s32 s2, s16  }
0x8e: {  	[smem:$0x3FBE] =	sst s2  }
0x8f: {  	_ = 	snop  }
0x90: {  	(tm) =	ssettm $0x1  }
0x91: {  	s17 =	sld [smem:$0x3FFB];
	_ =	sdelay $0x3  }
0x92: {  	_ =	strace s17  }
0x93: {  	s2 =	sld [smem:$0x3FFC];
	_ =	sdelay $0x3  }
0x94: {  	_ =	strace s2  }
0x95: {  	s2 =	sld [smem:$0x3FFD];
	_ =	sdelay $0x3  }
0x96: {  	_ =	strace s2  }
0x97: {  	_ =	strace $0x8FFFFFFF  }
0x98: {  	s18 =	sld [smem:$0x3FDB];
	_ =	sdelay $0x1  }
0x99: {  	s19 =	simm.s32 $_scs_section_size  }
0x9a: {  	s4 =	simm.s32 $_size__tile_overlayer_lowered;
	s5 =	simm.s32 $_tile_overlayer_lowered  }
0x9b: {  	s22 =	simm.s32 $0x1BFF;
	s21 =	sshll.u32 s5, $0x1;
	s2 =	sadd.s32 s19, s18  }
0x9c: {  	s6 =	simm.s32 $0x0;
	s20 =	sshll.u32 s4, $0x1;
	s4 =	sadd.s32 s21, s2  }
0x9d: {  	[timem:s6], [sflag:s22] =	dma.local [hbm:s4], s20  }
0x9e: {  	_ =	swait.ge [sflag:s22], s20  }
0x9f: {  	s3 =	ssub.s32 $0x0, s20;
	[sflag:s22] =	ssyncset.done $0x0  }
0xa0: {  	[sflag:s22] =	ssyncadd.s32 s3;
	_ =	sdelay $0x1  }
0xa1: {  	s23 =	simm.s32 $0x1B8B  }
0xa2: {  	_ =	swait.ge [sflag:s23], $0x1  }
0xa3: {  	[sflag:s23] =	ssyncset.done $0x0  }
0xa4: {  	s25 =	simm.s32 $0x1B8E;
	s24 =	sld [smem:$0x3FFE];
	[sflag:s23] =	ssyncadd.s32 $0xFFFFFFFF  }
0xa5: {  	s26 =	simm.s32 $execute0_lowered;
	[smem:$0x3FD2] =	sst s25  }
0xa6: {  	s4 =	sshll.u32 s26, $0x1;
	_ =	strace $0x8000004C;
	[dreg:$0x1] =	wrdreg $0xFFFFFFFF  }
0xa7: {  	s28 =	simm.s32 $_size_execute0_lowered;
	s2 =	sadd.s32 s2, s4;
	[dreg:$0x0] =	wrdreg $0x0  }
0xa8: {  	s4 =	sshll.u32 s28, $0x1;
	[dreg:$0x2] =	wrdreg s2  }
0xa9: {  	[dreg:$0x3] =	wrdreg s4  }
0xaa: {  	[dreg:$0x4] =	wrdreg $0xC0  }
0xab: {  	_ =	task [dreg:s6], $0x5FFFF  }
0xac: {  	[dreg:$0x1] =	wrdreg $0xFFFFFFFF  }
0xad: {  	[dreg:$0x0] =	wrdreg $0x60  }
0xae: {  	[dreg:$0x2] =	wrdreg s24  }
0xaf: {  	[dreg:$0x3] =	wrdreg $0x7E000  }
0xb0: {  	[dreg:$0x4] =	wrdreg $0x9  }
0xb1: {  	_ =	task.clear_ibuf [dreg:s6], $0x5FFFF;
	_ =	strace $0x9000004C  }
0xb2: {  	s29 =	simm.s32 $0x9;
	_ =	strace $0x8000004E  }
0xb3: {  	_ =	swait.ge [sflag:s29], $0x1  }
0xb4: {  	[sflag:s29] =	ssyncadd.s32 $0xFFFFFFFF  }
0xb5: {  	_ =	strace $0x9000004E  }
0xb6: {  	_ =	sfence  }
0xb7: {  	s30 =	sld [smem:$0x0];
	_ =	sdelay $0x2  }
0xb8: {  	s31 =	sshll.u32 s1, $0xD;
	s1 =	sshrl.u32 s1, $0x2  }
0xb9: {  	s3 =	sand.u32 $0x4000, s31;
	s1 =	sadd.s32 s1, s30  }
0xba: {  	s0 =	sor.u32 s3, s0;
	s1 =	sshll.u32 s1, $0x11  }
0xbb: {  	s0 =	sor.u32 s1, s0  }
0xbc: {  	s0 =	sadd.s32 $0x8F2B, s0  }
0xbd: {  	[sflag:s0] =	ssyncadd.remote.s32 $0x1  }
0xbe: {  	_ =	sfence.sel $0xFFFF  }
0xbf: {  	[dreg:$0x0] =	wrdreg $0xFFFFFFFF;
	(pc) =	sbr.abs _section_cstart, $3  }
0xc0: {  	[dreg:$0x1] =	wrdreg $0xFFFFFFFF  }
0xc1: {  	_ =	task.clear_ibuf [dreg:s6], $0x2FFFF;
	_ =	strace $0x9FFFFFFF  }
0xc2: {  	(tm) =	ssettm $0x7FFFFFFF  }
0xc3: {  	_ =	shalt  }
tec
execute0_lowered:
.L_overlay_start_1:
0x0: {  	(tag) =	ssettag $0x1  }
0x1: {  	s0 =	rddreg [dreg:$0x0]  }
0x2: {  	s1 =	rddreg [dreg:$0x1]  }
0x3: {  	s2 =	srdreg.scid;
	s10 =	stileid.u32;
	s28 =	simm.s32 $0x0  }
0x4: {  	s4 =	sand.u32 $0x1, s2;
	s2 =	simm.s32 $0x0;
	s6 =	smul.u32 $0x14000, s10  }
0x5: {  	s3 =	sadd.s32 $0x1F600, s0;
	s14 =	sadd.s32 $0x1C00, s0;
	s20 =	smul.u32 $0x50000, s10  }
0x6: {  	s15 =	sadd.s32 $0xBA00, s0;
	s16 =	sadd.s32 $0x15800, s0;
	s8 =	smul.u32 $0x4E20, s10  }
0x7: {  	s7 =	sadd.s32 $0xBBA00, s0;
	s23 =	sshll.u32 s10, $0x6;
	s18 =	smul.u32 $0x9C4, s10  }
0x8: {  	s5 =	smul.u32 $0x140000, s4;
	[smem:$0x7FF] =	sst s2;
	s21 =	ssub.s32 $0x2, s4  }
0x9: {  	s4 =	smul.u32 $0x2710, s4;
	_ =	strace $0x8000004D;
	[dreg:$0x3] =	wrdreg s7  }
0xa: {  	s22 =	sshrl.u32 s21, $0x1;
	s24 =	sshrl.u32 s8, $0x3;
	s29 =	sadd.s32 s18, s16  }
0xb: {  	s30 =	sadd.s32 s18, s15;
	s31 =	sadd.s32 s18, s14;
	s18 =	simm.s32 $0x8  }
0xc: {  	s5 =	sadd.s32 s6, s5;
	s6 =	sshrl.u32 s20, $0x2;
	s13 =	ssub.s32 s21, s22  }
0xd: {  	s25 =	sadd.s32 s14, s24;
	s26 =	sadd.s32 s15, s24;
	s11 =	sadd.s32 $0xA, s24  }
0xe: {  	s22 =	sadd.s32 $0x14, s29;
	s21 =	simm.s32 $0x1;
	[dreg:$0x4] =	wrdreg s25  }
0xf: {  	s5 =	sshrl.u32 s5, $0x3;
	s17 =	sadd.s32 s6, s1;
	[dreg:$0x5] =	wrdreg s26  }
0x10: {  	s1 =	sadd.s32 s16, s24;
	s9 =	sadd.s32 s14, s11;
	s10 =	sadd.s32 s15, s11  }
0x11: {  	s11 =	sadd.s32 s16, s11;
	s13 =	smax.u32 s13, $0x1;
	s16 =	sadd.s32 $0x14, s31  }
0x12: {  	s0 =	sadd.s32 s5, s0;
	s5 =	sor.u32 $0x1C08, s23;
	[dreg:$0x6] =	wrdreg s1  }
0x13: {  	v0 =	vmov s4;
	s1 =	sadd.s32 $0x14, s30;
	s17 =	sshrl.u32 s17, $0x3;
	s12 =	sadd.s32 $0x10C400, s0  }
.LBB2_1:
0x14: {  	s0 =	rddreg [dreg:$0x3]  }
0x15: {  	[spmem:s17], [sflag:s5] =	dma.local [hbm:s0], $0x2800  }
0x16: {  	_ =	swait.ge [sflag:s18], $0x2800  }
0x17: {  	[sflag:s18] =	ssyncset.done $0x0  }
0x18: {  	[sflag:s18] =	ssyncadd.s32 $0xFFFFD800  }
0x19: {  	[bflag:$0x0] =	sbarrier.arrive $0xFFFF  }
0x1a: {  	s7 =	rddreg [dreg:$0x4]  }
0x1b: {  	[tilespmem:s2], [sflag:$0x1] =	stream.linear.gather [hbm4b:s7+s2], $0x50, $0x38;
	[tilespmem:$0x1BE00] =	vst v63  }
0x1c: {  	s4 =	simm.s32 $0x200;
	s8 =	rddreg [dreg:$0x5]  }
0x1d: {  	[tilespmem:s4], [sflag:$0x1] =	stream.linear.gather [hbm4b:s8+s2], $0x50, $0x38;
	[tilespmem:$0x1BE00] =	vst v63  }
0x1e: {  	s15 =	simm.s32 $0x400;
	s14 =	rddreg [dreg:$0x6]  }
0x1f: {  	[tilespmem:s15], [sflag:$0x1] =	stream.linear.gather [hbm4b:s14+s2], $0x50, $0x38;
	[tilespmem:$0x1BE00] =	vst v63  }
0x20: {  	_ =	swait.ge [sflag:s21], $0x50  }
0x21: {  	[sflag:s21] =	ssyncset.done $0x0  }
0x22: {  	[sflag:s21] =	ssyncadd.s32 $0xFFFFFFB0  }
0x23: {  	_ =	swait.ge [sflag:s21], $0x50  }
0x24: {  	[sflag:s21] =	ssyncset.done $0x0  }
0x25: {  	[sflag:s21] =	ssyncadd.s32 $0xFFFFFFB0  }
0x26: {  	_ =	swait.ge [sflag:s21], $0x50  }
0x27: {  	[sflag:s21] =	ssyncset.done $0x0  }
0x28: {  	[sflag:s21] =	ssyncadd.s32 $0xFFFFFFB0  }
0x29: {  	v1 =	vld [tilespmem:$0x0]  }
0x2a: {  	v2 =	vld [tilespmem:$0x10]  }
0x2b: {  	v3 =	vld [tilespmem:$0x20]  }
0x2c: {  	v4 =	vld [tilespmem:$0x30]  }
0x2d: {  	v5 =	vld [tilespmem:$0x40]  }
0x2e: {  	v1 =	vadd.s32 v0, v1  }
0x2f: {  	[tilespmem:$0x0] =	vst v1;
	v1 =	vadd.s32 v0, v2  }
0x30: {  	[tilespmem:$0x10] =	vst v1;
	v1 =	vadd.s32 v0, v3  }
0x31: {  	[tilespmem:$0x20] =	vst v1;
	v1 =	vadd.s32 v0, v4  }
0x32: {  	[tilespmem:$0x30] =	vst v1;
	v1 =	vadd.s32 v0, v5  }
0x33: {  	s19 =	simm.s32 $0x50;
	s20 =	simm.s32 $0x600;
	[tilespmem:$0x40] =	vst v1  }
0x34: {  	[tilespmem:s20], [sflag:$0x5] =	stream.indirect.gather [hbm4b:s3+s19], $0x80, s2, s19, $0xb8;
	[tilespmem:$0x1BE00] =	vst v63  }
0x35: {  	s23 =	simm.s32 $0x80;
	p1 =	por $0x0, $0x0;
	s0 =	simm.s32 $0x1  }
0x36: {  	[tilespmem:s23], [sflag:$0x2] =	stream.linear.gather [hbm4b:s9+s2], $0x50, $0x38;
	[tilespmem:$0x1BE00] =	vst v63  }
0x37: {  	s24 =	simm.s32 $0x280;
	s4 =	sand.u32 @!p1 $0x3, s0  }
0x38: {  	[tilespmem:s24], [sflag:$0x2] =	stream.linear.gather [hbm4b:s10+s2], $0x50, $0x38;
	[tilespmem:$0x1BE00] =	vst v63  }
0x39: {  	s25 =	simm.s32 $0x480;
	s4 =	sadd.s32 @!p1 $0x1, s4  }
0x3a: {  	[tilespmem:s25], [sflag:$0x2] =	stream.linear.gather [hbm4b:s11+s2], $0x50, $0x38;
	[tilespmem:$0x1BE00] =	vst v63  }
0x3b: {  	s0 =	sand.u32 @!p1 $0xFF, s0;
	_ =	swait.ge @!p1 [sflag:s4], $0x50  }
0x3c: {  	s0 =	smul.u32 @!p1 $0xAB, s0;
	[sflag:s4] =	ssyncset.done @!p1 $0x0  }
0x3d: {  	[sflag:s4] =	ssyncadd.s32 @!p1 $0xFFFFFFB0  }
0x3e: {  	s0 =	sshrl.u32 @!p1 s0, $0x9;
	_ =	swait.ge @!p1 [sflag:s4], $0x50  }
0x3f: {  	s0 =	smul.u32 @!p1 $0x3, s0;
	[sflag:s4] =	ssyncset.done @!p1 $0x0  }
0x40: {  	[sflag:s4] =	ssyncadd.s32 @!p1 $0xFFFFFFB0  }
0x41: {  	s0 =	ssub.s32 @!p1 $0x1, s0;
	_ =	swait.ge @!p1 [sflag:s4], $0x50  }
0x42: {  	s0 =	sand.u32 @!p1 $0xFF, s0;
	[sflag:s4] =	ssyncset.done @!p1 $0x0  }
0x43: {  	p0 =	por @!p1 $0x0, $0x0;
	s14 =	sshll.u32 @!p1 s0, $0x7;
	[sflag:s4] =	ssyncadd.s32 @!p1 $0xFFFFFFB0  }
0x44: {  	p0 =	por p0, p1;
	s15 =	simm.s32 $0x2;
	v1 =	vld @!p1 [tilespmem:s14+$0x40]  }
0x45: {  	s26 =	simm.s32 $0x0;
	s19 =	smul.u32 @!p0 $0xAB, s15;
	v2 =	vld @!p1 [tilespmem:s14+$0x20]  }
0x46: {  	s4 =	smul.u32 $0xAB, s26;
	v3 =	vld @!p1 [tilespmem:s14+$0x30]  }
0x47: {  	s29 =	simm.s32 $0x3;
	s19 =	sshrl.u32 @!p0 s19, $0x9;
	v4 =	vld @!p1 [tilespmem:s14+$0x10]  }
0x48: {  	s20 =	smul.u32 @!p1 $0xA000, s0;
	s19 =	sand.u32 @!p0 $0x7F, s19;
	v5 =	vld @!p1 [tilespmem:s14+$0x0];
	s4 =	sshrl.u32 s4, $0x9  }
0x49: {  	s30 =	sadd.s32 $0xA, s16;
	s19 =	smul.u32 @!p0 $0x3, s19;
	s4 =	sand.u32 $0x7F, s4;
	v1 =	vadd.s32 @!p1 v0, v1  }
0x4a: {  	s31 =	sadd.s32 $0xA, s1;
	s0 =	sadd.s32 @!p1 $0x5, s0;
	s4 =	smul.u32 $0x3, s4;
	v2 =	vadd.s32 @!p1 v0, v2;
	[tilespmem:s14+$0x40] =	vst @!p1 v1  }
0x4b: {  	s15 =	sand.u32 @!p0 $0x3, s15;
	s20 =	sshrl.u32 @!p1 s20, $0x2;
	s23 =	simm.s32 @!p1 $0x50;
	[tilespmem:s14+$0x20] =	vst @!p1 v2;
	v1 =	vadd.s32 @!p1 v0, v3  }
0x4c: {  	s24 =	sadd.s32 @!p0 $0x1, s15;
	s19 =	ssub.s32 @!p0 $0x2, s19;
	s4 =	ssub.s32 $0x0, s4;
	v2 =	vadd.s32 @!p1 v0, v4;
	[tilespmem:s14+$0x30] =	vst @!p1 v1  }
0x4d: {  	s19 =	sand.u32 @!p0 $0xFF, s19;
	s26 =	simm.s32 @!p0 $0x0;
	s25 =	sand.u32 $0xFF, s4;
	v1 =	vadd.s32 @!p1 v0, v5;
	[tilespmem:s14+$0x10] =	vst @!p1 v2  }
0x4e: {  	s4 =	sor.u32 @!p1 $0x600, s20;
	s20 =	sshll.u32 @!p0 s15, $0x7;
	s15 =	smov.u32 s1;
	[tilespmem:s14+$0x0] =	vst @!p1 v1  }
0x4f: {  	[tilespmem:s4], [sflag:s0] =	stream.indirect.gather @!p1 [hbm4b:s3+s23], $0x80, s14, s23, $0xb8;
	[tilespmem:$0x1BE00] =	vst v63  }
0x50: {  	s25 =	sadd.s32 $0x5, s25;
	s0 =	sshll.u32 @!p0 s19, $0x7;
	s23 =	sor.u32 @!p0 $0x200, s20  }
0x51: {  	[tilespmem:s0], [sflag:s24] =	stream.linear.gather @!p0 [hbm4b:s16+s26], $0x50, $0x38;
	[tilespmem:$0x1BE00] =	vst v63  }
0x52: {  	s14 =	smov.u32 s22;
	s4 =	sor.u32 @!p0 $0x400, s0;
	s0 =	sadd.s32 $0xA, s22  }
.LBB2_2:
0x53: {  	[tilespmem:s23], [sflag:s24] =	stream.linear.gather @!p0 [hbm4b:s15+s26], $0x50, $0x38;
	[tilespmem:$0x1BE00] =	vst v63  }
0x54: {  	s20 =	smov.u32 s29;
	s19 =	smov.u32 s30;
	s15 =	smov.u32 s31  }
0x55: {  	s23 =	sadd.s32 $0xFFFFFFFE, s29;
	s6 =	sadd.s32 $0xFFFFFFFF, s29;
	p1 =	seq.s32 s29, $0xFB  }
0x56: {  	[tilespmem:s4], [sflag:s24] =	stream.linear.gather @!p0 [hbm4b:s14+s26], $0x50, $0x38;
	[tilespmem:$0x1BE00] =	vst v63  }
0x57: {  	s4 =	sand.u32 @!p1 $0xFF, s6;
	s14 =	sand.u32 @!p1 $0x3, s6;
	_ =	swait.ge [sflag:s25], $0x2800  }
0x58: {  	s4 =	smul.u32 @!p1 $0xAB, s4;
	s24 =	sadd.s32 @!p1 $0x1, s14;
	[sflag:s25] =	ssyncset.done $0x0  }
0x59: {  	p0 =	sgt.u32 @!p1 s23, $0xF7;
	s14 =	smul.u32 $0xAB, s23;
	[sflag:s25] =	ssyncadd.s32 $0xFFFFD800  }
0x5a: {  	s29 =	sadd.s32 $0x1, s29;
	s4 =	sshrl.u32 @!p1 s4, $0x9;
	_ =	swait.ge @!p1 [sflag:s24], $0x50  }
0x5b: {  	s14 =	sshrl.u32 s14, $0x9;
	s4 =	smul.u32 @!p1 $0x3, s4;
	[sflag:s24] =	ssyncset.done @!p1 $0x0  }
0x5c: {  	p2 =	sne.s32 s29, $0xFC;
	s25 =	sand.u32 $0x7F, s14;
	[sflag:s24] =	ssyncadd.s32 @!p1 $0xFFFFFFB0  }
0x5d: {  	s14 =	smov.u32 s0;
	s4 =	ssub.s32 @!p1 s6, s4;
	_ =	swait.ge @!p1 [sflag:s24], $0x50  }
0x5e: {  	s6 =	smul.u32 $0x3, s25;
	s4 =	sand.u32 @!p1 $0xFF, s4;
	[sflag:s24] =	ssyncset.done @!p1 $0x0  }
0x5f: {  	s25 =	smul.u32 @!p1 $0xA000, s4;
	s26 =	sadd.s32 @!p1 $0x5, s4;
	[sflag:s24] =	ssyncadd.s32 @!p1 $0xFFFFFFB0  }
0x60: {  	s6 =	ssub.s32 s23, s6;
	_ =	swait.ge @!p1 [sflag:s24], $0x50  }
0x61: {  	s4 =	sshll.u32 @!p1 s4, $0x7;
	s23 =	sshrl.u32 @!p1 s25, $0x2;
	[sflag:s24] =	ssyncset.done @!p1 $0x0  }
0x62: {  	s6 =	sand.u32 $0xFF, s6;
	[sflag:s24] =	ssyncadd.s32 @!p1 $0xFFFFFFB0;
	s24 =	sor.u32 @!p1 $0x600, s23  }
0x63: {  	v1 =	vld @!p1 [tilespmem:s4+$0x40]  }
0x64: {  	v2 =	vld @!p1 [tilespmem:s4+$0x20]  }
0x65: {  	p0 =	por p0, p1;
	v3 =	vld @!p1 [tilespmem:s4+$0x30]  }
0x66: {  	s25 =	sand.u32 @!p0 $0x3, s20;
	s23 =	smul.u32 @!p0 $0xAB, s20;
	v4 =	vld @!p1 [tilespmem:s4+$0x10]  }
0x67: {  	s7 =	sshll.u32 @!p0 s25, $0x7;
	v5 =	vld @!p1 [tilespmem:s4+$0x0]  }
0x68: {  	s8 =	sshrl.u32 @!p0 s23, $0x9;
	s23 =	sor.u32 @!p0 $0x200, s7;
	v1 =	vadd.s32 @!p1 v0, v1  }
0x69: {  	s7 =	sand.u32 @!p0 $0x7F, s8;
	v2 =	vadd.s32 @!p1 v0, v2;
	[tilespmem:s4+$0x40] =	vst @!p1 v1  }
0x6a: {  	s7 =	smul.u32 @!p0 $0x3, s7;
	[tilespmem:s4+$0x20] =	vst @!p1 v2;
	v1 =	vadd.s32 @!p1 v0, v3  }
0x6b: {  	v2 =	vadd.s32 @!p1 v0, v4;
	[tilespmem:s4+$0x30] =	vst @!p1 v1  }
0x6c: {  	s30 =	sadd.s32 $0xA, s30;
	s31 =	sadd.s32 $0xA, s31;
	s7 =	ssub.s32 @!p0 s20, s7;
	v1 =	vadd.s32 @!p1 v0, v5;
	[tilespmem:s4+$0x10] =	vst @!p1 v2  }
.Ltmp0:
0x6d: {  	s8 =	simm.s32 @!p1 $0x50;
	s7 =	sand.u32 @!p0 $0xFF, s7;
	[tilespmem:s4+$0x0] =	vst @!p1 v1;
	(pc) =	sbr.rel @p2 .LBB2_2-.Ltmp0, $4  }
0x6e: {  	[tilespmem:s24], [sflag:s26] =	stream.indirect.gather @!p1 [hbm4b:s3+s8], $0x80, s4, s8, $0xb8;
	[tilespmem:$0x1BE00] =	vst v63  }
0x6f: {  	s24 =	sadd.s32 @!p0 $0x1, s25;
	s4 =	sshll.u32 @!p0 s7, $0x7;
	s26 =	simm.s32 @!p0 $0x0  }
0x70: {  	[tilespmem:s4], [sflag:s24] =	stream.linear.gather @!p0 [hbm4b:s19+s26], $0x50, $0x38;
	[tilespmem:$0x1BE00] =	vst v63  }
0x71: {  	s0 =	sadd.s32 $0xA, s0;
	s25 =	sadd.s32 $0x5, s6;
	s4 =	sor.u32 @!p0 $0x400, s4  }
0x72: {  	[tilespmem:s23], [sflag:s24] =	stream.linear.gather @!p0 [hbm4b:s15+s26], $0x50, $0x38;
	[tilespmem:$0x1BE00] =	vst v63  }
0x73: {  	_ = 	snop  }
0x74: {  	[tilespmem:s4], [sflag:s24] =	stream.linear.gather @!p0 [hbm4b:s14+s26], $0x50, $0x38;
	[tilespmem:$0x1BE00] =	vst v63  }
0x75: {  	_ =	swait.ge [sflag:s25], $0x2800  }
0x76: {  	s28 =	sadd.s32 $0x1, s28;
	[sflag:s25] =	ssyncset.done $0x0  }
0x77: {  	p0 =	sne.s32 s28, s13;
	[sflag:s25] =	ssyncadd.s32 $0xFFFFD800  }
.Ltmp1:
0x78: {  	[bflag:$0x0] =	sbarrier.arrive $0xFFFF;
	(pc) =	sbr.rel @p0 .LBB2_1-.Ltmp1, $4  }
0x79: {  	[hbm:s12], [sflag:s5] =	dma.local [spmem:s17], $0x2800  }
0x7a: {  	_ =	swait.ge [sflag:s18], $0x2800  }
0x7b: {  	[sflag:s18] =	ssyncset.done $0x0  }
0x7c: {  	[sflag:s18] =	ssyncadd.s32 $0xFFFFD800  }
0x7d: {  	_ =	sfence.sel $0x180000  }
0x7e: {  	[bflag:$0x0] =	sbarrier.arrive $0xFFFF  }
0x7f: {  	_ =	strace $0x9000004D  }
0x80: {  	s0 =	stileid.u32;
	[bflag:$0x2] =	sbarrier.arrive $0xFFFF  }
0x81: {  	p0 =	sne.s32 s0, $0x0;
	s0 =	rddreg [dreg:$0x2]  }
0x82: {  	s0 =	sadd.s32 @!p0 $0x100000, s0  }
0x83: {  	[sflag:s0] =	ssyncadd.tile.s32 @!p0 $0x1;
	_ =	shalt  }
.Lfunc_end2:
_tile_overlayer_lowered:
.L_overlay_start_2:
0x84: {  	(tag) =	ssettag $0x2  }
0x85: {  	s0 =	rddreg [dreg:$0x0];
	s2 =	stileid.u32  }
0x86: {  	s1 =	rddreg [dreg:$0x1];
	p0 =	sne.s32 s2, $0x0  }
0x87: {  	s3 =	rddreg [dreg:$0x2];
	[bflag:$0x3] =	sbarrier.arrive $0xFFFF;
	s2 =	simm.s32 @!p0 $0x1C08  }
0x88: {  	[timem:s3], [sflag:s2] =	dma.local @!p0 [hbm:s0], s1  }
0x89: {  	s0 =	simm.s32 @!p0 $0x8  }
0x8a: {  	_ =	swait.ge @!p0 [sflag:s0], s1  }
0x8b: {  	s1 =	ssub.s32 @!p0 $0x0, s1;
	[sflag:s0] =	ssyncset.done @!p0 $0x0  }
0x8c: {  	[sflag:s0] =	ssyncadd.s32 @!p0 s1  }
0x8d: {  	[bflag:$0x3] =	sbarrier.arrive $0xFFFF  }
0x8e: {  	_ =	shalt  }

// kernel: kernel.8.cloned.1.call-start
scs
__scs_entry_jumppad:
0x0: {  	(pc) =	sbr.rel $0x88, $3  }
0x1: {  	(tag) =	ssettag $0x0;
	lr =	simm.s32 $0x1  }
0x2: {  	[smem:$0x3F97] =	sst lr;
	_ =	strace $0xD0000000  }
0x3: {  	_ = 	snop  }
0x4: {  	_ = 	snop  }
0x5: {  	_ = 	snop  }
0x6: {  	_ = 	snop  }
0x7: {  	_ = 	snop  }
__scs_overlays_trampoline_lowered:
0x8: {  	[smem:$0x3FA6] =	sst s0  }
0x9: {  	[smem:$0x3FA7] =	sst s1  }
0xa: {  	[smem:$0x3FA8] =	sst s2  }
0xb: {  	[smem:$0x3FA9] =	sst s3  }
0xc: {  	[smem:$0x3FAA] =	sst s4  }
0xd: {  	[smem:$0x3FAB] =	sst s5  }
0xe: {  	[smem:$0x3FAC] =	sst s6  }
0xf: {  	[smem:$0x3FAD] =	sst s7  }
0x10: {  	[smem:$0x3FAE] =	sst s8  }
0x11: {  	[smem:$0x3FAF] =	sst s9;
	s0 =	simm.s32 @!p0 $0x0  }
0x12: {  	s1 =	sld [smem:$0x3F95];
	s0 =	simm.s32 @p0 $0x1  }
0x13: {  	[smem:$0x3FB0] =	sst s0;
	s0 =	simm.s32 @!p1 $0x0  }
0x14: {  	s2 =	sld [smem:$0x3F94];
	s0 =	simm.s32 @p1 $0x1  }
0x15: {  	[smem:$0x3FB1] =	sst s0;
	s0 =	simm.s32 @!p2 $0x0  }
0x16: {  	s3 =	sld [smem:$0x3FDB];
	s0 =	simm.s32 @p2 $0x1  }
0x17: {  	s4 =	simm.s32 $0x1BF5;
	[smem:$0x3FB3] =	sst s0  }
0x18: {  	s0 =	sld [smem:$0x3F96];
	_ =	swait.ge [sflag:s4], $0x0  }
0x19: {  	s7 =	sld [smem:$0x3F97]  }
0x1a: {  	s8 =	sadd.s32 $0xFFFFE003, lr  }
0x1b: {  	s9 =	sadd.s32 $0xFFFFFEF7, lr;
	s5 =	simm.s32 $0xFFFFFFFF;
	p2 =	slt.u32 s8, $0xFFFFF086  }
0x1c: {  	p1 =	slt.u32 s9, $0xF7A;
	s5 =	simm.s32 @!p2 $0x0  }
0x1d: {  	s5 =	simm.s32 @p1 $0x1;
	p0 =	seq.s32 s7, s2  }
0x1e: {  	s7 =	smul.u32 @!p0 $0xF7A, s2;
	p2 =	seq.s32 @!p0 s5, $0x0  }
0x1f: {  	s9 =	smul.u32 $0xF7A, s1;
	s8 =	simm.s32 @!p0 $0x1BF5;
	p2 =	por !p2, p0  }
0x20: {  	[sflag:s8] =	ssyncset.s32 @!p0 $0xFFFFF086;
	s6 =	sadd.s32 @!p0 s3, s7;
	s7 =	simm.s32 @!p0 $0x108  }
0x21: {  	s3 =	sadd.s32 s3, s9;
	s6 =	sadd.s32 @!p0 $0x88, s6;
	s7 =	simm.s32 @p2 $0x1082  }
0x22: {  	[simem:s7], [sflag:s8] =	dma.local @!p0 [hbm:s6], $0xF7A  }
0x23: {  	s9 =	sor.u32 $0xD0000000, s2;
	s6 =	simm.s32 $0x108;
	_ =	swait.ge @!p0 [sflag:s8], $0x0  }
0x24: {  	s3 =	sadd.s32 $0x88, s3;
	s6 =	simm.s32 @!p1 $0x1082;
	[sflag:s4] =	ssyncset.s32 $0xFFFFF086  }
0x25: {  	[simem:s6], [sflag:s4] =	dma.local [hbm:s3], $0xF7A  }
0x26: {  	[smem:$0x3F97] =	sst s1;
	(tag) =	ssettag s2;
	_ =	strace s9  }
0x27: {  	s1 =	sld [smem:$0x3FA7]  }
0x28: {  	s2 =	sld [smem:$0x3FA8]  }
0x29: {  	s4 =	sld [smem:$0x3FAA]  }
0x2a: {  	p0 =	seq.s32 s5, $0x0;
	s5 =	sld [smem:$0x3FAB]  }
0x2b: {  	s6 =	sld [smem:$0x3FAC]  }
0x2c: {  	s7 =	sld [smem:$0x3FAD]  }
0x2d: {  	s3 =	simm.s32 $0x108;
	s8 =	sld [smem:$0x3FAE]  }
0x2e: {  	s3 =	simm.s32 @!p0 $0x1082;
	s9 =	sld [smem:$0x3FAF]  }
0x2f: {  	lr =	sadd.s32 s0, s3;
	s0 =	sld [smem:$0x3FA6]  }
0x30: {  	s3 =	sld [smem:$0x3FA9]  }
0x31: {  	[smem:$0x3FB2] =	sst s10  }
0x32: {  	s10 =	sld [smem:$0x3FB0];
	_ =	sdelay $0x3  }
0x33: {  	p0 =	seq.s32 s10, $0x1;
	s10 =	sld [smem:$0x3FB2];
	_ =	sdelay $0x3  }
0x34: {  	[smem:$0x3FB2] =	sst s10  }
0x35: {  	s10 =	sld [smem:$0x3FB1];
	_ =	sdelay $0x3  }
0x36: {  	p1 =	seq.s32 s10, $0x1;
	s10 =	sld [smem:$0x3FB2];
	_ =	sdelay $0x3  }
0x37: {  	[smem:$0x3FB2] =	sst s10  }
0x38: {  	s10 =	sld [smem:$0x3FB3]  }
0x39: {  	_ = 	snop;
	(pc) =	sbr.ind lr, $3  }
0x3a: {  	_ = 	snop  }
0x3b: {  	_ = 	snop  }
0x3c: {  	p2 =	seq.s32 s10, $0x1;
	s10 =	sld [smem:$0x3FB2]  }
0x3d: {  	_ =	shalt  }
0x3e: {  	_ =	shalt  }
0x3f: {  	_ =	shalt  }
0x40: {  	_ =	shalt  }
0x41: {  	_ =	shalt  }
0x42: {  	_ =	shalt  }
0x43: {  	_ =	shalt  }
0x44: {  	_ =	shalt  }
0x45: {  	_ =	shalt  }
0x46: {  	_ =	shalt  }
0x47: {  	_ =	shalt  }
0x48: {  	_ =	shalt  }
0x49: {  	_ =	shalt  }
0x4a: {  	_ =	shalt  }
0x4b: {  	_ =	shalt  }
0x4c: {  	_ =	shalt  }
0x4d: {  	_ =	shalt  }
0x4e: {  	_ =	shalt  }
0x4f: {  	_ =	shalt  }
0x50: {  	_ =	shalt  }
0x51: {  	_ =	shalt  }
0x52: {  	_ =	shalt  }
0x53: {  	_ =	shalt  }
0x54: {  	_ =	shalt  }
0x55: {  	_ =	shalt  }
0x56: {  	_ =	shalt  }
0x57: {  	_ =	shalt  }
0x58: {  	_ =	shalt  }
0x59: {  	_ =	shalt  }
0x5a: {  	_ =	shalt  }
0x5b: {  	_ =	shalt  }
0x5c: {  	_ =	shalt  }
0x5d: {  	_ =	shalt  }
0x5e: {  	_ =	shalt  }
0x5f: {  	_ =	shalt  }
0x60: {  	_ =	shalt  }
0x61: {  	_ =	shalt  }
0x62: {  	_ =	shalt  }
0x63: {  	_ =	shalt  }
0x64: {  	_ =	shalt  }
0x65: {  	_ =	shalt  }
0x66: {  	_ =	shalt  }
0x67: {  	_ =	shalt  }
0x68: {  	_ =	shalt  }
0x69: {  	_ =	shalt  }
0x6a: {  	_ =	shalt  }
0x6b: {  	_ =	shalt  }
0x6c: {  	_ =	shalt  }
0x6d: {  	_ =	shalt  }
0x6e: {  	_ =	shalt  }
0x6f: {  	_ =	shalt  }
0x70: {  	_ =	shalt  }
0x71: {  	_ =	shalt  }
0x72: {  	_ =	shalt  }
0x73: {  	_ =	shalt  }
0x74: {  	_ =	shalt  }
0x75: {  	_ =	shalt  }
0x76: {  	_ =	shalt  }
0x77: {  	_ =	shalt  }
0x78: {  	_ =	shalt  }
0x79: {  	_ =	shalt  }
0x7a: {  	_ =	shalt  }
0x7b: {  	_ =	shalt  }
0x7c: {  	_ =	shalt  }
0x7d: {  	_ =	shalt  }
0x7e: {  	_ =	shalt  }
0x7f: {  	_ =	shalt  }
0x80: {  	_ =	shalt  }
0x81: {  	_ =	shalt  }
0x82: {  	_ =	shalt  }
0x83: {  	_ =	shalt  }
0x84: {  	_ =	shalt  }
0x85: {  	_ =	shalt  }
0x86: {  	_ =	shalt  }
0x87: {  	_ =	shalt  }
.Lfunc_end0:
.L_simem_size_0:
called_computation_lowered:
.L_overlay_start_0:
0x88: {  	s2 =	sld [smem:$0x3FD9]  }
0x89: {  	s3 =	sld [smem:$0x3FFE];
	_ =	sdelay $0x1  }
0x8a: {  	s1 =	srdreg.scid  }
0x8b: {  	s0 =	sand.u32 $0x1, s1  }
0x8c: {  	s17 =	sshll.u32 s0, $0xA;
	s2 =	sadd.s32 s3, s2  }
0x8d: {  	s2 =	sadd.s32 s2, s17  }
0x8e: {  	[smem:$0x3FBE] =	sst s2  }
0x8f: {  	_ = 	snop  }
0x90: {  	s2 =	sld [smem:$0x3FD0];
	(tm) =	ssettm $0x1  }
0x91: {  	s18 =	sld [smem:$0x3FFB];
	_ =	sdelay $0x3  }
0x92: {  	_ =	strace s18  }
0x93: {  	s3 =	sld [smem:$0x3FFC];
	_ =	sdelay $0x3  }
0x94: {  	_ =	strace s3  }
0x95: {  	s3 =	sld [smem:$0x3FFD];
	_ =	sdelay $0x3  }
0x96: {  	_ =	strace s3  }
0x97: {  	_ =	strace $0x8FFFFFFF  }
0x98: {  	s19 =	sld [smem:$0x3FDB];
	_ =	sdelay $0x1  }
0x99: {  	s4 =	simm.s32 $_scs_section_size  }
0x9a: {  	s5 =	simm.s32 $_size__tile_overlayer_lowered;
	s6 =	simm.s32 $_tile_overlayer_lowered  }
0x9b: {  	s22 =	simm.s32 $0x1BFF;
	s21 =	sshll.u32 s6, $0x1;
	s3 =	sadd.s32 s4, s19  }
0x9c: {  	s7 =	simm.s32 $0x0;
	s20 =	sshll.u32 s5, $0x1;
	s5 =	sadd.s32 s21, s3  }
0x9d: {  	[timem:s7], [sflag:s22] =	dma.local [hbm:s5], s20  }
0x9e: {  	_ =	swait.ge [sflag:s22], s20  }
0x9f: {  	s4 =	ssub.s32 $0x0, s20;
	[sflag:s22] =	ssyncset.done $0x0  }
0xa0: {  	[sflag:s22] =	ssyncadd.s32 s4;
	_ =	sdelay $0x1  }
0xa1: {  	s23 =	simm.s32 $0x1B8B  }
0xa2: {  	_ =	swait.ge [sflag:s23], $0x1  }
0xa3: {  	[sflag:s23] =	ssyncset.done $0x0  }
0xa4: {  	s25 =	simm.s32 $0x1B8E;
	s24 =	sld [smem:$0x3FFE];
	[sflag:s23] =	ssyncadd.s32 $0xFFFFFFFF  }
0xa5: {  	s26 =	simm.s32 $execute0_lowered;
	[smem:$0x3FD2] =	sst s25  }
0xa6: {  	s5 =	sshll.u32 s26, $0x1;
	_ =	strace $0x80000046;
	[dreg:$0x1] =	wrdreg $0xFFFFFFFF  }
0xa7: {  	s28 =	simm.s32 $_size_execute0_lowered;
	s3 =	sadd.s32 s3, s5;
	[dreg:$0x0] =	wrdreg $0x0  }
0xa8: {  	s5 =	sshll.u32 s28, $0x1;
	[dreg:$0x2] =	wrdreg s3  }
0xa9: {  	[dreg:$0x3] =	wrdreg s5  }
0xaa: {  	[dreg:$0x4] =	wrdreg $0xC0  }
0xab: {  	_ =	task [dreg:s7], $0x5FFFF  }
0xac: {  	[dreg:$0x1] =	wrdreg $0xFFFFFFFF  }
0xad: {  	[dreg:$0x0] =	wrdreg $0x60  }
0xae: {  	[dreg:$0x2] =	wrdreg s24  }
0xaf: {  	[dreg:$0x3] =	wrdreg s2  }
0xb0: {  	[dreg:$0x4] =	wrdreg $0x2000  }
0xb1: {  	[dreg:$0x5] =	wrdreg $0x9  }
0xb2: {  	_ =	task.clear_ibuf [dreg:s7], $0x6FFFF;
	_ =	strace $0x90000046  }
0xb3: {  	s29 =	simm.s32 $0x9;
	_ =	strace $0x80000048  }
0xb4: {  	_ =	swait.ge [sflag:s29], $0x1  }
0xb5: {  	[sflag:s29] =	ssyncadd.s32 $0xFFFFFFFF  }
0xb6: {  	_ =	strace $0x90000048  }
0xb7: {  	_ =	sfence  }
0xb8: {  	s30 =	sld [smem:$0x0];
	_ =	sdelay $0x2  }
0xb9: {  	s31 =	sshll.u32 s1, $0xD;
	s1 =	sshrl.u32 s1, $0x2  }
0xba: {  	s3 =	sand.u32 $0x4000, s31;
	s1 =	sadd.s32 s1, s30  }
0xbb: {  	s0 =	sor.u32 s3, s0;
	s1 =	sshll.u32 s1, $0x11  }
0xbc: {  	s0 =	sor.u32 s1, s0  }
0xbd: {  	s0 =	sadd.s32 $0x8F2B, s0  }
0xbe: {  	[sflag:s0] =	ssyncadd.remote.s32 $0x1  }
0xbf: {  	_ =	sfence.sel $0xFFFF  }
0xc0: {  	[dreg:$0x0] =	wrdreg $0xFFFFFFFF;
	(pc) =	sbr.abs _section_cstart, $3  }
0xc1: {  	[dreg:$0x1] =	wrdreg $0xFFFFFFFF  }
0xc2: {  	_ =	task.clear_ibuf [dreg:s7], $0x2FFFF;
	_ =	strace $0x9FFFFFFF  }
0xc3: {  	(tm) =	ssettm $0x7FFFFFFF  }
tec
execute0_lowered:
.L_overlay_start_1:
0x0: {  	(tag) =	ssettag $0x1  }
0x1: {  	s7 =	rddreg [dreg:$0x0]  }
0x2: {  	s2 =	rddreg [dreg:$0x1]  }
0x3: {  	s3 =	rddreg [dreg:$0x2]  }
0x4: {  	s0 =	rddreg [dreg:$0x3]  }
0x5: {  	s5 =	srdreg.scid;
	s1 =	stileid.u32  }
0x6: {  	s4 =	simm.s32 $0x0;
	s16 =	simm.s32 $0x50;
	s17 =	simm.s32 $0x4  }
0x7: {  	s18 =	simm.s32 $0x3;
	s19 =	simm.s32 $0x1;
	s20 =	simm.s32 $0x20  }
0x8: {  	s21 =	simm.s32 $0x10;
	s22 =	simm.s32 $0x0;
	s6 =	smul.u32 $0x500, s1  }
0x9: {  	s8 =	sand.u32 $0x1, s5;
	[smem:$0x7FF] =	sst s4;
	s12 =	smul.u32 $0xA00, s1  }
0xa: {  	s5 =	sadd.s32 $0xBA00, s7;
	s10 =	sshll.u32 s1, $0x1;
	s30 =	smul.u32 $0x4E20, s1  }
0xb: {  	s31 =	sshll.u32 s1, $0x6;
	s9 =	sshll.u32 s8, $0x7;
	_ =	strace $0x80000047  }
0xc: {  	s11 =	ssub.s32 $0x2, s8;
	s10 =	sor.u32 s8, s10;
	s14 =	smul.u32 $0x2710, s8  }
0xd: {  	s9 =	sor.u32 s9, s6;
	s6 =	sadd.s32 $0x15800, s7;
	s26 =	sshrl.u32 s11, $0x1  }
0xe: {  	s28 =	smul.u32 $0x2710, s10;
	s29 =	sshrl.u32 s12, $0x2;
	s9 =	sshrl.u32 s9, $0x3  }
.Ltmp0:
0xf: {  	s11 =	ssub.s32 s11, s26;
	s15 =	sadd.s32 s29, s3;
	(pc) =	sbr.rel .LBB2_1-.Ltmp0, $4  }
0x10: {  	s12 =	sadd.s32 s14, s30;
	s14 =	simm.s32 $0x5;
	s13 =	sadd.s32 s9, s7  }
0x11: {  	s9 =	sshrl.u32 s28, $0x3;
	s7 =	sor.u32 $0x1C05, s31;
	s11 =	smax.u32 s11, $0x1  }
0x12: {  	s12 =	sadd.s32 $0x50, s12;
	s8 =	sadd.s32 s5, s9;
	s9 =	sadd.s32 s6, s9  }
0x13: {  	s10 =	sadd.s32 $0x1F600, s13;
	s13 =	sshrl.u32 s15, $0x3;
	s15 =	simm.s32 $0x100  }
.LBB2_6:
0x14: {  	_ =	swait.ge [sflag:s17], $0x50  }
0x15: {  	[sflag:s17] =	ssyncset.done $0x0  }
0x16: {  	[sflag:s17] =	ssyncadd.s32 $0xFFFFFFB0  }
0x17: {  	_ =	swait.ge [sflag:s18], $0x50  }
0x18: {  	s22 =	sadd.s32 $0x1, s22;
	[sflag:s18] =	ssyncset.done $0x0  }
0x19: {  	p0 =	sne.s32 s22, s11;
	[sflag:s18] =	ssyncadd.s32 $0xFFFFFFB0  }
.Ltmp1:
0x1a: {  	[bflag:$0x0] =	sbarrier.arrive $0xFFFF;
	(pc) =	sbr.rel @!p0 .LBB2_7-.Ltmp1, $4  }
0x1b: {  	[hbm:s10@s20], [sflag:s7] =	dma.strided [spmem:s13@s21], $0x50, s19, $0x10   }
0x1c: {  	_ =	swait.ge [sflag:s14], $0x50  }
0x1d: {  	[sflag:s14] =	ssyncset.done $0x0  }
0x1e: {  	[sflag:s14] =	ssyncadd.s32 $0xFFFFFFB0  }
.LBB2_1:
0x1f: {  	[spmem:s13], [sflag:s7] =	dma.local [hbm:s2], $0x50  }
0x20: {  	_ =	swait.ge [sflag:s14], $0x50  }
0x21: {  	[sflag:s14] =	ssyncset.done $0x0  }
.Ltmp2:
0x22: {  	[sflag:s14] =	ssyncadd.s32 $0xFFFFFFB0;
	(pc) =	sbr.rel .LBB2_2-.Ltmp2, $4  }
0x23: {  	[bflag:$0x0] =	sbarrier.arrive $0xFFFF  }
0x24: {  	[tilespmem:s4], [sflag:$0x1] =	stream.linear.gather [hbm4b:s8+s4], $0x50, $0x38;
	[tilespmem:$0x480] =	vst v63  }
0x25: {  	s23 =	smov.u32 s12;
	s24 =	simm.s32 $0x0  }
0x26: {  	[tilespmem:s15], [sflag:$0x1] =	stream.linear.gather [hbm4b:s9+s4], $0x50, $0x38;
	[tilespmem:$0x480] =	vst v63  }
.LBB2_5:
0x27: {  	s24 =	sadd.s32 $0x1, s24  }
0x28: {  	p0 =	sne.s32 s24, $0x7D  }
.Ltmp3:
0x29: {  	s25 =	sshrl.u32 s23, $0x3;
	(pc) =	sbr.rel @!p0 .LBB2_6-.Ltmp3, $4  }
0x2a: {  	s28 =	sadd.s32 $0x1, s26;
	s31 =	sshll.u32 s26, $0x7;
	s29 =	sadd.s32 s5, s25  }
0x2b: {  	[tilespmem:s31], [sflag:s28] =	stream.linear.gather [hbm4b:s29+s4], $0x50, $0x38;
	[tilespmem:$0x480] =	vst v63  }
0x2c: {  	s23 =	sadd.s32 $0x50, s23;
	s26 =	sor.u32 $0x100, s31;
	s25 =	sadd.s32 s6, s25  }
0x2d: {  	[tilespmem:s26], [sflag:s28] =	stream.linear.gather [hbm4b:s25+s4], $0x50, $0x38;
	[tilespmem:$0x480] =	vst v63  }
.LBB2_2:
0x2e: {  	s25 =	sand.u32 $0x1, s24  }
0x2f: {  	s26 =	sadd.s32 $0x1, s25  }
0x30: {  	_ =	swait.ge [sflag:s26], $0x50  }
0x31: {  	p0 =	seq.s32 s24, $0x0;
	[sflag:s26] =	ssyncset.done $0x0  }
.Ltmp4:
0x32: {  	[sflag:s26] =	ssyncadd.s32 $0xFFFFFFB0;
	(pc) =	sbr.rel @p0 .LBB2_5-.Ltmp4, $4  }
0x33: {  	_ =	swait.ge [sflag:s26], $0x50  }
0x34: {  	s28 =	sshll.u32 s25, $0x7;
	s31 =	sadd.s32 $0x3, s25;
	[sflag:s26] =	ssyncset.done $0x0  }
0x35: {  	s29 =	sor.u32 $0x100, s28;
	[sflag:s26] =	ssyncadd.s32 $0xFFFFFFB0;
	s26 =	simm.s32 $0x1  }
0x36: {  	[spmem:s3] =	stream.indirect.scatter.add.f32 [tilespmem:s29], [sflag:s31], $0x1, s28, s16, $0xb8;
	[tilespmem:$0x480] =	vst v63  }
0x37: {  	p0 =	seq.s32 s24, $0x7C  }
.Ltmp5:
0x38: {  	_ = 	snop;
	(pc) =	sbr.rel @p0 .LBB2_6-.Ltmp5, $1  }
0x39: {  	_ =	sdelay $0x3  }
.Ltmp6:
0x3a: {  	s26 =	sxor.u32 $0x1, s25;
	(pc) =	sbr.rel .LBB2_5-.Ltmp6, $4  }
0x3b: {  	s25 =	sadd.s32 $0x3, s26  }
0x3c: {  	_ =	swait.ge [sflag:s25], $0x50  }
0x3d: {  	[sflag:s25] =	ssyncset.done $0x0  }
0x3e: {  	[sflag:s25] =	ssyncadd.s32 $0xFFFFFFB0  }
.LBB2_7:
0x3f: {  	_ =	sfence.sel $0x180000  }
0x40: {  	[bflag:$0x0] =	sbarrier.arrive $0xFFFF  }
0x41: {  	p0 =	sne.s32 s1, $0x0;
	_ =	strace $0x90000047  }
0x42: {  	s0 =	sadd.s32 @!p0 $0x100000, s0;
	[bflag:$0x2] =	sbarrier.arrive $0xFFFF  }
0x43: {  	[sflag:s0] =	ssyncadd.tile.s32 @!p0 $0x1;
	_ =	shalt  }
.Lfunc_end2:
_tile_overlayer_lowered:
.L_overlay_start_2:
0x44: {  	(tag) =	ssettag $0x2  }
0x45: {  	s0 =	rddreg [dreg:$0x0];
	s2 =	stileid.u32  }
0x46: {  	s1 =	rddreg [dreg:$0x1];
	p0 =	sne.s32 s2, $0x0  }
0x47: {  	s3 =	rddreg [dreg:$0x2];
	[bflag:$0x3] =	sbarrier.arrive $0xFFFF;
	s2 =	simm.s32 @!p0 $0x1C05  }
0x48: {  	[timem:s3], [sflag:s2] =	dma.local @!p0 [hbm:s0], s1  }
0x49: {  	s0 =	simm.s32 @!p0 $0x5  }
0x4a: {  	_ =	swait.ge @!p0 [sflag:s0], s1  }
0x4b: {  	s1 =	ssub.s32 @!p0 $0x0, s1;
	[sflag:s0] =	ssyncset.done @!p0 $0x0  }
0x4c: {  	[sflag:s0] =	ssyncadd.s32 @!p0 s1  }
0x4d: {  	[bflag:$0x3] =	sbarrier.arrive $0xFFFF  }
0x4e: {  	_ =	shalt  }

</sc_bundles>
